<compile_context>
chip_gen: v7x
topology: tpu7x:2x2x1
jax: 0.10.2.dev20260603
libtpu: 0.0.44.dev20260713+nightly
codegen_flags: <defaults>
</compile_context>

<pallas_src>
import functools

import jax
import jax.numpy as jnp
from jax import lax
from jax.experimental import pallas as pl
from jax.experimental.pallas import tpu as pltpu
from jax.experimental.pallas import tpu_sc as plsc

N = 10000
E = 320000
H = 128
NORM = 100.0

NC = 2
NS = 16
CH = 80

BE = 2560
RB = BE // 512
GRID = E // BE
GROWS = E // 512

ES = E // NS
NCHS = ES // CH
SLICES = (42, 42, 41)
RPT = 640


def _pre_node(h, W1a, W1b):
    def body(h_ref, wa_ref, wb_ref, a_ref, b_ref):
        hv = h_ref[...]
        a_ref[...] = jnp.dot(hv, wa_ref[...], preferred_element_type=jnp.float32)
        b_ref[...] = jnp.dot(hv, wb_ref[...], preferred_element_type=jnp.float32)

    BN = 2000
    return pl.pallas_call(
        body,
        grid=(N // BN,),
        in_specs=[
            pl.BlockSpec((BN, H), lambda i: (i, 0)),
            pl.BlockSpec((H, H), lambda i: (0, 0)),
            pl.BlockSpec((H, H), lambda i: (0, 0)),
        ],
        out_specs=[
            pl.BlockSpec((BN, H), lambda i: (i, 0)),
            pl.BlockSpec((BN, H), lambda i: (i, 0)),
        ],
        out_shape=[
            jax.ShapeDtypeStruct((N, H), jnp.float32),
            jax.ShapeDtypeStruct((N, H), jnp.float32),
        ],
    )(h, W1a, W1b)


def _sc_gather_slice(A, B, idx3r_s, idx3c_s, nch):
    mesh = plsc.VectorSubcoreMesh(core_axis_name="c", subcore_axis_name="s")
    es_tile = nch * CH
    es_slice = es_tile * NS

    @functools.partial(
        pl.kernel,
        mesh=mesh,
        out_type=[
            jax.ShapeDtypeStruct((es_slice, H), jnp.float32),
            jax.ShapeDtypeStruct((es_slice, H), jnp.float32),
        ],
        scratch_types=[
            pltpu.VMEM((nch, CH), jnp.int32),
            pltpu.VMEM((CH, H), jnp.float32),
            pltpu.VMEM((CH, H), jnp.float32),
            pltpu.VMEM_SHARED((N, H), jnp.float32),
            pltpu.SemaphoreType.DMA,
            pltpu.SemaphoreType.DMA,
        ],
    )
    def k(a_hbm, b_hbm, ir_hbm, ic_hbm, p_hbm, q_hbm, ix_v, buf0, buf1,
          table, sem0, sem1):
        cid = lax.axis_index("c")
        sid = lax.axis_index("s")

        def run(t_hbm, i_hbm, o_hbm):
            row0 = sid * RPT

            @pl.when(sid < NS - 1)
            def _():
                pltpu.sync_copy(t_hbm.at[pl.ds(row0, RPT)],
                                table.at[pl.ds(row0, RPT)])

            @pl.when(sid == NS - 1)
            def _():
                last = N - (NS - 1) * RPT
                pltpu.sync_copy(t_hbm.at[pl.ds(row0, last)],
                                table.at[pl.ds(row0, last)])

            pltpu.sync_copy(i_hbm.at[sid], ix_v)
            plsc.subcore_barrier()

            base = sid * es_tile
            bufs = (buf0, buf1)
            sems = (sem0, sem1)
            pltpu.async_copy(table.at[ix_v.at[0]], buf0, sem0)

            def body(jj, carry):
                for k2 in range(2):
                    j = jj * 2 + k2
                    cur = k2
                    nxt = 1 - k2
                    jn = j + 1

                    @pl.when(jn < nch)
                    def _():
                        pltpu.async_copy(table.at[ix_v.at[jn]],
                                         bufs[nxt], sems[nxt])

                    off = base + j * CH
                    pltpu.make_async_copy(table.at[ix_v.at[j]],
                                          bufs[cur], sems[cur]).wait()
                    pltpu.sync_copy(bufs[cur], o_hbm.at[pl.ds(off, CH)])
                return carry

            lax.fori_loop(0, nch // 2, body, 0)

        @pl.when(cid == 0)
        def _():
            run(a_hbm, ir_hbm, p_hbm)

        @pl.when(cid == 1)
        def _():
            run(b_hbm, ic_hbm, q_hbm)

    return k(A, B, idx3r_s, idx3c_s)


def _edge_mlp(P, Q, cd, ea, w1c, b1r, W2, b2r, W3, I512, units, uoff):
    def body(p_ref, q_ref, cd_ref, ea_ref, w1c_ref,
             b1_ref, w2_ref, b2_ref, w3_ref, i_ref,
             tx_ref, ty_ref, tz_ref):
        ident = i_ref[...]
        eaw = jnp.dot(ea_ref[...], w1c_ref[...],
                      preferred_element_type=jnp.float32)

        s = p_ref[...] + q_ref[...] + eaw + b1_ref[...]
        x1 = jax.nn.silu(s)
        y = (jnp.dot(x1, w2_ref[...], preferred_element_type=jnp.float32)
             + b2_ref[...])
        x2 = jax.nn.silu(y)
        m_col = jnp.dot(x2, w3_ref[...], preferred_element_type=jnp.float32)

        dn_row = (((0,), (0,)), ((), ()))
        m_rows = jnp.concatenate(
            [lax.dot_general(m_col[r * 512:(r + 1) * 512, :], ident, dn_row,
                             preferred_element_type=jnp.float32)
             for r in range(RB)], axis=0)

        cd_full = cd_ref[...]
        cds = [lax.dot_general(cd_full[r * 512:(r + 1) * 512, :], ident,
                               dn_row, preferred_element_type=jnp.float32)
               for r in range(RB)]
        cx_rows = jnp.concatenate([c[0:1] for c in cds], axis=0)
        cy_rows = jnp.concatenate([c[1:2] for c in cds], axis=0)
        cz_rows = jnp.concatenate([c[2:3] for c in cds], axis=0)

        tx_ref[...] = (cx_rows * m_rows)[None]
        ty_ref[...] = (cy_rows * m_rows)[None]
        tz_ref[...] = (cz_rows * m_rows)[None]

    rspec = pl.BlockSpec((1, RB, 512), lambda i: (i, 0, 0))
    rshape = jax.ShapeDtypeStruct((units, RB, 512), jnp.float32)
    return pl.pallas_call(
        body,
        grid=(units,),
        in_specs=[
            pl.BlockSpec((BE, H), lambda i: (i, 0)),
            pl.BlockSpec((BE, H), lambda i: (i, 0)),
            pl.BlockSpec((BE, 3), lambda i: (i + uoff, 0)),
            pl.BlockSpec((BE, 1), lambda i: (i + uoff, 0)),
            pl.BlockSpec((1, H), lambda i: (0, 0)),
            pl.BlockSpec((1, H), lambda i: (0, 0)),
            pl.BlockSpec((H, H), lambda i: (0, 0)),
            pl.BlockSpec((1, H), lambda i: (0, 0)),
            pl.BlockSpec((H, 1), lambda i: (0, 0)),
            pl.BlockSpec((512, 512), lambda i: (0, 0)),
        ],
        out_specs=[rspec, rspec, rspec],
        out_shape=[rshape, rshape, rshape],
    )(P, Q, cd, ea, w1c, b1r, W2, b2r, W3, I512)


def _sc_scatter_finalize(tx1, ty1, tz1, idx3s, cx, cy, cz):
    mesh = plsc.VectorSubcoreMesh(core_axis_name="c", subcore_axis_name="s")

    @functools.partial(
        pl.kernel,
        mesh=mesh,
        out_type=[
            jax.ShapeDtypeStruct((N,), jnp.float32),
            jax.ShapeDtypeStruct((N,), jnp.float32),
            jax.ShapeDtypeStruct((N,), jnp.float32),
        ],
        scratch_types=[
            pltpu.VMEM((NCHS, CH), jnp.int32),
            pltpu.VMEM((ES,), jnp.float32),
            pltpu.VMEM((ES,), jnp.float32),
            pltpu.VMEM((ES,), jnp.float32),
            pltpu.VMEM((RPT,), jnp.float32),
            pltpu.VMEM((RPT,), jnp.float32),
            pltpu.VMEM((RPT,), jnp.float32),
            pltpu.VMEM_SHARED((N,), jnp.float32),
            pltpu.VMEM_SHARED((N,), jnp.float32),
            pltpu.VMEM_SHARED((N,), jnp.float32),
        ],
    )
    def k(tx_h, ty_h, tz_h, ix_h, cx_h, cy_h, cz_h, ox_h, oy_h, oz_h,
          ix_v, txv, tyv, tzv, avbuf, cbuf, obuf, accx, accy, accz):
        sid = lax.axis_index("s")
        base = sid * ES
        pltpu.sync_copy(ix_h.at[sid], ix_v)
        pltpu.sync_copy(tx_h.at[pl.ds(base, ES)], txv)
        pltpu.sync_copy(ty_h.at[pl.ds(base, ES)], tyv)
        pltpu.sync_copy(tz_h.at[pl.ds(base, ES)], tzv)

        def zb(i, carry):
            avbuf[pl.ds(i * 16, 16)] = jnp.zeros((16,), jnp.float32)
            return carry

        lax.fori_loop(0, RPT // 16, zb, 0)
        row0 = sid * RPT

        def zero_acc(nrows):
            pltpu.sync_copy(avbuf.at[pl.ds(0, nrows)], accx.at[pl.ds(row0, nrows)])
            pltpu.sync_copy(avbuf.at[pl.ds(0, nrows)], accy.at[pl.ds(row0, nrows)])
            pltpu.sync_copy(avbuf.at[pl.ds(0, nrows)], accz.at[pl.ds(row0, nrows)])

        @pl.when(sid < NS - 1)
        def _():
            zero_acc(RPT)

        @pl.when(sid == NS - 1)
        def _():
            zero_acc(N - (NS - 1) * RPT)

        plsc.subcore_barrier()

        def body(j, carry):
            src = pl.ds(j * CH, CH)
            ixr = ix_v.at[j]
            pltpu.sync_copy(txv.at[src], accx.at[ixr], add=True)
            pltpu.sync_copy(tyv.at[src], accy.at[ixr], add=True)
            pltpu.sync_copy(tzv.at[src], accz.at[ixr], add=True)
            return carry

        lax.fori_loop(0, NCHS, body, 0)
        plsc.subcore_barrier()

        def fin(acc, c_h, o_h, nrows):
            pltpu.sync_copy(acc.at[pl.ds(row0, nrows)], avbuf.at[pl.ds(0, nrows)])
            pltpu.sync_copy(c_h.at[pl.ds(row0, nrows)], cbuf.at[pl.ds(0, nrows)])

            def fb(i, carry):
                sl = pl.ds(i * 16, 16)
                obuf[sl] = cbuf[sl] + avbuf[sl] * (1.0 / NORM)
                return carry

            lax.fori_loop(0, nrows // 16, fb, 0)
            pltpu.sync_copy(obuf.at[pl.ds(0, nrows)], o_h.at[pl.ds(row0, nrows)])

        def fin_all(nrows):
            fin(accx, cx_h, ox_h, nrows)
            fin(accy, cy_h, oy_h, nrows)
            fin(accz, cz_h, oz_h, nrows)

        @pl.when(sid < NS - 1)
        def _():
            fin_all(RPT)

        @pl.when(sid == NS - 1)
        def _():
            fin_all(N - (NS - 1) * RPT)

    return k(tx1, ty1, tz1, idx3s, cx, cy, cz)


def kernel(h, coord, edge_index, coord_diff, edge_attr, W1, b1, W2, b2, W3):
    f32 = jnp.float32
    row = edge_index[0].astype(jnp.int32)
    col = edge_index[1].astype(jnp.int32)

    W1a = W1[:H]
    W1b = W1[H:2 * H]
    w1c = W1[2 * H:2 * H + 1]
    I512 = jnp.eye(512, dtype=f32)

    A, B = _pre_node(h, W1a, W1b)

    b1r = b1.reshape(1, H)
    b2r = b2.reshape(1, H)
    txs, tys, tzs = [], [], []
    e0 = 0
    u0 = 0
    for units_s in SLICES:
        es = units_s * BE
        nch = es // (NS * CH)
        rows_s = lax.slice(row, (e0,), (e0 + es,)).reshape(NS, nch, CH)
        cols_s = lax.slice(col, (e0,), (e0 + es,)).reshape(NS, nch, CH)
        Pg, Qg = _sc_gather_slice(A, B, rows_s, cols_s, nch)
        tx3, ty3, tz3 = _edge_mlp(Pg, Qg, coord_diff, edge_attr,
                                  w1c, b1r, W2, b2r, W3, I512, units_s, u0)
        txs.append(tx3.reshape(es))
        tys.append(ty3.reshape(es))
        tzs.append(tz3.reshape(es))
        e0 += es
        u0 += units_s

    tx1 = jnp.concatenate(txs)
    ty1 = jnp.concatenate(tys)
    tz1 = jnp.concatenate(tzs)
    idx3s = row.reshape(NS, NCHS, CH)
    ox, oy, oz = _sc_scatter_finalize(tx1, ty1, tz1, idx3s,
                                      coord[:, 0], coord[:, 1], coord[:, 2])
    return jnp.stack([ox, oy, oz], axis=1)

# --- scband reference (transcript-rebuilt; emitter-appended) ---
"""Pipeline reference for scband-equivariant-update-8813272891939 (READ-ONLY COPY).

The authoritative reference and input builder live on the scoring server;
editing this copy changes nothing except your own understanding.
"""

import jax, jax.numpy as jnp
import numpy as np

N = 10000
E = 320000
H = 128
D_EDGE = 1
NORM = 100.0


def setup_inputs(seed: int = 0) -> dict:
    key = jax.random.key(seed)
    ks = jax.random.split(key, 10)
    h = jax.random.normal(ks[0], (N, H), dtype=jnp.float32)
    coord = jax.random.normal(ks[1], (N, 3), dtype=jnp.float32)
    edge_index = jax.random.randint(ks[2], (2, E), 0, N).astype(jnp.int64)
    coord_diff = jax.random.normal(ks[3], (E, 3), dtype=jnp.float32)
    edge_attr = jax.random.normal(ks[4], (E, D_EDGE), dtype=jnp.float32)
    d_in = 2 * H + D_EDGE
    W1 = jax.random.normal(ks[5], (d_in, H), dtype=jnp.float32) * (1.0 / np.sqrt(d_in))
    b1 = jnp.zeros((H,), dtype=jnp.float32)
    W2 = jax.random.normal(ks[6], (H, H), dtype=jnp.float32) * (1.0 / np.sqrt(H))
    b2 = jnp.zeros((H,), dtype=jnp.float32)
    # final layer: variance_scaling(scale=0.001**2, fan_avg, uniform), no bias
    fan_avg = (H + 1) / 2.0
    limit = np.sqrt(3.0 * (0.001 ** 2) / fan_avg)
    W3 = jax.random.uniform(ks[7], (H, 1), dtype=jnp.float32, minval=-limit, maxval=limit)
    return {"h": h, "coord": coord, "edge_index": edge_index, "coord_diff": coord_diff,
            "edge_attr": edge_attr, "W1": W1, "b1": b1, "W2": W2, "b2": b2, "W3": W3}


def reference(h, coord, edge_index, coord_diff, edge_attr, W1, b1, W2, b2, W3):
    row = edge_index[0]
    col = edge_index[1]
    input_tensor = jnp.concatenate([h[row], h[col], edge_attr], axis=1)
    x = jax.nn.silu(input_tensor @ W1 + b1)
    x = jax.nn.silu(x @ W2 + b2)
    m = x @ W3  # [E, 1], no bias; tanh=False path
    trans = coord_diff * m
    agg = jax.ops.segment_sum(trans, row, num_segments=coord.shape[0])
    agg = agg / NORM  # aggregation_method == 'sum'
    return coord + agg

if __name__ == "__main__":
    import jax
    _d = setup_inputs()
    print(jax.jit(kernel)(*tuple(_d.values())))

</pallas_src>

<mosaic_0001>
#map = affine_map<(d0, d1) -> (0, 0)>
#map1 = affine_map<(d0, d1) -> (0, 0, 0)>
module attributes {stable_mosaic.version = 14 : i64} {
  func.func @k(%arg0: i32, %arg1: i32, %arg2: memref<10000x128xf32, #tpu.memory_space<hbm>>, %arg3: memref<10000x128xf32, #tpu.memory_space<hbm>>, %arg4: memref<16x82x80xi32, #tpu.memory_space<hbm>>, %arg5: memref<16x82x80xi32, #tpu.memory_space<hbm>>, %arg6: memref<104960x128xf32, #tpu.memory_space<hbm>>, %arg7: memref<104960x128xf32, #tpu.memory_space<hbm>>, %arg8: memref<82x80xi32, #tpu.memory_space<vmem>>, %arg9: memref<80x128xf32, #tpu.memory_space<vmem>>, %arg10: memref<80x128xf32, #tpu.memory_space<vmem>>, %arg11: memref<10000x128xf32, #tpu.memory_space<vmem_shared>>, %arg12: memref<!tpu.dma_semaphore, #tpu.memory_space<semaphore_mem>>, %arg13: memref<!tpu.dma_semaphore, #tpu.memory_space<semaphore_mem>>) attributes {dimension_semantics = [#tpu.dimension_semantics<core_parallel>, #tpu.dimension_semantics<subcore_parallel>], iteration_bounds = array<i64: 2, 16>, scalar_prefetch = 0 : i64, scratch_operands = 6 : i64, tpu.core_type = #tpu.core_type<sc_vector_subcore>, window_params = [{transform_indices = #map}, {transform_indices = #map}, {transform_indices = #map1}, {transform_indices = #map1}, {transform_indices = #map}, {transform_indices = #map}]} {
    %eq3A = arith.constant 0 : i32
    %eq3A_0 = arith.cmpi eq, %arg0, %eq3A : i32
    %convert_element_type3A = arith.extui %eq3A_0 : i1 to i32
    %cond3A = arith.constant 0 : i32
    %cond3A_1 = arith.cmpi ne, %convert_element_type3A, %cond3A : i32
    scf.if %cond3A_1 {
      %mul3A = arith.constant 640 : i32
      %mul3A_7 = arith.muli %arg1, %mul3A : i32
      %lt3A = arith.constant 15 : i32
      %lt3A_8 = arith.cmpi slt, %arg1, %lt3A : i32
      %convert_element_type3A_9 = arith.extui %lt3A_8 : i1 to i32
      %cond3A_10 = arith.constant 0 : i32
      %cond3A_11 = arith.cmpi ne, %convert_element_type3A_9, %cond3A_10 : i32
      scf.if %cond3A_11 {
        "tpu.region"() ({
          %run_scoped3A = tpu.sem_alloc : memref<!tpu.dma_semaphore, #tpu.memory_space<semaphore_mem>>
          %dma_start3A_30 = arith.constant 0 : i32
          %dma_start3A_31 = tpu.memref_slice %arg11[%mul3A_7, %dma_start3A_30] : memref<10000x128xf32, #tpu.memory_space<vmem_shared>> -> memref<640x128xf32, #tpu.memory_space<vmem_shared>>
          %dma_start3A_32 = arith.constant 0 : i32
          %dma_start3A_33 = tpu.memref_slice %arg2[%mul3A_7, %dma_start3A_32] : memref<10000x128xf32, #tpu.memory_space<hbm>> -> memref<640x128xf32, #tpu.memory_space<hbm>>
          tpu.enqueue_dma source(%dma_start3A_33 : memref<640x128xf32, #tpu.memory_space<hbm>>) target(%dma_start3A_31 : memref<640x128xf32, #tpu.memory_space<vmem_shared>>) target_semaphore(%run_scoped3A : memref<!tpu.dma_semaphore, #tpu.memory_space<semaphore_mem>>)
          %dma_wait3A = arith.constant 0 : i32
          %dma_wait3A_34 = tpu.memref_slice %arg11[%mul3A_7, %dma_wait3A] : memref<10000x128xf32, #tpu.memory_space<vmem_shared>> -> memref<640x128xf32, #tpu.memory_space<vmem_shared>>
          %dma_wait3A_35 = arith.constant 0 : i32
          %dma_wait3A_36 = tpu.memref_slice %arg2[%mul3A_7, %dma_wait3A_35] : memref<10000x128xf32, #tpu.memory_space<hbm>> -> memref<640x128xf32, #tpu.memory_space<hbm>>
          tpu.wait_dma2 semaphore(%run_scoped3A : memref<!tpu.dma_semaphore, #tpu.memory_space<semaphore_mem>>) src(%dma_wait3A_36 : memref<640x128xf32, #tpu.memory_space<hbm>>) dst(%dma_wait3A_34 : memref<640x128xf32, #tpu.memory_space<vmem_shared>>)
          tpu.yield
        }) : () -> ()
      } else {
      }
      %eq3A_12 = arith.constant 15 : i32
      %eq3A_13 = arith.cmpi eq, %arg1, %eq3A_12 : i32
      %convert_element_type3A_14 = arith.extui %eq3A_13 : i1 to i32
      %cond3A_15 = arith.constant 0 : i32
      %cond3A_16 = arith.cmpi ne, %convert_element_type3A_14, %cond3A_15 : i32
      scf.if %cond3A_16 {
        "tpu.region"() ({
          %run_scoped3A = tpu.sem_alloc : memref<!tpu.dma_semaphore, #tpu.memory_space<semaphore_mem>>
          %dma_start3A_30 = arith.constant 0 : i32
          %dma_start3A_31 = tpu.memref_slice %arg11[%mul3A_7, %dma_start3A_30] : memref<10000x128xf32, #tpu.memory_space<vmem_shared>> -> memref<400x128xf32, #tpu.memory_space<vmem_shared>>
          %dma_start3A_32 = arith.constant 0 : i32
          %dma_start3A_33 = tpu.memref_slice %arg2[%mul3A_7, %dma_start3A_32] : memref<10000x128xf32, #tpu.memory_space<hbm>> -> memref<400x128xf32, #tpu.memory_space<hbm>>
          tpu.enqueue_dma source(%dma_start3A_33 : memref<400x128xf32, #tpu.memory_space<hbm>>) target(%dma_start3A_31 : memref<400x128xf32, #tpu.memory_space<vmem_shared>>) target_semaphore(%run_scoped3A : memref<!tpu.dma_semaphore, #tpu.memory_space<semaphore_mem>>)
          %dma_wait3A = arith.constant 0 : i32
          %dma_wait3A_34 = tpu.memref_slice %arg11[%mul3A_7, %dma_wait3A] : memref<10000x128xf32, #tpu.memory_space<vmem_shared>> -> memref<400x128xf32, #tpu.memory_space<vmem_shared>>
          %dma_wait3A_35 = arith.constant 0 : i32
          %dma_wait3A_36 = tpu.memref_slice %arg2[%mul3A_7, %dma_wait3A_35] : memref<10000x128xf32, #tpu.memory_space<hbm>> -> memref<400x128xf32, #tpu.memory_space<hbm>>
          tpu.wait_dma2 semaphore(%run_scoped3A : memref<!tpu.dma_semaphore, #tpu.memory_space<semaphore_mem>>) src(%dma_wait3A_36 : memref<400x128xf32, #tpu.memory_space<hbm>>) dst(%dma_wait3A_34 : memref<400x128xf32, #tpu.memory_space<vmem_shared>>)
          tpu.yield
        }) : () -> ()
      } else {
      }
      "tpu.region"() ({
        %run_scoped3A = tpu.sem_alloc : memref<!tpu.dma_semaphore, #tpu.memory_space<semaphore_mem>>
        %dma_start3A_30 = arith.constant 0 : i32
        %dma_start3A_31 = arith.constant 0 : i32
        %dma_start3A_32 = tpu.memref_slice %arg4[%arg1, %dma_start3A_30, %dma_start3A_31] : memref<16x82x80xi32, #tpu.memory_space<hbm>> -> memref<1x82x80xi32, #tpu.memory_space<hbm>>
        %dma_start3A_33 = tpu.memref_squeeze %dma_start3A_32 : memref<1x82x80xi32, #tpu.memory_space<hbm>> -> memref<82x80xi32, #tpu.memory_space<hbm>>
        %dma_start3A_34 = arith.constant 0 : i32
        %dma_start3A_35 = arith.constant 0 : i32
        %dma_start3A_36 = tpu.memref_slice %arg4[%arg1, %dma_start3A_34, %dma_start3A_35] : memref<16x82x80xi32, #tpu.memory_space<hbm>> -> memref<1x82x80xi32, #tpu.memory_space<hbm>>
        %dma_start3A_37 = tpu.memref_squeeze %dma_start3A_36 : memref<1x82x80xi32, #tpu.memory_space<hbm>> -> memref<82x80xi32, #tpu.memory_space<hbm>>
        tpu.enqueue_dma source(%dma_start3A_37 : memref<82x80xi32, #tpu.memory_space<hbm>>) target(%arg8 : memref<82x80xi32, #tpu.memory_space<vmem>>) target_semaphore(%run_scoped3A : memref<!tpu.dma_semaphore, #tpu.memory_space<semaphore_mem>>)
        %dma_wait3A = arith.constant 0 : i32
        %dma_wait3A_38 = arith.constant 0 : i32
        %dma_wait3A_39 = tpu.memref_slice %arg4[%arg1, %dma_wait3A, %dma_wait3A_38] : memref<16x82x80xi32, #tpu.memory_space<hbm>> -> memref<1x82x80xi32, #tpu.memory_space<hbm>>
        %dma_wait3A_40 = tpu.memref_squeeze %dma_wait3A_39 : memref<1x82x80xi32, #tpu.memory_space<hbm>> -> memref<82x80xi32, #tpu.memory_space<hbm>>
        %dma_wait3A_41 = arith.constant 0 : i32
        %dma_wait3A_42 = arith.constant 0 : i32
        %dma_wait3A_43 = tpu.memref_slice %arg4[%arg1, %dma_wait3A_41, %dma_wait3A_42] : memref<16x82x80xi32, #tpu.memory_space<hbm>> -> memref<1x82x80xi32, #tpu.memory_space<hbm>>
        %dma_wait3A_44 = tpu.memref_squeeze %dma_wait3A_43 : memref<1x82x80xi32, #tpu.memory_space<hbm>> -> memref<82x80xi32, #tpu.memory_space<hbm>>
        tpu.wait_dma2 semaphore(%run_scoped3A : memref<!tpu.dma_semaphore, #tpu.memory_space<semaphore_mem>>) src(%dma_wait3A_44 : memref<82x80xi32, #tpu.memory_space<hbm>>) dst(%arg8 : memref<82x80xi32, #tpu.memory_space<vmem>>)
        tpu.yield
      }) : () -> ()
      %barrier3A = arith.constant 0 : index
      tpu.barrier barrier_id(%barrier3A)
      %mul3A_17 = arith.constant 6560 : i32
      %mul3A_18 = arith.muli %arg1, %mul3A_17 : i32
      %dma_start3A = arith.constant 0 : i32
      %dma_start3A_19 = arith.constant 0 : i32
      %dma_start3A_20 = tpu.memref_slice %arg8[%dma_start3A, %dma_start3A_19] : memref<82x80xi32, #tpu.memory_space<vmem>> -> memref<1x80xi32, #tpu.memory_space<vmem>>
      %dma_start3A_21 = tpu.memref_squeeze %dma_start3A_20 : memref<1x80xi32, #tpu.memory_space<vmem>> -> memref<80xi32, #tpu.memory_space<vmem>>
      %dma_start3A_22 = arith.constant 0 : i32
      %dma_start3A_23 = arith.constant 0 : i32
      %dma_start3A_24 = tpu.memref_slice %arg11[%dma_start3A_22, %dma_start3A_23] : memref<10000x128xf32, #tpu.memory_space<vmem_shared>> -> memref<10000x128xf32, #tpu.memory_space<vmem_shared>>
      tpu.enqueue_indirect_dma source(%dma_start3A_24 : memref<10000x128xf32, #tpu.memory_space<vmem_shared>>) target(%arg9 : memref<80x128xf32, #tpu.memory_space<vmem>>) offsets(%dma_start3A_21 : memref<80xi32, #tpu.memory_space<vmem>>) semaphore(%arg12 : memref<!tpu.dma_semaphore, #tpu.memory_space<semaphore_mem>>)
      %scan3A = arith.constant 0 : i32
      %scan3A_25 = arith.constant 0 : i32
      %scan3A_26 = arith.constant 41 : i32
      %scan3A_27 = arith.addi %scan3A_25, %scan3A_26 : i32
      %scan3A_28 = arith.constant 1 : i32
      scf.for %scan3A_30 = %scan3A_25 to %scan3A_27 step %scan3A_28  : i32 {
        %mul3A_31 = arith.constant 2 : i32
        %mul3A_32 = arith.muli %scan3A_30, %mul3A_31 : i32
        %add3A = arith.constant 0 : i32
        %add3A_33 = arith.addi %mul3A_32, %add3A : i32
        %add3A_34 = arith.constant 1 : i32
        %add3A_35 = arith.addi %add3A_33, %add3A_34 : i32
        %lt3A_36 = arith.constant 82 : i32
        %lt3A_37 = arith.cmpi slt, %add3A_35, %lt3A_36 : i32
        %convert_element_type3A_38 = arith.extui %lt3A_37 : i1 to i32
        %cond3A_39 = arith.constant 0 : i32
        %cond3A_40 = arith.cmpi ne, %convert_element_type3A_38, %cond3A_39 : i32
        scf.if %cond3A_40 {
          %dma_start3A_69 = arith.constant 0 : i32
          %dma_start3A_70 = tpu.memref_slice %arg8[%add3A_35, %dma_start3A_69] : memref<82x80xi32, #tpu.memory_space<vmem>> -> memref<1x80xi32, #tpu.memory_space<vmem>>
          %dma_start3A_71 = tpu.memref_squeeze %dma_start3A_70 : memref<1x80xi32, #tpu.memory_space<vmem>> -> memref<80xi32, #tpu.memory_space<vmem>>
          %dma_start3A_72 = arith.constant 0 : i32
          %dma_start3A_73 = arith.constant 0 : i32
          %dma_start3A_74 = tpu.memref_slice %arg11[%dma_start3A_72, %dma_start3A_73] : memref<10000x128xf32, #tpu.memory_space<vmem_shared>> -> memref<10000x128xf32, #tpu.memory_space<vmem_shared>>
          tpu.enqueue_indirect_dma source(%dma_start3A_74 : memref<10000x128xf32, #tpu.memory_space<vmem_shared>>) target(%arg10 : memref<80x128xf32, #tpu.memory_space<vmem>>) offsets(%dma_start3A_71 : memref<80xi32, #tpu.memory_space<vmem>>) semaphore(%arg13 : memref<!tpu.dma_semaphore, #tpu.memory_space<semaphore_mem>>)
        } else {
        }
        %mul3A_41 = arith.constant 80 : i32
        %mul3A_42 = arith.muli %add3A_33, %mul3A_41 : i32
        %add3A_43 = arith.addi %mul3A_18, %mul3A_42 : i32
        %dma_wait3A = arith.constant 0 : i32
        %dma_wait3A_44 = tpu.memref_slice %arg8[%add3A_33, %dma_wait3A] : memref<82x80xi32, #tpu.memory_space<vmem>> -> memref<1x80xi32, #tpu.memory_space<vmem>>
        %dma_wait3A_45 = tpu.memref_squeeze %dma_wait3A_44 : memref<1x80xi32, #tpu.memory_space<vmem>> -> memref<80xi32, #tpu.memory_space<vmem>>
        %dma_wait3A_46 = arith.constant 0 : i32
        %dma_wait3A_47 = arith.constant 0 : i32
        %dma_wait3A_48 = tpu.memref_slice %arg11[%dma_wait3A_46, %dma_wait3A_47] : memref<10000x128xf32, #tpu.memory_space<vmem_shared>> -> memref<10000x128xf32, #tpu.memory_space<vmem_shared>>
        tpu.wait_indirect_dma semaphore(%arg12 : memref<!tpu.dma_semaphore, #tpu.memory_space<semaphore_mem>>) src(%dma_wait3A_48 : memref<10000x128xf32, #tpu.memory_space<vmem_shared>>) dst(%arg9 : memref<80x128xf32, #tpu.memory_space<vmem>>)
        "tpu.region"() ({
          %run_scoped3A = tpu.sem_alloc : memref<!tpu.dma_semaphore, #tpu.memory_space<semaphore_mem>>
          %dma_start3A_69 = arith.constant 0 : i32
          %dma_start3A_70 = tpu.memref_slice %arg6[%add3A_43, %dma_start3A_69] : memref<104960x128xf32, #tpu.memory_space<hbm>> -> memref<80x128xf32, #tpu.memory_space<hbm>>
          %dma_start3A_71 = arith.constant 0 : i32
          %dma_start3A_72 = tpu.memref_slice %arg6[%add3A_43, %dma_start3A_71] : memref<104960x128xf32, #tpu.memory_space<hbm>> -> memref<80x128xf32, #tpu.memory_space<hbm>>
          tpu.enqueue_dma source(%arg9 : memref<80x128xf32, #tpu.memory_space<vmem>>) target(%dma_start3A_72 : memref<80x128xf32, #tpu.memory_space<hbm>>) target_semaphore(%run_scoped3A : memref<!tpu.dma_semaphore, #tpu.memory_space<semaphore_mem>>)
          %dma_wait3A_73 = arith.constant 0 : i32
          %dma_wait3A_74 = tpu.memref_slice %arg6[%add3A_43, %dma_wait3A_73] : memref<104960x128xf32, #tpu.memory_space<hbm>> -> memref<80x128xf32, #tpu.memory_space<hbm>>
          %dma_wait3A_75 = arith.constant 0 : i32
          %dma_wait3A_76 = tpu.memref_slice %arg6[%add3A_43, %dma_wait3A_75] : memref<104960x128xf32, #tpu.memory_space<hbm>> -> memref<80x128xf32, #tpu.memory_space<hbm>>
          tpu.wait_dma2 semaphore(%run_scoped3A : memref<!tpu.dma_semaphore, #tpu.memory_space<semaphore_mem>>) src(%arg9 : memref<80x128xf32, #tpu.memory_space<vmem>>) dst(%dma_wait3A_76 : memref<80x128xf32, #tpu.memory_space<hbm>>)
          tpu.yield
        }) : () -> ()
        %mul3A_49 = arith.constant 2 : i32
        %mul3A_50 = arith.muli %scan3A_30, %mul3A_49 : i32
        %add3A_51 = arith.constant 1 : i32
        %add3A_52 = arith.addi %mul3A_50, %add3A_51 : i32
        %add3A_53 = arith.constant 1 : i32
        %add3A_54 = arith.addi %add3A_52, %add3A_53 : i32
        %lt3A_55 = arith.constant 82 : i32
        %lt3A_56 = arith.cmpi slt, %add3A_54, %lt3A_55 : i32
        %convert_element_type3A_57 = arith.extui %lt3A_56 : i1 to i32
        %cond3A_58 = arith.constant 0 : i32
        %cond3A_59 = arith.cmpi ne, %convert_element_type3A_57, %cond3A_58 : i32
        scf.if %cond3A_59 {
          %dma_start3A_69 = arith.constant 0 : i32
          %dma_start3A_70 = tpu.memref_slice %arg8[%add3A_54, %dma_start3A_69] : memref<82x80xi32, #tpu.memory_space<vmem>> -> memref<1x80xi32, #tpu.memory_space<vmem>>
          %dma_start3A_71 = tpu.memref_squeeze %dma_start3A_70 : memref<1x80xi32, #tpu.memory_space<vmem>> -> memref<80xi32, #tpu.memory_space<vmem>>
          %dma_start3A_72 = arith.constant 0 : i32
          %dma_start3A_73 = arith.constant 0 : i32
          %dma_start3A_74 = tpu.memref_slice %arg11[%dma_start3A_72, %dma_start3A_73] : memref<10000x128xf32, #tpu.memory_space<vmem_shared>> -> memref<10000x128xf32, #tpu.memory_space<vmem_shared>>
          tpu.enqueue_indirect_dma source(%dma_start3A_74 : memref<10000x128xf32, #tpu.memory_space<vmem_shared>>) target(%arg9 : memref<80x128xf32, #tpu.memory_space<vmem>>) offsets(%dma_start3A_71 : memref<80xi32, #tpu.memory_space<vmem>>) semaphore(%arg12 : memref<!tpu.dma_semaphore, #tpu.memory_space<semaphore_mem>>)
        } else {
        }
        %mul3A_60 = arith.constant 80 : i32
        %mul3A_61 = arith.muli %add3A_52, %mul3A_60 : i32
        %add3A_62 = arith.addi %mul3A_18, %mul3A_61 : i32
        %dma_wait3A_63 = arith.constant 0 : i32
        %dma_wait3A_64 = tpu.memref_slice %arg8[%add3A_52, %dma_wait3A_63] : memref<82x80xi32, #tpu.memory_space<vmem>> -> memref<1x80xi32, #tpu.memory_space<vmem>>
        %dma_wait3A_65 = tpu.memref_squeeze %dma_wait3A_64 : memref<1x80xi32, #tpu.memory_space<vmem>> -> memref<80xi32, #tpu.memory_space<vmem>>
        %dma_wait3A_66 = arith.constant 0 : i32
        %dma_wait3A_67 = arith.constant 0 : i32
        %dma_wait3A_68 = tpu.memref_slice %arg11[%dma_wait3A_66, %dma_wait3A_67] : memref<10000x128xf32, #tpu.memory_space<vmem_shared>> -> memref<10000x128xf32, #tpu.memory_space<vmem_shared>>
        tpu.wait_indirect_dma semaphore(%arg13 : memref<!tpu.dma_semaphore, #tpu.memory_space<semaphore_mem>>) src(%dma_wait3A_68 : memref<10000x128xf32, #tpu.memory_space<vmem_shared>>) dst(%arg10 : memref<80x128xf32, #tpu.memory_space<vmem>>)
        "tpu.region"() ({
          %run_scoped3A = tpu.sem_alloc : memref<!tpu.dma_semaphore, #tpu.memory_space<semaphore_mem>>
          %dma_start3A_69 = arith.constant 0 : i32
          %dma_start3A_70 = tpu.memref_slice %arg6[%add3A_62, %dma_start3A_69] : memref<104960x128xf32, #tpu.memory_space<hbm>> -> memref<80x128xf32, #tpu.memory_space<hbm>>
          %dma_start3A_71 = arith.constant 0 : i32
          %dma_start3A_72 = tpu.memref_slice %arg6[%add3A_62, %dma_start3A_71] : memref<104960x128xf32, #tpu.memory_space<hbm>> -> memref<80x128xf32, #tpu.memory_space<hbm>>
          tpu.enqueue_dma source(%arg10 : memref<80x128xf32, #tpu.memory_space<vmem>>) target(%dma_start3A_72 : memref<80x128xf32, #tpu.memory_space<hbm>>) target_semaphore(%run_scoped3A : memref<!tpu.dma_semaphore, #tpu.memory_space<semaphore_mem>>)
          %dma_wait3A_73 = arith.constant 0 : i32
          %dma_wait3A_74 = tpu.memref_slice %arg6[%add3A_62, %dma_wait3A_73] : memref<104960x128xf32, #tpu.memory_space<hbm>> -> memref<80x128xf32, #tpu.memory_space<hbm>>
          %dma_wait3A_75 = arith.constant 0 : i32
          %dma_wait3A_76 = tpu.memref_slice %arg6[%add3A_62, %dma_wait3A_75] : memref<104960x128xf32, #tpu.memory_space<hbm>> -> memref<80x128xf32, #tpu.memory_space<hbm>>
          tpu.wait_dma2 semaphore(%run_scoped3A : memref<!tpu.dma_semaphore, #tpu.memory_space<semaphore_mem>>) src(%arg10 : memref<80x128xf32, #tpu.memory_space<vmem>>) dst(%dma_wait3A_76 : memref<80x128xf32, #tpu.memory_space<hbm>>)
          tpu.yield
        }) : () -> ()
      }
      %scan3A_29 = arith.constant 41 : i32
    } else {
    }
    %eq3A_2 = arith.constant 1 : i32
    %eq3A_3 = arith.cmpi eq, %arg0, %eq3A_2 : i32
    %convert_element_type3A_4 = arith.extui %eq3A_3 : i1 to i32
    %cond3A_5 = arith.constant 0 : i32
    %cond3A_6 = arith.cmpi ne, %convert_element_type3A_4, %cond3A_5 : i32
    scf.if %cond3A_6 {
      %mul3A = arith.constant 640 : i32
      %mul3A_7 = arith.muli %arg1, %mul3A : i32
      %lt3A = arith.constant 15 : i32
      %lt3A_8 = arith.cmpi slt, %arg1, %lt3A : i32
      %convert_element_type3A_9 = arith.extui %lt3A_8 : i1 to i32
      %cond3A_10 = arith.constant 0 : i32
      %cond3A_11 = arith.cmpi ne, %convert_element_type3A_9, %cond3A_10 : i32
      scf.if %cond3A_11 {
        "tpu.region"() ({
          %run_scoped3A = tpu.sem_alloc : memref<!tpu.dma_semaphore, #tpu.memory_space<semaphore_mem>>
          %dma_start3A_30 = arith.constant 0 : i32
          %dma_start3A_31 = tpu.memref_slice %arg11[%mul3A_7, %dma_start3A_30] : memref<10000x128xf32, #tpu.memory_space<vmem_shared>> -> memref<640x128xf32, #tpu.memory_space<vmem_shared>>
          %dma_start3A_32 = arith.constant 0 : i32
          %dma_start3A_33 = tpu.memref_slice %arg3[%mul3A_7, %dma_start3A_32] : memref<10000x128xf32, #tpu.memory_space<hbm>> -> memref<640x128xf32, #tpu.memory_space<hbm>>
          tpu.enqueue_dma source(%dma_start3A_33 : memref<640x128xf32, #tpu.memory_space<hbm>>) target(%dma_start3A_31 : memref<640x128xf32, #tpu.memory_space<vmem_shared>>) target_semaphore(%run_scoped3A : memref<!tpu.dma_semaphore, #tpu.memory_space<semaphore_mem>>)
          %dma_wait3A = arith.constant 0 : i32
          %dma_wait3A_34 = tpu.memref_slice %arg11[%mul3A_7, %dma_wait3A] : memref<10000x128xf32, #tpu.memory_space<vmem_shared>> -> memref<640x128xf32, #tpu.memory_space<vmem_shared>>
          %dma_wait3A_35 = arith.constant 0 : i32
          %dma_wait3A_36 = tpu.memref_slice %arg3[%mul3A_7, %dma_wait3A_35] : memref<10000x128xf32, #tpu.memory_space<hbm>> -> memref<640x128xf32, #tpu.memory_space<hbm>>
          tpu.wait_dma2 semaphore(%run_scoped3A : memref<!tpu.dma_semaphore, #tpu.memory_space<semaphore_mem>>) src(%dma_wait3A_36 : memref<640x128xf32, #tpu.memory_space<hbm>>) dst(%dma_wait3A_34 : memref<640x128xf32, #tpu.memory_space<vmem_shared>>)
          tpu.yield
        }) : () -> ()
      } else {
      }
      %eq3A_12 = arith.constant 15 : i32
      %eq3A_13 = arith.cmpi eq, %arg1, %eq3A_12 : i32
      %convert_element_type3A_14 = arith.extui %eq3A_13 : i1 to i32
      %cond3A_15 = arith.constant 0 : i32
      %cond3A_16 = arith.cmpi ne, %convert_element_type3A_14, %cond3A_15 : i32
      scf.if %cond3A_16 {
        "tpu.region"() ({
          %run_scoped3A = tpu.sem_alloc : memref<!tpu.dma_semaphore, #tpu.memory_space<semaphore_mem>>
          %dma_start3A_30 = arith.constant 0 : i32
          %dma_start3A_31 = tpu.memref_slice %arg11[%mul3A_7, %dma_start3A_30] : memref<10000x128xf32, #tpu.memory_space<vmem_shared>> -> memref<400x128xf32, #tpu.memory_space<vmem_shared>>
          %dma_start3A_32 = arith.constant 0 : i32
          %dma_start3A_33 = tpu.memref_slice %arg3[%mul3A_7, %dma_start3A_32] : memref<10000x128xf32, #tpu.memory_space<hbm>> -> memref<400x128xf32, #tpu.memory_space<hbm>>
          tpu.enqueue_dma source(%dma_start3A_33 : memref<400x128xf32, #tpu.memory_space<hbm>>) target(%dma_start3A_31 : memref<400x128xf32, #tpu.memory_space<vmem_shared>>) target_semaphore(%run_scoped3A : memref<!tpu.dma_semaphore, #tpu.memory_space<semaphore_mem>>)
          %dma_wait3A = arith.constant 0 : i32
          %dma_wait3A_34 = tpu.memref_slice %arg11[%mul3A_7, %dma_wait3A] : memref<10000x128xf32, #tpu.memory_space<vmem_shared>> -> memref<400x128xf32, #tpu.memory_space<vmem_shared>>
          %dma_wait3A_35 = arith.constant 0 : i32
          %dma_wait3A_36 = tpu.memref_slice %arg3[%mul3A_7, %dma_wait3A_35] : memref<10000x128xf32, #tpu.memory_space<hbm>> -> memref<400x128xf32, #tpu.memory_space<hbm>>
          tpu.wait_dma2 semaphore(%run_scoped3A : memref<!tpu.dma_semaphore, #tpu.memory_space<semaphore_mem>>) src(%dma_wait3A_36 : memref<400x128xf32, #tpu.memory_space<hbm>>) dst(%dma_wait3A_34 : memref<400x128xf32, #tpu.memory_space<vmem_shared>>)
          tpu.yield
        }) : () -> ()
      } else {
      }
      "tpu.region"() ({
        %run_scoped3A = tpu.sem_alloc : memref<!tpu.dma_semaphore, #tpu.memory_space<semaphore_mem>>
        %dma_start3A_30 = arith.constant 0 : i32
        %dma_start3A_31 = arith.constant 0 : i32
        %dma_start3A_32 = tpu.memref_slice %arg5[%arg1, %dma_start3A_30, %dma_start3A_31] : memref<16x82x80xi32, #tpu.memory_space<hbm>> -> memref<1x82x80xi32, #tpu.memory_space<hbm>>
        %dma_start3A_33 = tpu.memref_squeeze %dma_start3A_32 : memref<1x82x80xi32, #tpu.memory_space<hbm>> -> memref<82x80xi32, #tpu.memory_space<hbm>>
        %dma_start3A_34 = arith.constant 0 : i32
        %dma_start3A_35 = arith.constant 0 : i32
        %dma_start3A_36 = tpu.memref_slice %arg5[%arg1, %dma_start3A_34, %dma_start3A_35] : memref<16x82x80xi32, #tpu.memory_space<hbm>> -> memref<1x82x80xi32, #tpu.memory_space<hbm>>
        %dma_start3A_37 = tpu.memref_squeeze %dma_start3A_36 : memref<1x82x80xi32, #tpu.memory_space<hbm>> -> memref<82x80xi32, #tpu.memory_space<hbm>>
        tpu.enqueue_dma source(%dma_start3A_37 : memref<82x80xi32, #tpu.memory_space<hbm>>) target(%arg8 : memref<82x80xi32, #tpu.memory_space<vmem>>) target_semaphore(%run_scoped3A : memref<!tpu.dma_semaphore, #tpu.memory_space<semaphore_mem>>)
        %dma_wait3A = arith.constant 0 : i32
        %dma_wait3A_38 = arith.constant 0 : i32
        %dma_wait3A_39 = tpu.memref_slice %arg5[%arg1, %dma_wait3A, %dma_wait3A_38] : memref<16x82x80xi32, #tpu.memory_space<hbm>> -> memref<1x82x80xi32, #tpu.memory_space<hbm>>
        %dma_wait3A_40 = tpu.memref_squeeze %dma_wait3A_39 : memref<1x82x80xi32, #tpu.memory_space<hbm>> -> memref<82x80xi32, #tpu.memory_space<hbm>>
        %dma_wait3A_41 = arith.constant 0 : i32
        %dma_wait3A_42 = arith.constant 0 : i32
        %dma_wait3A_43 = tpu.memref_slice %arg5[%arg1, %dma_wait3A_41, %dma_wait3A_42] : memref<16x82x80xi32, #tpu.memory_space<hbm>> -> memref<1x82x80xi32, #tpu.memory_space<hbm>>
        %dma_wait3A_44 = tpu.memref_squeeze %dma_wait3A_43 : memref<1x82x80xi32, #tpu.memory_space<hbm>> -> memref<82x80xi32, #tpu.memory_space<hbm>>
        tpu.wait_dma2 semaphore(%run_scoped3A : memref<!tpu.dma_semaphore, #tpu.memory_space<semaphore_mem>>) src(%dma_wait3A_44 : memref<82x80xi32, #tpu.memory_space<hbm>>) dst(%arg8 : memref<82x80xi32, #tpu.memory_space<vmem>>)
        tpu.yield
      }) : () -> ()
      %barrier3A = arith.constant 0 : index
      tpu.barrier barrier_id(%barrier3A)
      %mul3A_17 = arith.constant 6560 : i32
      %mul3A_18 = arith.muli %arg1, %mul3A_17 : i32
      %dma_start3A = arith.constant 0 : i32
      %dma_start3A_19 = arith.constant 0 : i32
      %dma_start3A_20 = tpu.memref_slice %arg8[%dma_start3A, %dma_start3A_19] : memref<82x80xi32, #tpu.memory_space<vmem>> -> memref<1x80xi32, #tpu.memory_space<vmem>>
      %dma_start3A_21 = tpu.memref_squeeze %dma_start3A_20 : memref<1x80xi32, #tpu.memory_space<vmem>> -> memref<80xi32, #tpu.memory_space<vmem>>
      %dma_start3A_22 = arith.constant 0 : i32
      %dma_start3A_23 = arith.constant 0 : i32
      %dma_start3A_24 = tpu.memref_slice %arg11[%dma_start3A_22, %dma_start3A_23] : memref<10000x128xf32, #tpu.memory_space<vmem_shared>> -> memref<10000x128xf32, #tpu.memory_space<vmem_shared>>
      tpu.enqueue_indirect_dma source(%dma_start3A_24 : memref<10000x128xf32, #tpu.memory_space<vmem_shared>>) target(%arg9 : memref<80x128xf32, #tpu.memory_space<vmem>>) offsets(%dma_start3A_21 : memref<80xi32, #tpu.memory_space<vmem>>) semaphore(%arg12 : memref<!tpu.dma_semaphore, #tpu.memory_space<semaphore_mem>>)
      %scan3A = arith.constant 0 : i32
      %scan3A_25 = arith.constant 0 : i32
      %scan3A_26 = arith.constant 41 : i32
      %scan3A_27 = arith.addi %scan3A_25, %scan3A_26 : i32
      %scan3A_28 = arith.constant 1 : i32
      scf.for %scan3A_30 = %scan3A_25 to %scan3A_27 step %scan3A_28  : i32 {
        %mul3A_31 = arith.constant 2 : i32
        %mul3A_32 = arith.muli %scan3A_30, %mul3A_31 : i32
        %add3A = arith.constant 0 : i32
        %add3A_33 = arith.addi %mul3A_32, %add3A : i32
        %add3A_34 = arith.constant 1 : i32
        %add3A_35 = arith.addi %add3A_33, %add3A_34 : i32
        %lt3A_36 = arith.constant 82 : i32
        %lt3A_37 = arith.cmpi slt, %add3A_35, %lt3A_36 : i32
        %convert_element_type3A_38 = arith.extui %lt3A_37 : i1 to i32
        %cond3A_39 = arith.constant 0 : i32
        %cond3A_40 = arith.cmpi ne, %convert_element_type3A_38, %cond3A_39 : i32
        scf.if %cond3A_40 {
          %dma_start3A_69 = arith.constant 0 : i32
          %dma_start3A_70 = tpu.memref_slice %arg8[%add3A_35, %dma_start3A_69] : memref<82x80xi32, #tpu.memory_space<vmem>> -> memref<1x80xi32, #tpu.memory_space<vmem>>
          %dma_start3A_71 = tpu.memref_squeeze %dma_start3A_70 : memref<1x80xi32, #tpu.memory_space<vmem>> -> memref<80xi32, #tpu.memory_space<vmem>>
          %dma_start3A_72 = arith.constant 0 : i32
          %dma_start3A_73 = arith.constant 0 : i32
          %dma_start3A_74 = tpu.memref_slice %arg11[%dma_start3A_72, %dma_start3A_73] : memref<10000x128xf32, #tpu.memory_space<vmem_shared>> -> memref<10000x128xf32, #tpu.memory_space<vmem_shared>>
          tpu.enqueue_indirect_dma source(%dma_start3A_74 : memref<10000x128xf32, #tpu.memory_space<vmem_shared>>) target(%arg10 : memref<80x128xf32, #tpu.memory_space<vmem>>) offsets(%dma_start3A_71 : memref<80xi32, #tpu.memory_space<vmem>>) semaphore(%arg13 : memref<!tpu.dma_semaphore, #tpu.memory_space<semaphore_mem>>)
        } else {
        }
        %mul3A_41 = arith.constant 80 : i32
        %mul3A_42 = arith.muli %add3A_33, %mul3A_41 : i32
        %add3A_43 = arith.addi %mul3A_18, %mul3A_42 : i32
        %dma_wait3A = arith.constant 0 : i32
        %dma_wait3A_44 = tpu.memref_slice %arg8[%add3A_33, %dma_wait3A] : memref<82x80xi32, #tpu.memory_space<vmem>> -> memref<1x80xi32, #tpu.memory_space<vmem>>
        %dma_wait3A_45 = tpu.memref_squeeze %dma_wait3A_44 : memref<1x80xi32, #tpu.memory_space<vmem>> -> memref<80xi32, #tpu.memory_space<vmem>>
        %dma_wait3A_46 = arith.constant 0 : i32
        %dma_wait3A_47 = arith.constant 0 : i32
        %dma_wait3A_48 = tpu.memref_slice %arg11[%dma_wait3A_46, %dma_wait3A_47] : memref<10000x128xf32, #tpu.memory_space<vmem_shared>> -> memref<10000x128xf32, #tpu.memory_space<vmem_shared>>
        tpu.wait_indirect_dma semaphore(%arg12 : memref<!tpu.dma_semaphore, #tpu.memory_space<semaphore_mem>>) src(%dma_wait3A_48 : memref<10000x128xf32, #tpu.memory_space<vmem_shared>>) dst(%arg9 : memref<80x128xf32, #tpu.memory_space<vmem>>)
        "tpu.region"() ({
          %run_scoped3A = tpu.sem_alloc : memref<!tpu.dma_semaphore, #tpu.memory_space<semaphore_mem>>
          %dma_start3A_69 = arith.constant 0 : i32
          %dma_start3A_70 = tpu.memref_slice %arg7[%add3A_43, %dma_start3A_69] : memref<104960x128xf32, #tpu.memory_space<hbm>> -> memref<80x128xf32, #tpu.memory_space<hbm>>
          %dma_start3A_71 = arith.constant 0 : i32
          %dma_start3A_72 = tpu.memref_slice %arg7[%add3A_43, %dma_start3A_71] : memref<104960x128xf32, #tpu.memory_space<hbm>> -> memref<80x128xf32, #tpu.memory_space<hbm>>
          tpu.enqueue_dma source(%arg9 : memref<80x128xf32, #tpu.memory_space<vmem>>) target(%dma_start3A_72 : memref<80x128xf32, #tpu.memory_space<hbm>>) target_semaphore(%run_scoped3A : memref<!tpu.dma_semaphore, #tpu.memory_space<semaphore_mem>>)
          %dma_wait3A_73 = arith.constant 0 : i32
          %dma_wait3A_74 = tpu.memref_slice %arg7[%add3A_43, %dma_wait3A_73] : memref<104960x128xf32, #tpu.memory_space<hbm>> -> memref<80x128xf32, #tpu.memory_space<hbm>>
          %dma_wait3A_75 = arith.constant 0 : i32
          %dma_wait3A_76 = tpu.memref_slice %arg7[%add3A_43, %dma_wait3A_75] : memref<104960x128xf32, #tpu.memory_space<hbm>> -> memref<80x128xf32, #tpu.memory_space<hbm>>
          tpu.wait_dma2 semaphore(%run_scoped3A : memref<!tpu.dma_semaphore, #tpu.memory_space<semaphore_mem>>) src(%arg9 : memref<80x128xf32, #tpu.memory_space<vmem>>) dst(%dma_wait3A_76 : memref<80x128xf32, #tpu.memory_space<hbm>>)
          tpu.yield
        }) : () -> ()
        %mul3A_49 = arith.constant 2 : i32
        %mul3A_50 = arith.muli %scan3A_30, %mul3A_49 : i32
        %add3A_51 = arith.constant 1 : i32
        %add3A_52 = arith.addi %mul3A_50, %add3A_51 : i32
        %add3A_53 = arith.constant 1 : i32
        %add3A_54 = arith.addi %add3A_52, %add3A_53 : i32
        %lt3A_55 = arith.constant 82 : i32
        %lt3A_56 = arith.cmpi slt, %add3A_54, %lt3A_55 : i32
        %convert_element_type3A_57 = arith.extui %lt3A_56 : i1 to i32
        %cond3A_58 = arith.constant 0 : i32
        %cond3A_59 = arith.cmpi ne, %convert_element_type3A_57, %cond3A_58 : i32
        scf.if %cond3A_59 {
          %dma_start3A_69 = arith.constant 0 : i32
          %dma_start3A_70 = tpu.memref_slice %arg8[%add3A_54, %dma_start3A_69] : memref<82x80xi32, #tpu.memory_space<vmem>> -> memref<1x80xi32, #tpu.memory_space<vmem>>
          %dma_start3A_71 = tpu.memref_squeeze %dma_start3A_70 : memref<1x80xi32, #tpu.memory_space<vmem>> -> memref<80xi32, #tpu.memory_space<vmem>>
          %dma_start3A_72 = arith.constant 0 : i32
          %dma_start3A_73 = arith.constant 0 : i32
          %dma_start3A_74 = tpu.memref_slice %arg11[%dma_start3A_72, %dma_start3A_73] : memref<10000x128xf32, #tpu.memory_space<vmem_shared>> -> memref<10000x128xf32, #tpu.memory_space<vmem_shared>>
          tpu.enqueue_indirect_dma source(%dma_start3A_74 : memref<10000x128xf32, #tpu.memory_space<vmem_shared>>) target(%arg9 : memref<80x128xf32, #tpu.memory_space<vmem>>) offsets(%dma_start3A_71 : memref<80xi32, #tpu.memory_space<vmem>>) semaphore(%arg12 : memref<!tpu.dma_semaphore, #tpu.memory_space<semaphore_mem>>)
        } else {
        }
        %mul3A_60 = arith.constant 80 : i32
        %mul3A_61 = arith.muli %add3A_52, %mul3A_60 : i32
        %add3A_62 = arith.addi %mul3A_18, %mul3A_61 : i32
        %dma_wait3A_63 = arith.constant 0 : i32
        %dma_wait3A_64 = tpu.memref_slice %arg8[%add3A_52, %dma_wait3A_63] : memref<82x80xi32, #tpu.memory_space<vmem>> -> memref<1x80xi32, #tpu.memory_space<vmem>>
        %dma_wait3A_65 = tpu.memref_squeeze %dma_wait3A_64 : memref<1x80xi32, #tpu.memory_space<vmem>> -> memref<80xi32, #tpu.memory_space<vmem>>
        %dma_wait3A_66 = arith.constant 0 : i32
        %dma_wait3A_67 = arith.constant 0 : i32
        %dma_wait3A_68 = tpu.memref_slice %arg11[%dma_wait3A_66, %dma_wait3A_67] : memref<10000x128xf32, #tpu.memory_space<vmem_shared>> -> memref<10000x128xf32, #tpu.memory_space<vmem_shared>>
        tpu.wait_indirect_dma semaphore(%arg13 : memref<!tpu.dma_semaphore, #tpu.memory_space<semaphore_mem>>) src(%dma_wait3A_68 : memref<10000x128xf32, #tpu.memory_space<vmem_shared>>) dst(%arg10 : memref<80x128xf32, #tpu.memory_space<vmem>>)
        "tpu.region"() ({
          %run_scoped3A = tpu.sem_alloc : memref<!tpu.dma_semaphore, #tpu.memory_space<semaphore_mem>>
          %dma_start3A_69 = arith.constant 0 : i32
          %dma_start3A_70 = tpu.memref_slice %arg7[%add3A_62, %dma_start3A_69] : memref<104960x128xf32, #tpu.memory_space<hbm>> -> memref<80x128xf32, #tpu.memory_space<hbm>>
          %dma_start3A_71 = arith.constant 0 : i32
          %dma_start3A_72 = tpu.memref_slice %arg7[%add3A_62, %dma_start3A_71] : memref<104960x128xf32, #tpu.memory_space<hbm>> -> memref<80x128xf32, #tpu.memory_space<hbm>>
          tpu.enqueue_dma source(%arg10 : memref<80x128xf32, #tpu.memory_space<vmem>>) target(%dma_start3A_72 : memref<80x128xf32, #tpu.memory_space<hbm>>) target_semaphore(%run_scoped3A : memref<!tpu.dma_semaphore, #tpu.memory_space<semaphore_mem>>)
          %dma_wait3A_73 = arith.constant 0 : i32
          %dma_wait3A_74 = tpu.memref_slice %arg7[%add3A_62, %dma_wait3A_73] : memref<104960x128xf32, #tpu.memory_space<hbm>> -> memref<80x128xf32, #tpu.memory_space<hbm>>
          %dma_wait3A_75 = arith.constant 0 : i32
          %dma_wait3A_76 = tpu.memref_slice %arg7[%add3A_62, %dma_wait3A_75] : memref<104960x128xf32, #tpu.memory_space<hbm>> -> memref<80x128xf32, #tpu.memory_space<hbm>>
          tpu.wait_dma2 semaphore(%run_scoped3A : memref<!tpu.dma_semaphore, #tpu.memory_space<semaphore_mem>>) src(%arg10 : memref<80x128xf32, #tpu.memory_space<vmem>>) dst(%dma_wait3A_76 : memref<80x128xf32, #tpu.memory_space<hbm>>)
          tpu.yield
        }) : () -> ()
      }
      %scan3A_29 = arith.constant 41 : i32
    } else {
    }
    return
  }
}

#map = affine_map<(d0, d1) -> (0, 0)>
#map1 = affine_map<(d0, d1) -> (0, 0, 0)>
module attributes {stable_mosaic.version = 14 : i64} {
  func.func @k(%arg0: i32, %arg1: i32, %arg2: memref<10000x128xf32, #tpu.memory_space<hbm>>, %arg3: memref<10000x128xf32, #tpu.memory_space<hbm>>, %arg4: memref<16x84x80xi32, #tpu.memory_space<hbm>>, %arg5: memref<16x84x80xi32, #tpu.memory_space<hbm>>, %arg6: memref<107520x128xf32, #tpu.memory_space<hbm>>, %arg7: memref<107520x128xf32, #tpu.memory_space<hbm>>, %arg8: memref<84x80xi32, #tpu.memory_space<vmem>>, %arg9: memref<80x128xf32, #tpu.memory_space<vmem>>, %arg10: memref<80x128xf32, #tpu.memory_space<vmem>>, %arg11: memref<10000x128xf32, #tpu.memory_space<vmem_shared>>, %arg12: memref<!tpu.dma_semaphore, #tpu.memory_space<semaphore_mem>>, %arg13: memref<!tpu.dma_semaphore, #tpu.memory_space<semaphore_mem>>) attributes {dimension_semantics = [#tpu.dimension_semantics<core_parallel>, #tpu.dimension_semantics<subcore_parallel>], iteration_bounds = array<i64: 2, 16>, scalar_prefetch = 0 : i64, scratch_operands = 6 : i64, tpu.core_type = #tpu.core_type<sc_vector_subcore>, window_params = [{transform_indices = #map}, {transform_indices = #map}, {transform_indices = #map1}, {transform_indices = #map1}, {transform_indices = #map}, {transform_indices = #map}]} {
    %eq3A = arith.constant 0 : i32
    %eq3A_0 = arith.cmpi eq, %arg0, %eq3A : i32
    %convert_element_type3A = arith.extui %eq3A_0 : i1 to i32
    %cond3A = arith.constant 0 : i32
    %cond3A_1 = arith.cmpi ne, %convert_element_type3A, %cond3A : i32
    scf.if %cond3A_1 {
      %mul3A = arith.constant 640 : i32
      %mul3A_7 = arith.muli %arg1, %mul3A : i32
      %lt3A = arith.constant 15 : i32
      %lt3A_8 = arith.cmpi slt, %arg1, %lt3A : i32
      %convert_element_type3A_9 = arith.extui %lt3A_8 : i1 to i32
      %cond3A_10 = arith.constant 0 : i32
      %cond3A_11 = arith.cmpi ne, %convert_element_type3A_9, %cond3A_10 : i32
      scf.if %cond3A_11 {
        "tpu.region"() ({
          %run_scoped3A = tpu.sem_alloc : memref<!tpu.dma_semaphore, #tpu.memory_space<semaphore_mem>>
          %dma_start3A_30 = arith.constant 0 : i32
          %dma_start3A_31 = tpu.memref_slice %arg11[%mul3A_7, %dma_start3A_30] : memref<10000x128xf32, #tpu.memory_space<vmem_shared>> -> memref<640x128xf32, #tpu.memory_space<vmem_shared>>
          %dma_start3A_32 = arith.constant 0 : i32
          %dma_start3A_33 = tpu.memref_slice %arg2[%mul3A_7, %dma_start3A_32] : memref<10000x128xf32, #tpu.memory_space<hbm>> -> memref<640x128xf32, #tpu.memory_space<hbm>>
          tpu.enqueue_dma source(%dma_start3A_33 : memref<640x128xf32, #tpu.memory_space<hbm>>) target(%dma_start3A_31 : memref<640x128xf32, #tpu.memory_space<vmem_shared>>) target_semaphore(%run_scoped3A : memref<!tpu.dma_semaphore, #tpu.memory_space<semaphore_mem>>)
          %dma_wait3A = arith.constant 0 : i32
          %dma_wait3A_34 = tpu.memref_slice %arg11[%mul3A_7, %dma_wait3A] : memref<10000x128xf32, #tpu.memory_space<vmem_shared>> -> memref<640x128xf32, #tpu.memory_space<vmem_shared>>
          %dma_wait3A_35 = arith.constant 0 : i32
          %dma_wait3A_36 = tpu.memref_slice %arg2[%mul3A_7, %dma_wait3A_35] : memref<10000x128xf32, #tpu.memory_space<hbm>> -> memref<640x128xf32, #tpu.memory_space<hbm>>
          tpu.wait_dma2 semaphore(%run_scoped3A : memref<!tpu.dma_semaphore, #tpu.memory_space<semaphore_mem>>) src(%dma_wait3A_36 : memref<640x128xf32, #tpu.memory_space<hbm>>) dst(%dma_wait3A_34 : memref<640x128xf32, #tpu.memory_space<vmem_shared>>)
          tpu.yield
        }) : () -> ()
      } else {
      }
      %eq3A_12 = arith.constant 15 : i32
      %eq3A_13 = arith.cmpi eq, %arg1, %eq3A_12 : i32
      %convert_element_type3A_14 = arith.extui %eq3A_13 : i1 to i32
      %cond3A_15 = arith.constant 0 : i32
      %cond3A_16 = arith.cmpi ne, %convert_element_type3A_14, %cond3A_15 : i32
      scf.if %cond3A_16 {
        "tpu.region"() ({
          %run_scoped3A = tpu.sem_alloc : memref<!tpu.dma_semaphore, #tpu.memory_space<semaphore_mem>>
          %dma_start3A_30 = arith.constant 0 : i32
          %dma_start3A_31 = tpu.memref_slice %arg11[%mul3A_7, %dma_start3A_30] : memref<10000x128xf32, #tpu.memory_space<vmem_shared>> -> memref<400x128xf32, #tpu.memory_space<vmem_shared>>
          %dma_start3A_32 = arith.constant 0 : i32
          %dma_start3A_33 = tpu.memref_slice %arg2[%mul3A_7, %dma_start3A_32] : memref<10000x128xf32, #tpu.memory_space<hbm>> -> memref<400x128xf32, #tpu.memory_space<hbm>>
          tpu.enqueue_dma source(%dma_start3A_33 : memref<400x128xf32, #tpu.memory_space<hbm>>) target(%dma_start3A_31 : memref<400x128xf32, #tpu.memory_space<vmem_shared>>) target_semaphore(%run_scoped3A : memref<!tpu.dma_semaphore, #tpu.memory_space<semaphore_mem>>)
          %dma_wait3A = arith.constant 0 : i32
          %dma_wait3A_34 = tpu.memref_slice %arg11[%mul3A_7, %dma_wait3A] : memref<10000x128xf32, #tpu.memory_space<vmem_shared>> -> memref<400x128xf32, #tpu.memory_space<vmem_shared>>
          %dma_wait3A_35 = arith.constant 0 : i32
          %dma_wait3A_36 = tpu.memref_slice %arg2[%mul3A_7, %dma_wait3A_35] : memref<10000x128xf32, #tpu.memory_space<hbm>> -> memref<400x128xf32, #tpu.memory_space<hbm>>
          tpu.wait_dma2 semaphore(%run_scoped3A : memref<!tpu.dma_semaphore, #tpu.memory_space<semaphore_mem>>) src(%dma_wait3A_36 : memref<400x128xf32, #tpu.memory_space<hbm>>) dst(%dma_wait3A_34 : memref<400x128xf32, #tpu.memory_space<vmem_shared>>)
          tpu.yield
        }) : () -> ()
      } else {
      }
      "tpu.region"() ({
        %run_scoped3A = tpu.sem_alloc : memref<!tpu.dma_semaphore, #tpu.memory_space<semaphore_mem>>
        %dma_start3A_30 = arith.constant 0 : i32
        %dma_start3A_31 = arith.constant 0 : i32
        %dma_start3A_32 = tpu.memref_slice %arg4[%arg1, %dma_start3A_30, %dma_start3A_31] : memref<16x84x80xi32, #tpu.memory_space<hbm>> -> memref<1x84x80xi32, #tpu.memory_space<hbm>>
        %dma_start3A_33 = tpu.memref_squeeze %dma_start3A_32 : memref<1x84x80xi32, #tpu.memory_space<hbm>> -> memref<84x80xi32, #tpu.memory_space<hbm>>
        %dma_start3A_34 = arith.constant 0 : i32
        %dma_start3A_35 = arith.constant 0 : i32
        %dma_start3A_36 = tpu.memref_slice %arg4[%arg1, %dma_start3A_34, %dma_start3A_35] : memref<16x84x80xi32, #tpu.memory_space<hbm>> -> memref<1x84x80xi32, #tpu.memory_space<hbm>>
        %dma_start3A_37 = tpu.memref_squeeze %dma_start3A_36 : memref<1x84x80xi32, #tpu.memory_space<hbm>> -> memref<84x80xi32, #tpu.memory_space<hbm>>
        tpu.enqueue_dma source(%dma_start3A_37 : memref<84x80xi32, #tpu.memory_space<hbm>>) target(%arg8 : memref<84x80xi32, #tpu.memory_space<vmem>>) target_semaphore(%run_scoped3A : memref<!tpu.dma_semaphore, #tpu.memory_space<semaphore_mem>>)
        %dma_wait3A = arith.constant 0 : i32
        %dma_wait3A_38 = arith.constant 0 : i32
        %dma_wait3A_39 = tpu.memref_slice %arg4[%arg1, %dma_wait3A, %dma_wait3A_38] : memref<16x84x80xi32, #tpu.memory_space<hbm>> -> memref<1x84x80xi32, #tpu.memory_space<hbm>>
        %dma_wait3A_40 = tpu.memref_squeeze %dma_wait3A_39 : memref<1x84x80xi32, #tpu.memory_space<hbm>> -> memref<84x80xi32, #tpu.memory_space<hbm>>
        %dma_wait3A_41 = arith.constant 0 : i32
        %dma_wait3A_42 = arith.constant 0 : i32
        %dma_wait3A_43 = tpu.memref_slice %arg4[%arg1, %dma_wait3A_41, %dma_wait3A_42] : memref<16x84x80xi32, #tpu.memory_space<hbm>> -> memref<1x84x80xi32, #tpu.memory_space<hbm>>
        %dma_wait3A_44 = tpu.memref_squeeze %dma_wait3A_43 : memref<1x84x80xi32, #tpu.memory_space<hbm>> -> memref<84x80xi32, #tpu.memory_space<hbm>>
        tpu.wait_dma2 semaphore(%run_scoped3A : memref<!tpu.dma_semaphore, #tpu.memory_space<semaphore_mem>>) src(%dma_wait3A_44 : memref<84x80xi32, #tpu.memory_space<hbm>>) dst(%arg8 : memref<84x80xi32, #tpu.memory_space<vmem>>)
        tpu.yield
      }) : () -> ()
      %barrier3A = arith.constant 0 : index
      tpu.barrier barrier_id(%barrier3A)
      %mul3A_17 = arith.constant 6720 : i32
      %mul3A_18 = arith.muli %arg1, %mul3A_17 : i32
      %dma_start3A = arith.constant 0 : i32
      %dma_start3A_19 = arith.constant 0 : i32
      %dma_start3A_20 = tpu.memref_slice %arg8[%dma_start3A, %dma_start3A_19] : memref<84x80xi32, #tpu.memory_space<vmem>> -> memref<1x80xi32, #tpu.memory_space<vmem>>
      %dma_start3A_21 = tpu.memref_squeeze %dma_start3A_20 : memref<1x80xi32, #tpu.memory_space<vmem>> -> memref<80xi32, #tpu.memory_space<vmem>>
      %dma_start3A_22 = arith.constant 0 : i32
      %dma_start3A_23 = arith.constant 0 : i32
      %dma_start3A_24 = tpu.memref_slice %arg11[%dma_start3A_22, %dma_start3A_23] : memref<10000x128xf32, #tpu.memory_space<vmem_shared>> -> memref<10000x128xf32, #tpu.memory_space<vmem_shared>>
      tpu.enqueue_indirect_dma source(%dma_start3A_24 : memref<10000x128xf32, #tpu.memory_space<vmem_shared>>) target(%arg9 : memref<80x128xf32, #tpu.memory_space<vmem>>) offsets(%dma_start3A_21 : memref<80xi32, #tpu.memory_space<vmem>>) semaphore(%arg12 : memref<!tpu.dma_semaphore, #tpu.memory_space<semaphore_mem>>)
      %scan3A = arith.constant 0 : i32
      %scan3A_25 = arith.constant 0 : i32
      %scan3A_26 = arith.constant 42 : i32
      %scan3A_27 = arith.addi %scan3A_25, %scan3A_26 : i32
      %scan3A_28 = arith.constant 1 : i32
      scf.for %scan3A_30 = %scan3A_25 to %scan3A_27 step %scan3A_28  : i32 {
        %mul3A_31 = arith.constant 2 : i32
        %mul3A_32 = arith.muli %scan3A_30, %mul3A_31 : i32
        %add3A = arith.constant 0 : i32
        %add3A_33 = arith.addi %mul3A_32, %add3A : i32
        %add3A_34 = arith.constant 1 : i32
        %add3A_35 = arith.addi %add3A_33, %add3A_34 : i32
        %lt3A_36 = arith.constant 84 : i32
        %lt3A_37 = arith.cmpi slt, %add3A_35, %lt3A_36 : i32
        %convert_element_type3A_38 = arith.extui %lt3A_37 : i1 to i32
        %cond3A_39 = arith.constant 0 : i32
        %cond3A_40 = arith.cmpi ne, %convert_element_type3A_38, %cond3A_39 : i32
        scf.if %cond3A_40 {
          %dma_start3A_69 = arith.constant 0 : i32
          %dma_start3A_70 = tpu.memref_slice %arg8[%add3A_35, %dma_start3A_69] : memref<84x80xi32, #tpu.memory_space<vmem>> -> memref<1x80xi32, #tpu.memory_space<vmem>>
          %dma_start3A_71 = tpu.memref_squeeze %dma_start3A_70 : memref<1x80xi32, #tpu.memory_space<vmem>> -> memref<80xi32, #tpu.memory_space<vmem>>
          %dma_start3A_72 = arith.constant 0 : i32
          %dma_start3A_73 = arith.constant 0 : i32
          %dma_start3A_74 = tpu.memref_slice %arg11[%dma_start3A_72, %dma_start3A_73] : memref<10000x128xf32, #tpu.memory_space<vmem_shared>> -> memref<10000x128xf32, #tpu.memory_space<vmem_shared>>
          tpu.enqueue_indirect_dma source(%dma_start3A_74 : memref<10000x128xf32, #tpu.memory_space<vmem_shared>>) target(%arg10 : memref<80x128xf32, #tpu.memory_space<vmem>>) offsets(%dma_start3A_71 : memref<80xi32, #tpu.memory_space<vmem>>) semaphore(%arg13 : memref<!tpu.dma_semaphore, #tpu.memory_space<semaphore_mem>>)
        } else {
        }
        %mul3A_41 = arith.constant 80 : i32
        %mul3A_42 = arith.muli %add3A_33, %mul3A_41 : i32
        %add3A_43 = arith.addi %mul3A_18, %mul3A_42 : i32
        %dma_wait3A = arith.constant 0 : i32
        %dma_wait3A_44 = tpu.memref_slice %arg8[%add3A_33, %dma_wait3A] : memref<84x80xi32, #tpu.memory_space<vmem>> -> memref<1x80xi32, #tpu.memory_space<vmem>>
        %dma_wait3A_45 = tpu.memref_squeeze %dma_wait3A_44 : memref<1x80xi32, #tpu.memory_space<vmem>> -> memref<80xi32, #tpu.memory_space<vmem>>
        %dma_wait3A_46 = arith.constant 0 : i32
        %dma_wait3A_47 = arith.constant 0 : i32
        %dma_wait3A_48 = tpu.memref_slice %arg11[%dma_wait3A_46, %dma_wait3A_47] : memref<10000x128xf32, #tpu.memory_space<vmem_shared>> -> memref<10000x128xf32, #tpu.memory_space<vmem_shared>>
        tpu.wait_indirect_dma semaphore(%arg12 : memref<!tpu.dma_semaphore, #tpu.memory_space<semaphore_mem>>) src(%dma_wait3A_48 : memref<10000x128xf32, #tpu.memory_space<vmem_shared>>) dst(%arg9 : memref<80x128xf32, #tpu.memory_space<vmem>>)
        "tpu.region"() ({
          %run_scoped3A = tpu.sem_alloc : memref<!tpu.dma_semaphore, #tpu.memory_space<semaphore_mem>>
          %dma_start3A_69 = arith.constant 0 : i32
          %dma_start3A_70 = tpu.memref_slice %arg6[%add3A_43, %dma_start3A_69] : memref<107520x128xf32, #tpu.memory_space<hbm>> -> memref<80x128xf32, #tpu.memory_space<hbm>>
          %dma_start3A_71 = arith.constant 0 : i32
          %dma_start3A_72 = tpu.memref_slice %arg6[%add3A_43, %dma_start3A_71] : memref<107520x128xf32, #tpu.memory_space<hbm>> -> memref<80x128xf32, #tpu.memory_space<hbm>>
          tpu.enqueue_dma source(%arg9 : memref<80x128xf32, #tpu.memory_space<vmem>>) target(%dma_start3A_72 : memref<80x128xf32, #tpu.memory_space<hbm>>) target_semaphore(%run_scoped3A : memref<!tpu.dma_semaphore, #tpu.memory_space<semaphore_mem>>)
          %dma_wait3A_73 = arith.constant 0 : i32
          %dma_wait3A_74 = tpu.memref_slice %arg6[%add3A_43, %dma_wait3A_73] : memref<107520x128xf32, #tpu.memory_space<hbm>> -> memref<80x128xf32, #tpu.memory_space<hbm>>
          %dma_wait3A_75 = arith.constant 0 : i32
          %dma_wait3A_76 = tpu.memref_slice %arg6[%add3A_43, %dma_wait3A_75] : memref<107520x128xf32, #tpu.memory_space<hbm>> -> memref<80x128xf32, #tpu.memory_space<hbm>>
          tpu.wait_dma2 semaphore(%run_scoped3A : memref<!tpu.dma_semaphore, #tpu.memory_space<semaphore_mem>>) src(%arg9 : memref<80x128xf32, #tpu.memory_space<vmem>>) dst(%dma_wait3A_76 : memref<80x128xf32, #tpu.memory_space<hbm>>)
          tpu.yield
        }) : () -> ()
        %mul3A_49 = arith.constant 2 : i32
        %mul3A_50 = arith.muli %scan3A_30, %mul3A_49 : i32
        %add3A_51 = arith.constant 1 : i32
        %add3A_52 = arith.addi %mul3A_50, %add3A_51 : i32
        %add3A_53 = arith.constant 1 : i32
        %add3A_54 = arith.addi %add3A_52, %add3A_53 : i32
        %lt3A_55 = arith.constant 84 : i32
        %lt3A_56 = arith.cmpi slt, %add3A_54, %lt3A_55 : i32
        %convert_element_type3A_57 = arith.extui %lt3A_56 : i1 to i32
        %cond3A_58 = arith.constant 0 : i32
        %cond3A_59 = arith.cmpi ne, %convert_element_type3A_57, %cond3A_58 : i32
        scf.if %cond3A_59 {
          %dma_start3A_69 = arith.constant 0 : i32
          %dma_start3A_70 = tpu.memref_slice %arg8[%add3A_54, %dma_start3A_69] : memref<84x80xi32, #tpu.memory_space<vmem>> -> memref<1x80xi32, #tpu.memory_space<vmem>>
          %dma_start3A_71 = tpu.memref_squeeze %dma_start3A_70 : memref<1x80xi32, #tpu.memory_space<vmem>> -> memref<80xi32, #tpu.memory_space<vmem>>
          %dma_start3A_72 = arith.constant 0 : i32
          %dma_start3A_73 = arith.constant 0 : i32
          %dma_start3A_74 = tpu.memref_slice %arg11[%dma_start3A_72, %dma_start3A_73] : memref<10000x128xf32, #tpu.memory_space<vmem_shared>> -> memref<10000x128xf32, #tpu.memory_space<vmem_shared>>
          tpu.enqueue_indirect_dma source(%dma_start3A_74 : memref<10000x128xf32, #tpu.memory_space<vmem_shared>>) target(%arg9 : memref<80x128xf32, #tpu.memory_space<vmem>>) offsets(%dma_start3A_71 : memref<80xi32, #tpu.memory_space<vmem>>) semaphore(%arg12 : memref<!tpu.dma_semaphore, #tpu.memory_space<semaphore_mem>>)
        } else {
        }
        %mul3A_60 = arith.constant 80 : i32
        %mul3A_61 = arith.muli %add3A_52, %mul3A_60 : i32
        %add3A_62 = arith.addi %mul3A_18, %mul3A_61 : i32
        %dma_wait3A_63 = arith.constant 0 : i32
        %dma_wait3A_64 = tpu.memref_slice %arg8[%add3A_52, %dma_wait3A_63] : memref<84x80xi32, #tpu.memory_space<vmem>> -> memref<1x80xi32, #tpu.memory_space<vmem>>
        %dma_wait3A_65 = tpu.memref_squeeze %dma_wait3A_64 : memref<1x80xi32, #tpu.memory_space<vmem>> -> memref<80xi32, #tpu.memory_space<vmem>>
        %dma_wait3A_66 = arith.constant 0 : i32
        %dma_wait3A_67 = arith.constant 0 : i32
        %dma_wait3A_68 = tpu.memref_slice %arg11[%dma_wait3A_66, %dma_wait3A_67] : memref<10000x128xf32, #tpu.memory_space<vmem_shared>> -> memref<10000x128xf32, #tpu.memory_space<vmem_shared>>
        tpu.wait_indirect_dma semaphore(%arg13 : memref<!tpu.dma_semaphore, #tpu.memory_space<semaphore_mem>>) src(%dma_wait3A_68 : memref<10000x128xf32, #tpu.memory_space<vmem_shared>>) dst(%arg10 : memref<80x128xf32, #tpu.memory_space<vmem>>)
        "tpu.region"() ({
          %run_scoped3A = tpu.sem_alloc : memref<!tpu.dma_semaphore, #tpu.memory_space<semaphore_mem>>
          %dma_start3A_69 = arith.constant 0 : i32
          %dma_start3A_70 = tpu.memref_slice %arg6[%add3A_62, %dma_start3A_69] : memref<107520x128xf32, #tpu.memory_space<hbm>> -> memref<80x128xf32, #tpu.memory_space<hbm>>
          %dma_start3A_71 = arith.constant 0 : i32
          %dma_start3A_72 = tpu.memref_slice %arg6[%add3A_62, %dma_start3A_71] : memref<107520x128xf32, #tpu.memory_space<hbm>> -> memref<80x128xf32, #tpu.memory_space<hbm>>
          tpu.enqueue_dma source(%arg10 : memref<80x128xf32, #tpu.memory_space<vmem>>) target(%dma_start3A_72 : memref<80x128xf32, #tpu.memory_space<hbm>>) target_semaphore(%run_scoped3A : memref<!tpu.dma_semaphore, #tpu.memory_space<semaphore_mem>>)
          %dma_wait3A_73 = arith.constant 0 : i32
          %dma_wait3A_74 = tpu.memref_slice %arg6[%add3A_62, %dma_wait3A_73] : memref<107520x128xf32, #tpu.memory_space<hbm>> -> memref<80x128xf32, #tpu.memory_space<hbm>>
          %dma_wait3A_75 = arith.constant 0 : i32
          %dma_wait3A_76 = tpu.memref_slice %arg6[%add3A_62, %dma_wait3A_75] : memref<107520x128xf32, #tpu.memory_space<hbm>> -> memref<80x128xf32, #tpu.memory_space<hbm>>
          tpu.wait_dma2 semaphore(%run_scoped3A : memref<!tpu.dma_semaphore, #tpu.memory_space<semaphore_mem>>) src(%arg10 : memref<80x128xf32, #tpu.memory_space<vmem>>) dst(%dma_wait3A_76 : memref<80x128xf32, #tpu.memory_space<hbm>>)
          tpu.yield
        }) : () -> ()
      }
      %scan3A_29 = arith.constant 42 : i32
    } else {
    }
    %eq3A_2 = arith.constant 1 : i32
    %eq3A_3 = arith.cmpi eq, %arg0, %eq3A_2 : i32
    %convert_element_type3A_4 = arith.extui %eq3A_3 : i1 to i32
    %cond3A_5 = arith.constant 0 : i32
    %cond3A_6 = arith.cmpi ne, %convert_element_type3A_4, %cond3A_5 : i32
    scf.if %cond3A_6 {
      %mul3A = arith.constant 640 : i32
      %mul3A_7 = arith.muli %arg1, %mul3A : i32
      %lt3A = arith.constant 15 : i32
      %lt3A_8 = arith.cmpi slt, %arg1, %lt3A : i32
      %convert_element_type3A_9 = arith.extui %lt3A_8 : i1 to i32
      %cond3A_10 = arith.constant 0 : i32
      %cond3A_11 = arith.cmpi ne, %convert_element_type3A_9, %cond3A_10 : i32
      scf.if %cond3A_11 {
        "tpu.region"() ({
          %run_scoped3A = tpu.sem_alloc : memref<!tpu.dma_semaphore, #tpu.memory_space<semaphore_mem>>
          %dma_start3A_30 = arith.constant 0 : i32
          %dma_start3A_31 = tpu.memref_slice %arg11[%mul3A_7, %dma_start3A_30] : memref<10000x128xf32, #tpu.memory_space<vmem_shared>> -> memref<640x128xf32, #tpu.memory_space<vmem_shared>>
          %dma_start3A_32 = arith.constant 0 : i32
          %dma_start3A_33 = tpu.memref_slice %arg3[%mul3A_7, %dma_start3A_32] : memref<10000x128xf32, #tpu.memory_space<hbm>> -> memref<640x128xf32, #tpu.memory_space<hbm>>
          tpu.enqueue_dma source(%dma_start3A_33 : memref<640x128xf32, #tpu.memory_space<hbm>>) target(%dma_start3A_31 : memref<640x128xf32, #tpu.memory_space<vmem_shared>>) target_semaphore(%run_scoped3A : memref<!tpu.dma_semaphore, #tpu.memory_space<semaphore_mem>>)
          %dma_wait3A = arith.constant 0 : i32
          %dma_wait3A_34 = tpu.memref_slice %arg11[%mul3A_7, %dma_wait3A] : memref<10000x128xf32, #tpu.memory_space<vmem_shared>> -> memref<640x128xf32, #tpu.memory_space<vmem_shared>>
          %dma_wait3A_35 = arith.constant 0 : i32
          %dma_wait3A_36 = tpu.memref_slice %arg3[%mul3A_7, %dma_wait3A_35] : memref<10000x128xf32, #tpu.memory_space<hbm>> -> memref<640x128xf32, #tpu.memory_space<hbm>>
          tpu.wait_dma2 semaphore(%run_scoped3A : memref<!tpu.dma_semaphore, #tpu.memory_space<semaphore_mem>>) src(%dma_wait3A_36 : memref<640x128xf32, #tpu.memory_space<hbm>>) dst(%dma_wait3A_34 : memref<640x128xf32, #tpu.memory_space<vmem_shared>>)
          tpu.yield
        }) : () -> ()
      } else {
      }
      %eq3A_12 = arith.constant 15 : i32
      %eq3A_13 = arith.cmpi eq, %arg1, %eq3A_12 : i32
      %convert_element_type3A_14 = arith.extui %eq3A_13 : i1 to i32
      %cond3A_15 = arith.constant 0 : i32
      %cond3A_16 = arith.cmpi ne, %convert_element_type3A_14, %cond3A_15 : i32
      scf.if %cond3A_16 {
        "tpu.region"() ({
          %run_scoped3A = tpu.sem_alloc : memref<!tpu.dma_semaphore, #tpu.memory_space<semaphore_mem>>
          %dma_start3A_30 = arith.constant 0 : i32
          %dma_start3A_31 = tpu.memref_slice %arg11[%mul3A_7, %dma_start3A_30] : memref<10000x128xf32, #tpu.memory_space<vmem_shared>> -> memref<400x128xf32, #tpu.memory_space<vmem_shared>>
          %dma_start3A_32 = arith.constant 0 : i32
          %dma_start3A_33 = tpu.memref_slice %arg3[%mul3A_7, %dma_start3A_32] : memref<10000x128xf32, #tpu.memory_space<hbm>> -> memref<400x128xf32, #tpu.memory_space<hbm>>
          tpu.enqueue_dma source(%dma_start3A_33 : memref<400x128xf32, #tpu.memory_space<hbm>>) target(%dma_start3A_31 : memref<400x128xf32, #tpu.memory_space<vmem_shared>>) target_semaphore(%run_scoped3A : memref<!tpu.dma_semaphore, #tpu.memory_space<semaphore_mem>>)
          %dma_wait3A = arith.constant 0 : i32
          %dma_wait3A_34 = tpu.memref_slice %arg11[%mul3A_7, %dma_wait3A] : memref<10000x128xf32, #tpu.memory_space<vmem_shared>> -> memref<400x128xf32, #tpu.memory_space<vmem_shared>>
          %dma_wait3A_35 = arith.constant 0 : i32
          %dma_wait3A_36 = tpu.memref_slice %arg3[%mul3A_7, %dma_wait3A_35] : memref<10000x128xf32, #tpu.memory_space<hbm>> -> memref<400x128xf32, #tpu.memory_space<hbm>>
          tpu.wait_dma2 semaphore(%run_scoped3A : memref<!tpu.dma_semaphore, #tpu.memory_space<semaphore_mem>>) src(%dma_wait3A_36 : memref<400x128xf32, #tpu.memory_space<hbm>>) dst(%dma_wait3A_34 : memref<400x128xf32, #tpu.memory_space<vmem_shared>>)
          tpu.yield
        }) : () -> ()
      } else {
      }
      "tpu.region"() ({
        %run_scoped3A = tpu.sem_alloc : memref<!tpu.dma_semaphore, #tpu.memory_space<semaphore_mem>>
        %dma_start3A_30 = arith.constant 0 : i32
        %dma_start3A_31 = arith.constant 0 : i32
        %dma_start3A_32 = tpu.memref_slice %arg5[%arg1, %dma_start3A_30, %dma_start3A_31] : memref<16x84x80xi32, #tpu.memory_space<hbm>> -> memref<1x84x80xi32, #tpu.memory_space<hbm>>
        %dma_start3A_33 = tpu.memref_squeeze %dma_start3A_32 : memref<1x84x80xi32, #tpu.memory_space<hbm>> -> memref<84x80xi32, #tpu.memory_space<hbm>>
        %dma_start3A_34 = arith.constant 0 : i32
        %dma_start3A_35 = arith.constant 0 : i32
        %dma_start3A_36 = tpu.memref_slice %arg5[%arg1, %dma_start3A_34, %dma_start3A_35] : memref<16x84x80xi32, #tpu.memory_space<hbm>> -> memref<1x84x80xi32, #tpu.memory_space<hbm>>
        %dma_start3A_37 = tpu.memref_squeeze %dma_start3A_36 : memref<1x84x80xi32, #tpu.memory_space<hbm>> -> memref<84x80xi32, #tpu.memory_space<hbm>>
        tpu.enqueue_dma source(%dma_start3A_37 : memref<84x80xi32, #tpu.memory_space<hbm>>) target(%arg8 : memref<84x80xi32, #tpu.memory_space<vmem>>) target_semaphore(%run_scoped3A : memref<!tpu.dma_semaphore, #tpu.memory_space<semaphore_mem>>)
        %dma_wait3A = arith.constant 0 : i32
        %dma_wait3A_38 = arith.constant 0 : i32
        %dma_wait3A_39 = tpu.memref_slice %arg5[%arg1, %dma_wait3A, %dma_wait3A_38] : memref<16x84x80xi32, #tpu.memory_space<hbm>> -> memref<1x84x80xi32, #tpu.memory_space<hbm>>
        %dma_wait3A_40 = tpu.memref_squeeze %dma_wait3A_39 : memref<1x84x80xi32, #tpu.memory_space<hbm>> -> memref<84x80xi32, #tpu.memory_space<hbm>>
        %dma_wait3A_41 = arith.constant 0 : i32
        %dma_wait3A_42 = arith.constant 0 : i32
        %dma_wait3A_43 = tpu.memref_slice %arg5[%arg1, %dma_wait3A_41, %dma_wait3A_42] : memref<16x84x80xi32, #tpu.memory_space<hbm>> -> memref<1x84x80xi32, #tpu.memory_space<hbm>>
        %dma_wait3A_44 = tpu.memref_squeeze %dma_wait3A_43 : memref<1x84x80xi32, #tpu.memory_space<hbm>> -> memref<84x80xi32, #tpu.memory_space<hbm>>
        tpu.wait_dma2 semaphore(%run_scoped3A : memref<!tpu.dma_semaphore, #tpu.memory_space<semaphore_mem>>) src(%dma_wait3A_44 : memref<84x80xi32, #tpu.memory_space<hbm>>) dst(%arg8 : memref<84x80xi32, #tpu.memory_space<vmem>>)
        tpu.yield
      }) : () -> ()
      %barrier3A = arith.constant 0 : index
      tpu.barrier barrier_id(%barrier3A)
      %mul3A_17 = arith.constant 6720 : i32
      %mul3A_18 = arith.muli %arg1, %mul3A_17 : i32
      %dma_start3A = arith.constant 0 : i32
      %dma_start3A_19 = arith.constant 0 : i32
      %dma_start3A_20 = tpu.memref_slice %arg8[%dma_start3A, %dma_start3A_19] : memref<84x80xi32, #tpu.memory_space<vmem>> -> memref<1x80xi32, #tpu.memory_space<vmem>>
      %dma_start3A_21 = tpu.memref_squeeze %dma_start3A_20 : memref<1x80xi32, #tpu.memory_space<vmem>> -> memref<80xi32, #tpu.memory_space<vmem>>
      %dma_start3A_22 = arith.constant 0 : i32
      %dma_start3A_23 = arith.constant 0 : i32
      %dma_start3A_24 = tpu.memref_slice %arg11[%dma_start3A_22, %dma_start3A_23] : memref<10000x128xf32, #tpu.memory_space<vmem_shared>> -> memref<10000x128xf32, #tpu.memory_space<vmem_shared>>
      tpu.enqueue_indirect_dma source(%dma_start3A_24 : memref<10000x128xf32, #tpu.memory_space<vmem_shared>>) target(%arg9 : memref<80x128xf32, #tpu.memory_space<vmem>>) offsets(%dma_start3A_21 : memref<80xi32, #tpu.memory_space<vmem>>) semaphore(%arg12 : memref<!tpu.dma_semaphore, #tpu.memory_space<semaphore_mem>>)
      %scan3A = arith.constant 0 : i32
      %scan3A_25 = arith.constant 0 : i32
      %scan3A_26 = arith.constant 42 : i32
      %scan3A_27 = arith.addi %scan3A_25, %scan3A_26 : i32
      %scan3A_28 = arith.constant 1 : i32
      scf.for %scan3A_30 = %scan3A_25 to %scan3A_27 step %scan3A_28  : i32 {
        %mul3A_31 = arith.constant 2 : i32
        %mul3A_32 = arith.muli %scan3A_30, %mul3A_31 : i32
        %add3A = arith.constant 0 : i32
        %add3A_33 = arith.addi %mul3A_32, %add3A : i32
        %add3A_34 = arith.constant 1 : i32
        %add3A_35 = arith.addi %add3A_33, %add3A_34 : i32
        %lt3A_36 = arith.constant 84 : i32
        %lt3A_37 = arith.cmpi slt, %add3A_35, %lt3A_36 : i32
        %convert_element_type3A_38 = arith.extui %lt3A_37 : i1 to i32
        %cond3A_39 = arith.constant 0 : i32
        %cond3A_40 = arith.cmpi ne, %convert_element_type3A_38, %cond3A_39 : i32
        scf.if %cond3A_40 {
          %dma_start3A_69 = arith.constant 0 : i32
          %dma_start3A_70 = tpu.memref_slice %arg8[%add3A_35, %dma_start3A_69] : memref<84x80xi32, #tpu.memory_space<vmem>> -> memref<1x80xi32, #tpu.memory_space<vmem>>
          %dma_start3A_71 = tpu.memref_squeeze %dma_start3A_70 : memref<1x80xi32, #tpu.memory_space<vmem>> -> memref<80xi32, #tpu.memory_space<vmem>>
          %dma_start3A_72 = arith.constant 0 : i32
          %dma_start3A_73 = arith.constant 0 : i32
          %dma_start3A_74 = tpu.memref_slice %arg11[%dma_start3A_72, %dma_start3A_73] : memref<10000x128xf32, #tpu.memory_space<vmem_shared>> -> memref<10000x128xf32, #tpu.memory_space<vmem_shared>>
          tpu.enqueue_indirect_dma source(%dma_start3A_74 : memref<10000x128xf32, #tpu.memory_space<vmem_shared>>) target(%arg10 : memref<80x128xf32, #tpu.memory_space<vmem>>) offsets(%dma_start3A_71 : memref<80xi32, #tpu.memory_space<vmem>>) semaphore(%arg13 : memref<!tpu.dma_semaphore, #tpu.memory_space<semaphore_mem>>)
        } else {
        }
        %mul3A_41 = arith.constant 80 : i32
        %mul3A_42 = arith.muli %add3A_33, %mul3A_41 : i32
        %add3A_43 = arith.addi %mul3A_18, %mul3A_42 : i32
        %dma_wait3A = arith.constant 0 : i32
        %dma_wait3A_44 = tpu.memref_slice %arg8[%add3A_33, %dma_wait3A] : memref<84x80xi32, #tpu.memory_space<vmem>> -> memref<1x80xi32, #tpu.memory_space<vmem>>
        %dma_wait3A_45 = tpu.memref_squeeze %dma_wait3A_44 : memref<1x80xi32, #tpu.memory_space<vmem>> -> memref<80xi32, #tpu.memory_space<vmem>>
        %dma_wait3A_46 = arith.constant 0 : i32
        %dma_wait3A_47 = arith.constant 0 : i32
        %dma_wait3A_48 = tpu.memref_slice %arg11[%dma_wait3A_46, %dma_wait3A_47] : memref<10000x128xf32, #tpu.memory_space<vmem_shared>> -> memref<10000x128xf32, #tpu.memory_space<vmem_shared>>
        tpu.wait_indirect_dma semaphore(%arg12 : memref<!tpu.dma_semaphore, #tpu.memory_space<semaphore_mem>>) src(%dma_wait3A_48 : memref<10000x128xf32, #tpu.memory_space<vmem_shared>>) dst(%arg9 : memref<80x128xf32, #tpu.memory_space<vmem>>)
        "tpu.region"() ({
          %run_scoped3A = tpu.sem_alloc : memref<!tpu.dma_semaphore, #tpu.memory_space<semaphore_mem>>
          %dma_start3A_69 = arith.constant 0 : i32
          %dma_start3A_70 = tpu.memref_slice %arg7[%add3A_43, %dma_start3A_69] : memref<107520x128xf32, #tpu.memory_space<hbm>> -> memref<80x128xf32, #tpu.memory_space<hbm>>
          %dma_start3A_71 = arith.constant 0 : i32
          %dma_start3A_72 = tpu.memref_slice %arg7[%add3A_43, %dma_start3A_71] : memref<107520x128xf32, #tpu.memory_space<hbm>> -> memref<80x128xf32, #tpu.memory_space<hbm>>
          tpu.enqueue_dma source(%arg9 : memref<80x128xf32, #tpu.memory_space<vmem>>) target(%dma_start3A_72 : memref<80x128xf32, #tpu.memory_space<hbm>>) target_semaphore(%run_scoped3A : memref<!tpu.dma_semaphore, #tpu.memory_space<semaphore_mem>>)
          %dma_wait3A_73 = arith.constant 0 : i32
          %dma_wait3A_74 = tpu.memref_slice %arg7[%add3A_43, %dma_wait3A_73] : memref<107520x128xf32, #tpu.memory_space<hbm>> -> memref<80x128xf32, #tpu.memory_space<hbm>>
          %dma_wait3A_75 = arith.constant 0 : i32
          %dma_wait3A_76 = tpu.memref_slice %arg7[%add3A_43, %dma_wait3A_75] : memref<107520x128xf32, #tpu.memory_space<hbm>> -> memref<80x128xf32, #tpu.memory_space<hbm>>
          tpu.wait_dma2 semaphore(%run_scoped3A : memref<!tpu.dma_semaphore, #tpu.memory_space<semaphore_mem>>) src(%arg9 : memref<80x128xf32, #tpu.memory_space<vmem>>) dst(%dma_wait3A_76 : memref<80x128xf32, #tpu.memory_space<hbm>>)
          tpu.yield
        }) : () -> ()
        %mul3A_49 = arith.constant 2 : i32
        %mul3A_50 = arith.muli %scan3A_30, %mul3A_49 : i32
        %add3A_51 = arith.constant 1 : i32
        %add3A_52 = arith.addi %mul3A_50, %add3A_51 : i32
        %add3A_53 = arith.constant 1 : i32
        %add3A_54 = arith.addi %add3A_52, %add3A_53 : i32
        %lt3A_55 = arith.constant 84 : i32
        %lt3A_56 = arith.cmpi slt, %add3A_54, %lt3A_55 : i32
        %convert_element_type3A_57 = arith.extui %lt3A_56 : i1 to i32
        %cond3A_58 = arith.constant 0 : i32
        %cond3A_59 = arith.cmpi ne, %convert_element_type3A_57, %cond3A_58 : i32
        scf.if %cond3A_59 {
          %dma_start3A_69 = arith.constant 0 : i32
          %dma_start3A_70 = tpu.memref_slice %arg8[%add3A_54, %dma_start3A_69] : memref<84x80xi32, #tpu.memory_space<vmem>> -> memref<1x80xi32, #tpu.memory_space<vmem>>
          %dma_start3A_71 = tpu.memref_squeeze %dma_start3A_70 : memref<1x80xi32, #tpu.memory_space<vmem>> -> memref<80xi32, #tpu.memory_space<vmem>>
          %dma_start3A_72 = arith.constant 0 : i32
          %dma_start3A_73 = arith.constant 0 : i32
          %dma_start3A_74 = tpu.memref_slice %arg11[%dma_start3A_72, %dma_start3A_73] : memref<10000x128xf32, #tpu.memory_space<vmem_shared>> -> memref<10000x128xf32, #tpu.memory_space<vmem_shared>>
          tpu.enqueue_indirect_dma source(%dma_start3A_74 : memref<10000x128xf32, #tpu.memory_space<vmem_shared>>) target(%arg9 : memref<80x128xf32, #tpu.memory_space<vmem>>) offsets(%dma_start3A_71 : memref<80xi32, #tpu.memory_space<vmem>>) semaphore(%arg12 : memref<!tpu.dma_semaphore, #tpu.memory_space<semaphore_mem>>)
        } else {
        }
        %mul3A_60 = arith.constant 80 : i32
        %mul3A_61 = arith.muli %add3A_52, %mul3A_60 : i32
        %add3A_62 = arith.addi %mul3A_18, %mul3A_61 : i32
        %dma_wait3A_63 = arith.constant 0 : i32
        %dma_wait3A_64 = tpu.memref_slice %arg8[%add3A_52, %dma_wait3A_63] : memref<84x80xi32, #tpu.memory_space<vmem>> -> memref<1x80xi32, #tpu.memory_space<vmem>>
        %dma_wait3A_65 = tpu.memref_squeeze %dma_wait3A_64 : memref<1x80xi32, #tpu.memory_space<vmem>> -> memref<80xi32, #tpu.memory_space<vmem>>
        %dma_wait3A_66 = arith.constant 0 : i32
        %dma_wait3A_67 = arith.constant 0 : i32
        %dma_wait3A_68 = tpu.memref_slice %arg11[%dma_wait3A_66, %dma_wait3A_67] : memref<10000x128xf32, #tpu.memory_space<vmem_shared>> -> memref<10000x128xf32, #tpu.memory_space<vmem_shared>>
        tpu.wait_indirect_dma semaphore(%arg13 : memref<!tpu.dma_semaphore, #tpu.memory_space<semaphore_mem>>) src(%dma_wait3A_68 : memref<10000x128xf32, #tpu.memory_space<vmem_shared>>) dst(%arg10 : memref<80x128xf32, #tpu.memory_space<vmem>>)
        "tpu.region"() ({
          %run_scoped3A = tpu.sem_alloc : memref<!tpu.dma_semaphore, #tpu.memory_space<semaphore_mem>>
          %dma_start3A_69 = arith.constant 0 : i32
          %dma_start3A_70 = tpu.memref_slice %arg7[%add3A_62, %dma_start3A_69] : memref<107520x128xf32, #tpu.memory_space<hbm>> -> memref<80x128xf32, #tpu.memory_space<hbm>>
          %dma_start3A_71 = arith.constant 0 : i32
          %dma_start3A_72 = tpu.memref_slice %arg7[%add3A_62, %dma_start3A_71] : memref<107520x128xf32, #tpu.memory_space<hbm>> -> memref<80x128xf32, #tpu.memory_space<hbm>>
          tpu.enqueue_dma source(%arg10 : memref<80x128xf32, #tpu.memory_space<vmem>>) target(%dma_start3A_72 : memref<80x128xf32, #tpu.memory_space<hbm>>) target_semaphore(%run_scoped3A : memref<!tpu.dma_semaphore, #tpu.memory_space<semaphore_mem>>)
          %dma_wait3A_73 = arith.constant 0 : i32
          %dma_wait3A_74 = tpu.memref_slice %arg7[%add3A_62, %dma_wait3A_73] : memref<107520x128xf32, #tpu.memory_space<hbm>> -> memref<80x128xf32, #tpu.memory_space<hbm>>
          %dma_wait3A_75 = arith.constant 0 : i32
          %dma_wait3A_76 = tpu.memref_slice %arg7[%add3A_62, %dma_wait3A_75] : memref<107520x128xf32, #tpu.memory_space<hbm>> -> memref<80x128xf32, #tpu.memory_space<hbm>>
          tpu.wait_dma2 semaphore(%run_scoped3A : memref<!tpu.dma_semaphore, #tpu.memory_space<semaphore_mem>>) src(%arg10 : memref<80x128xf32, #tpu.memory_space<vmem>>) dst(%dma_wait3A_76 : memref<80x128xf32, #tpu.memory_space<hbm>>)
          tpu.yield
        }) : () -> ()
      }
      %scan3A_29 = arith.constant 42 : i32
    } else {
    }
    return
  }
}

#map = affine_map<(d0, d1) -> (0)>
#map1 = affine_map<(d0, d1) -> (0, 0, 0)>
module attributes {stable_mosaic.version = 14 : i64} {
  func.func @k(%arg0: i32, %arg1: i32, %arg2: memref<320000xf32, #tpu.memory_space<hbm>>, %arg3: memref<320000xf32, #tpu.memory_space<hbm>>, %arg4: memref<320000xf32, #tpu.memory_space<hbm>>, %arg5: memref<16x250x80xi32, #tpu.memory_space<hbm>>, %arg6: memref<10000xf32, #tpu.memory_space<hbm>>, %arg7: memref<10000xf32, #tpu.memory_space<hbm>>, %arg8: memref<10000xf32, #tpu.memory_space<hbm>>, %arg9: memref<10000xf32, #tpu.memory_space<hbm>>, %arg10: memref<10000xf32, #tpu.memory_space<hbm>>, %arg11: memref<10000xf32, #tpu.memory_space<hbm>>, %arg12: memref<250x80xi32, #tpu.memory_space<vmem>>, %arg13: memref<20000xf32, #tpu.memory_space<vmem>>, %arg14: memref<20000xf32, #tpu.memory_space<vmem>>, %arg15: memref<20000xf32, #tpu.memory_space<vmem>>, %arg16: memref<640xf32, #tpu.memory_space<vmem>>, %arg17: memref<640xf32, #tpu.memory_space<vmem>>, %arg18: memref<640xf32, #tpu.memory_space<vmem>>, %arg19: memref<10000xf32, #tpu.memory_space<vmem_shared>>, %arg20: memref<10000xf32, #tpu.memory_space<vmem_shared>>, %arg21: memref<10000xf32, #tpu.memory_space<vmem_shared>>) attributes {dimension_semantics = [#tpu.dimension_semantics<core_parallel>, #tpu.dimension_semantics<subcore_parallel>], iteration_bounds = array<i64: 2, 16>, scalar_prefetch = 0 : i64, scratch_operands = 10 : i64, tpu.core_type = #tpu.core_type<sc_vector_subcore>, window_params = [{transform_indices = #map}, {transform_indices = #map}, {transform_indices = #map}, {transform_indices = #map1}, {transform_indices = #map}, {transform_indices = #map}, {transform_indices = #map}, {transform_indices = #map}, {transform_indices = #map}, {transform_indices = #map}]} {
    %mul3A = arith.constant 20000 : i32
    %mul3A_0 = arith.muli %arg1, %mul3A : i32
    "tpu.region"() ({
      %run_scoped3A = tpu.sem_alloc : memref<!tpu.dma_semaphore, #tpu.memory_space<semaphore_mem>>
      %dma_start3A = arith.constant 0 : i32
      %dma_start3A_31 = arith.constant 0 : i32
      %dma_start3A_32 = tpu.memref_slice %arg5[%arg1, %dma_start3A, %dma_start3A_31] : memref<16x250x80xi32, #tpu.memory_space<hbm>> -> memref<1x250x80xi32, #tpu.memory_space<hbm>>
      %dma_start3A_33 = tpu.memref_squeeze %dma_start3A_32 : memref<1x250x80xi32, #tpu.memory_space<hbm>> -> memref<250x80xi32, #tpu.memory_space<hbm>>
      %dma_start3A_34 = arith.constant 0 : i32
      %dma_start3A_35 = arith.constant 0 : i32
      %dma_start3A_36 = tpu.memref_slice %arg5[%arg1, %dma_start3A_34, %dma_start3A_35] : memref<16x250x80xi32, #tpu.memory_space<hbm>> -> memref<1x250x80xi32, #tpu.memory_space<hbm>>
      %dma_start3A_37 = tpu.memref_squeeze %dma_start3A_36 : memref<1x250x80xi32, #tpu.memory_space<hbm>> -> memref<250x80xi32, #tpu.memory_space<hbm>>
      tpu.enqueue_dma source(%dma_start3A_37 : memref<250x80xi32, #tpu.memory_space<hbm>>) target(%arg12 : memref<250x80xi32, #tpu.memory_space<vmem>>) target_semaphore(%run_scoped3A : memref<!tpu.dma_semaphore, #tpu.memory_space<semaphore_mem>>)
      %dma_wait3A = arith.constant 0 : i32
      %dma_wait3A_38 = arith.constant 0 : i32
      %dma_wait3A_39 = tpu.memref_slice %arg5[%arg1, %dma_wait3A, %dma_wait3A_38] : memref<16x250x80xi32, #tpu.memory_space<hbm>> -> memref<1x250x80xi32, #tpu.memory_space<hbm>>
      %dma_wait3A_40 = tpu.memref_squeeze %dma_wait3A_39 : memref<1x250x80xi32, #tpu.memory_space<hbm>> -> memref<250x80xi32, #tpu.memory_space<hbm>>
      %dma_wait3A_41 = arith.constant 0 : i32
      %dma_wait3A_42 = arith.constant 0 : i32
      %dma_wait3A_43 = tpu.memref_slice %arg5[%arg1, %dma_wait3A_41, %dma_wait3A_42] : memref<16x250x80xi32, #tpu.memory_space<hbm>> -> memref<1x250x80xi32, #tpu.memory_space<hbm>>
      %dma_wait3A_44 = tpu.memref_squeeze %dma_wait3A_43 : memref<1x250x80xi32, #tpu.memory_space<hbm>> -> memref<250x80xi32, #tpu.memory_space<hbm>>
      tpu.wait_dma2 semaphore(%run_scoped3A : memref<!tpu.dma_semaphore, #tpu.memory_space<semaphore_mem>>) src(%dma_wait3A_44 : memref<250x80xi32, #tpu.memory_space<hbm>>) dst(%arg12 : memref<250x80xi32, #tpu.memory_space<vmem>>)
      tpu.yield
    }) : () -> ()
    "tpu.region"() ({
      %run_scoped3A = tpu.sem_alloc : memref<!tpu.dma_semaphore, #tpu.memory_space<semaphore_mem>>
      %dma_start3A = tpu.memref_slice %arg2[%mul3A_0] : memref<320000xf32, #tpu.memory_space<hbm>> -> memref<20000xf32, #tpu.memory_space<hbm>>
      %dma_start3A_31 = tpu.memref_slice %arg2[%mul3A_0] : memref<320000xf32, #tpu.memory_space<hbm>> -> memref<20000xf32, #tpu.memory_space<hbm>>
      tpu.enqueue_dma source(%dma_start3A_31 : memref<20000xf32, #tpu.memory_space<hbm>>) target(%arg13 : memref<20000xf32, #tpu.memory_space<vmem>>) target_semaphore(%run_scoped3A : memref<!tpu.dma_semaphore, #tpu.memory_space<semaphore_mem>>)
      %dma_wait3A = tpu.memref_slice %arg2[%mul3A_0] : memref<320000xf32, #tpu.memory_space<hbm>> -> memref<20000xf32, #tpu.memory_space<hbm>>
      %dma_wait3A_32 = tpu.memref_slice %arg2[%mul3A_0] : memref<320000xf32, #tpu.memory_space<hbm>> -> memref<20000xf32, #tpu.memory_space<hbm>>
      tpu.wait_dma2 semaphore(%run_scoped3A : memref<!tpu.dma_semaphore, #tpu.memory_space<semaphore_mem>>) src(%dma_wait3A_32 : memref<20000xf32, #tpu.memory_space<hbm>>) dst(%arg13 : memref<20000xf32, #tpu.memory_space<vmem>>)
      tpu.yield
    }) : () -> ()
    "tpu.region"() ({
      %run_scoped3A = tpu.sem_alloc : memref<!tpu.dma_semaphore, #tpu.memory_space<semaphore_mem>>
      %dma_start3A = tpu.memref_slice %arg3[%mul3A_0] : memref<320000xf32, #tpu.memory_space<hbm>> -> memref<20000xf32, #tpu.memory_space<hbm>>
      %dma_start3A_31 = tpu.memref_slice %arg3[%mul3A_0] : memref<320000xf32, #tpu.memory_space<hbm>> -> memref<20000xf32, #tpu.memory_space<hbm>>
      tpu.enqueue_dma source(%dma_start3A_31 : memref<20000xf32, #tpu.memory_space<hbm>>) target(%arg14 : memref<20000xf32, #tpu.memory_space<vmem>>) target_semaphore(%run_scoped3A : memref<!tpu.dma_semaphore, #tpu.memory_space<semaphore_mem>>)
      %dma_wait3A = tpu.memref_slice %arg3[%mul3A_0] : memref<320000xf32, #tpu.memory_space<hbm>> -> memref<20000xf32, #tpu.memory_space<hbm>>
      %dma_wait3A_32 = tpu.memref_slice %arg3[%mul3A_0] : memref<320000xf32, #tpu.memory_space<hbm>> -> memref<20000xf32, #tpu.memory_space<hbm>>
      tpu.wait_dma2 semaphore(%run_scoped3A : memref<!tpu.dma_semaphore, #tpu.memory_space<semaphore_mem>>) src(%dma_wait3A_32 : memref<20000xf32, #tpu.memory_space<hbm>>) dst(%arg14 : memref<20000xf32, #tpu.memory_space<vmem>>)
      tpu.yield
    }) : () -> ()
    "tpu.region"() ({
      %run_scoped3A = tpu.sem_alloc : memref<!tpu.dma_semaphore, #tpu.memory_space<semaphore_mem>>
      %dma_start3A = tpu.memref_slice %arg4[%mul3A_0] : memref<320000xf32, #tpu.memory_space<hbm>> -> memref<20000xf32, #tpu.memory_space<hbm>>
      %dma_start3A_31 = tpu.memref_slice %arg4[%mul3A_0] : memref<320000xf32, #tpu.memory_space<hbm>> -> memref<20000xf32, #tpu.memory_space<hbm>>
      tpu.enqueue_dma source(%dma_start3A_31 : memref<20000xf32, #tpu.memory_space<hbm>>) target(%arg15 : memref<20000xf32, #tpu.memory_space<vmem>>) target_semaphore(%run_scoped3A : memref<!tpu.dma_semaphore, #tpu.memory_space<semaphore_mem>>)
      %dma_wait3A = tpu.memref_slice %arg4[%mul3A_0] : memref<320000xf32, #tpu.memory_space<hbm>> -> memref<20000xf32, #tpu.memory_space<hbm>>
      %dma_wait3A_32 = tpu.memref_slice %arg4[%mul3A_0] : memref<320000xf32, #tpu.memory_space<hbm>> -> memref<20000xf32, #tpu.memory_space<hbm>>
      tpu.wait_dma2 semaphore(%run_scoped3A : memref<!tpu.dma_semaphore, #tpu.memory_space<semaphore_mem>>) src(%dma_wait3A_32 : memref<20000xf32, #tpu.memory_space<hbm>>) dst(%arg15 : memref<20000xf32, #tpu.memory_space<vmem>>)
      tpu.yield
    }) : () -> ()
    %scan3A = arith.constant 0 : i32
    %scan3A_1 = arith.constant 0 : i32
    %scan3A_2 = arith.constant 40 : i32
    %scan3A_3 = arith.addi %scan3A_1, %scan3A_2 : i32
    %scan3A_4 = arith.constant 1 : i32
    scf.for %scan3A_31 = %scan3A_1 to %scan3A_3 step %scan3A_4  : i32 {
      %broadcast_in_dim3A = arith.constant 0.000000e+00 : f32
      %broadcast_in_dim3A_32 = vector.broadcast %broadcast_in_dim3A : f32 to vector<16xf32>
      %mul3A_33 = arith.constant 16 : i32
      %mul3A_34 = arith.muli %scan3A_31, %mul3A_33 : i32
      %swap3A = arith.index_cast %mul3A_34 : i32 to index
      %swap3A_35 = tpu.vector_load %arg16[%swap3A] {strides = array<i32>} : memref<640xf32, #tpu.memory_space<vmem>>, vector<16xf32>,
      %swap3A_36 = vector.shape_cast %swap3A_35 : vector<16xf32> to vector<16xf32>
      %swap3A_37 = vector.shape_cast %broadcast_in_dim3A_32 : vector<16xf32> to vector<16xf32>
      tpu.vector_store %arg16[%swap3A], %swap3A_37 {strides = array<i32>} : memref<640xf32, #tpu.memory_space<vmem>>, vector<16xf32>,
    }
    %scan3A_5 = arith.constant 40 : i32
    %mul3A_6 = arith.constant 640 : i32
    %mul3A_7 = arith.muli %arg1, %mul3A_6 : i32
    %lt3A = arith.constant 15 : i32
    %lt3A_8 = arith.cmpi slt, %arg1, %lt3A : i32
    %convert_element_type3A = arith.extui %lt3A_8 : i1 to i32
    %cond3A = arith.constant 0 : i32
    %cond3A_9 = arith.cmpi ne, %convert_element_type3A, %cond3A : i32
    scf.if %cond3A_9 {
      "tpu.region"() ({
        %run_scoped3A = tpu.sem_alloc : memref<!tpu.dma_semaphore, #tpu.memory_space<semaphore_mem>>
        %dma_start3A = arith.constant 0 : i32
        %dma_start3A_31 = tpu.memref_slice %arg16[%dma_start3A] : memref<640xf32, #tpu.memory_space<vmem>> -> memref<640xf32, #tpu.memory_space<vmem>>
        %dma_start3A_32 = tpu.memref_slice %arg19[%mul3A_7] : memref<10000xf32, #tpu.memory_space<vmem_shared>> -> memref<640xf32, #tpu.memory_space<vmem_shared>>
        %dma_start3A_33 = tpu.memref_slice %arg19[%mul3A_7] : memref<10000xf32, #tpu.memory_space<vmem_shared>> -> memref<640xf32, #tpu.memory_space<vmem_shared>>
        %dma_start3A_34 = arith.constant 0 : i32
        %dma_start3A_35 = tpu.memref_slice %arg16[%dma_start3A_34] : memref<640xf32, #tpu.memory_space<vmem>> -> memref<640xf32, #tpu.memory_space<vmem>>
        tpu.enqueue_dma source(%dma_start3A_35 : memref<640xf32, #tpu.memory_space<vmem>>) target(%dma_start3A_33 : memref<640xf32, #tpu.memory_space<vmem_shared>>) target_semaphore(%run_scoped3A : memref<!tpu.dma_semaphore, #tpu.memory_space<semaphore_mem>>)
        %dma_wait3A = arith.constant 0 : i32
        %dma_wait3A_36 = tpu.memref_slice %arg16[%dma_wait3A] : memref<640xf32, #tpu.memory_space<vmem>> -> memref<640xf32, #tpu.memory_space<vmem>>
        %dma_wait3A_37 = tpu.memref_slice %arg19[%mul3A_7] : memref<10000xf32, #tpu.memory_space<vmem_shared>> -> memref<640xf32, #tpu.memory_space<vmem_shared>>
        %dma_wait3A_38 = tpu.memref_slice %arg19[%mul3A_7] : memref<10000xf32, #tpu.memory_space<vmem_shared>> -> memref<640xf32, #tpu.memory_space<vmem_shared>>
        %dma_wait3A_39 = arith.constant 0 : i32
        %dma_wait3A_40 = tpu.memref_slice %arg16[%dma_wait3A_39] : memref<640xf32, #tpu.memory_space<vmem>> -> memref<640xf32, #tpu.memory_space<vmem>>
        tpu.wait_dma2 semaphore(%run_scoped3A : memref<!tpu.dma_semaphore, #tpu.memory_space<semaphore_mem>>) src(%dma_wait3A_40 : memref<640xf32, #tpu.memory_space<vmem>>) dst(%dma_wait3A_38 : memref<640xf32, #tpu.memory_space<vmem_shared>>)
        tpu.yield
      }) : () -> ()
      "tpu.region"() ({
        %run_scoped3A = tpu.sem_alloc : memref<!tpu.dma_semaphore, #tpu.memory_space<semaphore_mem>>
        %dma_start3A = arith.constant 0 : i32
        %dma_start3A_31 = tpu.memref_slice %arg16[%dma_start3A] : memref<640xf32, #tpu.memory_space<vmem>> -> memref<640xf32, #tpu.memory_space<vmem>>
        %dma_start3A_32 = tpu.memref_slice %arg20[%mul3A_7] : memref<10000xf32, #tpu.memory_space<vmem_shared>> -> memref<640xf32, #tpu.memory_space<vmem_shared>>
        %dma_start3A_33 = tpu.memref_slice %arg20[%mul3A_7] : memref<10000xf32, #tpu.memory_space<vmem_shared>> -> memref<640xf32, #tpu.memory_space<vmem_shared>>
        %dma_start3A_34 = arith.constant 0 : i32
        %dma_start3A_35 = tpu.memref_slice %arg16[%dma_start3A_34] : memref<640xf32, #tpu.memory_space<vmem>> -> memref<640xf32, #tpu.memory_space<vmem>>
        tpu.enqueue_dma source(%dma_start3A_35 : memref<640xf32, #tpu.memory_space<vmem>>) target(%dma_start3A_33 : memref<640xf32, #tpu.memory_space<vmem_shared>>) target_semaphore(%run_scoped3A : memref<!tpu.dma_semaphore, #tpu.memory_space<semaphore_mem>>)
        %dma_wait3A = arith.constant 0 : i32
        %dma_wait3A_36 = tpu.memref_slice %arg16[%dma_wait3A] : memref<640xf32, #tpu.memory_space<vmem>> -> memref<640xf32, #tpu.memory_space<vmem>>
        %dma_wait3A_37 = tpu.memref_slice %arg20[%mul3A_7] : memref<10000xf32, #tpu.memory_space<vmem_shared>> -> memref<640xf32, #tpu.memory_space<vmem_shared>>
        %dma_wait3A_38 = tpu.memref_slice %arg20[%mul3A_7] : memref<10000xf32, #tpu.memory_space<vmem_shared>> -> memref<640xf32, #tpu.memory_space<vmem_shared>>
        %dma_wait3A_39 = arith.constant 0 : i32
        %dma_wait3A_40 = tpu.memref_slice %arg16[%dma_wait3A_39] : memref<640xf32, #tpu.memory_space<vmem>> -> memref<640xf32, #tpu.memory_space<vmem>>
        tpu.wait_dma2 semaphore(%run_scoped3A : memref<!tpu.dma_semaphore, #tpu.memory_space<semaphore_mem>>) src(%dma_wait3A_40 : memref<640xf32, #tpu.memory_space<vmem>>) dst(%dma_wait3A_38 : memref<640xf32, #tpu.memory_space<vmem_shared>>)
        tpu.yield
      }) : () -> ()
      "tpu.region"() ({
        %run_scoped3A = tpu.sem_alloc : memref<!tpu.dma_semaphore, #tpu.memory_space<semaphore_mem>>
        %dma_start3A = arith.constant 0 : i32
        %dma_start3A_31 = tpu.memref_slice %arg16[%dma_start3A] : memref<640xf32, #tpu.memory_space<vmem>> -> memref<640xf32, #tpu.memory_space<vmem>>
        %dma_start3A_32 = tpu.memref_slice %arg21[%mul3A_7] : memref<10000xf32, #tpu.memory_space<vmem_shared>> -> memref<640xf32, #tpu.memory_space<vmem_shared>>
        %dma_start3A_33 = tpu.memref_slice %arg21[%mul3A_7] : memref<10000xf32, #tpu.memory_space<vmem_shared>> -> memref<640xf32, #tpu.memory_space<vmem_shared>>
        %dma_start3A_34 = arith.constant 0 : i32
        %dma_start3A_35 = tpu.memref_slice %arg16[%dma_start3A_34] : memref<640xf32, #tpu.memory_space<vmem>> -> memref<640xf32, #tpu.memory_space<vmem>>
        tpu.enqueue_dma source(%dma_start3A_35 : memref<640xf32, #tpu.memory_space<vmem>>) target(%dma_start3A_33 : memref<640xf32, #tpu.memory_space<vmem_shared>>) target_semaphore(%run_scoped3A : memref<!tpu.dma_semaphore, #tpu.memory_space<semaphore_mem>>)
        %dma_wait3A = arith.constant 0 : i32
        %dma_wait3A_36 = tpu.memref_slice %arg16[%dma_wait3A] : memref<640xf32, #tpu.memory_space<vmem>> -> memref<640xf32, #tpu.memory_space<vmem>>
        %dma_wait3A_37 = tpu.memref_slice %arg21[%mul3A_7] : memref<10000xf32, #tpu.memory_space<vmem_shared>> -> memref<640xf32, #tpu.memory_space<vmem_shared>>
        %dma_wait3A_38 = tpu.memref_slice %arg21[%mul3A_7] : memref<10000xf32, #tpu.memory_space<vmem_shared>> -> memref<640xf32, #tpu.memory_space<vmem_shared>>
        %dma_wait3A_39 = arith.constant 0 : i32
        %dma_wait3A_40 = tpu.memref_slice %arg16[%dma_wait3A_39] : memref<640xf32, #tpu.memory_space<vmem>> -> memref<640xf32, #tpu.memory_space<vmem>>
        tpu.wait_dma2 semaphore(%run_scoped3A : memref<!tpu.dma_semaphore, #tpu.memory_space<semaphore_mem>>) src(%dma_wait3A_40 : memref<640xf32, #tpu.memory_space<vmem>>) dst(%dma_wait3A_38 : memref<640xf32, #tpu.memory_space<vmem_shared>>)
        tpu.yield
      }) : () -> ()
    } else {
    }
    %eq3A = arith.constant 15 : i32
    %eq3A_10 = arith.cmpi eq, %arg1, %eq3A : i32
    %convert_element_type3A_11 = arith.extui %eq3A_10 : i1 to i32
    %cond3A_12 = arith.constant 0 : i32
    %cond3A_13 = arith.cmpi ne, %convert_element_type3A_11, %cond3A_12 : i32
    scf.if %cond3A_13 {
      "tpu.region"() ({
        %run_scoped3A = tpu.sem_alloc : memref<!tpu.dma_semaphore, #tpu.memory_space<semaphore_mem>>
        %dma_start3A = arith.constant 0 : i32
        %dma_start3A_31 = tpu.memref_slice %arg16[%dma_start3A] : memref<640xf32, #tpu.memory_space<vmem>> -> memref<400xf32, #tpu.memory_space<vmem>>
        %dma_start3A_32 = tpu.memref_slice %arg19[%mul3A_7] : memref<10000xf32, #tpu.memory_space<vmem_shared>> -> memref<400xf32, #tpu.memory_space<vmem_shared>>
        %dma_start3A_33 = tpu.memref_slice %arg19[%mul3A_7] : memref<10000xf32, #tpu.memory_space<vmem_shared>> -> memref<400xf32, #tpu.memory_space<vmem_shared>>
        %dma_start3A_34 = arith.constant 0 : i32
        %dma_start3A_35 = tpu.memref_slice %arg16[%dma_start3A_34] : memref<640xf32, #tpu.memory_space<vmem>> -> memref<400xf32, #tpu.memory_space<vmem>>
        tpu.enqueue_dma source(%dma_start3A_35 : memref<400xf32, #tpu.memory_space<vmem>>) target(%dma_start3A_33 : memref<400xf32, #tpu.memory_space<vmem_shared>>) target_semaphore(%run_scoped3A : memref<!tpu.dma_semaphore, #tpu.memory_space<semaphore_mem>>)
        %dma_wait3A = arith.constant 0 : i32
        %dma_wait3A_36 = tpu.memref_slice %arg16[%dma_wait3A] : memref<640xf32, #tpu.memory_space<vmem>> -> memref<400xf32, #tpu.memory_space<vmem>>
        %dma_wait3A_37 = tpu.memref_slice %arg19[%mul3A_7] : memref<10000xf32, #tpu.memory_space<vmem_shared>> -> memref<400xf32, #tpu.memory_space<vmem_shared>>
        %dma_wait3A_38 = tpu.memref_slice %arg19[%mul3A_7] : memref<10000xf32, #tpu.memory_space<vmem_shared>> -> memref<400xf32, #tpu.memory_space<vmem_shared>>
        %dma_wait3A_39 = arith.constant 0 : i32
        %dma_wait3A_40 = tpu.memref_slice %arg16[%dma_wait3A_39] : memref<640xf32, #tpu.memory_space<vmem>> -> memref<400xf32, #tpu.memory_space<vmem>>
        tpu.wait_dma2 semaphore(%run_scoped3A : memref<!tpu.dma_semaphore, #tpu.memory_space<semaphore_mem>>) src(%dma_wait3A_40 : memref<400xf32, #tpu.memory_space<vmem>>) dst(%dma_wait3A_38 : memref<400xf32, #tpu.memory_space<vmem_shared>>)
        tpu.yield
      }) : () -> ()
      "tpu.region"() ({
        %run_scoped3A = tpu.sem_alloc : memref<!tpu.dma_semaphore, #tpu.memory_space<semaphore_mem>>
        %dma_start3A = arith.constant 0 : i32
        %dma_start3A_31 = tpu.memref_slice %arg16[%dma_start3A] : memref<640xf32, #tpu.memory_space<vmem>> -> memref<400xf32, #tpu.memory_space<vmem>>
        %dma_start3A_32 = tpu.memref_slice %arg20[%mul3A_7] : memref<10000xf32, #tpu.memory_space<vmem_shared>> -> memref<400xf32, #tpu.memory_space<vmem_shared>>
        %dma_start3A_33 = tpu.memref_slice %arg20[%mul3A_7] : memref<10000xf32, #tpu.memory_space<vmem_shared>> -> memref<400xf32, #tpu.memory_space<vmem_shared>>
        %dma_start3A_34 = arith.constant 0 : i32
        %dma_start3A_35 = tpu.memref_slice %arg16[%dma_start3A_34] : memref<640xf32, #tpu.memory_space<vmem>> -> memref<400xf32, #tpu.memory_space<vmem>>
        tpu.enqueue_dma source(%dma_start3A_35 : memref<400xf32, #tpu.memory_space<vmem>>) target(%dma_start3A_33 : memref<400xf32, #tpu.memory_space<vmem_shared>>) target_semaphore(%run_scoped3A : memref<!tpu.dma_semaphore, #tpu.memory_space<semaphore_mem>>)
        %dma_wait3A = arith.constant 0 : i32
        %dma_wait3A_36 = tpu.memref_slice %arg16[%dma_wait3A] : memref<640xf32, #tpu.memory_space<vmem>> -> memref<400xf32, #tpu.memory_space<vmem>>
        %dma_wait3A_37 = tpu.memref_slice %arg20[%mul3A_7] : memref<10000xf32, #tpu.memory_space<vmem_shared>> -> memref<400xf32, #tpu.memory_space<vmem_shared>>
        %dma_wait3A_38 = tpu.memref_slice %arg20[%mul3A_7] : memref<10000xf32, #tpu.memory_space<vmem_shared>> -> memref<400xf32, #tpu.memory_space<vmem_shared>>
        %dma_wait3A_39 = arith.constant 0 : i32
        %dma_wait3A_40 = tpu.memref_slice %arg16[%dma_wait3A_39] : memref<640xf32, #tpu.memory_space<vmem>> -> memref<400xf32, #tpu.memory_space<vmem>>
        tpu.wait_dma2 semaphore(%run_scoped3A : memref<!tpu.dma_semaphore, #tpu.memory_space<semaphore_mem>>) src(%dma_wait3A_40 : memref<400xf32, #tpu.memory_space<vmem>>) dst(%dma_wait3A_38 : memref<400xf32, #tpu.memory_space<vmem_shared>>)
        tpu.yield
      }) : () -> ()
      "tpu.region"() ({
        %run_scoped3A = tpu.sem_alloc : memref<!tpu.dma_semaphore, #tpu.memory_space<semaphore_mem>>
        %dma_start3A = arith.constant 0 : i32
        %dma_start3A_31 = tpu.memref_slice %arg16[%dma_start3A] : memref<640xf32, #tpu.memory_space<vmem>> -> memref<400xf32, #tpu.memory_space<vmem>>
        %dma_start3A_32 = tpu.memref_slice %arg21[%mul3A_7] : memref<10000xf32, #tpu.memory_space<vmem_shared>> -> memref<400xf32, #tpu.memory_space<vmem_shared>>
        %dma_start3A_33 = tpu.memref_slice %arg21[%mul3A_7] : memref<10000xf32, #tpu.memory_space<vmem_shared>> -> memref<400xf32, #tpu.memory_space<vmem_shared>>
        %dma_start3A_34 = arith.constant 0 : i32
        %dma_start3A_35 = tpu.memref_slice %arg16[%dma_start3A_34] : memref<640xf32, #tpu.memory_space<vmem>> -> memref<400xf32, #tpu.memory_space<vmem>>
        tpu.enqueue_dma source(%dma_start3A_35 : memref<400xf32, #tpu.memory_space<vmem>>) target(%dma_start3A_33 : memref<400xf32, #tpu.memory_space<vmem_shared>>) target_semaphore(%run_scoped3A : memref<!tpu.dma_semaphore, #tpu.memory_space<semaphore_mem>>)
        %dma_wait3A = arith.constant 0 : i32
        %dma_wait3A_36 = tpu.memref_slice %arg16[%dma_wait3A] : memref<640xf32, #tpu.memory_space<vmem>> -> memref<400xf32, #tpu.memory_space<vmem>>
        %dma_wait3A_37 = tpu.memref_slice %arg21[%mul3A_7] : memref<10000xf32, #tpu.memory_space<vmem_shared>> -> memref<400xf32, #tpu.memory_space<vmem_shared>>
        %dma_wait3A_38 = tpu.memref_slice %arg21[%mul3A_7] : memref<10000xf32, #tpu.memory_space<vmem_shared>> -> memref<400xf32, #tpu.memory_space<vmem_shared>>
        %dma_wait3A_39 = arith.constant 0 : i32
        %dma_wait3A_40 = tpu.memref_slice %arg16[%dma_wait3A_39] : memref<640xf32, #tpu.memory_space<vmem>> -> memref<400xf32, #tpu.memory_space<vmem>>
        tpu.wait_dma2 semaphore(%run_scoped3A : memref<!tpu.dma_semaphore, #tpu.memory_space<semaphore_mem>>) src(%dma_wait3A_40 : memref<400xf32, #tpu.memory_space<vmem>>) dst(%dma_wait3A_38 : memref<400xf32, #tpu.memory_space<vmem_shared>>)
        tpu.yield
      }) : () -> ()
    } else {
    }
    %barrier3A = arith.constant 0 : index
    tpu.barrier barrier_id(%barrier3A)
    %scan3A_14 = arith.constant 0 : i32
    %scan3A_15 = arith.constant 0 : i32
    %scan3A_16 = arith.constant 250 : i32
    %scan3A_17 = arith.addi %scan3A_15, %scan3A_16 : i32
    %scan3A_18 = arith.constant 1 : i32
    scf.for %scan3A_31 = %scan3A_15 to %scan3A_17 step %scan3A_18  : i32 {
      %mul3A_32 = arith.constant 80 : i32
      %mul3A_33 = arith.muli %scan3A_31, %mul3A_32 : i32
      "tpu.region"() ({
        %run_scoped3A = tpu.sem_alloc : memref<!tpu.dma_semaphore, #tpu.memory_space<semaphore_mem>>
        %dma_start3A = tpu.memref_slice %arg13[%mul3A_33] : memref<20000xf32, #tpu.memory_space<vmem>> -> memref<80xf32, #tpu.memory_space<vmem>>
        %dma_start3A_34 = arith.constant 0 : i32
        %dma_start3A_35 = tpu.memref_slice %arg12[%scan3A_31, %dma_start3A_34] : memref<250x80xi32, #tpu.memory_space<vmem>> -> memref<1x80xi32, #tpu.memory_space<vmem>>
        %dma_start3A_36 = tpu.memref_squeeze %dma_start3A_35 : memref<1x80xi32, #tpu.memory_space<vmem>> -> memref<80xi32, #tpu.memory_space<vmem>>
        %dma_start3A_37 = arith.constant 0 : i32
        %dma_start3A_38 = tpu.memref_slice %arg19[%dma_start3A_37] : memref<10000xf32, #tpu.memory_space<vmem_shared>> -> memref<10000xf32, #tpu.memory_space<vmem_shared>>
        tpu.enqueue_indirect_dma source(%dma_start3A : memref<80xf32, #tpu.memory_space<vmem>>) target(%dma_start3A_38 : memref<10000xf32, #tpu.memory_space<vmem_shared>>) offsets(%dma_start3A_36 : memref<80xi32, #tpu.memory_space<vmem>>) semaphore(%run_scoped3A : memref<!tpu.dma_semaphore, #tpu.memory_space<semaphore_mem>>) {add = true}
        %dma_wait3A = tpu.memref_slice %arg13[%mul3A_33] : memref<20000xf32, #tpu.memory_space<vmem>> -> memref<80xf32, #tpu.memory_space<vmem>>
        %dma_wait3A_39 = arith.constant 0 : i32
        %dma_wait3A_40 = tpu.memref_slice %arg12[%scan3A_31, %dma_wait3A_39] : memref<250x80xi32, #tpu.memory_space<vmem>> -> memref<1x80xi32, #tpu.memory_space<vmem>>
        %dma_wait3A_41 = tpu.memref_squeeze %dma_wait3A_40 : memref<1x80xi32, #tpu.memory_space<vmem>> -> memref<80xi32, #tpu.memory_space<vmem>>
        %dma_wait3A_42 = arith.constant 0 : i32
        %dma_wait3A_43 = tpu.memref_slice %arg19[%dma_wait3A_42] : memref<10000xf32, #tpu.memory_space<vmem_shared>> -> memref<10000xf32, #tpu.memory_space<vmem_shared>>
        tpu.wait_indirect_dma semaphore(%run_scoped3A : memref<!tpu.dma_semaphore, #tpu.memory_space<semaphore_mem>>) src(%dma_wait3A : memref<80xf32, #tpu.memory_space<vmem>>) dst(%dma_wait3A_43 : memref<10000xf32, #tpu.memory_space<vmem_shared>>)
        tpu.yield
      }) : () -> ()
      "tpu.region"() ({
        %run_scoped3A = tpu.sem_alloc : memref<!tpu.dma_semaphore, #tpu.memory_space<semaphore_mem>>
        %dma_start3A = tpu.memref_slice %arg14[%mul3A_33] : memref<20000xf32, #tpu.memory_space<vmem>> -> memref<80xf32, #tpu.memory_space<vmem>>
        %dma_start3A_34 = arith.constant 0 : i32
        %dma_start3A_35 = tpu.memref_slice %arg12[%scan3A_31, %dma_start3A_34] : memref<250x80xi32, #tpu.memory_space<vmem>> -> memref<1x80xi32, #tpu.memory_space<vmem>>
        %dma_start3A_36 = tpu.memref_squeeze %dma_start3A_35 : memref<1x80xi32, #tpu.memory_space<vmem>> -> memref<80xi32, #tpu.memory_space<vmem>>
        %dma_start3A_37 = arith.constant 0 : i32
        %dma_start3A_38 = tpu.memref_slice %arg20[%dma_start3A_37] : memref<10000xf32, #tpu.memory_space<vmem_shared>> -> memref<10000xf32, #tpu.memory_space<vmem_shared>>
        tpu.enqueue_indirect_dma source(%dma_start3A : memref<80xf32, #tpu.memory_space<vmem>>) target(%dma_start3A_38 : memref<10000xf32, #tpu.memory_space<vmem_shared>>) offsets(%dma_start3A_36 : memref<80xi32, #tpu.memory_space<vmem>>) semaphore(%run_scoped3A : memref<!tpu.dma_semaphore, #tpu.memory_space<semaphore_mem>>) {add = true}
        %dma_wait3A = tpu.memref_slice %arg14[%mul3A_33] : memref<20000xf32, #tpu.memory_space<vmem>> -> memref<80xf32, #tpu.memory_space<vmem>>
        %dma_wait3A_39 = arith.constant 0 : i32
        %dma_wait3A_40 = tpu.memref_slice %arg12[%scan3A_31, %dma_wait3A_39] : memref<250x80xi32, #tpu.memory_space<vmem>> -> memref<1x80xi32, #tpu.memory_space<vmem>>
        %dma_wait3A_41 = tpu.memref_squeeze %dma_wait3A_40 : memref<1x80xi32, #tpu.memory_space<vmem>> -> memref<80xi32, #tpu.memory_space<vmem>>
        %dma_wait3A_42 = arith.constant 0 : i32
        %dma_wait3A_43 = tpu.memref_slice %arg20[%dma_wait3A_42] : memref<10000xf32, #tpu.memory_space<vmem_shared>> -> memref<10000xf32, #tpu.memory_space<vmem_shared>>
        tpu.wait_indirect_dma semaphore(%run_scoped3A : memref<!tpu.dma_semaphore, #tpu.memory_space<semaphore_mem>>) src(%dma_wait3A : memref<80xf32, #tpu.memory_space<vmem>>) dst(%dma_wait3A_43 : memref<10000xf32, #tpu.memory_space<vmem_shared>>)
        tpu.yield
      }) : () -> ()
      "tpu.region"() ({
        %run_scoped3A = tpu.sem_alloc : memref<!tpu.dma_semaphore, #tpu.memory_space<semaphore_mem>>
        %dma_start3A = tpu.memref_slice %arg15[%mul3A_33] : memref<20000xf32, #tpu.memory_space<vmem>> -> memref<80xf32, #tpu.memory_space<vmem>>
        %dma_start3A_34 = arith.constant 0 : i32
        %dma_start3A_35 = tpu.memref_slice %arg12[%scan3A_31, %dma_start3A_34] : memref<250x80xi32, #tpu.memory_space<vmem>> -> memref<1x80xi32, #tpu.memory_space<vmem>>
        %dma_start3A_36 = tpu.memref_squeeze %dma_start3A_35 : memref<1x80xi32, #tpu.memory_space<vmem>> -> memref<80xi32, #tpu.memory_space<vmem>>
        %dma_start3A_37 = arith.constant 0 : i32
        %dma_start3A_38 = tpu.memref_slice %arg21[%dma_start3A_37] : memref<10000xf32, #tpu.memory_space<vmem_shared>> -> memref<10000xf32, #tpu.memory_space<vmem_shared>>
        tpu.enqueue_indirect_dma source(%dma_start3A : memref<80xf32, #tpu.memory_space<vmem>>) target(%dma_start3A_38 : memref<10000xf32, #tpu.memory_space<vmem_shared>>) offsets(%dma_start3A_36 : memref<80xi32, #tpu.memory_space<vmem>>) semaphore(%run_scoped3A : memref<!tpu.dma_semaphore, #tpu.memory_space<semaphore_mem>>) {add = true}
        %dma_wait3A = tpu.memref_slice %arg15[%mul3A_33] : memref<20000xf32, #tpu.memory_space<vmem>> -> memref<80xf32, #tpu.memory_space<vmem>>
        %dma_wait3A_39 = arith.constant 0 : i32
        %dma_wait3A_40 = tpu.memref_slice %arg12[%scan3A_31, %dma_wait3A_39] : memref<250x80xi32, #tpu.memory_space<vmem>> -> memref<1x80xi32, #tpu.memory_space<vmem>>
        %dma_wait3A_41 = tpu.memref_squeeze %dma_wait3A_40 : memref<1x80xi32, #tpu.memory_space<vmem>> -> memref<80xi32, #tpu.memory_space<vmem>>
        %dma_wait3A_42 = arith.constant 0 : i32
        %dma_wait3A_43 = tpu.memref_slice %arg21[%dma_wait3A_42] : memref<10000xf32, #tpu.memory_space<vmem_shared>> -> memref<10000xf32, #tpu.memory_space<vmem_shared>>
        tpu.wait_indirect_dma semaphore(%run_scoped3A : memref<!tpu.dma_semaphore, #tpu.memory_space<semaphore_mem>>) src(%dma_wait3A : memref<80xf32, #tpu.memory_space<vmem>>) dst(%dma_wait3A_43 : memref<10000xf32, #tpu.memory_space<vmem_shared>>)
        tpu.yield
      }) : () -> ()
    }
    %scan3A_19 = arith.constant 250 : i32
    %barrier3A_20 = arith.constant 0 : index
    tpu.barrier barrier_id(%barrier3A_20)
    %lt3A_21 = arith.constant 15 : i32
    %lt3A_22 = arith.cmpi slt, %arg1, %lt3A_21 : i32
    %convert_element_type3A_23 = arith.extui %lt3A_22 : i1 to i32
    %cond3A_24 = arith.constant 0 : i32
    %cond3A_25 = arith.cmpi ne, %convert_element_type3A_23, %cond3A_24 : i32
    scf.if %cond3A_25 {
      "tpu.region"() ({
        %run_scoped3A = tpu.sem_alloc : memref<!tpu.dma_semaphore, #tpu.memory_space<semaphore_mem>>
        %dma_start3A = arith.constant 0 : i32
        %dma_start3A_49 = tpu.memref_slice %arg16[%dma_start3A] : memref<640xf32, #tpu.memory_space<vmem>> -> memref<640xf32, #tpu.memory_space<vmem>>
        %dma_start3A_50 = tpu.memref_slice %arg19[%mul3A_7] : memref<10000xf32, #tpu.memory_space<vmem_shared>> -> memref<640xf32, #tpu.memory_space<vmem_shared>>
        %dma_start3A_51 = arith.constant 0 : i32
        %dma_start3A_52 = tpu.memref_slice %arg16[%dma_start3A_51] : memref<640xf32, #tpu.memory_space<vmem>> -> memref<640xf32, #tpu.memory_space<vmem>>
        %dma_start3A_53 = tpu.memref_slice %arg19[%mul3A_7] : memref<10000xf32, #tpu.memory_space<vmem_shared>> -> memref<640xf32, #tpu.memory_space<vmem_shared>>
        tpu.enqueue_dma source(%dma_start3A_53 : memref<640xf32, #tpu.memory_space<vmem_shared>>) target(%dma_start3A_52 : memref<640xf32, #tpu.memory_space<vmem>>) target_semaphore(%run_scoped3A : memref<!tpu.dma_semaphore, #tpu.memory_space<semaphore_mem>>)
        %dma_wait3A = arith.constant 0 : i32
        %dma_wait3A_54 = tpu.memref_slice %arg16[%dma_wait3A] : memref<640xf32, #tpu.memory_space<vmem>> -> memref<640xf32, #tpu.memory_space<vmem>>
        %dma_wait3A_55 = tpu.memref_slice %arg19[%mul3A_7] : memref<10000xf32, #tpu.memory_space<vmem_shared>> -> memref<640xf32, #tpu.memory_space<vmem_shared>>
        %dma_wait3A_56 = arith.constant 0 : i32
        %dma_wait3A_57 = tpu.memref_slice %arg16[%dma_wait3A_56] : memref<640xf32, #tpu.memory_space<vmem>> -> memref<640xf32, #tpu.memory_space<vmem>>
        %dma_wait3A_58 = tpu.memref_slice %arg19[%mul3A_7] : memref<10000xf32, #tpu.memory_space<vmem_shared>> -> memref<640xf32, #tpu.memory_space<vmem_shared>>
        tpu.wait_dma2 semaphore(%run_scoped3A : memref<!tpu.dma_semaphore, #tpu.memory_space<semaphore_mem>>) src(%dma_wait3A_58 : memref<640xf32, #tpu.memory_space<vmem_shared>>) dst(%dma_wait3A_57 : memref<640xf32, #tpu.memory_space<vmem>>)
        tpu.yield
      }) : () -> ()
      "tpu.region"() ({
        %run_scoped3A = tpu.sem_alloc : memref<!tpu.dma_semaphore, #tpu.memory_space<semaphore_mem>>
        %dma_start3A = arith.constant 0 : i32
        %dma_start3A_49 = tpu.memref_slice %arg17[%dma_start3A] : memref<640xf32, #tpu.memory_space<vmem>> -> memref<640xf32, #tpu.memory_space<vmem>>
        %dma_start3A_50 = tpu.memref_slice %arg6[%mul3A_7] : memref<10000xf32, #tpu.memory_space<hbm>> -> memref<640xf32, #tpu.memory_space<hbm>>
        %dma_start3A_51 = arith.constant 0 : i32
        %dma_start3A_52 = tpu.memref_slice %arg17[%dma_start3A_51] : memref<640xf32, #tpu.memory_space<vmem>> -> memref<640xf32, #tpu.memory_space<vmem>>
        %dma_start3A_53 = tpu.memref_slice %arg6[%mul3A_7] : memref<10000xf32, #tpu.memory_space<hbm>> -> memref<640xf32, #tpu.memory_space<hbm>>
        tpu.enqueue_dma source(%dma_start3A_53 : memref<640xf32, #tpu.memory_space<hbm>>) target(%dma_start3A_52 : memref<640xf32, #tpu.memory_space<vmem>>) target_semaphore(%run_scoped3A : memref<!tpu.dma_semaphore, #tpu.memory_space<semaphore_mem>>)
        %dma_wait3A = arith.constant 0 : i32
        %dma_wait3A_54 = tpu.memref_slice %arg17[%dma_wait3A] : memref<640xf32, #tpu.memory_space<vmem>> -> memref<640xf32, #tpu.memory_space<vmem>>
        %dma_wait3A_55 = tpu.memref_slice %arg6[%mul3A_7] : memref<10000xf32, #tpu.memory_space<hbm>> -> memref<640xf32, #tpu.memory_space<hbm>>
        %dma_wait3A_56 = arith.constant 0 : i32
        %dma_wait3A_57 = tpu.memref_slice %arg17[%dma_wait3A_56] : memref<640xf32, #tpu.memory_space<vmem>> -> memref<640xf32, #tpu.memory_space<vmem>>
        %dma_wait3A_58 = tpu.memref_slice %arg6[%mul3A_7] : memref<10000xf32, #tpu.memory_space<hbm>> -> memref<640xf32, #tpu.memory_space<hbm>>
        tpu.wait_dma2 semaphore(%run_scoped3A : memref<!tpu.dma_semaphore, #tpu.memory_space<semaphore_mem>>) src(%dma_wait3A_58 : memref<640xf32, #tpu.memory_space<hbm>>) dst(%dma_wait3A_57 : memref<640xf32, #tpu.memory_space<vmem>>)
        tpu.yield
      }) : () -> ()
      %scan3A_31 = arith.constant 0 : i32
      %scan3A_32 = arith.constant 0 : i32
      %scan3A_33 = arith.constant 40 : i32
      %scan3A_34 = arith.addi %scan3A_32, %scan3A_33 : i32
      %scan3A_35 = arith.constant 1 : i32
      scf.for %scan3A_49 = %scan3A_32 to %scan3A_34 step %scan3A_35  : i32 {
        %mul3A_50 = arith.constant 16 : i32
        %mul3A_51 = arith.muli %scan3A_49, %mul3A_50 : i32
        %get3A = arith.index_cast %mul3A_51 : i32 to index
        %get3A_52 = tpu.vector_load %arg17[%get3A] {strides = array<i32>} : memref<640xf32, #tpu.memory_space<vmem>>, vector<16xf32>,
        %get3A_53 = vector.shape_cast %get3A_52 : vector<16xf32> to vector<16xf32>
        %get3A_54 = arith.index_cast %mul3A_51 : i32 to index
        %get3A_55 = tpu.vector_load %arg16[%get3A_54] {strides = array<i32>} : memref<640xf32, #tpu.memory_space<vmem>>, vector<16xf32>,
        %get3A_56 = vector.shape_cast %get3A_55 : vector<16xf32> to vector<16xf32>
        %mul3A_57 = arith.constant 0.00999999977 : f32
        %mul3A_58 = vector.broadcast %mul3A_57 : f32 to vector<16xf32>
        %mul3A_59 = arith.mulf %get3A_56, %mul3A_58 : vector<16xf32>
        %add3A = arith.addf %get3A_53, %mul3A_59 : vector<16xf32>
        %swap3A = arith.index_cast %mul3A_51 : i32 to index
        %swap3A_60 = tpu.vector_load %arg18[%swap3A] {strides = array<i32>} : memref<640xf32, #tpu.memory_space<vmem>>, vector<16xf32>,
        %swap3A_61 = vector.shape_cast %swap3A_60 : vector<16xf32> to vector<16xf32>
        %swap3A_62 = vector.shape_cast %add3A : vector<16xf32> to vector<16xf32>
        tpu.vector_store %arg18[%swap3A], %swap3A_62 {strides = array<i32>} : memref<640xf32, #tpu.memory_space<vmem>>, vector<16xf32>,
      }
      %scan3A_36 = arith.constant 40 : i32
      "tpu.region"() ({
        %run_scoped3A = tpu.sem_alloc : memref<!tpu.dma_semaphore, #tpu.memory_space<semaphore_mem>>
        %dma_start3A = arith.constant 0 : i32
        %dma_start3A_49 = tpu.memref_slice %arg18[%dma_start3A] : memref<640xf32, #tpu.memory_space<vmem>> -> memref<640xf32, #tpu.memory_space<vmem>>
        %dma_start3A_50 = tpu.memref_slice %arg9[%mul3A_7] : memref<10000xf32, #tpu.memory_space<hbm>> -> memref<640xf32, #tpu.memory_space<hbm>>
        %dma_start3A_51 = tpu.memref_slice %arg9[%mul3A_7] : memref<10000xf32, #tpu.memory_space<hbm>> -> memref<640xf32, #tpu.memory_space<hbm>>
        %dma_start3A_52 = arith.constant 0 : i32
        %dma_start3A_53 = tpu.memref_slice %arg18[%dma_start3A_52] : memref<640xf32, #tpu.memory_space<vmem>> -> memref<640xf32, #tpu.memory_space<vmem>>
        tpu.enqueue_dma source(%dma_start3A_53 : memref<640xf32, #tpu.memory_space<vmem>>) target(%dma_start3A_51 : memref<640xf32, #tpu.memory_space<hbm>>) target_semaphore(%run_scoped3A : memref<!tpu.dma_semaphore, #tpu.memory_space<semaphore_mem>>)
        %dma_wait3A = arith.constant 0 : i32
        %dma_wait3A_54 = tpu.memref_slice %arg18[%dma_wait3A] : memref<640xf32, #tpu.memory_space<vmem>> -> memref<640xf32, #tpu.memory_space<vmem>>
        %dma_wait3A_55 = tpu.memref_slice %arg9[%mul3A_7] : memref<10000xf32, #tpu.memory_space<hbm>> -> memref<640xf32, #tpu.memory_space<hbm>>
        %dma_wait3A_56 = tpu.memref_slice %arg9[%mul3A_7] : memref<10000xf32, #tpu.memory_space<hbm>> -> memref<640xf32, #tpu.memory_space<hbm>>
        %dma_wait3A_57 = arith.constant 0 : i32
        %dma_wait3A_58 = tpu.memref_slice %arg18[%dma_wait3A_57] : memref<640xf32, #tpu.memory_space<vmem>> -> memref<640xf32, #tpu.memory_space<vmem>>
        tpu.wait_dma2 semaphore(%run_scoped3A : memref<!tpu.dma_semaphore, #tpu.memory_space<semaphore_mem>>) src(%dma_wait3A_58 : memref<640xf32, #tpu.memory_space<vmem>>) dst(%dma_wait3A_56 : memref<640xf32, #tpu.memory_space<hbm>>)
        tpu.yield
      }) : () -> ()
      "tpu.region"() ({
        %run_scoped3A = tpu.sem_alloc : memref<!tpu.dma_semaphore, #tpu.memory_space<semaphore_mem>>
        %dma_start3A = arith.constant 0 : i32
        %dma_start3A_49 = tpu.memref_slice %arg16[%dma_start3A] : memref<640xf32, #tpu.memory_space<vmem>> -> memref<640xf32, #tpu.memory_space<vmem>>
        %dma_start3A_50 = tpu.memref_slice %arg20[%mul3A_7] : memref<10000xf32, #tpu.memory_space<vmem_shared>> -> memref<640xf32, #tpu.memory_space<vmem_shared>>
        %dma_start3A_51 = arith.constant 0 : i32
        %dma_start3A_52 = tpu.memref_slice %arg16[%dma_start3A_51] : memref<640xf32, #tpu.memory_space<vmem>> -> memref<640xf32, #tpu.memory_space<vmem>>
        %dma_start3A_53 = tpu.memref_slice %arg20[%mul3A_7] : memref<10000xf32, #tpu.memory_space<vmem_shared>> -> memref<640xf32, #tpu.memory_space<vmem_shared>>
        tpu.enqueue_dma source(%dma_start3A_53 : memref<640xf32, #tpu.memory_space<vmem_shared>>) target(%dma_start3A_52 : memref<640xf32, #tpu.memory_space<vmem>>) target_semaphore(%run_scoped3A : memref<!tpu.dma_semaphore, #tpu.memory_space<semaphore_mem>>)
        %dma_wait3A = arith.constant 0 : i32
        %dma_wait3A_54 = tpu.memref_slice %arg16[%dma_wait3A] : memref<640xf32, #tpu.memory_space<vmem>> -> memref<640xf32, #tpu.memory_space<vmem>>
        %dma_wait3A_55 = tpu.memref_slice %arg20[%mul3A_7] : memref<10000xf32, #tpu.memory_space<vmem_shared>> -> memref<640xf32, #tpu.memory_space<vmem_shared>>
        %dma_wait3A_56 = arith.constant 0 : i32
        %dma_wait3A_57 = tpu.memref_slice %arg16[%dma_wait3A_56] : memref<640xf32, #tpu.memory_space<vmem>> -> memref<640xf32, #tpu.memory_space<vmem>>
        %dma_wait3A_58 = tpu.memref_slice %arg20[%mul3A_7] : memref<10000xf32, #tpu.memory_space<vmem_shared>> -> memref<640xf32, #tpu.memory_space<vmem_shared>>
        tpu.wait_dma2 semaphore(%run_scoped3A : memref<!tpu.dma_semaphore, #tpu.memory_space<semaphore_mem>>) src(%dma_wait3A_58 : memref<640xf32, #tpu.memory_space<vmem_shared>>) dst(%dma_wait3A_57 : memref<640xf32, #tpu.memory_space<vmem>>)
        tpu.yield
      }) : () -> ()
      "tpu.region"() ({
        %run_scoped3A = tpu.sem_alloc : memref<!tpu.dma_semaphore, #tpu.memory_space<semaphore_mem>>
        %dma_start3A = arith.constant 0 : i32
        %dma_start3A_49 = tpu.memref_slice %arg17[%dma_start3A] : memref<640xf32, #tpu.memory_space<vmem>> -> memref<640xf32, #tpu.memory_space<vmem>>
        %dma_start3A_50 = tpu.memref_slice %arg7[%mul3A_7] : memref<10000xf32, #tpu.memory_space<hbm>> -> memref<640xf32, #tpu.memory_space<hbm>>
        %dma_start3A_51 = arith.constant 0 : i32
        %dma_start3A_52 = tpu.memref_slice %arg17[%dma_start3A_51] : memref<640xf32, #tpu.memory_space<vmem>> -> memref<640xf32, #tpu.memory_space<vmem>>
        %dma_start3A_53 = tpu.memref_slice %arg7[%mul3A_7] : memref<10000xf32, #tpu.memory_space<hbm>> -> memref<640xf32, #tpu.memory_space<hbm>>
        tpu.enqueue_dma source(%dma_start3A_53 : memref<640xf32, #tpu.memory_space<hbm>>) target(%dma_start3A_52 : memref<640xf32, #tpu.memory_space<vmem>>) target_semaphore(%run_scoped3A : memref<!tpu.dma_semaphore, #tpu.memory_space<semaphore_mem>>)
        %dma_wait3A = arith.constant 0 : i32
        %dma_wait3A_54 = tpu.memref_slice %arg17[%dma_wait3A] : memref<640xf32, #tpu.memory_space<vmem>> -> memref<640xf32, #tpu.memory_space<vmem>>
        %dma_wait3A_55 = tpu.memref_slice %arg7[%mul3A_7] : memref<10000xf32, #tpu.memory_space<hbm>> -> memref<640xf32, #tpu.memory_space<hbm>>
        %dma_wait3A_56 = arith.constant 0 : i32
        %dma_wait3A_57 = tpu.memref_slice %arg17[%dma_wait3A_56] : memref<640xf32, #tpu.memory_space<vmem>> -> memref<640xf32, #tpu.memory_space<vmem>>
        %dma_wait3A_58 = tpu.memref_slice %arg7[%mul3A_7] : memref<10000xf32, #tpu.memory_space<hbm>> -> memref<640xf32, #tpu.memory_space<hbm>>
        tpu.wait_dma2 semaphore(%run_scoped3A : memref<!tpu.dma_semaphore, #tpu.memory_space<semaphore_mem>>) src(%dma_wait3A_58 : memref<640xf32, #tpu.memory_space<hbm>>) dst(%dma_wait3A_57 : memref<640xf32, #tpu.memory_space<vmem>>)
        tpu.yield
      }) : () -> ()
      %scan3A_37 = arith.constant 0 : i32
      %scan3A_38 = arith.constant 0 : i32
      %scan3A_39 = arith.constant 40 : i32
      %scan3A_40 = arith.addi %scan3A_38, %scan3A_39 : i32
      %scan3A_41 = arith.constant 1 : i32
      scf.for %scan3A_49 = %scan3A_38 to %scan3A_40 step %scan3A_41  : i32 {
        %mul3A_50 = arith.constant 16 : i32
        %mul3A_51 = arith.muli %scan3A_49, %mul3A_50 : i32
        %get3A = arith.index_cast %mul3A_51 : i32 to index
        %get3A_52 = tpu.vector_load %arg17[%get3A] {strides = array<i32>} : memref<640xf32, #tpu.memory_space<vmem>>, vector<16xf32>,
        %get3A_53 = vector.shape_cast %get3A_52 : vector<16xf32> to vector<16xf32>
        %get3A_54 = arith.index_cast %mul3A_51 : i32 to index
        %get3A_55 = tpu.vector_load %arg16[%get3A_54] {strides = array<i32>} : memref<640xf32, #tpu.memory_space<vmem>>, vector<16xf32>,
        %get3A_56 = vector.shape_cast %get3A_55 : vector<16xf32> to vector<16xf32>
        %mul3A_57 = arith.constant 0.00999999977 : f32
        %mul3A_58 = vector.broadcast %mul3A_57 : f32 to vector<16xf32>
        %mul3A_59 = arith.mulf %get3A_56, %mul3A_58 : vector<16xf32>
        %add3A = arith.addf %get3A_53, %mul3A_59 : vector<16xf32>
        %swap3A = arith.index_cast %mul3A_51 : i32 to index
        %swap3A_60 = tpu.vector_load %arg18[%swap3A] {strides = array<i32>} : memref<640xf32, #tpu.memory_space<vmem>>, vector<16xf32>,
        %swap3A_61 = vector.shape_cast %swap3A_60 : vector<16xf32> to vector<16xf32>
        %swap3A_62 = vector.shape_cast %add3A : vector<16xf32> to vector<16xf32>
        tpu.vector_store %arg18[%swap3A], %swap3A_62 {strides = array<i32>} : memref<640xf32, #tpu.memory_space<vmem>>, vector<16xf32>,
      }
      %scan3A_42 = arith.constant 40 : i32
      "tpu.region"() ({
        %run_scoped3A = tpu.sem_alloc : memref<!tpu.dma_semaphore, #tpu.memory_space<semaphore_mem>>
        %dma_start3A = arith.constant 0 : i32
        %dma_start3A_49 = tpu.memref_slice %arg18[%dma_start3A] : memref<640xf32, #tpu.memory_space<vmem>> -> memref<640xf32, #tpu.memory_space<vmem>>
        %dma_start3A_50 = tpu.memref_slice %arg10[%mul3A_7] : memref<10000xf32, #tpu.memory_space<hbm>> -> memref<640xf32, #tpu.memory_space<hbm>>
        %dma_start3A_51 = tpu.memref_slice %arg10[%mul3A_7] : memref<10000xf32, #tpu.memory_space<hbm>> -> memref<640xf32, #tpu.memory_space<hbm>>
        %dma_start3A_52 = arith.constant 0 : i32
        %dma_start3A_53 = tpu.memref_slice %arg18[%dma_start3A_52] : memref<640xf32, #tpu.memory_space<vmem>> -> memref<640xf32, #tpu.memory_space<vmem>>
        tpu.enqueue_dma source(%dma_start3A_53 : memref<640xf32, #tpu.memory_space<vmem>>) target(%dma_start3A_51 : memref<640xf32, #tpu.memory_space<hbm>>) target_semaphore(%run_scoped3A : memref<!tpu.dma_semaphore, #tpu.memory_space<semaphore_mem>>)
        %dma_wait3A = arith.constant 0 : i32
        %dma_wait3A_54 = tpu.memref_slice %arg18[%dma_wait3A] : memref<640xf32, #tpu.memory_space<vmem>> -> memref<640xf32, #tpu.memory_space<vmem>>
        %dma_wait3A_55 = tpu.memref_slice %arg10[%mul3A_7] : memref<10000xf32, #tpu.memory_space<hbm>> -> memref<640xf32, #tpu.memory_space<hbm>>
        %dma_wait3A_56 = tpu.memref_slice %arg10[%mul3A_7] : memref<10000xf32, #tpu.memory_space<hbm>> -> memref<640xf32, #tpu.memory_space<hbm>>
        %dma_wait3A_57 = arith.constant 0 : i32
        %dma_wait3A_58 = tpu.memref_slice %arg18[%dma_wait3A_57] : memref<640xf32, #tpu.memory_space<vmem>> -> memref<640xf32, #tpu.memory_space<vmem>>
        tpu.wait_dma2 semaphore(%run_scoped3A : memref<!tpu.dma_semaphore, #tpu.memory_space<semaphore_mem>>) src(%dma_wait3A_58 : memref<640xf32, #tpu.memory_space<vmem>>) dst(%dma_wait3A_56 : memref<640xf32, #tpu.memory_space<hbm>>)
        tpu.yield
      }) : () -> ()
      "tpu.region"() ({
        %run_scoped3A = tpu.sem_alloc : memref<!tpu.dma_semaphore, #tpu.memory_space<semaphore_mem>>
        %dma_start3A = arith.constant 0 : i32
        %dma_start3A_49 = tpu.memref_slice %arg16[%dma_start3A] : memref<640xf32, #tpu.memory_space<vmem>> -> memref<640xf32, #tpu.memory_space<vmem>>
        %dma_start3A_50 = tpu.memref_slice %arg21[%mul3A_7] : memref<10000xf32, #tpu.memory_space<vmem_shared>> -> memref<640xf32, #tpu.memory_space<vmem_shared>>
        %dma_start3A_51 = arith.constant 0 : i32
        %dma_start3A_52 = tpu.memref_slice %arg16[%dma_start3A_51] : memref<640xf32, #tpu.memory_space<vmem>> -> memref<640xf32, #tpu.memory_space<vmem>>
        %dma_start3A_53 = tpu.memref_slice %arg21[%mul3A_7] : memref<10000xf32, #tpu.memory_space<vmem_shared>> -> memref<640xf32, #tpu.memory_space<vmem_shared>>
        tpu.enqueue_dma source(%dma_start3A_53 : memref<640xf32, #tpu.memory_space<vmem_shared>>) target(%dma_start3A_52 : memref<640xf32, #tpu.memory_space<vmem>>) target_semaphore(%run_scoped3A : memref<!tpu.dma_semaphore, #tpu.memory_space<semaphore_mem>>)
        %dma_wait3A = arith.constant 0 : i32
        %dma_wait3A_54 = tpu.memref_slice %arg16[%dma_wait3A] : memref<640xf32, #tpu.memory_space<vmem>> -> memref<640xf32, #tpu.memory_space<vmem>>
        %dma_wait3A_55 = tpu.memref_slice %arg21[%mul3A_7] : memref<10000xf32, #tpu.memory_space<vmem_shared>> -> memref<640xf32, #tpu.memory_space<vmem_shared>>
        %dma_wait3A_56 = arith.constant 0 : i32
        %dma_wait3A_57 = tpu.memref_slice %arg16[%dma_wait3A_56] : memref<640xf32, #tpu.memory_space<vmem>> -> memref<640xf32, #tpu.memory_space<vmem>>
        %dma_wait3A_58 = tpu.memref_slice %arg21[%mul3A_7] : memref<10000xf32, #tpu.memory_space<vmem_shared>> -> memref<640xf32, #tpu.memory_space<vmem_shared>>
        tpu.wait_dma2 semaphore(%run_scoped3A : memref<!tpu.dma_semaphore, #tpu.memory_space<semaphore_mem>>) src(%dma_wait3A_58 : memref<640xf32, #tpu.memory_space<vmem_shared>>) dst(%dma_wait3A_57 : memref<640xf32, #tpu.memory_space<vmem>>)
        tpu.yield
      }) : () -> ()
      "tpu.region"() ({
        %run_scoped3A = tpu.sem_alloc : memref<!tpu.dma_semaphore, #tpu.memory_space<semaphore_mem>>
        %dma_start3A = arith.constant 0 : i32
        %dma_start3A_49 = tpu.memref_slice %arg17[%dma_start3A] : memref<640xf32, #tpu.memory_space<vmem>> -> memref<640xf32, #tpu.memory_space<vmem>>
        %dma_start3A_50 = tpu.memref_slice %arg8[%mul3A_7] : memref<10000xf32, #tpu.memory_space<hbm>> -> memref<640xf32, #tpu.memory_space<hbm>>
        %dma_start3A_51 = arith.constant 0 : i32
        %dma_start3A_52 = tpu.memref_slice %arg17[%dma_start3A_51] : memref<640xf32, #tpu.memory_space<vmem>> -> memref<640xf32, #tpu.memory_space<vmem>>
        %dma_start3A_53 = tpu.memref_slice %arg8[%mul3A_7] : memref<10000xf32, #tpu.memory_space<hbm>> -> memref<640xf32, #tpu.memory_space<hbm>>
        tpu.enqueue_dma source(%dma_start3A_53 : memref<640xf32, #tpu.memory_space<hbm>>) target(%dma_start3A_52 : memref<640xf32, #tpu.memory_space<vmem>>) target_semaphore(%run_scoped3A : memref<!tpu.dma_semaphore, #tpu.memory_space<semaphore_mem>>)
        %dma_wait3A = arith.constant 0 : i32
        %dma_wait3A_54 = tpu.memref_slice %arg17[%dma_wait3A] : memref<640xf32, #tpu.memory_space<vmem>> -> memref<640xf32, #tpu.memory_space<vmem>>
        %dma_wait3A_55 = tpu.memref_slice %arg8[%mul3A_7] : memref<10000xf32, #tpu.memory_space<hbm>> -> memref<640xf32, #tpu.memory_space<hbm>>
        %dma_wait3A_56 = arith.constant 0 : i32
        %dma_wait3A_57 = tpu.memref_slice %arg17[%dma_wait3A_56] : memref<640xf32, #tpu.memory_space<vmem>> -> memref<640xf32, #tpu.memory_space<vmem>>
        %dma_wait3A_58 = tpu.memref_slice %arg8[%mul3A_7] : memref<10000xf32, #tpu.memory_space<hbm>> -> memref<640xf32, #tpu.memory_space<hbm>>
        tpu.wait_dma2 semaphore(%run_scoped3A : memref<!tpu.dma_semaphore, #tpu.memory_space<semaphore_mem>>) src(%dma_wait3A_58 : memref<640xf32, #tpu.memory_space<hbm>>) dst(%dma_wait3A_57 : memref<640xf32, #tpu.memory_space<vmem>>)
        tpu.yield
      }) : () -> ()
      %scan3A_43 = arith.constant 0 : i32
      %scan3A_44 = arith.constant 0 : i32
      %scan3A_45 = arith.constant 40 : i32
      %scan3A_46 = arith.addi %scan3A_44, %scan3A_45 : i32
      %scan3A_47 = arith.constant 1 : i32
      scf.for %scan3A_49 = %scan3A_44 to %scan3A_46 step %scan3A_47  : i32 {
        %mul3A_50 = arith.constant 16 : i32
        %mul3A_51 = arith.muli %scan3A_49, %mul3A_50 : i32
        %get3A = arith.index_cast %mul3A_51 : i32 to index
        %get3A_52 = tpu.vector_load %arg17[%get3A] {strides = array<i32>} : memref<640xf32, #tpu.memory_space<vmem>>, vector<16xf32>,
        %get3A_53 = vector.shape_cast %get3A_52 : vector<16xf32> to vector<16xf32>
        %get3A_54 = arith.index_cast %mul3A_51 : i32 to index
        %get3A_55 = tpu.vector_load %arg16[%get3A_54] {strides = array<i32>} : memref<640xf32, #tpu.memory_space<vmem>>, vector<16xf32>,
        %get3A_56 = vector.shape_cast %get3A_55 : vector<16xf32> to vector<16xf32>
        %mul3A_57 = arith.constant 0.00999999977 : f32
        %mul3A_58 = vector.broadcast %mul3A_57 : f32 to vector<16xf32>
        %mul3A_59 = arith.mulf %get3A_56, %mul3A_58 : vector<16xf32>
        %add3A = arith.addf %get3A_53, %mul3A_59 : vector<16xf32>
        %swap3A = arith.index_cast %mul3A_51 : i32 to index
        %swap3A_60 = tpu.vector_load %arg18[%swap3A] {strides = array<i32>} : memref<640xf32, #tpu.memory_space<vmem>>, vector<16xf32>,
        %swap3A_61 = vector.shape_cast %swap3A_60 : vector<16xf32> to vector<16xf32>
        %swap3A_62 = vector.shape_cast %add3A : vector<16xf32> to vector<16xf32>
        tpu.vector_store %arg18[%swap3A], %swap3A_62 {strides = array<i32>} : memref<640xf32, #tpu.memory_space<vmem>>, vector<16xf32>,
      }
      %scan3A_48 = arith.constant 40 : i32
      "tpu.region"() ({
        %run_scoped3A = tpu.sem_alloc : memref<!tpu.dma_semaphore, #tpu.memory_space<semaphore_mem>>
        %dma_start3A = arith.constant 0 : i32
        %dma_start3A_49 = tpu.memref_slice %arg18[%dma_start3A] : memref<640xf32, #tpu.memory_space<vmem>> -> memref<640xf32, #tpu.memory_space<vmem>>
        %dma_start3A_50 = tpu.memref_slice %arg11[%mul3A_7] : memref<10000xf32, #tpu.memory_space<hbm>> -> memref<640xf32, #tpu.memory_space<hbm>>
        %dma_start3A_51 = tpu.memref_slice %arg11[%mul3A_7] : memref<10000xf32, #tpu.memory_space<hbm>> -> memref<640xf32, #tpu.memory_space<hbm>>
        %dma_start3A_52 = arith.constant 0 : i32
        %dma_start3A_53 = tpu.memref_slice %arg18[%dma_start3A_52] : memref<640xf32, #tpu.memory_space<vmem>> -> memref<640xf32, #tpu.memory_space<vmem>>
        tpu.enqueue_dma source(%dma_start3A_53 : memref<640xf32, #tpu.memory_space<vmem>>) target(%dma_start3A_51 : memref<640xf32, #tpu.memory_space<hbm>>) target_semaphore(%run_scoped3A : memref<!tpu.dma_semaphore, #tpu.memory_space<semaphore_mem>>)
        %dma_wait3A = arith.constant 0 : i32
        %dma_wait3A_54 = tpu.memref_slice %arg18[%dma_wait3A] : memref<640xf32, #tpu.memory_space<vmem>> -> memref<640xf32, #tpu.memory_space<vmem>>
        %dma_wait3A_55 = tpu.memref_slice %arg11[%mul3A_7] : memref<10000xf32, #tpu.memory_space<hbm>> -> memref<640xf32, #tpu.memory_space<hbm>>
        %dma_wait3A_56 = tpu.memref_slice %arg11[%mul3A_7] : memref<10000xf32, #tpu.memory_space<hbm>> -> memref<640xf32, #tpu.memory_space<hbm>>
        %dma_wait3A_57 = arith.constant 0 : i32
        %dma_wait3A_58 = tpu.memref_slice %arg18[%dma_wait3A_57] : memref<640xf32, #tpu.memory_space<vmem>> -> memref<640xf32, #tpu.memory_space<vmem>>
        tpu.wait_dma2 semaphore(%run_scoped3A : memref<!tpu.dma_semaphore, #tpu.memory_space<semaphore_mem>>) src(%dma_wait3A_58 : memref<640xf32, #tpu.memory_space<vmem>>) dst(%dma_wait3A_56 : memref<640xf32, #tpu.memory_space<hbm>>)
        tpu.yield
      }) : () -> ()
    } else {
    }
    %eq3A_26 = arith.constant 15 : i32
    %eq3A_27 = arith.cmpi eq, %arg1, %eq3A_26 : i32
    %convert_element_type3A_28 = arith.extui %eq3A_27 : i1 to i32
    %cond3A_29 = arith.constant 0 : i32
    %cond3A_30 = arith.cmpi ne, %convert_element_type3A_28, %cond3A_29 : i32
    scf.if %cond3A_30 {
      "tpu.region"() ({
        %run_scoped3A = tpu.sem_alloc : memref<!tpu.dma_semaphore, #tpu.memory_space<semaphore_mem>>
        %dma_start3A = arith.constant 0 : i32
        %dma_start3A_49 = tpu.memref_slice %arg16[%dma_start3A] : memref<640xf32, #tpu.memory_space<vmem>> -> memref<400xf32, #tpu.memory_space<vmem>>
        %dma_start3A_50 = tpu.memref_slice %arg19[%mul3A_7] : memref<10000xf32, #tpu.memory_space<vmem_shared>> -> memref<400xf32, #tpu.memory_space<vmem_shared>>
        %dma_start3A_51 = arith.constant 0 : i32
        %dma_start3A_52 = tpu.memref_slice %arg16[%dma_start3A_51] : memref<640xf32, #tpu.memory_space<vmem>> -> memref<400xf32, #tpu.memory_space<vmem>>
        %dma_start3A_53 = tpu.memref_slice %arg19[%mul3A_7] : memref<10000xf32, #tpu.memory_space<vmem_shared>> -> memref<400xf32, #tpu.memory_space<vmem_shared>>
        tpu.enqueue_dma source(%dma_start3A_53 : memref<400xf32, #tpu.memory_space<vmem_shared>>) target(%dma_start3A_52 : memref<400xf32, #tpu.memory_space<vmem>>) target_semaphore(%run_scoped3A : memref<!tpu.dma_semaphore, #tpu.memory_space<semaphore_mem>>)
        %dma_wait3A = arith.constant 0 : i32
        %dma_wait3A_54 = tpu.memref_slice %arg16[%dma_wait3A] : memref<640xf32, #tpu.memory_space<vmem>> -> memref<400xf32, #tpu.memory_space<vmem>>
        %dma_wait3A_55 = tpu.memref_slice %arg19[%mul3A_7] : memref<10000xf32, #tpu.memory_space<vmem_shared>> -> memref<400xf32, #tpu.memory_space<vmem_shared>>
        %dma_wait3A_56 = arith.constant 0 : i32
        %dma_wait3A_57 = tpu.memref_slice %arg16[%dma_wait3A_56] : memref<640xf32, #tpu.memory_space<vmem>> -> memref<400xf32, #tpu.memory_space<vmem>>
        %dma_wait3A_58 = tpu.memref_slice %arg19[%mul3A_7] : memref<10000xf32, #tpu.memory_space<vmem_shared>> -> memref<400xf32, #tpu.memory_space<vmem_shared>>
        tpu.wait_dma2 semaphore(%run_scoped3A : memref<!tpu.dma_semaphore, #tpu.memory_space<semaphore_mem>>) src(%dma_wait3A_58 : memref<400xf32, #tpu.memory_space<vmem_shared>>) dst(%dma_wait3A_57 : memref<400xf32, #tpu.memory_space<vmem>>)
        tpu.yield
      }) : () -> ()
      "tpu.region"() ({
        %run_scoped3A = tpu.sem_alloc : memref<!tpu.dma_semaphore, #tpu.memory_space<semaphore_mem>>
        %dma_start3A = arith.constant 0 : i32
        %dma_start3A_49 = tpu.memref_slice %arg17[%dma_start3A] : memref<640xf32, #tpu.memory_space<vmem>> -> memref<400xf32, #tpu.memory_space<vmem>>
        %dma_start3A_50 = tpu.memref_slice %arg6[%mul3A_7] : memref<10000xf32, #tpu.memory_space<hbm>> -> memref<400xf32, #tpu.memory_space<hbm>>
        %dma_start3A_51 = arith.constant 0 : i32
        %dma_start3A_52 = tpu.memref_slice %arg17[%dma_start3A_51] : memref<640xf32, #tpu.memory_space<vmem>> -> memref<400xf32, #tpu.memory_space<vmem>>
        %dma_start3A_53 = tpu.memref_slice %arg6[%mul3A_7] : memref<10000xf32, #tpu.memory_space<hbm>> -> memref<400xf32, #tpu.memory_space<hbm>>
        tpu.enqueue_dma source(%dma_start3A_53 : memref<400xf32, #tpu.memory_space<hbm>>) target(%dma_start3A_52 : memref<400xf32, #tpu.memory_space<vmem>>) target_semaphore(%run_scoped3A : memref<!tpu.dma_semaphore, #tpu.memory_space<semaphore_mem>>)
        %dma_wait3A = arith.constant 0 : i32
        %dma_wait3A_54 = tpu.memref_slice %arg17[%dma_wait3A] : memref<640xf32, #tpu.memory_space<vmem>> -> memref<400xf32, #tpu.memory_space<vmem>>
        %dma_wait3A_55 = tpu.memref_slice %arg6[%mul3A_7] : memref<10000xf32, #tpu.memory_space<hbm>> -> memref<400xf32, #tpu.memory_space<hbm>>
        %dma_wait3A_56 = arith.constant 0 : i32
        %dma_wait3A_57 = tpu.memref_slice %arg17[%dma_wait3A_56] : memref<640xf32, #tpu.memory_space<vmem>> -> memref<400xf32, #tpu.memory_space<vmem>>
        %dma_wait3A_58 = tpu.memref_slice %arg6[%mul3A_7] : memref<10000xf32, #tpu.memory_space<hbm>> -> memref<400xf32, #tpu.memory_space<hbm>>
        tpu.wait_dma2 semaphore(%run_scoped3A : memref<!tpu.dma_semaphore, #tpu.memory_space<semaphore_mem>>) src(%dma_wait3A_58 : memref<400xf32, #tpu.memory_space<hbm>>) dst(%dma_wait3A_57 : memref<400xf32, #tpu.memory_space<vmem>>)
        tpu.yield
      }) : () -> ()
      %scan3A_31 = arith.constant 0 : i32
      %scan3A_32 = arith.constant 0 : i32
      %scan3A_33 = arith.constant 25 : i32
      %scan3A_34 = arith.addi %scan3A_32, %scan3A_33 : i32
      %scan3A_35 = arith.constant 1 : i32
      scf.for %scan3A_49 = %scan3A_32 to %scan3A_34 step %scan3A_35  : i32 {
        %mul3A_50 = arith.constant 16 : i32
        %mul3A_51 = arith.muli %scan3A_49, %mul3A_50 : i32
        %get3A = arith.index_cast %mul3A_51 : i32 to index
        %get3A_52 = tpu.vector_load %arg17[%get3A] {strides = array<i32>} : memref<640xf32, #tpu.memory_space<vmem>>, vector<16xf32>,
        %get3A_53 = vector.shape_cast %get3A_52 : vector<16xf32> to vector<16xf32>
        %get3A_54 = arith.index_cast %mul3A_51 : i32 to index
        %get3A_55 = tpu.vector_load %arg16[%get3A_54] {strides = array<i32>} : memref<640xf32, #tpu.memory_space<vmem>>, vector<16xf32>,
        %get3A_56 = vector.shape_cast %get3A_55 : vector<16xf32> to vector<16xf32>
        %mul3A_57 = arith.constant 0.00999999977 : f32
        %mul3A_58 = vector.broadcast %mul3A_57 : f32 to vector<16xf32>
        %mul3A_59 = arith.mulf %get3A_56, %mul3A_58 : vector<16xf32>
        %add3A = arith.addf %get3A_53, %mul3A_59 : vector<16xf32>
        %swap3A = arith.index_cast %mul3A_51 : i32 to index
        %swap3A_60 = tpu.vector_load %arg18[%swap3A] {strides = array<i32>} : memref<640xf32, #tpu.memory_space<vmem>>, vector<16xf32>,
        %swap3A_61 = vector.shape_cast %swap3A_60 : vector<16xf32> to vector<16xf32>
        %swap3A_62 = vector.shape_cast %add3A : vector<16xf32> to vector<16xf32>
        tpu.vector_store %arg18[%swap3A], %swap3A_62 {strides = array<i32>} : memref<640xf32, #tpu.memory_space<vmem>>, vector<16xf32>,
      }
      %scan3A_36 = arith.constant 25 : i32
      "tpu.region"() ({
        %run_scoped3A = tpu.sem_alloc : memref<!tpu.dma_semaphore, #tpu.memory_space<semaphore_mem>>
        %dma_start3A = arith.constant 0 : i32
        %dma_start3A_49 = tpu.memref_slice %arg18[%dma_start3A] : memref<640xf32, #tpu.memory_space<vmem>> -> memref<400xf32, #tpu.memory_space<vmem>>
        %dma_start3A_50 = tpu.memref_slice %arg9[%mul3A_7] : memref<10000xf32, #tpu.memory_space<hbm>> -> memref<400xf32, #tpu.memory_space<hbm>>
        %dma_start3A_51 = tpu.memref_slice %arg9[%mul3A_7] : memref<10000xf32, #tpu.memory_space<hbm>> -> memref<400xf32, #tpu.memory_space<hbm>>
        %dma_start3A_52 = arith.constant 0 : i32
        %dma_start3A_53 = tpu.memref_slice %arg18[%dma_start3A_52] : memref<640xf32, #tpu.memory_space<vmem>> -> memref<400xf32, #tpu.memory_space<vmem>>
        tpu.enqueue_dma source(%dma_start3A_53 : memref<400xf32, #tpu.memory_space<vmem>>) target(%dma_start3A_51 : memref<400xf32, #tpu.memory_space<hbm>>) target_semaphore(%run_scoped3A : memref<!tpu.dma_semaphore, #tpu.memory_space<semaphore_mem>>)
        %dma_wait3A = arith.constant 0 : i32
        %dma_wait3A_54 = tpu.memref_slice %arg18[%dma_wait3A] : memref<640xf32, #tpu.memory_space<vmem>> -> memref<400xf32, #tpu.memory_space<vmem>>
        %dma_wait3A_55 = tpu.memref_slice %arg9[%mul3A_7] : memref<10000xf32, #tpu.memory_space<hbm>> -> memref<400xf32, #tpu.memory_space<hbm>>
        %dma_wait3A_56 = tpu.memref_slice %arg9[%mul3A_7] : memref<10000xf32, #tpu.memory_space<hbm>> -> memref<400xf32, #tpu.memory_space<hbm>>
        %dma_wait3A_57 = arith.constant 0 : i32
        %dma_wait3A_58 = tpu.memref_slice %arg18[%dma_wait3A_57] : memref<640xf32, #tpu.memory_space<vmem>> -> memref<400xf32, #tpu.memory_space<vmem>>
        tpu.wait_dma2 semaphore(%run_scoped3A : memref<!tpu.dma_semaphore, #tpu.memory_space<semaphore_mem>>) src(%dma_wait3A_58 : memref<400xf32, #tpu.memory_space<vmem>>) dst(%dma_wait3A_56 : memref<400xf32, #tpu.memory_space<hbm>>)
        tpu.yield
      }) : () -> ()
      "tpu.region"() ({
        %run_scoped3A = tpu.sem_alloc : memref<!tpu.dma_semaphore, #tpu.memory_space<semaphore_mem>>
        %dma_start3A = arith.constant 0 : i32
        %dma_start3A_49 = tpu.memref_slice %arg16[%dma_start3A] : memref<640xf32, #tpu.memory_space<vmem>> -> memref<400xf32, #tpu.memory_space<vmem>>
        %dma_start3A_50 = tpu.memref_slice %arg20[%mul3A_7] : memref<10000xf32, #tpu.memory_space<vmem_shared>> -> memref<400xf32, #tpu.memory_space<vmem_shared>>
        %dma_start3A_51 = arith.constant 0 : i32
        %dma_start3A_52 = tpu.memref_slice %arg16[%dma_start3A_51] : memref<640xf32, #tpu.memory_space<vmem>> -> memref<400xf32, #tpu.memory_space<vmem>>
        %dma_start3A_53 = tpu.memref_slice %arg20[%mul3A_7] : memref<10000xf32, #tpu.memory_space<vmem_shared>> -> memref<400xf32, #tpu.memory_space<vmem_shared>>
        tpu.enqueue_dma source(%dma_start3A_53 : memref<400xf32, #tpu.memory_space<vmem_shared>>) target(%dma_start3A_52 : memref<400xf32, #tpu.memory_space<vmem>>) target_semaphore(%run_scoped3A : memref<!tpu.dma_semaphore, #tpu.memory_space<semaphore_mem>>)
        %dma_wait3A = arith.constant 0 : i32
        %dma_wait3A_54 = tpu.memref_slice %arg16[%dma_wait3A] : memref<640xf32, #tpu.memory_space<vmem>> -> memref<400xf32, #tpu.memory_space<vmem>>
        %dma_wait3A_55 = tpu.memref_slice %arg20[%mul3A_7] : memref<10000xf32, #tpu.memory_space<vmem_shared>> -> memref<400xf32, #tpu.memory_space<vmem_shared>>
        %dma_wait3A_56 = arith.constant 0 : i32
        %dma_wait3A_57 = tpu.memref_slice %arg16[%dma_wait3A_56] : memref<640xf32, #tpu.memory_space<vmem>> -> memref<400xf32, #tpu.memory_space<vmem>>
        %dma_wait3A_58 = tpu.memref_slice %arg20[%mul3A_7] : memref<10000xf32, #tpu.memory_space<vmem_shared>> -> memref<400xf32, #tpu.memory_space<vmem_shared>>
        tpu.wait_dma2 semaphore(%run_scoped3A : memref<!tpu.dma_semaphore, #tpu.memory_space<semaphore_mem>>) src(%dma_wait3A_58 : memref<400xf32, #tpu.memory_space<vmem_shared>>) dst(%dma_wait3A_57 : memref<400xf32, #tpu.memory_space<vmem>>)
        tpu.yield
      }) : () -> ()
      "tpu.region"() ({
        %run_scoped3A = tpu.sem_alloc : memref<!tpu.dma_semaphore, #tpu.memory_space<semaphore_mem>>
        %dma_start3A = arith.constant 0 : i32
        %dma_start3A_49 = tpu.memref_slice %arg17[%dma_start3A] : memref<640xf32, #tpu.memory_space<vmem>> -> memref<400xf32, #tpu.memory_space<vmem>>
        %dma_start3A_50 = tpu.memref_slice %arg7[%mul3A_7] : memref<10000xf32, #tpu.memory_space<hbm>> -> memref<400xf32, #tpu.memory_space<hbm>>
        %dma_start3A_51 = arith.constant 0 : i32
        %dma_start3A_52 = tpu.memref_slice %arg17[%dma_start3A_51] : memref<640xf32, #tpu.memory_space<vmem>> -> memref<400xf32, #tpu.memory_space<vmem>>
        %dma_start3A_53 = tpu.memref_slice %arg7[%mul3A_7] : memref<10000xf32, #tpu.memory_space<hbm>> -> memref<400xf32, #tpu.memory_space<hbm>>
        tpu.enqueue_dma source(%dma_start3A_53 : memref<400xf32, #tpu.memory_space<hbm>>) target(%dma_start3A_52 : memref<400xf32, #tpu.memory_space<vmem>>) target_semaphore(%run_scoped3A : memref<!tpu.dma_semaphore, #tpu.memory_space<semaphore_mem>>)
        %dma_wait3A = arith.constant 0 : i32
        %dma_wait3A_54 = tpu.memref_slice %arg17[%dma_wait3A] : memref<640xf32, #tpu.memory_space<vmem>> -> memref<400xf32, #tpu.memory_space<vmem>>
        %dma_wait3A_55 = tpu.memref_slice %arg7[%mul3A_7] : memref<10000xf32, #tpu.memory_space<hbm>> -> memref<400xf32, #tpu.memory_space<hbm>>
        %dma_wait3A_56 = arith.constant 0 : i32
        %dma_wait3A_57 = tpu.memref_slice %arg17[%dma_wait3A_56] : memref<640xf32, #tpu.memory_space<vmem>> -> memref<400xf32, #tpu.memory_space<vmem>>
        %dma_wait3A_58 = tpu.memref_slice %arg7[%mul3A_7] : memref<10000xf32, #tpu.memory_space<hbm>> -> memref<400xf32, #tpu.memory_space<hbm>>
        tpu.wait_dma2 semaphore(%run_scoped3A : memref<!tpu.dma_semaphore, #tpu.memory_space<semaphore_mem>>) src(%dma_wait3A_58 : memref<400xf32, #tpu.memory_space<hbm>>) dst(%dma_wait3A_57 : memref<400xf32, #tpu.memory_space<vmem>>)
        tpu.yield
      }) : () -> ()
      %scan3A_37 = arith.constant 0 : i32
      %scan3A_38 = arith.constant 0 : i32
      %scan3A_39 = arith.constant 25 : i32
      %scan3A_40 = arith.addi %scan3A_38, %scan3A_39 : i32
      %scan3A_41 = arith.constant 1 : i32
      scf.for %scan3A_49 = %scan3A_38 to %scan3A_40 step %scan3A_41  : i32 {
        %mul3A_50 = arith.constant 16 : i32
        %mul3A_51 = arith.muli %scan3A_49, %mul3A_50 : i32
        %get3A = arith.index_cast %mul3A_51 : i32 to index
        %get3A_52 = tpu.vector_load %arg17[%get3A] {strides = array<i32>} : memref<640xf32, #tpu.memory_space<vmem>>, vector<16xf32>,
        %get3A_53 = vector.shape_cast %get3A_52 : vector<16xf32> to vector<16xf32>
        %get3A_54 = arith.index_cast %mul3A_51 : i32 to index
        %get3A_55 = tpu.vector_load %arg16[%get3A_54] {strides = array<i32>} : memref<640xf32, #tpu.memory_space<vmem>>, vector<16xf32>,
        %get3A_56 = vector.shape_cast %get3A_55 : vector<16xf32> to vector<16xf32>
        %mul3A_57 = arith.constant 0.00999999977 : f32
        %mul3A_58 = vector.broadcast %mul3A_57 : f32 to vector<16xf32>
        %mul3A_59 = arith.mulf %get3A_56, %mul3A_58 : vector<16xf32>
        %add3A = arith.addf %get3A_53, %mul3A_59 : vector<16xf32>
        %swap3A = arith.index_cast %mul3A_51 : i32 to index
        %swap3A_60 = tpu.vector_load %arg18[%swap3A] {strides = array<i32>} : memref<640xf32, #tpu.memory_space<vmem>>, vector<16xf32>,
        %swap3A_61 = vector.shape_cast %swap3A_60 : vector<16xf32> to vector<16xf32>
        %swap3A_62 = vector.shape_cast %add3A : vector<16xf32> to vector<16xf32>
        tpu.vector_store %arg18[%swap3A], %swap3A_62 {strides = array<i32>} : memref<640xf32, #tpu.memory_space<vmem>>, vector<16xf32>,
      }
      %scan3A_42 = arith.constant 25 : i32
      "tpu.region"() ({
        %run_scoped3A = tpu.sem_alloc : memref<!tpu.dma_semaphore, #tpu.memory_space<semaphore_mem>>
        %dma_start3A = arith.constant 0 : i32
        %dma_start3A_49 = tpu.memref_slice %arg18[%dma_start3A] : memref<640xf32, #tpu.memory_space<vmem>> -> memref<400xf32, #tpu.memory_space<vmem>>
        %dma_start3A_50 = tpu.memref_slice %arg10[%mul3A_7] : memref<10000xf32, #tpu.memory_space<hbm>> -> memref<400xf32, #tpu.memory_space<hbm>>
        %dma_start3A_51 = tpu.memref_slice %arg10[%mul3A_7] : memref<10000xf32, #tpu.memory_space<hbm>> -> memref<400xf32, #tpu.memory_space<hbm>>
        %dma_start3A_52 = arith.constant 0 : i32
        %dma_start3A_53 = tpu.memref_slice %arg18[%dma_start3A_52] : memref<640xf32, #tpu.memory_space<vmem>> -> memref<400xf32, #tpu.memory_space<vmem>>
        tpu.enqueue_dma source(%dma_start3A_53 : memref<400xf32, #tpu.memory_space<vmem>>) target(%dma_start3A_51 : memref<400xf32, #tpu.memory_space<hbm>>) target_semaphore(%run_scoped3A : memref<!tpu.dma_semaphore, #tpu.memory_space<semaphore_mem>>)
        %dma_wait3A = arith.constant 0 : i32
        %dma_wait3A_54 = tpu.memref_slice %arg18[%dma_wait3A] : memref<640xf32, #tpu.memory_space<vmem>> -> memref<400xf32, #tpu.memory_space<vmem>>
        %dma_wait3A_55 = tpu.memref_slice %arg10[%mul3A_7] : memref<10000xf32, #tpu.memory_space<hbm>> -> memref<400xf32, #tpu.memory_space<hbm>>
        %dma_wait3A_56 = tpu.memref_slice %arg10[%mul3A_7] : memref<10000xf32, #tpu.memory_space<hbm>> -> memref<400xf32, #tpu.memory_space<hbm>>
        %dma_wait3A_57 = arith.constant 0 : i32
        %dma_wait3A_58 = tpu.memref_slice %arg18[%dma_wait3A_57] : memref<640xf32, #tpu.memory_space<vmem>> -> memref<400xf32, #tpu.memory_space<vmem>>
        tpu.wait_dma2 semaphore(%run_scoped3A : memref<!tpu.dma_semaphore, #tpu.memory_space<semaphore_mem>>) src(%dma_wait3A_58 : memref<400xf32, #tpu.memory_space<vmem>>) dst(%dma_wait3A_56 : memref<400xf32, #tpu.memory_space<hbm>>)
        tpu.yield
      }) : () -> ()
      "tpu.region"() ({
        %run_scoped3A = tpu.sem_alloc : memref<!tpu.dma_semaphore, #tpu.memory_space<semaphore_mem>>
        %dma_start3A = arith.constant 0 : i32
        %dma_start3A_49 = tpu.memref_slice %arg16[%dma_start3A] : memref<640xf32, #tpu.memory_space<vmem>> -> memref<400xf32, #tpu.memory_space<vmem>>
        %dma_start3A_50 = tpu.memref_slice %arg21[%mul3A_7] : memref<10000xf32, #tpu.memory_space<vmem_shared>> -> memref<400xf32, #tpu.memory_space<vmem_shared>>
        %dma_start3A_51 = arith.constant 0 : i32
        %dma_start3A_52 = tpu.memref_slice %arg16[%dma_start3A_51] : memref<640xf32, #tpu.memory_space<vmem>> -> memref<400xf32, #tpu.memory_space<vmem>>
        %dma_start3A_53 = tpu.memref_slice %arg21[%mul3A_7] : memref<10000xf32, #tpu.memory_space<vmem_shared>> -> memref<400xf32, #tpu.memory_space<vmem_shared>>
        tpu.enqueue_dma source(%dma_start3A_53 : memref<400xf32, #tpu.memory_space<vmem_shared>>) target(%dma_start3A_52 : memref<400xf32, #tpu.memory_space<vmem>>) target_semaphore(%run_scoped3A : memref<!tpu.dma_semaphore, #tpu.memory_space<semaphore_mem>>)
        %dma_wait3A = arith.constant 0 : i32
        %dma_wait3A_54 = tpu.memref_slice %arg16[%dma_wait3A] : memref<640xf32, #tpu.memory_space<vmem>> -> memref<400xf32, #tpu.memory_space<vmem>>
        %dma_wait3A_55 = tpu.memref_slice %arg21[%mul3A_7] : memref<10000xf32, #tpu.memory_space<vmem_shared>> -> memref<400xf32, #tpu.memory_space<vmem_shared>>
        %dma_wait3A_56 = arith.constant 0 : i32
        %dma_wait3A_57 = tpu.memref_slice %arg16[%dma_wait3A_56] : memref<640xf32, #tpu.memory_space<vmem>> -> memref<400xf32, #tpu.memory_space<vmem>>
        %dma_wait3A_58 = tpu.memref_slice %arg21[%mul3A_7] : memref<10000xf32, #tpu.memory_space<vmem_shared>> -> memref<400xf32, #tpu.memory_space<vmem_shared>>
        tpu.wait_dma2 semaphore(%run_scoped3A : memref<!tpu.dma_semaphore, #tpu.memory_space<semaphore_mem>>) src(%dma_wait3A_58 : memref<400xf32, #tpu.memory_space<vmem_shared>>) dst(%dma_wait3A_57 : memref<400xf32, #tpu.memory_space<vmem>>)
        tpu.yield
      }) : () -> ()
      "tpu.region"() ({
        %run_scoped3A = tpu.sem_alloc : memref<!tpu.dma_semaphore, #tpu.memory_space<semaphore_mem>>
        %dma_start3A = arith.constant 0 : i32
        %dma_start3A_49 = tpu.memref_slice %arg17[%dma_start3A] : memref<640xf32, #tpu.memory_space<vmem>> -> memref<400xf32, #tpu.memory_space<vmem>>
        %dma_start3A_50 = tpu.memref_slice %arg8[%mul3A_7] : memref<10000xf32, #tpu.memory_space<hbm>> -> memref<400xf32, #tpu.memory_space<hbm>>
        %dma_start3A_51 = arith.constant 0 : i32
        %dma_start3A_52 = tpu.memref_slice %arg17[%dma_start3A_51] : memref<640xf32, #tpu.memory_space<vmem>> -> memref<400xf32, #tpu.memory_space<vmem>>
        %dma_start3A_53 = tpu.memref_slice %arg8[%mul3A_7] : memref<10000xf32, #tpu.memory_space<hbm>> -> memref<400xf32, #tpu.memory_space<hbm>>
        tpu.enqueue_dma source(%dma_start3A_53 : memref<400xf32, #tpu.memory_space<hbm>>) target(%dma_start3A_52 : memref<400xf32, #tpu.memory_space<vmem>>) target_semaphore(%run_scoped3A : memref<!tpu.dma_semaphore, #tpu.memory_space<semaphore_mem>>)
        %dma_wait3A = arith.constant 0 : i32
        %dma_wait3A_54 = tpu.memref_slice %arg17[%dma_wait3A] : memref<640xf32, #tpu.memory_space<vmem>> -> memref<400xf32, #tpu.memory_space<vmem>>
        %dma_wait3A_55 = tpu.memref_slice %arg8[%mul3A_7] : memref<10000xf32, #tpu.memory_space<hbm>> -> memref<400xf32, #tpu.memory_space<hbm>>
        %dma_wait3A_56 = arith.constant 0 : i32
        %dma_wait3A_57 = tpu.memref_slice %arg17[%dma_wait3A_56] : memref<640xf32, #tpu.memory_space<vmem>> -> memref<400xf32, #tpu.memory_space<vmem>>
        %dma_wait3A_58 = tpu.memref_slice %arg8[%mul3A_7] : memref<10000xf32, #tpu.memory_space<hbm>> -> memref<400xf32, #tpu.memory_space<hbm>>
        tpu.wait_dma2 semaphore(%run_scoped3A : memref<!tpu.dma_semaphore, #tpu.memory_space<semaphore_mem>>) src(%dma_wait3A_58 : memref<400xf32, #tpu.memory_space<hbm>>) dst(%dma_wait3A_57 : memref<400xf32, #tpu.memory_space<vmem>>)
        tpu.yield
      }) : () -> ()
      %scan3A_43 = arith.constant 0 : i32
      %scan3A_44 = arith.constant 0 : i32
      %scan3A_45 = arith.constant 25 : i32
      %scan3A_46 = arith.addi %scan3A_44, %scan3A_45 : i32
      %scan3A_47 = arith.constant 1 : i32
      scf.for %scan3A_49 = %scan3A_44 to %scan3A_46 step %scan3A_47  : i32 {
        %mul3A_50 = arith.constant 16 : i32
        %mul3A_51 = arith.muli %scan3A_49, %mul3A_50 : i32
        %get3A = arith.index_cast %mul3A_51 : i32 to index
        %get3A_52 = tpu.vector_load %arg17[%get3A] {strides = array<i32>} : memref<640xf32, #tpu.memory_space<vmem>>, vector<16xf32>,
        %get3A_53 = vector.shape_cast %get3A_52 : vector<16xf32> to vector<16xf32>
        %get3A_54 = arith.index_cast %mul3A_51 : i32 to index
        %get3A_55 = tpu.vector_load %arg16[%get3A_54] {strides = array<i32>} : memref<640xf32, #tpu.memory_space<vmem>>, vector<16xf32>,
        %get3A_56 = vector.shape_cast %get3A_55 : vector<16xf32> to vector<16xf32>
        %mul3A_57 = arith.constant 0.00999999977 : f32
        %mul3A_58 = vector.broadcast %mul3A_57 : f32 to vector<16xf32>
        %mul3A_59 = arith.mulf %get3A_56, %mul3A_58 : vector<16xf32>
        %add3A = arith.addf %get3A_53, %mul3A_59 : vector<16xf32>
        %swap3A = arith.index_cast %mul3A_51 : i32 to index
        %swap3A_60 = tpu.vector_load %arg18[%swap3A] {strides = array<i32>} : memref<640xf32, #tpu.memory_space<vmem>>, vector<16xf32>,
        %swap3A_61 = vector.shape_cast %swap3A_60 : vector<16xf32> to vector<16xf32>
        %swap3A_62 = vector.shape_cast %add3A : vector<16xf32> to vector<16xf32>
        tpu.vector_store %arg18[%swap3A], %swap3A_62 {strides = array<i32>} : memref<640xf32, #tpu.memory_space<vmem>>, vector<16xf32>,
      }
      %scan3A_48 = arith.constant 25 : i32
      "tpu.region"() ({
        %run_scoped3A = tpu.sem_alloc : memref<!tpu.dma_semaphore, #tpu.memory_space<semaphore_mem>>
        %dma_start3A = arith.constant 0 : i32
        %dma_start3A_49 = tpu.memref_slice %arg18[%dma_start3A] : memref<640xf32, #tpu.memory_space<vmem>> -> memref<400xf32, #tpu.memory_space<vmem>>
        %dma_start3A_50 = tpu.memref_slice %arg11[%mul3A_7] : memref<10000xf32, #tpu.memory_space<hbm>> -> memref<400xf32, #tpu.memory_space<hbm>>
        %dma_start3A_51 = tpu.memref_slice %arg11[%mul3A_7] : memref<10000xf32, #tpu.memory_space<hbm>> -> memref<400xf32, #tpu.memory_space<hbm>>
        %dma_start3A_52 = arith.constant 0 : i32
        %dma_start3A_53 = tpu.memref_slice %arg18[%dma_start3A_52] : memref<640xf32, #tpu.memory_space<vmem>> -> memref<400xf32, #tpu.memory_space<vmem>>
        tpu.enqueue_dma source(%dma_start3A_53 : memref<400xf32, #tpu.memory_space<vmem>>) target(%dma_start3A_51 : memref<400xf32, #tpu.memory_space<hbm>>) target_semaphore(%run_scoped3A : memref<!tpu.dma_semaphore, #tpu.memory_space<semaphore_mem>>)
        %dma_wait3A = arith.constant 0 : i32
        %dma_wait3A_54 = tpu.memref_slice %arg18[%dma_wait3A] : memref<640xf32, #tpu.memory_space<vmem>> -> memref<400xf32, #tpu.memory_space<vmem>>
        %dma_wait3A_55 = tpu.memref_slice %arg11[%mul3A_7] : memref<10000xf32, #tpu.memory_space<hbm>> -> memref<400xf32, #tpu.memory_space<hbm>>
        %dma_wait3A_56 = tpu.memref_slice %arg11[%mul3A_7] : memref<10000xf32, #tpu.memory_space<hbm>> -> memref<400xf32, #tpu.memory_space<hbm>>
        %dma_wait3A_57 = arith.constant 0 : i32
        %dma_wait3A_58 = tpu.memref_slice %arg18[%dma_wait3A_57] : memref<640xf32, #tpu.memory_space<vmem>> -> memref<400xf32, #tpu.memory_space<vmem>>
        tpu.wait_dma2 semaphore(%run_scoped3A : memref<!tpu.dma_semaphore, #tpu.memory_space<semaphore_mem>>) src(%dma_wait3A_58 : memref<400xf32, #tpu.memory_space<vmem>>) dst(%dma_wait3A_56 : memref<400xf32, #tpu.memory_space<hbm>>)
        tpu.yield
      }) : () -> ()
    } else {
    }
    return
  }
}

#map = affine_map<(d0, d1) -> (0, 0)>
#map1 = affine_map<(d0, d1) -> (0, 0, 0)>
module attributes {stable_mosaic.version = 14 : i64} {
  func.func @k(%arg0: i32, %arg1: i32, %arg2: memref<10000x128xf32, #tpu.memory_space<hbm>>, %arg3: memref<10000x128xf32, #tpu.memory_space<hbm>>, %arg4: memref<16x84x80xi32, #tpu.memory_space<hbm>>, %arg5: memref<16x84x80xi32, #tpu.memory_space<hbm>>, %arg6: memref<107520x128xf32, #tpu.memory_space<hbm>>, %arg7: memref<107520x128xf32, #tpu.memory_space<hbm>>, %arg8: memref<84x80xi32, #tpu.memory_space<vmem>>, %arg9: memref<80x128xf32, #tpu.memory_space<vmem>>, %arg10: memref<80x128xf32, #tpu.memory_space<vmem>>, %arg11: memref<10000x128xf32, #tpu.memory_space<vmem_shared>>, %arg12: memref<!tpu.dma_semaphore, #tpu.memory_space<semaphore_mem>>, %arg13: memref<!tpu.dma_semaphore, #tpu.memory_space<semaphore_mem>>) attributes {dimension_semantics = [#tpu.dimension_semantics<core_parallel>, #tpu.dimension_semantics<subcore_parallel>], iteration_bounds = array<i64: 2, 16>, scalar_prefetch = 0 : i64, scratch_operands = 6 : i64, tpu.core_type = #tpu.core_type<sc_vector_subcore>, window_params = [{transform_indices = #map}, {transform_indices = #map}, {transform_indices = #map1}, {transform_indices = #map1}, {transform_indices = #map}, {transform_indices = #map}]} {
    %eq3A = arith.constant 0 : i32
    %eq3A_0 = arith.cmpi eq, %arg0, %eq3A : i32
    %convert_element_type3A = arith.extui %eq3A_0 : i1 to i32
    %cond3A = arith.constant 0 : i32
    %cond3A_1 = arith.cmpi ne, %convert_element_type3A, %cond3A : i32
    scf.if %cond3A_1 {
      %mul3A = arith.constant 640 : i32
      %mul3A_7 = arith.muli %arg1, %mul3A : i32
      %lt3A = arith.constant 15 : i32
      %lt3A_8 = arith.cmpi slt, %arg1, %lt3A : i32
      %convert_element_type3A_9 = arith.extui %lt3A_8 : i1 to i32
      %cond3A_10 = arith.constant 0 : i32
      %cond3A_11 = arith.cmpi ne, %convert_element_type3A_9, %cond3A_10 : i32
      scf.if %cond3A_11 {
        "tpu.region"() ({
          %run_scoped3A = tpu.sem_alloc : memref<!tpu.dma_semaphore, #tpu.memory_space<semaphore_mem>>
          %dma_start3A_30 = arith.constant 0 : i32
          %dma_start3A_31 = tpu.memref_slice %arg11[%mul3A_7, %dma_start3A_30] : memref<10000x128xf32, #tpu.memory_space<vmem_shared>> -> memref<640x128xf32, #tpu.memory_space<vmem_shared>>
          %dma_start3A_32 = arith.constant 0 : i32
          %dma_start3A_33 = tpu.memref_slice %arg2[%mul3A_7, %dma_start3A_32] : memref<10000x128xf32, #tpu.memory_space<hbm>> -> memref<640x128xf32, #tpu.memory_space<hbm>>
          tpu.enqueue_dma source(%dma_start3A_33 : memref<640x128xf32, #tpu.memory_space<hbm>>) target(%dma_start3A_31 : memref<640x128xf32, #tpu.memory_space<vmem_shared>>) target_semaphore(%run_scoped3A : memref<!tpu.dma_semaphore, #tpu.memory_space<semaphore_mem>>)
          %dma_wait3A = arith.constant 0 : i32
          %dma_wait3A_34 = tpu.memref_slice %arg11[%mul3A_7, %dma_wait3A] : memref<10000x128xf32, #tpu.memory_space<vmem_shared>> -> memref<640x128xf32, #tpu.memory_space<vmem_shared>>
          %dma_wait3A_35 = arith.constant 0 : i32
          %dma_wait3A_36 = tpu.memref_slice %arg2[%mul3A_7, %dma_wait3A_35] : memref<10000x128xf32, #tpu.memory_space<hbm>> -> memref<640x128xf32, #tpu.memory_space<hbm>>
          tpu.wait_dma2 semaphore(%run_scoped3A : memref<!tpu.dma_semaphore, #tpu.memory_space<semaphore_mem>>) src(%dma_wait3A_36 : memref<640x128xf32, #tpu.memory_space<hbm>>) dst(%dma_wait3A_34 : memref<640x128xf32, #tpu.memory_space<vmem_shared>>)
          tpu.yield
        }) : () -> ()
      } else {
      }
      %eq3A_12 = arith.constant 15 : i32
      %eq3A_13 = arith.cmpi eq, %arg1, %eq3A_12 : i32
      %convert_element_type3A_14 = arith.extui %eq3A_13 : i1 to i32
      %cond3A_15 = arith.constant 0 : i32
      %cond3A_16 = arith.cmpi ne, %convert_element_type3A_14, %cond3A_15 : i32
      scf.if %cond3A_16 {
        "tpu.region"() ({
          %run_scoped3A = tpu.sem_alloc : memref<!tpu.dma_semaphore, #tpu.memory_space<semaphore_mem>>
          %dma_start3A_30 = arith.constant 0 : i32
          %dma_start3A_31 = tpu.memref_slice %arg11[%mul3A_7, %dma_start3A_30] : memref<10000x128xf32, #tpu.memory_space<vmem_shared>> -> memref<400x128xf32, #tpu.memory_space<vmem_shared>>
          %dma_start3A_32 = arith.constant 0 : i32
          %dma_start3A_33 = tpu.memref_slice %arg2[%mul3A_7, %dma_start3A_32] : memref<10000x128xf32, #tpu.memory_space<hbm>> -> memref<400x128xf32, #tpu.memory_space<hbm>>
          tpu.enqueue_dma source(%dma_start3A_33 : memref<400x128xf32, #tpu.memory_space<hbm>>) target(%dma_start3A_31 : memref<400x128xf32, #tpu.memory_space<vmem_shared>>) target_semaphore(%run_scoped3A : memref<!tpu.dma_semaphore, #tpu.memory_space<semaphore_mem>>)
          %dma_wait3A = arith.constant 0 : i32
          %dma_wait3A_34 = tpu.memref_slice %arg11[%mul3A_7, %dma_wait3A] : memref<10000x128xf32, #tpu.memory_space<vmem_shared>> -> memref<400x128xf32, #tpu.memory_space<vmem_shared>>
          %dma_wait3A_35 = arith.constant 0 : i32
          %dma_wait3A_36 = tpu.memref_slice %arg2[%mul3A_7, %dma_wait3A_35] : memref<10000x128xf32, #tpu.memory_space<hbm>> -> memref<400x128xf32, #tpu.memory_space<hbm>>
          tpu.wait_dma2 semaphore(%run_scoped3A : memref<!tpu.dma_semaphore, #tpu.memory_space<semaphore_mem>>) src(%dma_wait3A_36 : memref<400x128xf32, #tpu.memory_space<hbm>>) dst(%dma_wait3A_34 : memref<400x128xf32, #tpu.memory_space<vmem_shared>>)
          tpu.yield
        }) : () -> ()
      } else {
      }
      "tpu.region"() ({
        %run_scoped3A = tpu.sem_alloc : memref<!tpu.dma_semaphore, #tpu.memory_space<semaphore_mem>>
        %dma_start3A_30 = arith.constant 0 : i32
        %dma_start3A_31 = arith.constant 0 : i32
        %dma_start3A_32 = tpu.memref_slice %arg4[%arg1, %dma_start3A_30, %dma_start3A_31] : memref<16x84x80xi32, #tpu.memory_space<hbm>> -> memref<1x84x80xi32, #tpu.memory_space<hbm>>
        %dma_start3A_33 = tpu.memref_squeeze %dma_start3A_32 : memref<1x84x80xi32, #tpu.memory_space<hbm>> -> memref<84x80xi32, #tpu.memory_space<hbm>>
        %dma_start3A_34 = arith.constant 0 : i32
        %dma_start3A_35 = arith.constant 0 : i32
        %dma_start3A_36 = tpu.memref_slice %arg4[%arg1, %dma_start3A_34, %dma_start3A_35] : memref<16x84x80xi32, #tpu.memory_space<hbm>> -> memref<1x84x80xi32, #tpu.memory_space<hbm>>
        %dma_start3A_37 = tpu.memref_squeeze %dma_start3A_36 : memref<1x84x80xi32, #tpu.memory_space<hbm>> -> memref<84x80xi32, #tpu.memory_space<hbm>>
        tpu.enqueue_dma source(%dma_start3A_37 : memref<84x80xi32, #tpu.memory_space<hbm>>) target(%arg8 : memref<84x80xi32, #tpu.memory_space<vmem>>) target_semaphore(%run_scoped3A : memref<!tpu.dma_semaphore, #tpu.memory_space<semaphore_mem>>)
        %dma_wait3A = arith.constant 0 : i32
        %dma_wait3A_38 = arith.constant 0 : i32
        %dma_wait3A_39 = tpu.memref_slice %arg4[%arg1, %dma_wait3A, %dma_wait3A_38] : memref<16x84x80xi32, #tpu.memory_space<hbm>> -> memref<1x84x80xi32, #tpu.memory_space<hbm>>
        %dma_wait3A_40 = tpu.memref_squeeze %dma_wait3A_39 : memref<1x84x80xi32, #tpu.memory_space<hbm>> -> memref<84x80xi32, #tpu.memory_space<hbm>>
        %dma_wait3A_41 = arith.constant 0 : i32
        %dma_wait3A_42 = arith.constant 0 : i32
        %dma_wait3A_43 = tpu.memref_slice %arg4[%arg1, %dma_wait3A_41, %dma_wait3A_42] : memref<16x84x80xi32, #tpu.memory_space<hbm>> -> memref<1x84x80xi32, #tpu.memory_space<hbm>>
        %dma_wait3A_44 = tpu.memref_squeeze %dma_wait3A_43 : memref<1x84x80xi32, #tpu.memory_space<hbm>> -> memref<84x80xi32, #tpu.memory_space<hbm>>
        tpu.wait_dma2 semaphore(%run_scoped3A : memref<!tpu.dma_semaphore, #tpu.memory_space<semaphore_mem>>) src(%dma_wait3A_44 : memref<84x80xi32, #tpu.memory_space<hbm>>) dst(%arg8 : memref<84x80xi32, #tpu.memory_space<vmem>>)
        tpu.yield
      }) : () -> ()
      %barrier3A = arith.constant 0 : index
      tpu.barrier barrier_id(%barrier3A)
      %mul3A_17 = arith.constant 6720 : i32
      %mul3A_18 = arith.muli %arg1, %mul3A_17 : i32
      %dma_start3A = arith.constant 0 : i32
      %dma_start3A_19 = arith.constant 0 : i32
      %dma_start3A_20 = tpu.memref_slice %arg8[%dma_start3A, %dma_start3A_19] : memref<84x80xi32, #tpu.memory_space<vmem>> -> memref<1x80xi32, #tpu.memory_space<vmem>>
      %dma_start3A_21 = tpu.memref_squeeze %dma_start3A_20 : memref<1x80xi32, #tpu.memory_space<vmem>> -> memref<80xi32, #tpu.memory_space<vmem>>
      %dma_start3A_22 = arith.constant 0 : i32
      %dma_start3A_23 = arith.constant 0 : i32
      %dma_start3A_24 = tpu.memref_slice %arg11[%dma_start3A_22, %dma_start3A_23] : memref<10000x128xf32, #tpu.memory_space<vmem_shared>> -> memref<10000x128xf32, #tpu.memory_space<vmem_shared>>
      tpu.enqueue_indirect_dma source(%dma_start3A_24 : memref<10000x128xf32, #tpu.memory_space<vmem_shared>>) target(%arg9 : memref<80x128xf32, #tpu.memory_space<vmem>>) offsets(%dma_start3A_21 : memref<80xi32, #tpu.memory_space<vmem>>) semaphore(%arg12 : memref<!tpu.dma_semaphore, #tpu.memory_space<semaphore_mem>>)
      %scan3A = arith.constant 0 : i32
      %scan3A_25 = arith.constant 0 : i32
      %scan3A_26 = arith.constant 42 : i32
      %scan3A_27 = arith.addi %scan3A_25, %scan3A_26 : i32
      %scan3A_28 = arith.constant 1 : i32
      scf.for %scan3A_30 = %scan3A_25 to %scan3A_27 step %scan3A_28  : i32 {
        %mul3A_31 = arith.constant 2 : i32
        %mul3A_32 = arith.muli %scan3A_30, %mul3A_31 : i32
        %add3A = arith.constant 0 : i32
        %add3A_33 = arith.addi %mul3A_32, %add3A : i32
        %add3A_34 = arith.constant 1 : i32
        %add3A_35 = arith.addi %add3A_33, %add3A_34 : i32
        %lt3A_36 = arith.constant 84 : i32
        %lt3A_37 = arith.cmpi slt, %add3A_35, %lt3A_36 : i32
        %convert_element_type3A_38 = arith.extui %lt3A_37 : i1 to i32
        %cond3A_39 = arith.constant 0 : i32
        %cond3A_40 = arith.cmpi ne, %convert_element_type3A_38, %cond3A_39 : i32
        scf.if %cond3A_40 {
          %dma_start3A_69 = arith.constant 0 : i32
          %dma_start3A_70 = tpu.memref_slice %arg8[%add3A_35, %dma_start3A_69] : memref<84x80xi32, #tpu.memory_space<vmem>> -> memref<1x80xi32, #tpu.memory_space<vmem>>
          %dma_start3A_71 = tpu.memref_squeeze %dma_start3A_70 : memref<1x80xi32, #tpu.memory_space<vmem>> -> memref<80xi32, #tpu.memory_space<vmem>>
          %dma_start3A_72 = arith.constant 0 : i32
          %dma_start3A_73 = arith.constant 0 : i32
          %dma_start3A_74 = tpu.memref_slice %arg11[%dma_start3A_72, %dma_start3A_73] : memref<10000x128xf32, #tpu.memory_space<vmem_shared>> -> memref<10000x128xf32, #tpu.memory_space<vmem_shared>>
          tpu.enqueue_indirect_dma source(%dma_start3A_74 : memref<10000x128xf32, #tpu.memory_space<vmem_shared>>) target(%arg10 : memref<80x128xf32, #tpu.memory_space<vmem>>) offsets(%dma_start3A_71 : memref<80xi32, #tpu.memory_space<vmem>>) semaphore(%arg13 : memref<!tpu.dma_semaphore, #tpu.memory_space<semaphore_mem>>)
        } else {
        }
        %mul3A_41 = arith.constant 80 : i32
        %mul3A_42 = arith.muli %add3A_33, %mul3A_41 : i32
        %add3A_43 = arith.addi %mul3A_18, %mul3A_42 : i32
        %dma_wait3A = arith.constant 0 : i32
        %dma_wait3A_44 = tpu.memref_slice %arg8[%add3A_33, %dma_wait3A] : memref<84x80xi32, #tpu.memory_space<vmem>> -> memref<1x80xi32, #tpu.memory_space<vmem>>
        %dma_wait3A_45 = tpu.memref_squeeze %dma_wait3A_44 : memref<1x80xi32, #tpu.memory_space<vmem>> -> memref<80xi32, #tpu.memory_space<vmem>>
        %dma_wait3A_46 = arith.constant 0 : i32
        %dma_wait3A_47 = arith.constant 0 : i32
        %dma_wait3A_48 = tpu.memref_slice %arg11[%dma_wait3A_46, %dma_wait3A_47] : memref<10000x128xf32, #tpu.memory_space<vmem_shared>> -> memref<10000x128xf32, #tpu.memory_space<vmem_shared>>
        tpu.wait_indirect_dma semaphore(%arg12 : memref<!tpu.dma_semaphore, #tpu.memory_space<semaphore_mem>>) src(%dma_wait3A_48 : memref<10000x128xf32, #tpu.memory_space<vmem_shared>>) dst(%arg9 : memref<80x128xf32, #tpu.memory_space<vmem>>)
        "tpu.region"() ({
          %run_scoped3A = tpu.sem_alloc : memref<!tpu.dma_semaphore, #tpu.memory_space<semaphore_mem>>
          %dma_start3A_69 = arith.constant 0 : i32
          %dma_start3A_70 = tpu.memref_slice %arg6[%add3A_43, %dma_start3A_69] : memref<107520x128xf32, #tpu.memory_space<hbm>> -> memref<80x128xf32, #tpu.memory_space<hbm>>
          %dma_start3A_71 = arith.constant 0 : i32
          %dma_start3A_72 = tpu.memref_slice %arg6[%add3A_43, %dma_start3A_71] : memref<107520x128xf32, #tpu.memory_space<hbm>> -> memref<80x128xf32, #tpu.memory_space<hbm>>
          tpu.enqueue_dma source(%arg9 : memref<80x128xf32, #tpu.memory_space<vmem>>) target(%dma_start3A_72 : memref<80x128xf32, #tpu.memory_space<hbm>>) target_semaphore(%run_scoped3A : memref<!tpu.dma_semaphore, #tpu.memory_space<semaphore_mem>>)
          %dma_wait3A_73 = arith.constant 0 : i32
          %dma_wait3A_74 = tpu.memref_slice %arg6[%add3A_43, %dma_wait3A_73] : memref<107520x128xf32, #tpu.memory_space<hbm>> -> memref<80x128xf32, #tpu.memory_space<hbm>>
          %dma_wait3A_75 = arith.constant 0 : i32
          %dma_wait3A_76 = tpu.memref_slice %arg6[%add3A_43, %dma_wait3A_75] : memref<107520x128xf32, #tpu.memory_space<hbm>> -> memref<80x128xf32, #tpu.memory_space<hbm>>
          tpu.wait_dma2 semaphore(%run_scoped3A : memref<!tpu.dma_semaphore, #tpu.memory_space<semaphore_mem>>) src(%arg9 : memref<80x128xf32, #tpu.memory_space<vmem>>) dst(%dma_wait3A_76 : memref<80x128xf32, #tpu.memory_space<hbm>>)
          tpu.yield
        }) : () -> ()
        %mul3A_49 = arith.constant 2 : i32
        %mul3A_50 = arith.muli %scan3A_30, %mul3A_49 : i32
        %add3A_51 = arith.constant 1 : i32
        %add3A_52 = arith.addi %mul3A_50, %add3A_51 : i32
        %add3A_53 = arith.constant 1 : i32
        %add3A_54 = arith.addi %add3A_52, %add3A_53 : i32
        %lt3A_55 = arith.constant 84 : i32
        %lt3A_56 = arith.cmpi slt, %add3A_54, %lt3A_55 : i32
        %convert_element_type3A_57 = arith.extui %lt3A_56 : i1 to i32
        %cond3A_58 = arith.constant 0 : i32
        %cond3A_59 = arith.cmpi ne, %convert_element_type3A_57, %cond3A_58 : i32
        scf.if %cond3A_59 {
          %dma_start3A_69 = arith.constant 0 : i32
          %dma_start3A_70 = tpu.memref_slice %arg8[%add3A_54, %dma_start3A_69] : memref<84x80xi32, #tpu.memory_space<vmem>> -> memref<1x80xi32, #tpu.memory_space<vmem>>
          %dma_start3A_71 = tpu.memref_squeeze %dma_start3A_70 : memref<1x80xi32, #tpu.memory_space<vmem>> -> memref<80xi32, #tpu.memory_space<vmem>>
          %dma_start3A_72 = arith.constant 0 : i32
          %dma_start3A_73 = arith.constant 0 : i32
          %dma_start3A_74 = tpu.memref_slice %arg11[%dma_start3A_72, %dma_start3A_73] : memref<10000x128xf32, #tpu.memory_space<vmem_shared>> -> memref<10000x128xf32, #tpu.memory_space<vmem_shared>>
          tpu.enqueue_indirect_dma source(%dma_start3A_74 : memref<10000x128xf32, #tpu.memory_space<vmem_shared>>) target(%arg9 : memref<80x128xf32, #tpu.memory_space<vmem>>) offsets(%dma_start3A_71 : memref<80xi32, #tpu.memory_space<vmem>>) semaphore(%arg12 : memref<!tpu.dma_semaphore, #tpu.memory_space<semaphore_mem>>)
        } else {
        }
        %mul3A_60 = arith.constant 80 : i32
        %mul3A_61 = arith.muli %add3A_52, %mul3A_60 : i32
        %add3A_62 = arith.addi %mul3A_18, %mul3A_61 : i32
        %dma_wait3A_63 = arith.constant 0 : i32
        %dma_wait3A_64 = tpu.memref_slice %arg8[%add3A_52, %dma_wait3A_63] : memref<84x80xi32, #tpu.memory_space<vmem>> -> memref<1x80xi32, #tpu.memory_space<vmem>>
        %dma_wait3A_65 = tpu.memref_squeeze %dma_wait3A_64 : memref<1x80xi32, #tpu.memory_space<vmem>> -> memref<80xi32, #tpu.memory_space<vmem>>
        %dma_wait3A_66 = arith.constant 0 : i32
        %dma_wait3A_67 = arith.constant 0 : i32
        %dma_wait3A_68 = tpu.memref_slice %arg11[%dma_wait3A_66, %dma_wait3A_67] : memref<10000x128xf32, #tpu.memory_space<vmem_shared>> -> memref<10000x128xf32, #tpu.memory_space<vmem_shared>>
        tpu.wait_indirect_dma semaphore(%arg13 : memref<!tpu.dma_semaphore, #tpu.memory_space<semaphore_mem>>) src(%dma_wait3A_68 : memref<10000x128xf32, #tpu.memory_space<vmem_shared>>) dst(%arg10 : memref<80x128xf32, #tpu.memory_space<vmem>>)
        "tpu.region"() ({
          %run_scoped3A = tpu.sem_alloc : memref<!tpu.dma_semaphore, #tpu.memory_space<semaphore_mem>>
          %dma_start3A_69 = arith.constant 0 : i32
          %dma_start3A_70 = tpu.memref_slice %arg6[%add3A_62, %dma_start3A_69] : memref<107520x128xf32, #tpu.memory_space<hbm>> -> memref<80x128xf32, #tpu.memory_space<hbm>>
          %dma_start3A_71 = arith.constant 0 : i32
          %dma_start3A_72 = tpu.memref_slice %arg6[%add3A_62, %dma_start3A_71] : memref<107520x128xf32, #tpu.memory_space<hbm>> -> memref<80x128xf32, #tpu.memory_space<hbm>>
          tpu.enqueue_dma source(%arg10 : memref<80x128xf32, #tpu.memory_space<vmem>>) target(%dma_start3A_72 : memref<80x128xf32, #tpu.memory_space<hbm>>) target_semaphore(%run_scoped3A : memref<!tpu.dma_semaphore, #tpu.memory_space<semaphore_mem>>)
          %dma_wait3A_73 = arith.constant 0 : i32
          %dma_wait3A_74 = tpu.memref_slice %arg6[%add3A_62, %dma_wait3A_73] : memref<107520x128xf32, #tpu.memory_space<hbm>> -> memref<80x128xf32, #tpu.memory_space<hbm>>
          %dma_wait3A_75 = arith.constant 0 : i32
          %dma_wait3A_76 = tpu.memref_slice %arg6[%add3A_62, %dma_wait3A_75] : memref<107520x128xf32, #tpu.memory_space<hbm>> -> memref<80x128xf32, #tpu.memory_space<hbm>>
          tpu.wait_dma2 semaphore(%run_scoped3A : memref<!tpu.dma_semaphore, #tpu.memory_space<semaphore_mem>>) src(%arg10 : memref<80x128xf32, #tpu.memory_space<vmem>>) dst(%dma_wait3A_76 : memref<80x128xf32, #tpu.memory_space<hbm>>)
          tpu.yield
        }) : () -> ()
      }
      %scan3A_29 = arith.constant 42 : i32
    } else {
    }
    %eq3A_2 = arith.constant 1 : i32
    %eq3A_3 = arith.cmpi eq, %arg0, %eq3A_2 : i32
    %convert_element_type3A_4 = arith.extui %eq3A_3 : i1 to i32
    %cond3A_5 = arith.constant 0 : i32
    %cond3A_6 = arith.cmpi ne, %convert_element_type3A_4, %cond3A_5 : i32
    scf.if %cond3A_6 {
      %mul3A = arith.constant 640 : i32
      %mul3A_7 = arith.muli %arg1, %mul3A : i32
      %lt3A = arith.constant 15 : i32
      %lt3A_8 = arith.cmpi slt, %arg1, %lt3A : i32
      %convert_element_type3A_9 = arith.extui %lt3A_8 : i1 to i32
      %cond3A_10 = arith.constant 0 : i32
      %cond3A_11 = arith.cmpi ne, %convert_element_type3A_9, %cond3A_10 : i32
      scf.if %cond3A_11 {
        "tpu.region"() ({
          %run_scoped3A = tpu.sem_alloc : memref<!tpu.dma_semaphore, #tpu.memory_space<semaphore_mem>>
          %dma_start3A_30 = arith.constant 0 : i32
          %dma_start3A_31 = tpu.memref_slice %arg11[%mul3A_7, %dma_start3A_30] : memref<10000x128xf32, #tpu.memory_space<vmem_shared>> -> memref<640x128xf32, #tpu.memory_space<vmem_shared>>
          %dma_start3A_32 = arith.constant 0 : i32
          %dma_start3A_33 = tpu.memref_slice %arg3[%mul3A_7, %dma_start3A_32] : memref<10000x128xf32, #tpu.memory_space<hbm>> -> memref<640x128xf32, #tpu.memory_space<hbm>>
          tpu.enqueue_dma source(%dma_start3A_33 : memref<640x128xf32, #tpu.memory_space<hbm>>) target(%dma_start3A_31 : memref<640x128xf32, #tpu.memory_space<vmem_shared>>) target_semaphore(%run_scoped3A : memref<!tpu.dma_semaphore, #tpu.memory_space<semaphore_mem>>)
          %dma_wait3A = arith.constant 0 : i32
          %dma_wait3A_34 = tpu.memref_slice %arg11[%mul3A_7, %dma_wait3A] : memref<10000x128xf32, #tpu.memory_space<vmem_shared>> -> memref<640x128xf32, #tpu.memory_space<vmem_shared>>
          %dma_wait3A_35 = arith.constant 0 : i32
          %dma_wait3A_36 = tpu.memref_slice %arg3[%mul3A_7, %dma_wait3A_35] : memref<10000x128xf32, #tpu.memory_space<hbm>> -> memref<640x128xf32, #tpu.memory_space<hbm>>
          tpu.wait_dma2 semaphore(%run_scoped3A : memref<!tpu.dma_semaphore, #tpu.memory_space<semaphore_mem>>) src(%dma_wait3A_36 : memref<640x128xf32, #tpu.memory_space<hbm>>) dst(%dma_wait3A_34 : memref<640x128xf32, #tpu.memory_space<vmem_shared>>)
          tpu.yield
        }) : () -> ()
      } else {
      }
      %eq3A_12 = arith.constant 15 : i32
      %eq3A_13 = arith.cmpi eq, %arg1, %eq3A_12 : i32
      %convert_element_type3A_14 = arith.extui %eq3A_13 : i1 to i32
      %cond3A_15 = arith.constant 0 : i32
      %cond3A_16 = arith.cmpi ne, %convert_element_type3A_14, %cond3A_15 : i32
      scf.if %cond3A_16 {
        "tpu.region"() ({
          %run_scoped3A = tpu.sem_alloc : memref<!tpu.dma_semaphore, #tpu.memory_space<semaphore_mem>>
          %dma_start3A_30 = arith.constant 0 : i32
          %dma_start3A_31 = tpu.memref_slice %arg11[%mul3A_7, %dma_start3A_30] : memref<10000x128xf32, #tpu.memory_space<vmem_shared>> -> memref<400x128xf32, #tpu.memory_space<vmem_shared>>
          %dma_start3A_32 = arith.constant 0 : i32
          %dma_start3A_33 = tpu.memref_slice %arg3[%mul3A_7, %dma_start3A_32] : memref<10000x128xf32, #tpu.memory_space<hbm>> -> memref<400x128xf32, #tpu.memory_space<hbm>>
          tpu.enqueue_dma source(%dma_start3A_33 : memref<400x128xf32, #tpu.memory_space<hbm>>) target(%dma_start3A_31 : memref<400x128xf32, #tpu.memory_space<vmem_shared>>) target_semaphore(%run_scoped3A : memref<!tpu.dma_semaphore, #tpu.memory_space<semaphore_mem>>)
          %dma_wait3A = arith.constant 0 : i32
          %dma_wait3A_34 = tpu.memref_slice %arg11[%mul3A_7, %dma_wait3A] : memref<10000x128xf32, #tpu.memory_space<vmem_shared>> -> memref<400x128xf32, #tpu.memory_space<vmem_shared>>
          %dma_wait3A_35 = arith.constant 0 : i32
          %dma_wait3A_36 = tpu.memref_slice %arg3[%mul3A_7, %dma_wait3A_35] : memref<10000x128xf32, #tpu.memory_space<hbm>> -> memref<400x128xf32, #tpu.memory_space<hbm>>
          tpu.wait_dma2 semaphore(%run_scoped3A : memref<!tpu.dma_semaphore, #tpu.memory_space<semaphore_mem>>) src(%dma_wait3A_36 : memref<400x128xf32, #tpu.memory_space<hbm>>) dst(%dma_wait3A_34 : memref<400x128xf32, #tpu.memory_space<vmem_shared>>)
          tpu.yield
        }) : () -> ()
      } else {
      }
      "tpu.region"() ({
        %run_scoped3A = tpu.sem_alloc : memref<!tpu.dma_semaphore, #tpu.memory_space<semaphore_mem>>
        %dma_start3A_30 = arith.constant 0 : i32
        %dma_start3A_31 = arith.constant 0 : i32
        %dma_start3A_32 = tpu.memref_slice %arg5[%arg1, %dma_start3A_30, %dma_start3A_31] : memref<16x84x80xi32, #tpu.memory_space<hbm>> -> memref<1x84x80xi32, #tpu.memory_space<hbm>>
        %dma_start3A_33 = tpu.memref_squeeze %dma_start3A_32 : memref<1x84x80xi32, #tpu.memory_space<hbm>> -> memref<84x80xi32, #tpu.memory_space<hbm>>
        %dma_start3A_34 = arith.constant 0 : i32
        %dma_start3A_35 = arith.constant 0 : i32
        %dma_start3A_36 = tpu.memref_slice %arg5[%arg1, %dma_start3A_34, %dma_start3A_35] : memref<16x84x80xi32, #tpu.memory_space<hbm>> -> memref<1x84x80xi32, #tpu.memory_space<hbm>>
        %dma_start3A_37 = tpu.memref_squeeze %dma_start3A_36 : memref<1x84x80xi32, #tpu.memory_space<hbm>> -> memref<84x80xi32, #tpu.memory_space<hbm>>
        tpu.enqueue_dma source(%dma_start3A_37 : memref<84x80xi32, #tpu.memory_space<hbm>>) target(%arg8 : memref<84x80xi32, #tpu.memory_space<vmem>>) target_semaphore(%run_scoped3A : memref<!tpu.dma_semaphore, #tpu.memory_space<semaphore_mem>>)
        %dma_wait3A = arith.constant 0 : i32
        %dma_wait3A_38 = arith.constant 0 : i32
        %dma_wait3A_39 = tpu.memref_slice %arg5[%arg1, %dma_wait3A, %dma_wait3A_38] : memref<16x84x80xi32, #tpu.memory_space<hbm>> -> memref<1x84x80xi32, #tpu.memory_space<hbm>>
        %dma_wait3A_40 = tpu.memref_squeeze %dma_wait3A_39 : memref<1x84x80xi32, #tpu.memory_space<hbm>> -> memref<84x80xi32, #tpu.memory_space<hbm>>
        %dma_wait3A_41 = arith.constant 0 : i32
        %dma_wait3A_42 = arith.constant 0 : i32
        %dma_wait3A_43 = tpu.memref_slice %arg5[%arg1, %dma_wait3A_41, %dma_wait3A_42] : memref<16x84x80xi32, #tpu.memory_space<hbm>> -> memref<1x84x80xi32, #tpu.memory_space<hbm>>
        %dma_wait3A_44 = tpu.memref_squeeze %dma_wait3A_43 : memref<1x84x80xi32, #tpu.memory_space<hbm>> -> memref<84x80xi32, #tpu.memory_space<hbm>>
        tpu.wait_dma2 semaphore(%run_scoped3A : memref<!tpu.dma_semaphore, #tpu.memory_space<semaphore_mem>>) src(%dma_wait3A_44 : memref<84x80xi32, #tpu.memory_space<hbm>>) dst(%arg8 : memref<84x80xi32, #tpu.memory_space<vmem>>)
        tpu.yield
      }) : () -> ()
      %barrier3A = arith.constant 0 : index
      tpu.barrier barrier_id(%barrier3A)
      %mul3A_17 = arith.constant 6720 : i32
      %mul3A_18 = arith.muli %arg1, %mul3A_17 : i32
      %dma_start3A = arith.constant 0 : i32
      %dma_start3A_19 = arith.constant 0 : i32
      %dma_start3A_20 = tpu.memref_slice %arg8[%dma_start3A, %dma_start3A_19] : memref<84x80xi32, #tpu.memory_space<vmem>> -> memref<1x80xi32, #tpu.memory_space<vmem>>
      %dma_start3A_21 = tpu.memref_squeeze %dma_start3A_20 : memref<1x80xi32, #tpu.memory_space<vmem>> -> memref<80xi32, #tpu.memory_space<vmem>>
      %dma_start3A_22 = arith.constant 0 : i32
      %dma_start3A_23 = arith.constant 0 : i32
      %dma_start3A_24 = tpu.memref_slice %arg11[%dma_start3A_22, %dma_start3A_23] : memref<10000x128xf32, #tpu.memory_space<vmem_shared>> -> memref<10000x128xf32, #tpu.memory_space<vmem_shared>>
      tpu.enqueue_indirect_dma source(%dma_start3A_24 : memref<10000x128xf32, #tpu.memory_space<vmem_shared>>) target(%arg9 : memref<80x128xf32, #tpu.memory_space<vmem>>) offsets(%dma_start3A_21 : memref<80xi32, #tpu.memory_space<vmem>>) semaphore(%arg12 : memref<!tpu.dma_semaphore, #tpu.memory_space<semaphore_mem>>)
      %scan3A = arith.constant 0 : i32
      %scan3A_25 = arith.constant 0 : i32
      %scan3A_26 = arith.constant 42 : i32
      %scan3A_27 = arith.addi %scan3A_25, %scan3A_26 : i32
      %scan3A_28 = arith.constant 1 : i32
      scf.for %scan3A_30 = %scan3A_25 to %scan3A_27 step %scan3A_28  : i32 {
        %mul3A_31 = arith.constant 2 : i32
        %mul3A_32 = arith.muli %scan3A_30, %mul3A_31 : i32
        %add3A = arith.constant 0 : i32
        %add3A_33 = arith.addi %mul3A_32, %add3A : i32
        %add3A_34 = arith.constant 1 : i32
        %add3A_35 = arith.addi %add3A_33, %add3A_34 : i32
        %lt3A_36 = arith.constant 84 : i32
        %lt3A_37 = arith.cmpi slt, %add3A_35, %lt3A_36 : i32
        %convert_element_type3A_38 = arith.extui %lt3A_37 : i1 to i32
        %cond3A_39 = arith.constant 0 : i32
        %cond3A_40 = arith.cmpi ne, %convert_element_type3A_38, %cond3A_39 : i32
        scf.if %cond3A_40 {
          %dma_start3A_69 = arith.constant 0 : i32
          %dma_start3A_70 = tpu.memref_slice %arg8[%add3A_35, %dma_start3A_69] : memref<84x80xi32, #tpu.memory_space<vmem>> -> memref<1x80xi32, #tpu.memory_space<vmem>>
          %dma_start3A_71 = tpu.memref_squeeze %dma_start3A_70 : memref<1x80xi32, #tpu.memory_space<vmem>> -> memref<80xi32, #tpu.memory_space<vmem>>
          %dma_start3A_72 = arith.constant 0 : i32
          %dma_start3A_73 = arith.constant 0 : i32
          %dma_start3A_74 = tpu.memref_slice %arg11[%dma_start3A_72, %dma_start3A_73] : memref<10000x128xf32, #tpu.memory_space<vmem_shared>> -> memref<10000x128xf32, #tpu.memory_space<vmem_shared>>
          tpu.enqueue_indirect_dma source(%dma_start3A_74 : memref<10000x128xf32, #tpu.memory_space<vmem_shared>>) target(%arg10 : memref<80x128xf32, #tpu.memory_space<vmem>>) offsets(%dma_start3A_71 : memref<80xi32, #tpu.memory_space<vmem>>) semaphore(%arg13 : memref<!tpu.dma_semaphore, #tpu.memory_space<semaphore_mem>>)
        } else {
        }
        %mul3A_41 = arith.constant 80 : i32
        %mul3A_42 = arith.muli %add3A_33, %mul3A_41 : i32
        %add3A_43 = arith.addi %mul3A_18, %mul3A_42 : i32
        %dma_wait3A = arith.constant 0 : i32
        %dma_wait3A_44 = tpu.memref_slice %arg8[%add3A_33, %dma_wait3A] : memref<84x80xi32, #tpu.memory_space<vmem>> -> memref<1x80xi32, #tpu.memory_space<vmem>>
        %dma_wait3A_45 = tpu.memref_squeeze %dma_wait3A_44 : memref<1x80xi32, #tpu.memory_space<vmem>> -> memref<80xi32, #tpu.memory_space<vmem>>
        %dma_wait3A_46 = arith.constant 0 : i32
        %dma_wait3A_47 = arith.constant 0 : i32
        %dma_wait3A_48 = tpu.memref_slice %arg11[%dma_wait3A_46, %dma_wait3A_47] : memref<10000x128xf32, #tpu.memory_space<vmem_shared>> -> memref<10000x128xf32, #tpu.memory_space<vmem_shared>>
        tpu.wait_indirect_dma semaphore(%arg12 : memref<!tpu.dma_semaphore, #tpu.memory_space<semaphore_mem>>) src(%dma_wait3A_48 : memref<10000x128xf32, #tpu.memory_space<vmem_shared>>) dst(%arg9 : memref<80x128xf32, #tpu.memory_space<vmem>>)
        "tpu.region"() ({
          %run_scoped3A = tpu.sem_alloc : memref<!tpu.dma_semaphore, #tpu.memory_space<semaphore_mem>>
          %dma_start3A_69 = arith.constant 0 : i32
          %dma_start3A_70 = tpu.memref_slice %arg7[%add3A_43, %dma_start3A_69] : memref<107520x128xf32, #tpu.memory_space<hbm>> -> memref<80x128xf32, #tpu.memory_space<hbm>>
          %dma_start3A_71 = arith.constant 0 : i32
          %dma_start3A_72 = tpu.memref_slice %arg7[%add3A_43, %dma_start3A_71] : memref<107520x128xf32, #tpu.memory_space<hbm>> -> memref<80x128xf32, #tpu.memory_space<hbm>>
          tpu.enqueue_dma source(%arg9 : memref<80x128xf32, #tpu.memory_space<vmem>>) target(%dma_start3A_72 : memref<80x128xf32, #tpu.memory_space<hbm>>) target_semaphore(%run_scoped3A : memref<!tpu.dma_semaphore, #tpu.memory_space<semaphore_mem>>)
          %dma_wait3A_73 = arith.constant 0 : i32
          %dma_wait3A_74 = tpu.memref_slice %arg7[%add3A_43, %dma_wait3A_73] : memref<107520x128xf32, #tpu.memory_space<hbm>> -> memref<80x128xf32, #tpu.memory_space<hbm>>
          %dma_wait3A_75 = arith.constant 0 : i32
          %dma_wait3A_76 = tpu.memref_slice %arg7[%add3A_43, %dma_wait3A_75] : memref<107520x128xf32, #tpu.memory_space<hbm>> -> memref<80x128xf32, #tpu.memory_space<hbm>>
          tpu.wait_dma2 semaphore(%run_scoped3A : memref<!tpu.dma_semaphore, #tpu.memory_space<semaphore_mem>>) src(%arg9 : memref<80x128xf32, #tpu.memory_space<vmem>>) dst(%dma_wait3A_76 : memref<80x128xf32, #tpu.memory_space<hbm>>)
          tpu.yield
        }) : () -> ()
        %mul3A_49 = arith.constant 2 : i32
        %mul3A_50 = arith.muli %scan3A_30, %mul3A_49 : i32
        %add3A_51 = arith.constant 1 : i32
        %add3A_52 = arith.addi %mul3A_50, %add3A_51 : i32
        %add3A_53 = arith.constant 1 : i32
        %add3A_54 = arith.addi %add3A_52, %add3A_53 : i32
        %lt3A_55 = arith.constant 84 : i32
        %lt3A_56 = arith.cmpi slt, %add3A_54, %lt3A_55 : i32
        %convert_element_type3A_57 = arith.extui %lt3A_56 : i1 to i32
        %cond3A_58 = arith.constant 0 : i32
        %cond3A_59 = arith.cmpi ne, %convert_element_type3A_57, %cond3A_58 : i32
        scf.if %cond3A_59 {
          %dma_start3A_69 = arith.constant 0 : i32
          %dma_start3A_70 = tpu.memref_slice %arg8[%add3A_54, %dma_start3A_69] : memref<84x80xi32, #tpu.memory_space<vmem>> -> memref<1x80xi32, #tpu.memory_space<vmem>>
          %dma_start3A_71 = tpu.memref_squeeze %dma_start3A_70 : memref<1x80xi32, #tpu.memory_space<vmem>> -> memref<80xi32, #tpu.memory_space<vmem>>
          %dma_start3A_72 = arith.constant 0 : i32
          %dma_start3A_73 = arith.constant 0 : i32
          %dma_start3A_74 = tpu.memref_slice %arg11[%dma_start3A_72, %dma_start3A_73] : memref<10000x128xf32, #tpu.memory_space<vmem_shared>> -> memref<10000x128xf32, #tpu.memory_space<vmem_shared>>
          tpu.enqueue_indirect_dma source(%dma_start3A_74 : memref<10000x128xf32, #tpu.memory_space<vmem_shared>>) target(%arg9 : memref<80x128xf32, #tpu.memory_space<vmem>>) offsets(%dma_start3A_71 : memref<80xi32, #tpu.memory_space<vmem>>) semaphore(%arg12 : memref<!tpu.dma_semaphore, #tpu.memory_space<semaphore_mem>>)
        } else {
        }
        %mul3A_60 = arith.constant 80 : i32
        %mul3A_61 = arith.muli %add3A_52, %mul3A_60 : i32
        %add3A_62 = arith.addi %mul3A_18, %mul3A_61 : i32
        %dma_wait3A_63 = arith.constant 0 : i32
        %dma_wait3A_64 = tpu.memref_slice %arg8[%add3A_52, %dma_wait3A_63] : memref<84x80xi32, #tpu.memory_space<vmem>> -> memref<1x80xi32, #tpu.memory_space<vmem>>
        %dma_wait3A_65 = tpu.memref_squeeze %dma_wait3A_64 : memref<1x80xi32, #tpu.memory_space<vmem>> -> memref<80xi32, #tpu.memory_space<vmem>>
        %dma_wait3A_66 = arith.constant 0 : i32
        %dma_wait3A_67 = arith.constant 0 : i32
        %dma_wait3A_68 = tpu.memref_slice %arg11[%dma_wait3A_66, %dma_wait3A_67] : memref<10000x128xf32, #tpu.memory_space<vmem_shared>> -> memref<10000x128xf32, #tpu.memory_space<vmem_shared>>
        tpu.wait_indirect_dma semaphore(%arg13 : memref<!tpu.dma_semaphore, #tpu.memory_space<semaphore_mem>>) src(%dma_wait3A_68 : memref<10000x128xf32, #tpu.memory_space<vmem_shared>>) dst(%arg10 : memref<80x128xf32, #tpu.memory_space<vmem>>)
        "tpu.region"() ({
          %run_scoped3A = tpu.sem_alloc : memref<!tpu.dma_semaphore, #tpu.memory_space<semaphore_mem>>
          %dma_start3A_69 = arith.constant 0 : i32
          %dma_start3A_70 = tpu.memref_slice %arg7[%add3A_62, %dma_start3A_69] : memref<107520x128xf32, #tpu.memory_space<hbm>> -> memref<80x128xf32, #tpu.memory_space<hbm>>
          %dma_start3A_71 = arith.constant 0 : i32
          %dma_start3A_72 = tpu.memref_slice %arg7[%add3A_62, %dma_start3A_71] : memref<107520x128xf32, #tpu.memory_space<hbm>> -> memref<80x128xf32, #tpu.memory_space<hbm>>
          tpu.enqueue_dma source(%arg10 : memref<80x128xf32, #tpu.memory_space<vmem>>) target(%dma_start3A_72 : memref<80x128xf32, #tpu.memory_space<hbm>>) target_semaphore(%run_scoped3A : memref<!tpu.dma_semaphore, #tpu.memory_space<semaphore_mem>>)
          %dma_wait3A_73 = arith.constant 0 : i32
          %dma_wait3A_74 = tpu.memref_slice %arg7[%add3A_62, %dma_wait3A_73] : memref<107520x128xf32, #tpu.memory_space<hbm>> -> memref<80x128xf32, #tpu.memory_space<hbm>>
          %dma_wait3A_75 = arith.constant 0 : i32
          %dma_wait3A_76 = tpu.memref_slice %arg7[%add3A_62, %dma_wait3A_75] : memref<107520x128xf32, #tpu.memory_space<hbm>> -> memref<80x128xf32, #tpu.memory_space<hbm>>
          tpu.wait_dma2 semaphore(%run_scoped3A : memref<!tpu.dma_semaphore, #tpu.memory_space<semaphore_mem>>) src(%arg10 : memref<80x128xf32, #tpu.memory_space<vmem>>) dst(%dma_wait3A_76 : memref<80x128xf32, #tpu.memory_space<hbm>>)
          tpu.yield
        }) : () -> ()
      }
      %scan3A_29 = arith.constant 42 : i32
    } else {
    }
    return
  }
}

module attributes {stable_mosaic.version = 14 : i64} {
  func.func @body(%arg0: i32, %arg1: memref<2000x128xf32, #tpu.memory_space<vmem>>, %arg2: memref<128x128xf32, #tpu.memory_space<vmem>>, %arg3: memref<128x128xf32, #tpu.memory_space<vmem>>, %arg4: memref<2000x128xf32, #tpu.memory_space<vmem>>, %arg5: memref<2000x128xf32, #tpu.memory_space<vmem>>) attributes {dimension_semantics = [#tpu.dimension_semantics<arbitrary>], iteration_bounds = array<i64: 5>, scalar_prefetch = 0 : i64, scratch_operands = 0 : i64, tpu.core_type = #tpu.core_type<tc>, window_params = [{transform_indices = @transform_0, window_bounds = array<i64: 2000, 128>}, {pipeline_mode = #tpu.pipeline_mode<synchronous>, transform_indices = @transform_1, window_bounds = array<i64: 128, 128>}, {pipeline_mode = #tpu.pipeline_mode<synchronous>, transform_indices = @transform_2, window_bounds = array<i64: 128, 128>}, {transform_indices = @transform_3, window_bounds = array<i64: 2000, 128>}, {transform_indices = @transform_4, window_bounds = array<i64: 2000, 128>}]} {
    %get3A = arith.constant 0 : index
    %get3A_0 = arith.constant 0 : index
    %get3A_1 = vector.load %arg1[%get3A, %get3A_0] : memref<2000x128xf32, #tpu.memory_space<vmem>>, vector<2000x128xf32>
    %get3A_2 = arith.constant 0 : index
    %get3A_3 = arith.constant 0 : index
    %get3A_4 = vector.load %arg2[%get3A_2, %get3A_3] : memref<128x128xf32, #tpu.memory_space<vmem>>, vector<128x128xf32>
    %dot_general3A = arith.constant dense<0.000000e+00> : vector<2000x128xf32>
    %dot_general3A_5 = tpu.matmul %get3A_1, %get3A_4, %dot_general3A {dimension_numbers = #tpu.dot_dimension_numbers<[1], [0], [0], [1], [0, 0, 1, 1], [], []>, transpose_lhs_hint = false} : vector<2000x128xf32>, vector<128x128xf32>, vector<2000x128xf32> -> vector<2000x128xf32>
    %swap3A = arith.constant 0 : index
    %swap3A_6 = arith.constant 0 : index
    %swap3A_7 = vector.load %arg4[%swap3A, %swap3A_6] : memref<2000x128xf32, #tpu.memory_space<vmem>>, vector<2000x128xf32>
    tpu.vector_store %arg4[%swap3A, %swap3A_6], %dot_general3A_5 {strides = array<i32>} : memref<2000x128xf32, #tpu.memory_space<vmem>>, vector<2000x128xf32>,
    %get3A_8 = arith.constant 0 : index
    %get3A_9 = arith.constant 0 : index
    %get3A_10 = vector.load %arg3[%get3A_8, %get3A_9] : memref<128x128xf32, #tpu.memory_space<vmem>>, vector<128x128xf32>
    %dot_general3A_11 = arith.constant dense<0.000000e+00> : vector<2000x128xf32>
    %dot_general3A_12 = tpu.matmul %get3A_1, %get3A_10, %dot_general3A_11 {dimension_numbers = #tpu.dot_dimension_numbers<[1], [0], [0], [1], [0, 0, 1, 1], [], []>, transpose_lhs_hint = false} : vector<2000x128xf32>, vector<128x128xf32>, vector<2000x128xf32> -> vector<2000x128xf32>
    %swap3A_13 = arith.constant 0 : index
    %swap3A_14 = arith.constant 0 : index
    %swap3A_15 = vector.load %arg5[%swap3A_13, %swap3A_14] : memref<2000x128xf32, #tpu.memory_space<vmem>>, vector<2000x128xf32>
    tpu.vector_store %arg5[%swap3A_13, %swap3A_14], %dot_general3A_12 {strides = array<i32>} : memref<2000x128xf32, #tpu.memory_space<vmem>>, vector<2000x128xf32>,
    return
  }
  func.func @transform_0(%arg0: i32) -> (i32, i32) {
    %c0_i32 = arith.constant 0 : i32
    %c0_i32_0 = arith.constant 0 : i32
    return %arg0, %c0_i32 : i32, i32
  }
  func.func @transform_1(%arg0: i32) -> (i32, i32) {
    %c0_i32 = arith.constant 0 : i32
    %c0_i32_0 = arith.constant 0 : i32
    %c0_i32_1 = arith.constant 0 : i32
    return %c0_i32, %c0_i32_0 : i32, i32
  }
  func.func @transform_2(%arg0: i32) -> (i32, i32) {
    %c0_i32 = arith.constant 0 : i32
    %c0_i32_0 = arith.constant 0 : i32
    %c0_i32_1 = arith.constant 0 : i32
    return %c0_i32, %c0_i32_0 : i32, i32
  }
  func.func @transform_3(%arg0: i32) -> (i32, i32) {
    %c0_i32 = arith.constant 0 : i32
    %c0_i32_0 = arith.constant 0 : i32
    return %arg0, %c0_i32 : i32, i32
  }
  func.func @transform_4(%arg0: i32) -> (i32, i32) {
    %c0_i32 = arith.constant 0 : i32
    %c0_i32_0 = arith.constant 0 : i32
    return %arg0, %c0_i32 : i32, i32
  }
}

module attributes {stable_mosaic.version = 14 : i64} {
  func.func @body(%arg0: i32, %arg1: memref<2560x128xf32, #tpu.memory_space<vmem>>, %arg2: memref<2560x128xf32, #tpu.memory_space<vmem>>, %arg3: memref<2560x3xf32, #tpu.memory_space<vmem>>, %arg4: memref<2560x1xf32, #tpu.memory_space<vmem>>, %arg5: memref<1x128xf32, #tpu.memory_space<vmem>>, %arg6: memref<1x128xf32, #tpu.memory_space<vmem>>, %arg7: memref<128x128xf32, #tpu.memory_space<vmem>>, %arg8: memref<1x128xf32, #tpu.memory_space<vmem>>, %arg9: memref<128x1xf32, #tpu.memory_space<vmem>>, %arg10: memref<512x512xf32, #tpu.memory_space<vmem>>, %arg11: memref<1x5x512xf32, #tpu.memory_space<vmem>>, %arg12: memref<1x5x512xf32, #tpu.memory_space<vmem>>, %arg13: memref<1x5x512xf32, #tpu.memory_space<vmem>>) attributes {dimension_semantics = [#tpu.dimension_semantics<arbitrary>], iteration_bounds = array<i64: 42>, scalar_prefetch = 0 : i64, scratch_operands = 0 : i64, tpu.core_type = #tpu.core_type<tc>, window_params = [{transform_indices = @transform_0, window_bounds = array<i64: 2560, 128>}, {transform_indices = @transform_1, window_bounds = array<i64: 2560, 128>}, {transform_indices = @transform_2, window_bounds = array<i64: 2560, 3>}, {transform_indices = @transform_3, window_bounds = array<i64: 2560, 1>}, {pipeline_mode = #tpu.pipeline_mode<synchronous>, transform_indices = @transform_4, window_bounds = array<i64: 1, 128>}, {pipeline_mode = #tpu.pipeline_mode<synchronous>, transform_indices = @transform_5, window_bounds = array<i64: 1, 128>}, {pipeline_mode = #tpu.pipeline_mode<synchronous>, transform_indices = @transform_6, window_bounds = array<i64: 128, 128>}, {pipeline_mode = #tpu.pipeline_mode<synchronous>, transform_indices = @transform_7, window_bounds = array<i64: 1, 128>}, {pipeline_mode = #tpu.pipeline_mode<synchronous>, transform_indices = @transform_8, window_bounds = array<i64: 128, 1>}, {pipeline_mode = #tpu.pipeline_mode<synchronous>, transform_indices = @transform_9, window_bounds = array<i64: 512, 512>}, {transform_indices = @transform_10, window_bounds = array<i64: 1, 5, 512>}, {transform_indices = @transform_11, window_bounds = array<i64: 1, 5, 512>}, {transform_indices = @transform_12, window_bounds = array<i64: 1, 5, 512>}]} {
    %get3A = arith.constant 0 : index
    %get3A_0 = arith.constant 0 : index
    %get3A_1 = vector.load %arg10[%get3A, %get3A_0] : memref<512x512xf32, #tpu.memory_space<vmem>>, vector<512x512xf32>
    %get3A_2 = arith.constant 0 : index
    %get3A_3 = arith.constant 0 : index
    %get3A_4 = vector.load %arg4[%get3A_2, %get3A_3] : memref<2560x1xf32, #tpu.memory_space<vmem>>, vector<2560x1xf32>
    %get3A_5 = arith.constant 0 : index
    %get3A_6 = arith.constant 0 : index
    %get3A_7 = vector.load %arg5[%get3A_5, %get3A_6] : memref<1x128xf32, #tpu.memory_space<vmem>>, vector<1x128xf32>
    %dot_general3A = arith.constant dense<0.000000e+00> : vector<2560x128xf32>
    %dot_general3A_8 = tpu.matmul %get3A_4, %get3A_7, %dot_general3A {dimension_numbers = #tpu.dot_dimension_numbers<[1], [0], [0], [1], [0, 0, 1, 1], [], []>, transpose_lhs_hint = false} : vector<2560x1xf32>, vector<1x128xf32>, vector<2560x128xf32> -> vector<2560x128xf32>
    %get3A_9 = arith.constant 0 : index
    %get3A_10 = arith.constant 0 : index
    %get3A_11 = vector.load %arg1[%get3A_9, %get3A_10] : memref<2560x128xf32, #tpu.memory_space<vmem>>, vector<2560x128xf32>
    %get3A_12 = arith.constant 0 : index
    %get3A_13 = arith.constant 0 : index
    %get3A_14 = vector.load %arg2[%get3A_12, %get3A_13] : memref<2560x128xf32, #tpu.memory_space<vmem>>, vector<2560x128xf32>
    %add3A = arith.addf %get3A_11, %get3A_14 : vector<2560x128xf32>
    %add3A_15 = arith.addf %add3A, %dot_general3A_8 : vector<2560x128xf32>
    %get3A_16 = arith.constant 0 : index
    %get3A_17 = arith.constant 0 : index
    %get3A_18 = vector.load %arg6[%get3A_16, %get3A_17] : memref<1x128xf32, #tpu.memory_space<vmem>>, vector<1x128xf32>
    %add3A_19 = vector.broadcast %get3A_18 : vector<1x128xf32> to vector<2560x128xf32>
    %add3A_20 = arith.addf %add3A_15, %add3A_19 : vector<2560x128xf32>
    %logistic3A = arith.negf %add3A_20 : vector<2560x128xf32>
    %logistic3A_21 = math.exp %logistic3A : vector<2560x128xf32>
    %logistic3A_22 = arith.constant 1.000000e+00 : f32
    %logistic3A_23 = vector.broadcast %logistic3A_22 : f32 to vector<2560x128xf32>
    %logistic3A_24 = arith.addf %logistic3A_23, %logistic3A_21 : vector<2560x128xf32>
    %logistic3A_25 = arith.divf %logistic3A_23, %logistic3A_24 : vector<2560x128xf32>
    %mul3A = arith.mulf %add3A_20, %logistic3A_25 : vector<2560x128xf32>
    %get3A_26 = arith.constant 0 : index
    %get3A_27 = arith.constant 0 : index
    %get3A_28 = vector.load %arg7[%get3A_26, %get3A_27] : memref<128x128xf32, #tpu.memory_space<vmem>>, vector<128x128xf32>
    %dot_general3A_29 = arith.constant dense<0.000000e+00> : vector<2560x128xf32>
    %dot_general3A_30 = tpu.matmul %mul3A, %get3A_28, %dot_general3A_29 {dimension_numbers = #tpu.dot_dimension_numbers<[1], [0], [0], [1], [0, 0, 1, 1], [], []>, transpose_lhs_hint = false} : vector<2560x128xf32>, vector<128x128xf32>, vector<2560x128xf32> -> vector<2560x128xf32>
    %get3A_31 = arith.constant 0 : index
    %get3A_32 = arith.constant 0 : index
    %get3A_33 = vector.load %arg8[%get3A_31, %get3A_32] : memref<1x128xf32, #tpu.memory_space<vmem>>, vector<1x128xf32>
    %add3A_34 = vector.broadcast %get3A_33 : vector<1x128xf32> to vector<2560x128xf32>
    %add3A_35 = arith.addf %dot_general3A_30, %add3A_34 : vector<2560x128xf32>
    %logistic3A_36 = arith.negf %add3A_35 : vector<2560x128xf32>
    %logistic3A_37 = math.exp %logistic3A_36 : vector<2560x128xf32>
    %logistic3A_38 = arith.constant 1.000000e+00 : f32
    %logistic3A_39 = vector.broadcast %logistic3A_38 : f32 to vector<2560x128xf32>
    %logistic3A_40 = arith.addf %logistic3A_39, %logistic3A_37 : vector<2560x128xf32>
    %logistic3A_41 = arith.divf %logistic3A_39, %logistic3A_40 : vector<2560x128xf32>
    %mul3A_42 = arith.mulf %add3A_35, %logistic3A_41 : vector<2560x128xf32>
    %get3A_43 = arith.constant 0 : index
    %get3A_44 = arith.constant 0 : index
    %get3A_45 = vector.load %arg9[%get3A_43, %get3A_44] : memref<128x1xf32, #tpu.memory_space<vmem>>, vector<128x1xf32>
    %dot_general3A_46 = arith.constant dense<0.000000e+00> : vector<2560x1xf32>
    %dot_general3A_47 = tpu.matmul %mul3A_42, %get3A_45, %dot_general3A_46 {dimension_numbers = #tpu.dot_dimension_numbers<[1], [0], [0], [1], [0, 0, 1, 1], [], []>, transpose_lhs_hint = false} : vector<2560x128xf32>, vector<128x1xf32>, vector<2560x1xf32> -> vector<2560x1xf32>
    %slice3A = vector.extract_strided_slice %dot_general3A_47 {offsets = [0, 0], sizes = [512, 1], strides = [1, 1]} : vector<2560x1xf32> to vector<512x1xf32>
    %dot_general3A_48 = arith.constant dense<0.000000e+00> : vector<1x512xf32>
    %dot_general3A_49 = tpu.matmul %slice3A, %get3A_1, %dot_general3A_48 {dimension_numbers = #tpu.dot_dimension_numbers<[0], [0], [1], [1], [0, 1, 1, 1], [], []>, transpose_lhs_hint = false} : vector<512x1xf32>, vector<512x512xf32>, vector<1x512xf32> -> vector<1x512xf32>
    %slice3A_50 = vector.extract_strided_slice %dot_general3A_47 {offsets = [512, 0], sizes = [512, 1], strides = [1, 1]} : vector<2560x1xf32> to vector<512x1xf32>
    %dot_general3A_51 = arith.constant dense<0.000000e+00> : vector<1x512xf32>
    %dot_general3A_52 = tpu.matmul %slice3A_50, %get3A_1, %dot_general3A_51 {dimension_numbers = #tpu.dot_dimension_numbers<[0], [0], [1], [1], [0, 1, 1, 1], [], []>, transpose_lhs_hint = false} : vector<512x1xf32>, vector<512x512xf32>, vector<1x512xf32> -> vector<1x512xf32>
    %slice3A_53 = vector.extract_strided_slice %dot_general3A_47 {offsets = [1024, 0], sizes = [512, 1], strides = [1, 1]} : vector<2560x1xf32> to vector<512x1xf32>
    %dot_general3A_54 = arith.constant dense<0.000000e+00> : vector<1x512xf32>
    %dot_general3A_55 = tpu.matmul %slice3A_53, %get3A_1, %dot_general3A_54 {dimension_numbers = #tpu.dot_dimension_numbers<[0], [0], [1], [1], [0, 1, 1, 1], [], []>, transpose_lhs_hint = false} : vector<512x1xf32>, vector<512x512xf32>, vector<1x512xf32> -> vector<1x512xf32>
    %slice3A_56 = vector.extract_strided_slice %dot_general3A_47 {offsets = [1536, 0], sizes = [512, 1], strides = [1, 1]} : vector<2560x1xf32> to vector<512x1xf32>
    %dot_general3A_57 = arith.constant dense<0.000000e+00> : vector<1x512xf32>
    %dot_general3A_58 = tpu.matmul %slice3A_56, %get3A_1, %dot_general3A_57 {dimension_numbers = #tpu.dot_dimension_numbers<[0], [0], [1], [1], [0, 1, 1, 1], [], []>, transpose_lhs_hint = false} : vector<512x1xf32>, vector<512x512xf32>, vector<1x512xf32> -> vector<1x512xf32>
    %slice3A_59 = vector.extract_strided_slice %dot_general3A_47 {offsets = [2048, 0], sizes = [512, 1], strides = [1, 1]} : vector<2560x1xf32> to vector<512x1xf32>
    %dot_general3A_60 = arith.constant dense<0.000000e+00> : vector<1x512xf32>
    %dot_general3A_61 = tpu.matmul %slice3A_59, %get3A_1, %dot_general3A_60 {dimension_numbers = #tpu.dot_dimension_numbers<[0], [0], [1], [1], [0, 1, 1, 1], [], []>, transpose_lhs_hint = false} : vector<512x1xf32>, vector<512x512xf32>, vector<1x512xf32> -> vector<1x512xf32>
    %concatenate3A = tpu.concatenate %dot_general3A_49, %dot_general3A_52, %dot_general3A_55, %dot_general3A_58, %dot_general3A_61 in 0 : vector<1x512xf32>, vector<1x512xf32>, vector<1x512xf32>, vector<1x512xf32>, vector<1x512xf32> -> vector<5x512xf32>
    %get3A_62 = arith.constant 0 : index
    %get3A_63 = arith.constant 0 : index
    %get3A_64 = vector.load %arg3[%get3A_62, %get3A_63] : memref<2560x3xf32, #tpu.memory_space<vmem>>, vector<2560x3xf32>
    %slice3A_65 = vector.extract_strided_slice %get3A_64 {offsets = [0, 0], sizes = [512, 3], strides = [1, 1]} : vector<2560x3xf32> to vector<512x3xf32>
    %dot_general3A_66 = arith.constant dense<0.000000e+00> : vector<3x512xf32>
    %dot_general3A_67 = tpu.matmul %slice3A_65, %get3A_1, %dot_general3A_66 {dimension_numbers = #tpu.dot_dimension_numbers<[0], [0], [1], [1], [0, 1, 1, 1], [], []>, transpose_lhs_hint = false} : vector<512x3xf32>, vector<512x512xf32>, vector<3x512xf32> -> vector<3x512xf32>
    %slice3A_68 = vector.extract_strided_slice %get3A_64 {offsets = [512, 0], sizes = [512, 3], strides = [1, 1]} : vector<2560x3xf32> to vector<512x3xf32>
    %dot_general3A_69 = arith.constant dense<0.000000e+00> : vector<3x512xf32>
    %dot_general3A_70 = tpu.matmul %slice3A_68, %get3A_1, %dot_general3A_69 {dimension_numbers = #tpu.dot_dimension_numbers<[0], [0], [1], [1], [0, 1, 1, 1], [], []>, transpose_lhs_hint = false} : vector<512x3xf32>, vector<512x512xf32>, vector<3x512xf32> -> vector<3x512xf32>
    %slice3A_71 = vector.extract_strided_slice %get3A_64 {offsets = [1024, 0], sizes = [512, 3], strides = [1, 1]} : vector<2560x3xf32> to vector<512x3xf32>
    %dot_general3A_72 = arith.constant dense<0.000000e+00> : vector<3x512xf32>
    %dot_general3A_73 = tpu.matmul %slice3A_71, %get3A_1, %dot_general3A_72 {dimension_numbers = #tpu.dot_dimension_numbers<[0], [0], [1], [1], [0, 1, 1, 1], [], []>, transpose_lhs_hint = false} : vector<512x3xf32>, vector<512x512xf32>, vector<3x512xf32> -> vector<3x512xf32>
    %slice3A_74 = vector.extract_strided_slice %get3A_64 {offsets = [1536, 0], sizes = [512, 3], strides = [1, 1]} : vector<2560x3xf32> to vector<512x3xf32>
    %dot_general3A_75 = arith.constant dense<0.000000e+00> : vector<3x512xf32>
    %dot_general3A_76 = tpu.matmul %slice3A_74, %get3A_1, %dot_general3A_75 {dimension_numbers = #tpu.dot_dimension_numbers<[0], [0], [1], [1], [0, 1, 1, 1], [], []>, transpose_lhs_hint = false} : vector<512x3xf32>, vector<512x512xf32>, vector<3x512xf32> -> vector<3x512xf32>
    %slice3A_77 = vector.extract_strided_slice %get3A_64 {offsets = [2048, 0], sizes = [512, 3], strides = [1, 1]} : vector<2560x3xf32> to vector<512x3xf32>
    %dot_general3A_78 = arith.constant dense<0.000000e+00> : vector<3x512xf32>
    %dot_general3A_79 = tpu.matmul %slice3A_77, %get3A_1, %dot_general3A_78 {dimension_numbers = #tpu.dot_dimension_numbers<[0], [0], [1], [1], [0, 1, 1, 1], [], []>, transpose_lhs_hint = false} : vector<512x3xf32>, vector<512x512xf32>, vector<3x512xf32> -> vector<3x512xf32>
    %slice3A_80 = vector.extract_strided_slice %dot_general3A_67 {offsets = [0, 0], sizes = [1, 512], strides = [1, 1]} : vector<3x512xf32> to vector<1x512xf32>
    %slice3A_81 = vector.extract_strided_slice %dot_general3A_70 {offsets = [0, 0], sizes = [1, 512], strides = [1, 1]} : vector<3x512xf32> to vector<1x512xf32>
    %slice3A_82 = vector.extract_strided_slice %dot_general3A_73 {offsets = [0, 0], sizes = [1, 512], strides = [1, 1]} : vector<3x512xf32> to vector<1x512xf32>
    %slice3A_83 = vector.extract_strided_slice %dot_general3A_76 {offsets = [0, 0], sizes = [1, 512], strides = [1, 1]} : vector<3x512xf32> to vector<1x512xf32>
    %slice3A_84 = vector.extract_strided_slice %dot_general3A_79 {offsets = [0, 0], sizes = [1, 512], strides = [1, 1]} : vector<3x512xf32> to vector<1x512xf32>
    %concatenate3A_85 = tpu.concatenate %slice3A_80, %slice3A_81, %slice3A_82, %slice3A_83, %slice3A_84 in 0 : vector<1x512xf32>, vector<1x512xf32>, vector<1x512xf32>, vector<1x512xf32>, vector<1x512xf32> -> vector<5x512xf32>
    %slice3A_86 = vector.extract_strided_slice %dot_general3A_67 {offsets = [1, 0], sizes = [1, 512], strides = [1, 1]} : vector<3x512xf32> to vector<1x512xf32>
    %slice3A_87 = vector.extract_strided_slice %dot_general3A_70 {offsets = [1, 0], sizes = [1, 512], strides = [1, 1]} : vector<3x512xf32> to vector<1x512xf32>
    %slice3A_88 = vector.extract_strided_slice %dot_general3A_73 {offsets = [1, 0], sizes = [1, 512], strides = [1, 1]} : vector<3x512xf32> to vector<1x512xf32>
    %slice3A_89 = vector.extract_strided_slice %dot_general3A_76 {offsets = [1, 0], sizes = [1, 512], strides = [1, 1]} : vector<3x512xf32> to vector<1x512xf32>
    %slice3A_90 = vector.extract_strided_slice %dot_general3A_79 {offsets = [1, 0], sizes = [1, 512], strides = [1, 1]} : vector<3x512xf32> to vector<1x512xf32>
    %concatenate3A_91 = tpu.concatenate %slice3A_86, %slice3A_87, %slice3A_88, %slice3A_89, %slice3A_90 in 0 : vector<1x512xf32>, vector<1x512xf32>, vector<1x512xf32>, vector<1x512xf32>, vector<1x512xf32> -> vector<5x512xf32>
    %slice3A_92 = vector.extract_strided_slice %dot_general3A_67 {offsets = [2, 0], sizes = [1, 512], strides = [1, 1]} : vector<3x512xf32> to vector<1x512xf32>
    %slice3A_93 = vector.extract_strided_slice %dot_general3A_70 {offsets = [2, 0], sizes = [1, 512], strides = [1, 1]} : vector<3x512xf32> to vector<1x512xf32>
    %slice3A_94 = vector.extract_strided_slice %dot_general3A_73 {offsets = [2, 0], sizes = [1, 512], strides = [1, 1]} : vector<3x512xf32> to vector<1x512xf32>
    %slice3A_95 = vector.extract_strided_slice %dot_general3A_76 {offsets = [2, 0], sizes = [1, 512], strides = [1, 1]} : vector<3x512xf32> to vector<1x512xf32>
    %slice3A_96 = vector.extract_strided_slice %dot_general3A_79 {offsets = [2, 0], sizes = [1, 512], strides = [1, 1]} : vector<3x512xf32> to vector<1x512xf32>
    %concatenate3A_97 = tpu.concatenate %slice3A_92, %slice3A_93, %slice3A_94, %slice3A_95, %slice3A_96 in 0 : vector<1x512xf32>, vector<1x512xf32>, vector<1x512xf32>, vector<1x512xf32>, vector<1x512xf32> -> vector<5x512xf32>
    %mul3A_98 = arith.mulf %concatenate3A_85, %concatenate3A : vector<5x512xf32>
    %broadcast_in_dim3A = vector.shape_cast %mul3A_98 : vector<5x512xf32> to vector<1x5x512xf32>
    %swap3A = arith.constant 0 : index
    %swap3A_99 = arith.constant 0 : index
    %swap3A_100 = arith.constant 0 : index
    %swap3A_101 = vector.load %arg11[%swap3A, %swap3A_99, %swap3A_100] : memref<1x5x512xf32, #tpu.memory_space<vmem>>, vector<1x5x512xf32>
    tpu.vector_store %arg11[%swap3A, %swap3A_99, %swap3A_100], %broadcast_in_dim3A {strides = array<i32>} : memref<1x5x512xf32, #tpu.memory_space<vmem>>, vector<1x5x512xf32>,
    %mul3A_102 = arith.mulf %concatenate3A_91, %concatenate3A : vector<5x512xf32>
    %broadcast_in_dim3A_103 = vector.shape_cast %mul3A_102 : vector<5x512xf32> to vector<1x5x512xf32>
    %swap3A_104 = arith.constant 0 : index
    %swap3A_105 = arith.constant 0 : index
    %swap3A_106 = arith.constant 0 : index
    %swap3A_107 = vector.load %arg12[%swap3A_104, %swap3A_105, %swap3A_106] : memref<1x5x512xf32, #tpu.memory_space<vmem>>, vector<1x5x512xf32>
    tpu.vector_store %arg12[%swap3A_104, %swap3A_105, %swap3A_106], %broadcast_in_dim3A_103 {strides = array<i32>} : memref<1x5x512xf32, #tpu.memory_space<vmem>>, vector<1x5x512xf32>,
    %mul3A_108 = arith.mulf %concatenate3A_97, %concatenate3A : vector<5x512xf32>
    %broadcast_in_dim3A_109 = vector.shape_cast %mul3A_108 : vector<5x512xf32> to vector<1x5x512xf32>
    %swap3A_110 = arith.constant 0 : index
    %swap3A_111 = arith.constant 0 : index
    %swap3A_112 = arith.constant 0 : index
    %swap3A_113 = vector.load %arg13[%swap3A_110, %swap3A_111, %swap3A_112] : memref<1x5x512xf32, #tpu.memory_space<vmem>>, vector<1x5x512xf32>
    tpu.vector_store %arg13[%swap3A_110, %swap3A_111, %swap3A_112], %broadcast_in_dim3A_109 {strides = array<i32>} : memref<1x5x512xf32, #tpu.memory_space<vmem>>, vector<1x5x512xf32>,
    return
  }
  func.func @transform_0(%arg0: i32) -> (i32, i32) {
    %c0_i32 = arith.constant 0 : i32
    %c0_i32_0 = arith.constant 0 : i32
    return %arg0, %c0_i32 : i32, i32
  }
  func.func @transform_1(%arg0: i32) -> (i32, i32) {
    %c0_i32 = arith.constant 0 : i32
    %c0_i32_0 = arith.constant 0 : i32
    return %arg0, %c0_i32 : i32, i32
  }
  func.func @transform_2(%arg0: i32) -> (i32, i32) {
    %add3A = arith.constant 42 : i32
    %add3A_0 = arith.addi %arg0, %add3A : i32
    %c0_i32 = arith.constant 0 : i32
    %c0_i32_1 = arith.constant 0 : i32
    return %add3A_0, %c0_i32 : i32, i32
  }
  func.func @transform_3(%arg0: i32) -> (i32, i32) {
    %add3A = arith.constant 42 : i32
    %add3A_0 = arith.addi %arg0, %add3A : i32
    %c0_i32 = arith.constant 0 : i32
    %c0_i32_1 = arith.constant 0 : i32
    return %add3A_0, %c0_i32 : i32, i32
  }
  func.func @transform_4(%arg0: i32) -> (i32, i32) {
    %c0_i32 = arith.constant 0 : i32
    %c0_i32_0 = arith.constant 0 : i32
    %c0_i32_1 = arith.constant 0 : i32
    return %c0_i32, %c0_i32_0 : i32, i32
  }
  func.func @transform_5(%arg0: i32) -> (i32, i32) {
    %c0_i32 = arith.constant 0 : i32
    %c0_i32_0 = arith.constant 0 : i32
    %c0_i32_1 = arith.constant 0 : i32
    return %c0_i32, %c0_i32_0 : i32, i32
  }
  func.func @transform_6(%arg0: i32) -> (i32, i32) {
    %c0_i32 = arith.constant 0 : i32
    %c0_i32_0 = arith.constant 0 : i32
    %c0_i32_1 = arith.constant 0 : i32
    return %c0_i32, %c0_i32_0 : i32, i32
  }
  func.func @transform_7(%arg0: i32) -> (i32, i32) {
    %c0_i32 = arith.constant 0 : i32
    %c0_i32_0 = arith.constant 0 : i32
    %c0_i32_1 = arith.constant 0 : i32
    return %c0_i32, %c0_i32_0 : i32, i32
  }
  func.func @transform_8(%arg0: i32) -> (i32, i32) {
    %c0_i32 = arith.constant 0 : i32
    %c0_i32_0 = arith.constant 0 : i32
    %c0_i32_1 = arith.constant 0 : i32
    return %c0_i32, %c0_i32_0 : i32, i32
  }
  func.func @transform_9(%arg0: i32) -> (i32, i32) {
    %c0_i32 = arith.constant 0 : i32
    %c0_i32_0 = arith.constant 0 : i32
    %c0_i32_1 = arith.constant 0 : i32
    return %c0_i32, %c0_i32_0 : i32, i32
  }
  func.func @transform_10(%arg0: i32) -> (i32, i32, i32) {
    %c0_i32 = arith.constant 0 : i32
    %c0_i32_0 = arith.constant 0 : i32
    %c0_i32_1 = arith.constant 0 : i32
    return %arg0, %c0_i32, %c0_i32_0 : i32, i32, i32
  }
  func.func @transform_11(%arg0: i32) -> (i32, i32, i32) {
    %c0_i32 = arith.constant 0 : i32
    %c0_i32_0 = arith.constant 0 : i32
    %c0_i32_1 = arith.constant 0 : i32
    return %arg0, %c0_i32, %c0_i32_0 : i32, i32, i32
  }
  func.func @transform_12(%arg0: i32) -> (i32, i32, i32) {
    %c0_i32 = arith.constant 0 : i32
    %c0_i32_0 = arith.constant 0 : i32
    %c0_i32_1 = arith.constant 0 : i32
    return %arg0, %c0_i32, %c0_i32_0 : i32, i32, i32
  }
}

module attributes {stable_mosaic.version = 14 : i64} {
  func.func @body(%arg0: i32, %arg1: memref<2560x128xf32, #tpu.memory_space<vmem>>, %arg2: memref<2560x128xf32, #tpu.memory_space<vmem>>, %arg3: memref<2560x3xf32, #tpu.memory_space<vmem>>, %arg4: memref<2560x1xf32, #tpu.memory_space<vmem>>, %arg5: memref<1x128xf32, #tpu.memory_space<vmem>>, %arg6: memref<1x128xf32, #tpu.memory_space<vmem>>, %arg7: memref<128x128xf32, #tpu.memory_space<vmem>>, %arg8: memref<1x128xf32, #tpu.memory_space<vmem>>, %arg9: memref<128x1xf32, #tpu.memory_space<vmem>>, %arg10: memref<512x512xf32, #tpu.memory_space<vmem>>, %arg11: memref<1x5x512xf32, #tpu.memory_space<vmem>>, %arg12: memref<1x5x512xf32, #tpu.memory_space<vmem>>, %arg13: memref<1x5x512xf32, #tpu.memory_space<vmem>>) attributes {dimension_semantics = [#tpu.dimension_semantics<arbitrary>], iteration_bounds = array<i64: 41>, scalar_prefetch = 0 : i64, scratch_operands = 0 : i64, tpu.core_type = #tpu.core_type<tc>, window_params = [{transform_indices = @transform_0, window_bounds = array<i64: 2560, 128>}, {transform_indices = @transform_1, window_bounds = array<i64: 2560, 128>}, {transform_indices = @transform_2, window_bounds = array<i64: 2560, 3>}, {transform_indices = @transform_3, window_bounds = array<i64: 2560, 1>}, {pipeline_mode = #tpu.pipeline_mode<synchronous>, transform_indices = @transform_4, window_bounds = array<i64: 1, 128>}, {pipeline_mode = #tpu.pipeline_mode<synchronous>, transform_indices = @transform_5, window_bounds = array<i64: 1, 128>}, {pipeline_mode = #tpu.pipeline_mode<synchronous>, transform_indices = @transform_6, window_bounds = array<i64: 128, 128>}, {pipeline_mode = #tpu.pipeline_mode<synchronous>, transform_indices = @transform_7, window_bounds = array<i64: 1, 128>}, {pipeline_mode = #tpu.pipeline_mode<synchronous>, transform_indices = @transform_8, window_bounds = array<i64: 128, 1>}, {pipeline_mode = #tpu.pipeline_mode<synchronous>, transform_indices = @transform_9, window_bounds = array<i64: 512, 512>}, {transform_indices = @transform_10, window_bounds = array<i64: 1, 5, 512>}, {transform_indices = @transform_11, window_bounds = array<i64: 1, 5, 512>}, {transform_indices = @transform_12, window_bounds = array<i64: 1, 5, 512>}]} {
    %get3A = arith.constant 0 : index
    %get3A_0 = arith.constant 0 : index
    %get3A_1 = vector.load %arg10[%get3A, %get3A_0] : memref<512x512xf32, #tpu.memory_space<vmem>>, vector<512x512xf32>
    %get3A_2 = arith.constant 0 : index
    %get3A_3 = arith.constant 0 : index
    %get3A_4 = vector.load %arg4[%get3A_2, %get3A_3] : memref<2560x1xf32, #tpu.memory_space<vmem>>, vector<2560x1xf32>
    %get3A_5 = arith.constant 0 : index
    %get3A_6 = arith.constant 0 : index
    %get3A_7 = vector.load %arg5[%get3A_5, %get3A_6] : memref<1x128xf32, #tpu.memory_space<vmem>>, vector<1x128xf32>
    %dot_general3A = arith.constant dense<0.000000e+00> : vector<2560x128xf32>
    %dot_general3A_8 = tpu.matmul %get3A_4, %get3A_7, %dot_general3A {dimension_numbers = #tpu.dot_dimension_numbers<[1], [0], [0], [1], [0, 0, 1, 1], [], []>, transpose_lhs_hint = false} : vector<2560x1xf32>, vector<1x128xf32>, vector<2560x128xf32> -> vector<2560x128xf32>
    %get3A_9 = arith.constant 0 : index
    %get3A_10 = arith.constant 0 : index
    %get3A_11 = vector.load %arg1[%get3A_9, %get3A_10] : memref<2560x128xf32, #tpu.memory_space<vmem>>, vector<2560x128xf32>
    %get3A_12 = arith.constant 0 : index
    %get3A_13 = arith.constant 0 : index
    %get3A_14 = vector.load %arg2[%get3A_12, %get3A_13] : memref<2560x128xf32, #tpu.memory_space<vmem>>, vector<2560x128xf32>
    %add3A = arith.addf %get3A_11, %get3A_14 : vector<2560x128xf32>
    %add3A_15 = arith.addf %add3A, %dot_general3A_8 : vector<2560x128xf32>
    %get3A_16 = arith.constant 0 : index
    %get3A_17 = arith.constant 0 : index
    %get3A_18 = vector.load %arg6[%get3A_16, %get3A_17] : memref<1x128xf32, #tpu.memory_space<vmem>>, vector<1x128xf32>
    %add3A_19 = vector.broadcast %get3A_18 : vector<1x128xf32> to vector<2560x128xf32>
    %add3A_20 = arith.addf %add3A_15, %add3A_19 : vector<2560x128xf32>
    %logistic3A = arith.negf %add3A_20 : vector<2560x128xf32>
    %logistic3A_21 = math.exp %logistic3A : vector<2560x128xf32>
    %logistic3A_22 = arith.constant 1.000000e+00 : f32
    %logistic3A_23 = vector.broadcast %logistic3A_22 : f32 to vector<2560x128xf32>
    %logistic3A_24 = arith.addf %logistic3A_23, %logistic3A_21 : vector<2560x128xf32>
    %logistic3A_25 = arith.divf %logistic3A_23, %logistic3A_24 : vector<2560x128xf32>
    %mul3A = arith.mulf %add3A_20, %logistic3A_25 : vector<2560x128xf32>
    %get3A_26 = arith.constant 0 : index
    %get3A_27 = arith.constant 0 : index
    %get3A_28 = vector.load %arg7[%get3A_26, %get3A_27] : memref<128x128xf32, #tpu.memory_space<vmem>>, vector<128x128xf32>
    %dot_general3A_29 = arith.constant dense<0.000000e+00> : vector<2560x128xf32>
    %dot_general3A_30 = tpu.matmul %mul3A, %get3A_28, %dot_general3A_29 {dimension_numbers = #tpu.dot_dimension_numbers<[1], [0], [0], [1], [0, 0, 1, 1], [], []>, transpose_lhs_hint = false} : vector<2560x128xf32>, vector<128x128xf32>, vector<2560x128xf32> -> vector<2560x128xf32>
    %get3A_31 = arith.constant 0 : index
    %get3A_32 = arith.constant 0 : index
    %get3A_33 = vector.load %arg8[%get3A_31, %get3A_32] : memref<1x128xf32, #tpu.memory_space<vmem>>, vector<1x128xf32>
    %add3A_34 = vector.broadcast %get3A_33 : vector<1x128xf32> to vector<2560x128xf32>
    %add3A_35 = arith.addf %dot_general3A_30, %add3A_34 : vector<2560x128xf32>
    %logistic3A_36 = arith.negf %add3A_35 : vector<2560x128xf32>
    %logistic3A_37 = math.exp %logistic3A_36 : vector<2560x128xf32>
    %logistic3A_38 = arith.constant 1.000000e+00 : f32
    %logistic3A_39 = vector.broadcast %logistic3A_38 : f32 to vector<2560x128xf32>
    %logistic3A_40 = arith.addf %logistic3A_39, %logistic3A_37 : vector<2560x128xf32>
    %logistic3A_41 = arith.divf %logistic3A_39, %logistic3A_40 : vector<2560x128xf32>
    %mul3A_42 = arith.mulf %add3A_35, %logistic3A_41 : vector<2560x128xf32>
    %get3A_43 = arith.constant 0 : index
    %get3A_44 = arith.constant 0 : index
    %get3A_45 = vector.load %arg9[%get3A_43, %get3A_44] : memref<128x1xf32, #tpu.memory_space<vmem>>, vector<128x1xf32>
    %dot_general3A_46 = arith.constant dense<0.000000e+00> : vector<2560x1xf32>
    %dot_general3A_47 = tpu.matmul %mul3A_42, %get3A_45, %dot_general3A_46 {dimension_numbers = #tpu.dot_dimension_numbers<[1], [0], [0], [1], [0, 0, 1, 1], [], []>, transpose_lhs_hint = false} : vector<2560x128xf32>, vector<128x1xf32>, vector<2560x1xf32> -> vector<2560x1xf32>
    %slice3A = vector.extract_strided_slice %dot_general3A_47 {offsets = [0, 0], sizes = [512, 1], strides = [1, 1]} : vector<2560x1xf32> to vector<512x1xf32>
    %dot_general3A_48 = arith.constant dense<0.000000e+00> : vector<1x512xf32>
    %dot_general3A_49 = tpu.matmul %slice3A, %get3A_1, %dot_general3A_48 {dimension_numbers = #tpu.dot_dimension_numbers<[0], [0], [1], [1], [0, 1, 1, 1], [], []>, transpose_lhs_hint = false} : vector<512x1xf32>, vector<512x512xf32>, vector<1x512xf32> -> vector<1x512xf32>
    %slice3A_50 = vector.extract_strided_slice %dot_general3A_47 {offsets = [512, 0], sizes = [512, 1], strides = [1, 1]} : vector<2560x1xf32> to vector<512x1xf32>
    %dot_general3A_51 = arith.constant dense<0.000000e+00> : vector<1x512xf32>
    %dot_general3A_52 = tpu.matmul %slice3A_50, %get3A_1, %dot_general3A_51 {dimension_numbers = #tpu.dot_dimension_numbers<[0], [0], [1], [1], [0, 1, 1, 1], [], []>, transpose_lhs_hint = false} : vector<512x1xf32>, vector<512x512xf32>, vector<1x512xf32> -> vector<1x512xf32>
    %slice3A_53 = vector.extract_strided_slice %dot_general3A_47 {offsets = [1024, 0], sizes = [512, 1], strides = [1, 1]} : vector<2560x1xf32> to vector<512x1xf32>
    %dot_general3A_54 = arith.constant dense<0.000000e+00> : vector<1x512xf32>
    %dot_general3A_55 = tpu.matmul %slice3A_53, %get3A_1, %dot_general3A_54 {dimension_numbers = #tpu.dot_dimension_numbers<[0], [0], [1], [1], [0, 1, 1, 1], [], []>, transpose_lhs_hint = false} : vector<512x1xf32>, vector<512x512xf32>, vector<1x512xf32> -> vector<1x512xf32>
    %slice3A_56 = vector.extract_strided_slice %dot_general3A_47 {offsets = [1536, 0], sizes = [512, 1], strides = [1, 1]} : vector<2560x1xf32> to vector<512x1xf32>
    %dot_general3A_57 = arith.constant dense<0.000000e+00> : vector<1x512xf32>
    %dot_general3A_58 = tpu.matmul %slice3A_56, %get3A_1, %dot_general3A_57 {dimension_numbers = #tpu.dot_dimension_numbers<[0], [0], [1], [1], [0, 1, 1, 1], [], []>, transpose_lhs_hint = false} : vector<512x1xf32>, vector<512x512xf32>, vector<1x512xf32> -> vector<1x512xf32>
    %slice3A_59 = vector.extract_strided_slice %dot_general3A_47 {offsets = [2048, 0], sizes = [512, 1], strides = [1, 1]} : vector<2560x1xf32> to vector<512x1xf32>
    %dot_general3A_60 = arith.constant dense<0.000000e+00> : vector<1x512xf32>
    %dot_general3A_61 = tpu.matmul %slice3A_59, %get3A_1, %dot_general3A_60 {dimension_numbers = #tpu.dot_dimension_numbers<[0], [0], [1], [1], [0, 1, 1, 1], [], []>, transpose_lhs_hint = false} : vector<512x1xf32>, vector<512x512xf32>, vector<1x512xf32> -> vector<1x512xf32>
    %concatenate3A = tpu.concatenate %dot_general3A_49, %dot_general3A_52, %dot_general3A_55, %dot_general3A_58, %dot_general3A_61 in 0 : vector<1x512xf32>, vector<1x512xf32>, vector<1x512xf32>, vector<1x512xf32>, vector<1x512xf32> -> vector<5x512xf32>
    %get3A_62 = arith.constant 0 : index
    %get3A_63 = arith.constant 0 : index
    %get3A_64 = vector.load %arg3[%get3A_62, %get3A_63] : memref<2560x3xf32, #tpu.memory_space<vmem>>, vector<2560x3xf32>
    %slice3A_65 = vector.extract_strided_slice %get3A_64 {offsets = [0, 0], sizes = [512, 3], strides = [1, 1]} : vector<2560x3xf32> to vector<512x3xf32>
    %dot_general3A_66 = arith.constant dense<0.000000e+00> : vector<3x512xf32>
    %dot_general3A_67 = tpu.matmul %slice3A_65, %get3A_1, %dot_general3A_66 {dimension_numbers = #tpu.dot_dimension_numbers<[0], [0], [1], [1], [0, 1, 1, 1], [], []>, transpose_lhs_hint = false} : vector<512x3xf32>, vector<512x512xf32>, vector<3x512xf32> -> vector<3x512xf32>
    %slice3A_68 = vector.extract_strided_slice %get3A_64 {offsets = [512, 0], sizes = [512, 3], strides = [1, 1]} : vector<2560x3xf32> to vector<512x3xf32>
    %dot_general3A_69 = arith.constant dense<0.000000e+00> : vector<3x512xf32>
    %dot_general3A_70 = tpu.matmul %slice3A_68, %get3A_1, %dot_general3A_69 {dimension_numbers = #tpu.dot_dimension_numbers<[0], [0], [1], [1], [0, 1, 1, 1], [], []>, transpose_lhs_hint = false} : vector<512x3xf32>, vector<512x512xf32>, vector<3x512xf32> -> vector<3x512xf32>
    %slice3A_71 = vector.extract_strided_slice %get3A_64 {offsets = [1024, 0], sizes = [512, 3], strides = [1, 1]} : vector<2560x3xf32> to vector<512x3xf32>
    %dot_general3A_72 = arith.constant dense<0.000000e+00> : vector<3x512xf32>
    %dot_general3A_73 = tpu.matmul %slice3A_71, %get3A_1, %dot_general3A_72 {dimension_numbers = #tpu.dot_dimension_numbers<[0], [0], [1], [1], [0, 1, 1, 1], [], []>, transpose_lhs_hint = false} : vector<512x3xf32>, vector<512x512xf32>, vector<3x512xf32> -> vector<3x512xf32>
    %slice3A_74 = vector.extract_strided_slice %get3A_64 {offsets = [1536, 0], sizes = [512, 3], strides = [1, 1]} : vector<2560x3xf32> to vector<512x3xf32>
    %dot_general3A_75 = arith.constant dense<0.000000e+00> : vector<3x512xf32>
    %dot_general3A_76 = tpu.matmul %slice3A_74, %get3A_1, %dot_general3A_75 {dimension_numbers = #tpu.dot_dimension_numbers<[0], [0], [1], [1], [0, 1, 1, 1], [], []>, transpose_lhs_hint = false} : vector<512x3xf32>, vector<512x512xf32>, vector<3x512xf32> -> vector<3x512xf32>
    %slice3A_77 = vector.extract_strided_slice %get3A_64 {offsets = [2048, 0], sizes = [512, 3], strides = [1, 1]} : vector<2560x3xf32> to vector<512x3xf32>
    %dot_general3A_78 = arith.constant dense<0.000000e+00> : vector<3x512xf32>
    %dot_general3A_79 = tpu.matmul %slice3A_77, %get3A_1, %dot_general3A_78 {dimension_numbers = #tpu.dot_dimension_numbers<[0], [0], [1], [1], [0, 1, 1, 1], [], []>, transpose_lhs_hint = false} : vector<512x3xf32>, vector<512x512xf32>, vector<3x512xf32> -> vector<3x512xf32>
    %slice3A_80 = vector.extract_strided_slice %dot_general3A_67 {offsets = [0, 0], sizes = [1, 512], strides = [1, 1]} : vector<3x512xf32> to vector<1x512xf32>
    %slice3A_81 = vector.extract_strided_slice %dot_general3A_70 {offsets = [0, 0], sizes = [1, 512], strides = [1, 1]} : vector<3x512xf32> to vector<1x512xf32>
    %slice3A_82 = vector.extract_strided_slice %dot_general3A_73 {offsets = [0, 0], sizes = [1, 512], strides = [1, 1]} : vector<3x512xf32> to vector<1x512xf32>
    %slice3A_83 = vector.extract_strided_slice %dot_general3A_76 {offsets = [0, 0], sizes = [1, 512], strides = [1, 1]} : vector<3x512xf32> to vector<1x512xf32>
    %slice3A_84 = vector.extract_strided_slice %dot_general3A_79 {offsets = [0, 0], sizes = [1, 512], strides = [1, 1]} : vector<3x512xf32> to vector<1x512xf32>
    %concatenate3A_85 = tpu.concatenate %slice3A_80, %slice3A_81, %slice3A_82, %slice3A_83, %slice3A_84 in 0 : vector<1x512xf32>, vector<1x512xf32>, vector<1x512xf32>, vector<1x512xf32>, vector<1x512xf32> -> vector<5x512xf32>
    %slice3A_86 = vector.extract_strided_slice %dot_general3A_67 {offsets = [1, 0], sizes = [1, 512], strides = [1, 1]} : vector<3x512xf32> to vector<1x512xf32>
    %slice3A_87 = vector.extract_strided_slice %dot_general3A_70 {offsets = [1, 0], sizes = [1, 512], strides = [1, 1]} : vector<3x512xf32> to vector<1x512xf32>
    %slice3A_88 = vector.extract_strided_slice %dot_general3A_73 {offsets = [1, 0], sizes = [1, 512], strides = [1, 1]} : vector<3x512xf32> to vector<1x512xf32>
    %slice3A_89 = vector.extract_strided_slice %dot_general3A_76 {offsets = [1, 0], sizes = [1, 512], strides = [1, 1]} : vector<3x512xf32> to vector<1x512xf32>
    %slice3A_90 = vector.extract_strided_slice %dot_general3A_79 {offsets = [1, 0], sizes = [1, 512], strides = [1, 1]} : vector<3x512xf32> to vector<1x512xf32>
    %concatenate3A_91 = tpu.concatenate %slice3A_86, %slice3A_87, %slice3A_88, %slice3A_89, %slice3A_90 in 0 : vector<1x512xf32>, vector<1x512xf32>, vector<1x512xf32>, vector<1x512xf32>, vector<1x512xf32> -> vector<5x512xf32>
    %slice3A_92 = vector.extract_strided_slice %dot_general3A_67 {offsets = [2, 0], sizes = [1, 512], strides = [1, 1]} : vector<3x512xf32> to vector<1x512xf32>
    %slice3A_93 = vector.extract_strided_slice %dot_general3A_70 {offsets = [2, 0], sizes = [1, 512], strides = [1, 1]} : vector<3x512xf32> to vector<1x512xf32>
    %slice3A_94 = vector.extract_strided_slice %dot_general3A_73 {offsets = [2, 0], sizes = [1, 512], strides = [1, 1]} : vector<3x512xf32> to vector<1x512xf32>
    %slice3A_95 = vector.extract_strided_slice %dot_general3A_76 {offsets = [2, 0], sizes = [1, 512], strides = [1, 1]} : vector<3x512xf32> to vector<1x512xf32>
    %slice3A_96 = vector.extract_strided_slice %dot_general3A_79 {offsets = [2, 0], sizes = [1, 512], strides = [1, 1]} : vector<3x512xf32> to vector<1x512xf32>
    %concatenate3A_97 = tpu.concatenate %slice3A_92, %slice3A_93, %slice3A_94, %slice3A_95, %slice3A_96 in 0 : vector<1x512xf32>, vector<1x512xf32>, vector<1x512xf32>, vector<1x512xf32>, vector<1x512xf32> -> vector<5x512xf32>
    %mul3A_98 = arith.mulf %concatenate3A_85, %concatenate3A : vector<5x512xf32>
    %broadcast_in_dim3A = vector.shape_cast %mul3A_98 : vector<5x512xf32> to vector<1x5x512xf32>
    %swap3A = arith.constant 0 : index
    %swap3A_99 = arith.constant 0 : index
    %swap3A_100 = arith.constant 0 : index
    %swap3A_101 = vector.load %arg11[%swap3A, %swap3A_99, %swap3A_100] : memref<1x5x512xf32, #tpu.memory_space<vmem>>, vector<1x5x512xf32>
    tpu.vector_store %arg11[%swap3A, %swap3A_99, %swap3A_100], %broadcast_in_dim3A {strides = array<i32>} : memref<1x5x512xf32, #tpu.memory_space<vmem>>, vector<1x5x512xf32>,
    %mul3A_102 = arith.mulf %concatenate3A_91, %concatenate3A : vector<5x512xf32>
    %broadcast_in_dim3A_103 = vector.shape_cast %mul3A_102 : vector<5x512xf32> to vector<1x5x512xf32>
    %swap3A_104 = arith.constant 0 : index
    %swap3A_105 = arith.constant 0 : index
    %swap3A_106 = arith.constant 0 : index
    %swap3A_107 = vector.load %arg12[%swap3A_104, %swap3A_105, %swap3A_106] : memref<1x5x512xf32, #tpu.memory_space<vmem>>, vector<1x5x512xf32>
    tpu.vector_store %arg12[%swap3A_104, %swap3A_105, %swap3A_106], %broadcast_in_dim3A_103 {strides = array<i32>} : memref<1x5x512xf32, #tpu.memory_space<vmem>>, vector<1x5x512xf32>,
    %mul3A_108 = arith.mulf %concatenate3A_97, %concatenate3A : vector<5x512xf32>
    %broadcast_in_dim3A_109 = vector.shape_cast %mul3A_108 : vector<5x512xf32> to vector<1x5x512xf32>
    %swap3A_110 = arith.constant 0 : index
    %swap3A_111 = arith.constant 0 : index
    %swap3A_112 = arith.constant 0 : index
    %swap3A_113 = vector.load %arg13[%swap3A_110, %swap3A_111, %swap3A_112] : memref<1x5x512xf32, #tpu.memory_space<vmem>>, vector<1x5x512xf32>
    tpu.vector_store %arg13[%swap3A_110, %swap3A_111, %swap3A_112], %broadcast_in_dim3A_109 {strides = array<i32>} : memref<1x5x512xf32, #tpu.memory_space<vmem>>, vector<1x5x512xf32>,
    return
  }
  func.func @transform_0(%arg0: i32) -> (i32, i32) {
    %c0_i32 = arith.constant 0 : i32
    %c0_i32_0 = arith.constant 0 : i32
    return %arg0, %c0_i32 : i32, i32
  }
  func.func @transform_1(%arg0: i32) -> (i32, i32) {
    %c0_i32 = arith.constant 0 : i32
    %c0_i32_0 = arith.constant 0 : i32
    return %arg0, %c0_i32 : i32, i32
  }
  func.func @transform_2(%arg0: i32) -> (i32, i32) {
    %add3A = arith.constant 84 : i32
    %add3A_0 = arith.addi %arg0, %add3A : i32
    %c0_i32 = arith.constant 0 : i32
    %c0_i32_1 = arith.constant 0 : i32
    return %add3A_0, %c0_i32 : i32, i32
  }
  func.func @transform_3(%arg0: i32) -> (i32, i32) {
    %add3A = arith.constant 84 : i32
    %add3A_0 = arith.addi %arg0, %add3A : i32
    %c0_i32 = arith.constant 0 : i32
    %c0_i32_1 = arith.constant 0 : i32
    return %add3A_0, %c0_i32 : i32, i32
  }
  func.func @transform_4(%arg0: i32) -> (i32, i32) {
    %c0_i32 = arith.constant 0 : i32
    %c0_i32_0 = arith.constant 0 : i32
    %c0_i32_1 = arith.constant 0 : i32
    return %c0_i32, %c0_i32_0 : i32, i32
  }
  func.func @transform_5(%arg0: i32) -> (i32, i32) {
    %c0_i32 = arith.constant 0 : i32
    %c0_i32_0 = arith.constant 0 : i32
    %c0_i32_1 = arith.constant 0 : i32
    return %c0_i32, %c0_i32_0 : i32, i32
  }
  func.func @transform_6(%arg0: i32) -> (i32, i32) {
    %c0_i32 = arith.constant 0 : i32
    %c0_i32_0 = arith.constant 0 : i32
    %c0_i32_1 = arith.constant 0 : i32
    return %c0_i32, %c0_i32_0 : i32, i32
  }
  func.func @transform_7(%arg0: i32) -> (i32, i32) {
    %c0_i32 = arith.constant 0 : i32
    %c0_i32_0 = arith.constant 0 : i32
    %c0_i32_1 = arith.constant 0 : i32
    return %c0_i32, %c0_i32_0 : i32, i32
  }
  func.func @transform_8(%arg0: i32) -> (i32, i32) {
    %c0_i32 = arith.constant 0 : i32
    %c0_i32_0 = arith.constant 0 : i32
    %c0_i32_1 = arith.constant 0 : i32
    return %c0_i32, %c0_i32_0 : i32, i32
  }
  func.func @transform_9(%arg0: i32) -> (i32, i32) {
    %c0_i32 = arith.constant 0 : i32
    %c0_i32_0 = arith.constant 0 : i32
    %c0_i32_1 = arith.constant 0 : i32
    return %c0_i32, %c0_i32_0 : i32, i32
  }
  func.func @transform_10(%arg0: i32) -> (i32, i32, i32) {
    %c0_i32 = arith.constant 0 : i32
    %c0_i32_0 = arith.constant 0 : i32
    %c0_i32_1 = arith.constant 0 : i32
    return %arg0, %c0_i32, %c0_i32_0 : i32, i32, i32
  }
  func.func @transform_11(%arg0: i32) -> (i32, i32, i32) {
    %c0_i32 = arith.constant 0 : i32
    %c0_i32_0 = arith.constant 0 : i32
    %c0_i32_1 = arith.constant 0 : i32
    return %arg0, %c0_i32, %c0_i32_0 : i32, i32, i32
  }
  func.func @transform_12(%arg0: i32) -> (i32, i32, i32) {
    %c0_i32 = arith.constant 0 : i32
    %c0_i32_0 = arith.constant 0 : i32
    %c0_i32_1 = arith.constant 0 : i32
    return %arg0, %c0_i32, %c0_i32_0 : i32, i32, i32
  }
}

module attributes {stable_mosaic.version = 14 : i64} {
  func.func @body(%arg0: i32, %arg1: memref<2560x128xf32, #tpu.memory_space<vmem>>, %arg2: memref<2560x128xf32, #tpu.memory_space<vmem>>, %arg3: memref<2560x3xf32, #tpu.memory_space<vmem>>, %arg4: memref<2560x1xf32, #tpu.memory_space<vmem>>, %arg5: memref<1x128xf32, #tpu.memory_space<vmem>>, %arg6: memref<1x128xf32, #tpu.memory_space<vmem>>, %arg7: memref<128x128xf32, #tpu.memory_space<vmem>>, %arg8: memref<1x128xf32, #tpu.memory_space<vmem>>, %arg9: memref<128x1xf32, #tpu.memory_space<vmem>>, %arg10: memref<512x512xf32, #tpu.memory_space<vmem>>, %arg11: memref<1x5x512xf32, #tpu.memory_space<vmem>>, %arg12: memref<1x5x512xf32, #tpu.memory_space<vmem>>, %arg13: memref<1x5x512xf32, #tpu.memory_space<vmem>>) attributes {dimension_semantics = [#tpu.dimension_semantics<arbitrary>], iteration_bounds = array<i64: 42>, scalar_prefetch = 0 : i64, scratch_operands = 0 : i64, tpu.core_type = #tpu.core_type<tc>, window_params = [{transform_indices = @transform_0, window_bounds = array<i64: 2560, 128>}, {transform_indices = @transform_1, window_bounds = array<i64: 2560, 128>}, {transform_indices = @transform_2, window_bounds = array<i64: 2560, 3>}, {transform_indices = @transform_3, window_bounds = array<i64: 2560, 1>}, {pipeline_mode = #tpu.pipeline_mode<synchronous>, transform_indices = @transform_4, window_bounds = array<i64: 1, 128>}, {pipeline_mode = #tpu.pipeline_mode<synchronous>, transform_indices = @transform_5, window_bounds = array<i64: 1, 128>}, {pipeline_mode = #tpu.pipeline_mode<synchronous>, transform_indices = @transform_6, window_bounds = array<i64: 128, 128>}, {pipeline_mode = #tpu.pipeline_mode<synchronous>, transform_indices = @transform_7, window_bounds = array<i64: 1, 128>}, {pipeline_mode = #tpu.pipeline_mode<synchronous>, transform_indices = @transform_8, window_bounds = array<i64: 128, 1>}, {pipeline_mode = #tpu.pipeline_mode<synchronous>, transform_indices = @transform_9, window_bounds = array<i64: 512, 512>}, {transform_indices = @transform_10, window_bounds = array<i64: 1, 5, 512>}, {transform_indices = @transform_11, window_bounds = array<i64: 1, 5, 512>}, {transform_indices = @transform_12, window_bounds = array<i64: 1, 5, 512>}]} {
    %get3A = arith.constant 0 : index
    %get3A_0 = arith.constant 0 : index
    %get3A_1 = vector.load %arg10[%get3A, %get3A_0] : memref<512x512xf32, #tpu.memory_space<vmem>>, vector<512x512xf32>
    %get3A_2 = arith.constant 0 : index
    %get3A_3 = arith.constant 0 : index
    %get3A_4 = vector.load %arg4[%get3A_2, %get3A_3] : memref<2560x1xf32, #tpu.memory_space<vmem>>, vector<2560x1xf32>
    %get3A_5 = arith.constant 0 : index
    %get3A_6 = arith.constant 0 : index
    %get3A_7 = vector.load %arg5[%get3A_5, %get3A_6] : memref<1x128xf32, #tpu.memory_space<vmem>>, vector<1x128xf32>
    %dot_general3A = arith.constant dense<0.000000e+00> : vector<2560x128xf32>
    %dot_general3A_8 = tpu.matmul %get3A_4, %get3A_7, %dot_general3A {dimension_numbers = #tpu.dot_dimension_numbers<[1], [0], [0], [1], [0, 0, 1, 1], [], []>, transpose_lhs_hint = false} : vector<2560x1xf32>, vector<1x128xf32>, vector<2560x128xf32> -> vector<2560x128xf32>
    %get3A_9 = arith.constant 0 : index
    %get3A_10 = arith.constant 0 : index
    %get3A_11 = vector.load %arg1[%get3A_9, %get3A_10] : memref<2560x128xf32, #tpu.memory_space<vmem>>, vector<2560x128xf32>
    %get3A_12 = arith.constant 0 : index
    %get3A_13 = arith.constant 0 : index
    %get3A_14 = vector.load %arg2[%get3A_12, %get3A_13] : memref<2560x128xf32, #tpu.memory_space<vmem>>, vector<2560x128xf32>
    %add3A = arith.addf %get3A_11, %get3A_14 : vector<2560x128xf32>
    %add3A_15 = arith.addf %add3A, %dot_general3A_8 : vector<2560x128xf32>
    %get3A_16 = arith.constant 0 : index
    %get3A_17 = arith.constant 0 : index
    %get3A_18 = vector.load %arg6[%get3A_16, %get3A_17] : memref<1x128xf32, #tpu.memory_space<vmem>>, vector<1x128xf32>
    %add3A_19 = vector.broadcast %get3A_18 : vector<1x128xf32> to vector<2560x128xf32>
    %add3A_20 = arith.addf %add3A_15, %add3A_19 : vector<2560x128xf32>
    %logistic3A = arith.negf %add3A_20 : vector<2560x128xf32>
    %logistic3A_21 = math.exp %logistic3A : vector<2560x128xf32>
    %logistic3A_22 = arith.constant 1.000000e+00 : f32
    %logistic3A_23 = vector.broadcast %logistic3A_22 : f32 to vector<2560x128xf32>
    %logistic3A_24 = arith.addf %logistic3A_23, %logistic3A_21 : vector<2560x128xf32>
    %logistic3A_25 = arith.divf %logistic3A_23, %logistic3A_24 : vector<2560x128xf32>
    %mul3A = arith.mulf %add3A_20, %logistic3A_25 : vector<2560x128xf32>
    %get3A_26 = arith.constant 0 : index
    %get3A_27 = arith.constant 0 : index
    %get3A_28 = vector.load %arg7[%get3A_26, %get3A_27] : memref<128x128xf32, #tpu.memory_space<vmem>>, vector<128x128xf32>
    %dot_general3A_29 = arith.constant dense<0.000000e+00> : vector<2560x128xf32>
    %dot_general3A_30 = tpu.matmul %mul3A, %get3A_28, %dot_general3A_29 {dimension_numbers = #tpu.dot_dimension_numbers<[1], [0], [0], [1], [0, 0, 1, 1], [], []>, transpose_lhs_hint = false} : vector<2560x128xf32>, vector<128x128xf32>, vector<2560x128xf32> -> vector<2560x128xf32>
    %get3A_31 = arith.constant 0 : index
    %get3A_32 = arith.constant 0 : index
    %get3A_33 = vector.load %arg8[%get3A_31, %get3A_32] : memref<1x128xf32, #tpu.memory_space<vmem>>, vector<1x128xf32>
    %add3A_34 = vector.broadcast %get3A_33 : vector<1x128xf32> to vector<2560x128xf32>
    %add3A_35 = arith.addf %dot_general3A_30, %add3A_34 : vector<2560x128xf32>
    %logistic3A_36 = arith.negf %add3A_35 : vector<2560x128xf32>
    %logistic3A_37 = math.exp %logistic3A_36 : vector<2560x128xf32>
    %logistic3A_38 = arith.constant 1.000000e+00 : f32
    %logistic3A_39 = vector.broadcast %logistic3A_38 : f32 to vector<2560x128xf32>
    %logistic3A_40 = arith.addf %logistic3A_39, %logistic3A_37 : vector<2560x128xf32>
    %logistic3A_41 = arith.divf %logistic3A_39, %logistic3A_40 : vector<2560x128xf32>
    %mul3A_42 = arith.mulf %add3A_35, %logistic3A_41 : vector<2560x128xf32>
    %get3A_43 = arith.constant 0 : index
    %get3A_44 = arith.constant 0 : index
    %get3A_45 = vector.load %arg9[%get3A_43, %get3A_44] : memref<128x1xf32, #tpu.memory_space<vmem>>, vector<128x1xf32>
    %dot_general3A_46 = arith.constant dense<0.000000e+00> : vector<2560x1xf32>
    %dot_general3A_47 = tpu.matmul %mul3A_42, %get3A_45, %dot_general3A_46 {dimension_numbers = #tpu.dot_dimension_numbers<[1], [0], [0], [1], [0, 0, 1, 1], [], []>, transpose_lhs_hint = false} : vector<2560x128xf32>, vector<128x1xf32>, vector<2560x1xf32> -> vector<2560x1xf32>
    %slice3A = vector.extract_strided_slice %dot_general3A_47 {offsets = [0, 0], sizes = [512, 1], strides = [1, 1]} : vector<2560x1xf32> to vector<512x1xf32>
    %dot_general3A_48 = arith.constant dense<0.000000e+00> : vector<1x512xf32>
    %dot_general3A_49 = tpu.matmul %slice3A, %get3A_1, %dot_general3A_48 {dimension_numbers = #tpu.dot_dimension_numbers<[0], [0], [1], [1], [0, 1, 1, 1], [], []>, transpose_lhs_hint = false} : vector<512x1xf32>, vector<512x512xf32>, vector<1x512xf32> -> vector<1x512xf32>
    %slice3A_50 = vector.extract_strided_slice %dot_general3A_47 {offsets = [512, 0], sizes = [512, 1], strides = [1, 1]} : vector<2560x1xf32> to vector<512x1xf32>
    %dot_general3A_51 = arith.constant dense<0.000000e+00> : vector<1x512xf32>
    %dot_general3A_52 = tpu.matmul %slice3A_50, %get3A_1, %dot_general3A_51 {dimension_numbers = #tpu.dot_dimension_numbers<[0], [0], [1], [1], [0, 1, 1, 1], [], []>, transpose_lhs_hint = false} : vector<512x1xf32>, vector<512x512xf32>, vector<1x512xf32> -> vector<1x512xf32>
    %slice3A_53 = vector.extract_strided_slice %dot_general3A_47 {offsets = [1024, 0], sizes = [512, 1], strides = [1, 1]} : vector<2560x1xf32> to vector<512x1xf32>
    %dot_general3A_54 = arith.constant dense<0.000000e+00> : vector<1x512xf32>
    %dot_general3A_55 = tpu.matmul %slice3A_53, %get3A_1, %dot_general3A_54 {dimension_numbers = #tpu.dot_dimension_numbers<[0], [0], [1], [1], [0, 1, 1, 1], [], []>, transpose_lhs_hint = false} : vector<512x1xf32>, vector<512x512xf32>, vector<1x512xf32> -> vector<1x512xf32>
    %slice3A_56 = vector.extract_strided_slice %dot_general3A_47 {offsets = [1536, 0], sizes = [512, 1], strides = [1, 1]} : vector<2560x1xf32> to vector<512x1xf32>
    %dot_general3A_57 = arith.constant dense<0.000000e+00> : vector<1x512xf32>
    %dot_general3A_58 = tpu.matmul %slice3A_56, %get3A_1, %dot_general3A_57 {dimension_numbers = #tpu.dot_dimension_numbers<[0], [0], [1], [1], [0, 1, 1, 1], [], []>, transpose_lhs_hint = false} : vector<512x1xf32>, vector<512x512xf32>, vector<1x512xf32> -> vector<1x512xf32>
    %slice3A_59 = vector.extract_strided_slice %dot_general3A_47 {offsets = [2048, 0], sizes = [512, 1], strides = [1, 1]} : vector<2560x1xf32> to vector<512x1xf32>
    %dot_general3A_60 = arith.constant dense<0.000000e+00> : vector<1x512xf32>
    %dot_general3A_61 = tpu.matmul %slice3A_59, %get3A_1, %dot_general3A_60 {dimension_numbers = #tpu.dot_dimension_numbers<[0], [0], [1], [1], [0, 1, 1, 1], [], []>, transpose_lhs_hint = false} : vector<512x1xf32>, vector<512x512xf32>, vector<1x512xf32> -> vector<1x512xf32>
    %concatenate3A = tpu.concatenate %dot_general3A_49, %dot_general3A_52, %dot_general3A_55, %dot_general3A_58, %dot_general3A_61 in 0 : vector<1x512xf32>, vector<1x512xf32>, vector<1x512xf32>, vector<1x512xf32>, vector<1x512xf32> -> vector<5x512xf32>
    %get3A_62 = arith.constant 0 : index
    %get3A_63 = arith.constant 0 : index
    %get3A_64 = vector.load %arg3[%get3A_62, %get3A_63] : memref<2560x3xf32, #tpu.memory_space<vmem>>, vector<2560x3xf32>
    %slice3A_65 = vector.extract_strided_slice %get3A_64 {offsets = [0, 0], sizes = [512, 3], strides = [1, 1]} : vector<2560x3xf32> to vector<512x3xf32>
    %dot_general3A_66 = arith.constant dense<0.000000e+00> : vector<3x512xf32>
    %dot_general3A_67 = tpu.matmul %slice3A_65, %get3A_1, %dot_general3A_66 {dimension_numbers = #tpu.dot_dimension_numbers<[0], [0], [1], [1], [0, 1, 1, 1], [], []>, transpose_lhs_hint = false} : vector<512x3xf32>, vector<512x512xf32>, vector<3x512xf32> -> vector<3x512xf32>
    %slice3A_68 = vector.extract_strided_slice %get3A_64 {offsets = [512, 0], sizes = [512, 3], strides = [1, 1]} : vector<2560x3xf32> to vector<512x3xf32>
    %dot_general3A_69 = arith.constant dense<0.000000e+00> : vector<3x512xf32>
    %dot_general3A_70 = tpu.matmul %slice3A_68, %get3A_1, %dot_general3A_69 {dimension_numbers = #tpu.dot_dimension_numbers<[0], [0], [1], [1], [0, 1, 1, 1], [], []>, transpose_lhs_hint = false} : vector<512x3xf32>, vector<512x512xf32>, vector<3x512xf32> -> vector<3x512xf32>
    %slice3A_71 = vector.extract_strided_slice %get3A_64 {offsets = [1024, 0], sizes = [512, 3], strides = [1, 1]} : vector<2560x3xf32> to vector<512x3xf32>
    %dot_general3A_72 = arith.constant dense<0.000000e+00> : vector<3x512xf32>
    %dot_general3A_73 = tpu.matmul %slice3A_71, %get3A_1, %dot_general3A_72 {dimension_numbers = #tpu.dot_dimension_numbers<[0], [0], [1], [1], [0, 1, 1, 1], [], []>, transpose_lhs_hint = false} : vector<512x3xf32>, vector<512x512xf32>, vector<3x512xf32> -> vector<3x512xf32>
    %slice3A_74 = vector.extract_strided_slice %get3A_64 {offsets = [1536, 0], sizes = [512, 3], strides = [1, 1]} : vector<2560x3xf32> to vector<512x3xf32>
    %dot_general3A_75 = arith.constant dense<0.000000e+00> : vector<3x512xf32>
    %dot_general3A_76 = tpu.matmul %slice3A_74, %get3A_1, %dot_general3A_75 {dimension_numbers = #tpu.dot_dimension_numbers<[0], [0], [1], [1], [0, 1, 1, 1], [], []>, transpose_lhs_hint = false} : vector<512x3xf32>, vector<512x512xf32>, vector<3x512xf32> -> vector<3x512xf32>
    %slice3A_77 = vector.extract_strided_slice %get3A_64 {offsets = [2048, 0], sizes = [512, 3], strides = [1, 1]} : vector<2560x3xf32> to vector<512x3xf32>
    %dot_general3A_78 = arith.constant dense<0.000000e+00> : vector<3x512xf32>
    %dot_general3A_79 = tpu.matmul %slice3A_77, %get3A_1, %dot_general3A_78 {dimension_numbers = #tpu.dot_dimension_numbers<[0], [0], [1], [1], [0, 1, 1, 1], [], []>, transpose_lhs_hint = false} : vector<512x3xf32>, vector<512x512xf32>, vector<3x512xf32> -> vector<3x512xf32>
    %slice3A_80 = vector.extract_strided_slice %dot_general3A_67 {offsets = [0, 0], sizes = [1, 512], strides = [1, 1]} : vector<3x512xf32> to vector<1x512xf32>
    %slice3A_81 = vector.extract_strided_slice %dot_general3A_70 {offsets = [0, 0], sizes = [1, 512], strides = [1, 1]} : vector<3x512xf32> to vector<1x512xf32>
    %slice3A_82 = vector.extract_strided_slice %dot_general3A_73 {offsets = [0, 0], sizes = [1, 512], strides = [1, 1]} : vector<3x512xf32> to vector<1x512xf32>
    %slice3A_83 = vector.extract_strided_slice %dot_general3A_76 {offsets = [0, 0], sizes = [1, 512], strides = [1, 1]} : vector<3x512xf32> to vector<1x512xf32>
    %slice3A_84 = vector.extract_strided_slice %dot_general3A_79 {offsets = [0, 0], sizes = [1, 512], strides = [1, 1]} : vector<3x512xf32> to vector<1x512xf32>
    %concatenate3A_85 = tpu.concatenate %slice3A_80, %slice3A_81, %slice3A_82, %slice3A_83, %slice3A_84 in 0 : vector<1x512xf32>, vector<1x512xf32>, vector<1x512xf32>, vector<1x512xf32>, vector<1x512xf32> -> vector<5x512xf32>
    %slice3A_86 = vector.extract_strided_slice %dot_general3A_67 {offsets = [1, 0], sizes = [1, 512], strides = [1, 1]} : vector<3x512xf32> to vector<1x512xf32>
    %slice3A_87 = vector.extract_strided_slice %dot_general3A_70 {offsets = [1, 0], sizes = [1, 512], strides = [1, 1]} : vector<3x512xf32> to vector<1x512xf32>
    %slice3A_88 = vector.extract_strided_slice %dot_general3A_73 {offsets = [1, 0], sizes = [1, 512], strides = [1, 1]} : vector<3x512xf32> to vector<1x512xf32>
    %slice3A_89 = vector.extract_strided_slice %dot_general3A_76 {offsets = [1, 0], sizes = [1, 512], strides = [1, 1]} : vector<3x512xf32> to vector<1x512xf32>
    %slice3A_90 = vector.extract_strided_slice %dot_general3A_79 {offsets = [1, 0], sizes = [1, 512], strides = [1, 1]} : vector<3x512xf32> to vector<1x512xf32>
    %concatenate3A_91 = tpu.concatenate %slice3A_86, %slice3A_87, %slice3A_88, %slice3A_89, %slice3A_90 in 0 : vector<1x512xf32>, vector<1x512xf32>, vector<1x512xf32>, vector<1x512xf32>, vector<1x512xf32> -> vector<5x512xf32>
    %slice3A_92 = vector.extract_strided_slice %dot_general3A_67 {offsets = [2, 0], sizes = [1, 512], strides = [1, 1]} : vector<3x512xf32> to vector<1x512xf32>
    %slice3A_93 = vector.extract_strided_slice %dot_general3A_70 {offsets = [2, 0], sizes = [1, 512], strides = [1, 1]} : vector<3x512xf32> to vector<1x512xf32>
    %slice3A_94 = vector.extract_strided_slice %dot_general3A_73 {offsets = [2, 0], sizes = [1, 512], strides = [1, 1]} : vector<3x512xf32> to vector<1x512xf32>
    %slice3A_95 = vector.extract_strided_slice %dot_general3A_76 {offsets = [2, 0], sizes = [1, 512], strides = [1, 1]} : vector<3x512xf32> to vector<1x512xf32>
    %slice3A_96 = vector.extract_strided_slice %dot_general3A_79 {offsets = [2, 0], sizes = [1, 512], strides = [1, 1]} : vector<3x512xf32> to vector<1x512xf32>
    %concatenate3A_97 = tpu.concatenate %slice3A_92, %slice3A_93, %slice3A_94, %slice3A_95, %slice3A_96 in 0 : vector<1x512xf32>, vector<1x512xf32>, vector<1x512xf32>, vector<1x512xf32>, vector<1x512xf32> -> vector<5x512xf32>
    %mul3A_98 = arith.mulf %concatenate3A_85, %concatenate3A : vector<5x512xf32>
    %broadcast_in_dim3A = vector.shape_cast %mul3A_98 : vector<5x512xf32> to vector<1x5x512xf32>
    %swap3A = arith.constant 0 : index
    %swap3A_99 = arith.constant 0 : index
    %swap3A_100 = arith.constant 0 : index
    %swap3A_101 = vector.load %arg11[%swap3A, %swap3A_99, %swap3A_100] : memref<1x5x512xf32, #tpu.memory_space<vmem>>, vector<1x5x512xf32>
    tpu.vector_store %arg11[%swap3A, %swap3A_99, %swap3A_100], %broadcast_in_dim3A {strides = array<i32>} : memref<1x5x512xf32, #tpu.memory_space<vmem>>, vector<1x5x512xf32>,
    %mul3A_102 = arith.mulf %concatenate3A_91, %concatenate3A : vector<5x512xf32>
    %broadcast_in_dim3A_103 = vector.shape_cast %mul3A_102 : vector<5x512xf32> to vector<1x5x512xf32>
    %swap3A_104 = arith.constant 0 : index
    %swap3A_105 = arith.constant 0 : index
    %swap3A_106 = arith.constant 0 : index
    %swap3A_107 = vector.load %arg12[%swap3A_104, %swap3A_105, %swap3A_106] : memref<1x5x512xf32, #tpu.memory_space<vmem>>, vector<1x5x512xf32>
    tpu.vector_store %arg12[%swap3A_104, %swap3A_105, %swap3A_106], %broadcast_in_dim3A_103 {strides = array<i32>} : memref<1x5x512xf32, #tpu.memory_space<vmem>>, vector<1x5x512xf32>,
    %mul3A_108 = arith.mulf %concatenate3A_97, %concatenate3A : vector<5x512xf32>
    %broadcast_in_dim3A_109 = vector.shape_cast %mul3A_108 : vector<5x512xf32> to vector<1x5x512xf32>
    %swap3A_110 = arith.constant 0 : index
    %swap3A_111 = arith.constant 0 : index
    %swap3A_112 = arith.constant 0 : index
    %swap3A_113 = vector.load %arg13[%swap3A_110, %swap3A_111, %swap3A_112] : memref<1x5x512xf32, #tpu.memory_space<vmem>>, vector<1x5x512xf32>
    tpu.vector_store %arg13[%swap3A_110, %swap3A_111, %swap3A_112], %broadcast_in_dim3A_109 {strides = array<i32>} : memref<1x5x512xf32, #tpu.memory_space<vmem>>, vector<1x5x512xf32>,
    return
  }
  func.func @transform_0(%arg0: i32) -> (i32, i32) {
    %c0_i32 = arith.constant 0 : i32
    %c0_i32_0 = arith.constant 0 : i32
    return %arg0, %c0_i32 : i32, i32
  }
  func.func @transform_1(%arg0: i32) -> (i32, i32) {
    %c0_i32 = arith.constant 0 : i32
    %c0_i32_0 = arith.constant 0 : i32
    return %arg0, %c0_i32 : i32, i32
  }
  func.func @transform_2(%arg0: i32) -> (i32, i32) {
    %add3A = arith.constant 0 : i32
    %add3A_0 = arith.addi %arg0, %add3A : i32
    %c0_i32 = arith.constant 0 : i32
    %c0_i32_1 = arith.constant 0 : i32
    return %add3A_0, %c0_i32 : i32, i32
  }
  func.func @transform_3(%arg0: i32) -> (i32, i32) {
    %add3A = arith.constant 0 : i32
    %add3A_0 = arith.addi %arg0, %add3A : i32
    %c0_i32 = arith.constant 0 : i32
    %c0_i32_1 = arith.constant 0 : i32
    return %add3A_0, %c0_i32 : i32, i32
  }
  func.func @transform_4(%arg0: i32) -> (i32, i32) {
    %c0_i32 = arith.constant 0 : i32
    %c0_i32_0 = arith.constant 0 : i32
    %c0_i32_1 = arith.constant 0 : i32
    return %c0_i32, %c0_i32_0 : i32, i32
  }
  func.func @transform_5(%arg0: i32) -> (i32, i32) {
    %c0_i32 = arith.constant 0 : i32
    %c0_i32_0 = arith.constant 0 : i32
    %c0_i32_1 = arith.constant 0 : i32
    return %c0_i32, %c0_i32_0 : i32, i32
  }
  func.func @transform_6(%arg0: i32) -> (i32, i32) {
    %c0_i32 = arith.constant 0 : i32
    %c0_i32_0 = arith.constant 0 : i32
    %c0_i32_1 = arith.constant 0 : i32
    return %c0_i32, %c0_i32_0 : i32, i32
  }
  func.func @transform_7(%arg0: i32) -> (i32, i32) {
    %c0_i32 = arith.constant 0 : i32
    %c0_i32_0 = arith.constant 0 : i32
    %c0_i32_1 = arith.constant 0 : i32
    return %c0_i32, %c0_i32_0 : i32, i32
  }
  func.func @transform_8(%arg0: i32) -> (i32, i32) {
    %c0_i32 = arith.constant 0 : i32
    %c0_i32_0 = arith.constant 0 : i32
    %c0_i32_1 = arith.constant 0 : i32
    return %c0_i32, %c0_i32_0 : i32, i32
  }
  func.func @transform_9(%arg0: i32) -> (i32, i32) {
    %c0_i32 = arith.constant 0 : i32
    %c0_i32_0 = arith.constant 0 : i32
    %c0_i32_1 = arith.constant 0 : i32
    return %c0_i32, %c0_i32_0 : i32, i32
  }
  func.func @transform_10(%arg0: i32) -> (i32, i32, i32) {
    %c0_i32 = arith.constant 0 : i32
    %c0_i32_0 = arith.constant 0 : i32
    %c0_i32_1 = arith.constant 0 : i32
    return %arg0, %c0_i32, %c0_i32_0 : i32, i32, i32
  }
  func.func @transform_11(%arg0: i32) -> (i32, i32, i32) {
    %c0_i32 = arith.constant 0 : i32
    %c0_i32_0 = arith.constant 0 : i32
    %c0_i32_1 = arith.constant 0 : i32
    return %arg0, %c0_i32, %c0_i32_0 : i32, i32, i32
  }
  func.func @transform_12(%arg0: i32) -> (i32, i32, i32) {
    %c0_i32 = arith.constant 0 : i32
    %c0_i32_0 = arith.constant 0 : i32
    %c0_i32_1 = arith.constant 0 : i32
    return %arg0, %c0_i32, %c0_i32_0 : i32, i32, i32
  }
}

</mosaic_0001>

<sc_bundles>
// kernel: kernel.10.cloned.1.call-start
scs
__scs_entry_jumppad:
0x0: {  	(pc) =	sbr.rel $0x88, $3  }
0x1: {  	(tag) =	ssettag $0x0;
	lr =	simm.s32 $0x1  }
0x2: {  	[smem:$0x3F97] =	sst lr;
	_ =	strace $0xD0000000  }
0x3: {  	_ = 	snop  }
0x4: {  	_ = 	snop  }
0x5: {  	_ = 	snop  }
0x6: {  	_ = 	snop  }
0x7: {  	_ = 	snop  }
__scs_overlays_trampoline_lowered:
0x8: {  	[smem:$0x3FA6] =	sst s0  }
0x9: {  	[smem:$0x3FA7] =	sst s1  }
0xa: {  	[smem:$0x3FA8] =	sst s2  }
0xb: {  	[smem:$0x3FA9] =	sst s3  }
0xc: {  	[smem:$0x3FAA] =	sst s4  }
0xd: {  	[smem:$0x3FAB] =	sst s5  }
0xe: {  	[smem:$0x3FAC] =	sst s6  }
0xf: {  	[smem:$0x3FAD] =	sst s7  }
0x10: {  	[smem:$0x3FAE] =	sst s8  }
0x11: {  	[smem:$0x3FAF] =	sst s9;
	s0 =	simm.s32 @!p0 $0x0  }
0x12: {  	s1 =	sld [smem:$0x3F95];
	s0 =	simm.s32 @p0 $0x1  }
0x13: {  	[smem:$0x3FB0] =	sst s0;
	s0 =	simm.s32 @!p1 $0x0  }
0x14: {  	s2 =	sld [smem:$0x3F94];
	s0 =	simm.s32 @p1 $0x1  }
0x15: {  	[smem:$0x3FB1] =	sst s0;
	s0 =	simm.s32 @!p2 $0x0  }
0x16: {  	s3 =	sld [smem:$0x3FDB];
	s0 =	simm.s32 @p2 $0x1  }
0x17: {  	s4 =	simm.s32 $0x1BF5;
	[smem:$0x3FB3] =	sst s0  }
0x18: {  	s0 =	sld [smem:$0x3F96];
	_ =	swait.ge [sflag:s4], $0x0  }
0x19: {  	s7 =	sld [smem:$0x3F97]  }
0x1a: {  	s8 =	sadd.s32 $0xFFFFE003, lr  }
0x1b: {  	s9 =	sadd.s32 $0xFFFFFEF7, lr;
	s5 =	simm.s32 $0xFFFFFFFF;
	p2 =	slt.u32 s8, $0xFFFFF086  }
0x1c: {  	p1 =	slt.u32 s9, $0xF7A;
	s5 =	simm.s32 @!p2 $0x0  }
0x1d: {  	s5 =	simm.s32 @p1 $0x1;
	p0 =	seq.s32 s7, s2  }
0x1e: {  	s7 =	smul.u32 @!p0 $0xF7A, s2;
	p2 =	seq.s32 @!p0 s5, $0x0  }
0x1f: {  	s9 =	smul.u32 $0xF7A, s1;
	s8 =	simm.s32 @!p0 $0x1BF5;
	p2 =	por !p2, p0  }
0x20: {  	[sflag:s8] =	ssyncset.s32 @!p0 $0xFFFFF086;
	s6 =	sadd.s32 @!p0 s3, s7;
	s7 =	simm.s32 @!p0 $0x108  }
0x21: {  	s3 =	sadd.s32 s3, s9;
	s6 =	sadd.s32 @!p0 $0x88, s6;
	s7 =	simm.s32 @p2 $0x1082  }
0x22: {  	[simem:s7], [sflag:s8] =	dma.local @!p0 [hbm:s6], $0xF7A  }
0x23: {  	s9 =	sor.u32 $0xD0000000, s2;
	s6 =	simm.s32 $0x108;
	_ =	swait.ge @!p0 [sflag:s8], $0x0  }
0x24: {  	s3 =	sadd.s32 $0x88, s3;
	s6 =	simm.s32 @!p1 $0x1082;
	[sflag:s4] =	ssyncset.s32 $0xFFFFF086  }
0x25: {  	[simem:s6], [sflag:s4] =	dma.local [hbm:s3], $0xF7A  }
0x26: {  	[smem:$0x3F97] =	sst s1;
	(tag) =	ssettag s2;
	_ =	strace s9  }
0x27: {  	s1 =	sld [smem:$0x3FA7]  }
0x28: {  	s2 =	sld [smem:$0x3FA8]  }
0x29: {  	s4 =	sld [smem:$0x3FAA]  }
0x2a: {  	p0 =	seq.s32 s5, $0x0;
	s5 =	sld [smem:$0x3FAB]  }
0x2b: {  	s6 =	sld [smem:$0x3FAC]  }
0x2c: {  	s7 =	sld [smem:$0x3FAD]  }
0x2d: {  	s3 =	simm.s32 $0x108;
	s8 =	sld [smem:$0x3FAE]  }
0x2e: {  	s3 =	simm.s32 @!p0 $0x1082;
	s9 =	sld [smem:$0x3FAF]  }
0x2f: {  	lr =	sadd.s32 s0, s3;
	s0 =	sld [smem:$0x3FA6]  }
0x30: {  	s3 =	sld [smem:$0x3FA9]  }
0x31: {  	[smem:$0x3FB2] =	sst s10  }
0x32: {  	s10 =	sld [smem:$0x3FB0];
	_ =	sdelay $0x3  }
0x33: {  	p0 =	seq.s32 s10, $0x1;
	s10 =	sld [smem:$0x3FB2];
	_ =	sdelay $0x3  }
0x34: {  	[smem:$0x3FB2] =	sst s10  }
0x35: {  	s10 =	sld [smem:$0x3FB1];
	_ =	sdelay $0x3  }
0x36: {  	p1 =	seq.s32 s10, $0x1;
	s10 =	sld [smem:$0x3FB2];
	_ =	sdelay $0x3  }
0x37: {  	[smem:$0x3FB2] =	sst s10  }
0x38: {  	s10 =	sld [smem:$0x3FB3]  }
0x39: {  	_ = 	snop;
	(pc) =	sbr.ind lr, $3  }
0x3a: {  	_ = 	snop  }
0x3b: {  	_ = 	snop  }
0x3c: {  	p2 =	seq.s32 s10, $0x1;
	s10 =	sld [smem:$0x3FB2]  }
0x3d: {  	_ =	shalt  }
0x3e: {  	_ =	shalt  }
0x3f: {  	_ =	shalt  }
0x40: {  	_ =	shalt  }
0x41: {  	_ =	shalt  }
0x42: {  	_ =	shalt  }
0x43: {  	_ =	shalt  }
0x44: {  	_ =	shalt  }
0x45: {  	_ =	shalt  }
0x46: {  	_ =	shalt  }
0x47: {  	_ =	shalt  }
0x48: {  	_ =	shalt  }
0x49: {  	_ =	shalt  }
0x4a: {  	_ =	shalt  }
0x4b: {  	_ =	shalt  }
0x4c: {  	_ =	shalt  }
0x4d: {  	_ =	shalt  }
0x4e: {  	_ =	shalt  }
0x4f: {  	_ =	shalt  }
0x50: {  	_ =	shalt  }
0x51: {  	_ =	shalt  }
0x52: {  	_ =	shalt  }
0x53: {  	_ =	shalt  }
0x54: {  	_ =	shalt  }
0x55: {  	_ =	shalt  }
0x56: {  	_ =	shalt  }
0x57: {  	_ =	shalt  }
0x58: {  	_ =	shalt  }
0x59: {  	_ =	shalt  }
0x5a: {  	_ =	shalt  }
0x5b: {  	_ =	shalt  }
0x5c: {  	_ =	shalt  }
0x5d: {  	_ =	shalt  }
0x5e: {  	_ =	shalt  }
0x5f: {  	_ =	shalt  }
0x60: {  	_ =	shalt  }
0x61: {  	_ =	shalt  }
0x62: {  	_ =	shalt  }
0x63: {  	_ =	shalt  }
0x64: {  	_ =	shalt  }
0x65: {  	_ =	shalt  }
0x66: {  	_ =	shalt  }
0x67: {  	_ =	shalt  }
0x68: {  	_ =	shalt  }
0x69: {  	_ =	shalt  }
0x6a: {  	_ =	shalt  }
0x6b: {  	_ =	shalt  }
0x6c: {  	_ =	shalt  }
0x6d: {  	_ =	shalt  }
0x6e: {  	_ =	shalt  }
0x6f: {  	_ =	shalt  }
0x70: {  	_ =	shalt  }
0x71: {  	_ =	shalt  }
0x72: {  	_ =	shalt  }
0x73: {  	_ =	shalt  }
0x74: {  	_ =	shalt  }
0x75: {  	_ =	shalt  }
0x76: {  	_ =	shalt  }
0x77: {  	_ =	shalt  }
0x78: {  	_ =	shalt  }
0x79: {  	_ =	shalt  }
0x7a: {  	_ =	shalt  }
0x7b: {  	_ =	shalt  }
0x7c: {  	_ =	shalt  }
0x7d: {  	_ =	shalt  }
0x7e: {  	_ =	shalt  }
0x7f: {  	_ =	shalt  }
0x80: {  	_ =	shalt  }
0x81: {  	_ =	shalt  }
0x82: {  	_ =	shalt  }
0x83: {  	_ =	shalt  }
0x84: {  	_ =	shalt  }
0x85: {  	_ =	shalt  }
0x86: {  	_ =	shalt  }
0x87: {  	_ =	shalt  }
.Lfunc_end0:
.L_simem_size_0:
called_computation_lowered:
.L_overlay_start_0:
0x88: {  	s2 =	sld [smem:$0x3FD9]  }
0x89: {  	s3 =	sld [smem:$0x3FFE];
	_ =	sdelay $0x1  }
0x8a: {  	s1 =	srdreg.scid  }
0x8b: {  	s0 =	sand.u32 $0x1, s1  }
0x8c: {  	s17 =	sshll.u32 s0, $0xA;
	s2 =	sadd.s32 s3, s2  }
0x8d: {  	s2 =	sadd.s32 s2, s17  }
0x8e: {  	[smem:$0x3FBE] =	sst s2  }
0x8f: {  	_ = 	snop  }
0x90: {  	(tm) =	ssettm $0x1  }
0x91: {  	s18 =	sld [smem:$0x3FFB];
	_ =	sdelay $0x3  }
0x92: {  	_ =	strace s18  }
0x93: {  	s2 =	sld [smem:$0x3FFC];
	_ =	sdelay $0x3  }
0x94: {  	_ =	strace s2  }
0x95: {  	s2 =	sld [smem:$0x3FFD];
	_ =	sdelay $0x3  }
0x96: {  	_ =	strace s2  }
0x97: {  	_ =	strace $0x8FFFFFFF  }
0x98: {  	s19 =	sld [smem:$0x3FDB];
	_ =	sdelay $0x1  }
0x99: {  	s20 =	simm.s32 $_scs_section_size  }
0x9a: {  	s4 =	simm.s32 $_size__tile_overlayer_lowered;
	s5 =	simm.s32 $_tile_overlayer_lowered  }
0x9b: {  	s6 =	simm.s32 $0x1BFF;
	s21 =	sshll.u32 s5, $0x1;
	s3 =	sadd.s32 s20, s19  }
0x9c: {  	s22 =	simm.s32 $0x0;
	s4 =	sshll.u32 s4, $0x1;
	s5 =	sadd.s32 s21, s3  }
0x9d: {  	[timem:s22], [sflag:s6] =	dma.local [hbm:s5], s4  }
0x9e: {  	_ =	swait.ge [sflag:s6], s4  }
0x9f: {  	s4 =	ssub.s32 $0x0, s4;
	[sflag:s6] =	ssyncset.done $0x0  }
0xa0: {  	[sflag:s6] =	ssyncadd.s32 s4;
	_ =	sdelay $0x1  }
0xa1: {  	s23 =	simm.s32 $0x1B8B  }
0xa2: {  	_ =	swait.ge [sflag:s23], $0x1  }
0xa3: {  	[sflag:s23] =	ssyncset.done $0x0  }
0xa4: {  	[sflag:s23] =	ssyncadd.s32 $0xFFFFFFFF  }
0xa5: {  	s4 =	sld [smem:$0x0]  }
0xa6: {  	s5 =	sand.u32 $0xFFFFFFFE, s1  }
0xa7: {  	p0 =	sne.s32 s1, s5  }
0xa8: {  	s5 =	sshll.u32 @p0 s5, $0xE  }
0xa9: {  	s5 =	sadd.s32 @p0 $0x11B8D, s5;
	s6 =	sshll.u32 @p0 s4, $0x11  }
0xaa: {  	s5 =	sor.u32 @p0 s6, s5  }
0xab: {  	[sflag:s5] =	ssyncadd.remote.s32 @p0 $0x1;
	_ =	sdelay $0x1  }
0xac: {  	s5 =	simm.s32 @p0 $0x1B8D  }
0xad: {  	_ =	swait.eq @p0 [sflag:s5], $0x1  }
0xae: {  	[sflag:s5] =	ssyncadd.s32 @p0 $0xFFFFFFFF  }
0xaf: {  	s6 =	sshll.u32 @!p0 s1, $0xE  }
0xb0: {  	s6 =	sor.u32 @!p0 $0x4000, s6;
	s5 =	simm.s32 @!p0 $0x1B8D  }
0xb1: {  	s4 =	sshll.u32 @!p0 s4, $0x11;
	s6 =	sadd.s32 @!p0 $0x11B8D, s6;
	_ =	swait.eq @!p0 [sflag:s5], $0x1  }
0xb2: {  	s4 =	sor.u32 @!p0 s4, s6;
	[sflag:s5] =	ssyncadd.s32 @!p0 $0xFFFFFFFF  }
0xb3: {  	s25 =	simm.s32 $0x1B8E;
	s24 =	sld [smem:$0x3FFE];
	[sflag:s4] =	ssyncadd.remote.s32 @!p0 $0x1  }
0xb4: {  	s26 =	simm.s32 $execute0_lowered;
	[smem:$0x3FD2] =	sst s25  }
0xb5: {  	s5 =	sshll.u32 s26, $0x1;
	_ =	strace $0x8000004C;
	[dreg:$0x1] =	wrdreg $0xFFFFFFFF  }
0xb6: {  	s28 =	simm.s32 $_size_execute0_lowered;
	s3 =	sadd.s32 s3, s5;
	[dreg:$0x0] =	wrdreg $0x0  }
0xb7: {  	s5 =	sshll.u32 s28, $0x1;
	[dreg:$0x2] =	wrdreg s3  }
0xb8: {  	[dreg:$0x3] =	wrdreg s5  }
0xb9: {  	[dreg:$0x4] =	wrdreg $0xC0  }
0xba: {  	_ =	task [dreg:s22], $0x5FFFF  }
0xbb: {  	[dreg:$0x1] =	wrdreg $0xFFFFFFFF  }
0xbc: {  	[dreg:$0x0] =	wrdreg $0x60  }
0xbd: {  	[dreg:$0x2] =	wrdreg s24  }
0xbe: {  	[dreg:$0x3] =	wrdreg $0x7C000  }
0xbf: {  	[dreg:$0x4] =	wrdreg $0x9  }
0xc0: {  	_ =	task.clear_ibuf [dreg:s22], $0x5FFFF;
	_ =	strace $0x9000004C  }
0xc1: {  	s29 =	simm.s32 $0x9;
	_ =	strace $0x8000004E  }
0xc2: {  	_ =	swait.ge [sflag:s29], $0x1  }
0xc3: {  	[sflag:s29] =	ssyncadd.s32 $0xFFFFFFFF  }
0xc4: {  	_ =	strace $0x9000004E  }
0xc5: {  	_ =	sfence  }
0xc6: {  	s30 =	sld [smem:$0x0];
	_ =	sdelay $0x2  }
0xc7: {  	s31 =	sshll.u32 s1, $0xD;
	s1 =	sshrl.u32 s1, $0x2  }
0xc8: {  	s4 =	sand.u32 $0x4000, s31;
	s1 =	sadd.s32 s1, s30  }
0xc9: {  	s0 =	sor.u32 s4, s0;
	s1 =	sshll.u32 s1, $0x11  }
0xca: {  	s0 =	sor.u32 s1, s0  }
0xcb: {  	s0 =	sadd.s32 $0x8F2B, s0  }
0xcc: {  	[sflag:s0] =	ssyncadd.remote.s32 $0x1  }
0xcd: {  	_ =	sfence.sel $0xFFFF  }
0xce: {  	[dreg:$0x0] =	wrdreg $0xFFFFFFFF;
	(pc) =	sbr.abs _section_cstart, $3  }
0xcf: {  	[dreg:$0x1] =	wrdreg $0xFFFFFFFF  }
0xd0: {  	_ =	task.clear_ibuf [dreg:s22], $0x2FFFF;
	_ =	strace $0x9FFFFFFF  }
0xd1: {  	(tm) =	ssettm $0x7FFFFFFF  }
tec
execute0_lowered:
.L_overlay_start_1:
0x0: {  	(tag) =	ssettag $0x1  }
0x1: {  	s10 =	rddreg [dreg:$0x0]  }
0x2: {  	s2 =	rddreg [dreg:$0x1];
	s3 =	simm.s32 $0x0  }
0x3: {  	s1 =	stileid.u32;
	s6 =	srdreg.scid;
	s20 =	simm.s32 $0x3  }
0x4: {  	s21 =	simm.s32 $0x50;
	s22 =	simm.s32 $0x2C00;
	s23 =	simm.s32 $0x5400  }
0x5: {  	s24 =	simm.s32 $0x1;
	s25 =	simm.s32 $0x2;
	s4 =	smul.u32 $0x2800, s1  }
0x6: {  	s26 =	simm.s32 $0x2980;
	s28 =	simm.s32 $0x0;
	s5 =	smul.u32 $0x580, s1  }
0x7: {  	[smem:$0x7FF] =	sst s3;
	s6 =	sand.u32 $0x1, s6;
	s8 =	smul.u32 $0x50000, s1  }
0x8: {  	s17 =	sadd.s32 $0x12C000, s2;
	s16 =	smul.u32 $0x1A400, s1;
	p1 =	seq.s32 s1, $0xF  }
0x9: {  	_ =	strace $0x8000004D;
	s7 =	ssub.s32 $0x2, s6;
	p0 =	seq.s32 s6, $0x1  }
0xa: {  	s18 =	sshll.u32 @!p1 s1, $0x6;
	s17 =	sshrl.u32 @p1 s17, $0x3;
	s9 =	sadd.s32 s4, s10  }
0xb: {  	s11 =	sadd.s32 s5, s10;
	s4 =	sadd.s32 $0x6EE800, s10;
	s5 =	sadd.s32 $0x892800, s10  }
0xc: {  	s12 =	sshrl.u32 s7, $0x1;
	s31 =	sshrl.u32 s8, $0x2;
	s13 =	sadd.s32 $0x19A00, s16  }
.Ltmp0:
0xd: {  	s14 =	sadd.s32 $0x19F00, s16;
	s18 =	sor.u32 @!p1 $0x1C03, s18;
	(pc) =	sbr.rel .LBB2_1-.Ltmp0, $4  }
0xe: {  	s12 =	ssub.s32 s7, s12;
	s19 =	sadd.s32 s31, s2;
	s6 =	sadd.s32 $0xE400, s9  }
0xf: {  	s7 =	sadd.s32 $0x33C00, s10;
	s8 =	sadd.s32 $0x6E3800, s11;
	s9 =	sadd.s32 $0x35600, s9  }
0x10: {  	s10 =	sadd.s32 $0x5AE00, s10;
	s11 =	sadd.s32 $0x6E9000, s11;
	s15 =	sadd.s32 s16, s4  }
0x11: {  	s16 =	sadd.s32 s16, s5;
	s12 =	smax.u32 s12, $0x1;
	s19 =	sshrl.u32 @!p1 s19, $0x3  }
.LBB2_7:
0x12: {  	[sflag:s20] =	ssyncadd.s32 $0xFFFFD800;
	s29 =	smov.u32 s5  }
.LBB2_8:
0x13: {  	[tilespmem:s23], [sflag:$0x2] =	stream.indirect.gather [spmem:s2], $0x80, s26, s21, $0xb8;
	[tilespmem:$0x1B480] =	vst v63  }
0x14: {  	_ =	swait.ge [sflag:s24], $0x2800  }
0x15: {  	[sflag:s24] =	ssyncset.done $0x0  }
0x16: {  	s0 =	sadd.s32 s29, s13;
	[sflag:s24] =	ssyncadd.s32 $0xFFFFD800  }
0x17: {  	[hbm4b:s0+s3] =	stream.linear.scatter [tilespmem:s22], [sflag:$0x3], $0x2800, $0x38;
	[tilespmem:$0x1B480] =	vst v63  }
0x18: {  	_ =	swait.ge [sflag:s20], $0x2800  }
0x19: {  	[sflag:s20] =	ssyncset.done $0x0  }
0x1a: {  	[sflag:s20] =	ssyncadd.s32 $0xFFFFD800  }
0x1b: {  	s28 =	sadd.s32 $0x1, s28;
	_ =	swait.ge [sflag:s25], $0x2800  }
0x1c: {  	p2 =	sne.s32 s28, s12;
	[sflag:s25] =	ssyncset.done $0x0  }
.Ltmp1:
0x1d: {  	s31 =	sadd.s32 s29, s14;
	[sflag:s25] =	ssyncadd.s32 $0xFFFFD800;
	(pc) =	sbr.rel @!p2 .LBB2_9-.Ltmp1, $4  }
0x1e: {  	[hbm4b:s31+s3] =	stream.linear.scatter [tilespmem:s23], [sflag:$0x3], $0x2800, $0x38;
	[tilespmem:$0x1B480] =	vst v63  }
0x1f: {  	_ =	swait.ge [sflag:s20], $0x2800  }
0x20: {  	[sflag:s20] =	ssyncset.done $0x0  }
0x21: {  	[sflag:s20] =	ssyncadd.s32 $0xFFFFD800  }
.LBB2_1:
.Ltmp2:
0x22: {  	(pc) =	sbr.rel @!p0 .LBB2_2-.Ltmp2, $1  }
0x23: {  	_ =	sdelay $0x3  }
0x24: {  	s0 =	simm.s32 @p1 $0x1FC3  }
0x25: {  	[spmem:s17], [sflag:s0] =	dma.local @p1 [hbm:s10], $0x1900  }
0x26: {  	s0 =	simm.s32 @p1 $0x3  }
0x27: {  	_ =	swait.ge @p1 [sflag:s0], $0x1900  }
0x28: {  	[sflag:s0] =	ssyncset.done @p1 $0x0  }
0x29: {  	[sflag:s0] =	ssyncadd.s32 @p1 $0xFFFFE700;
	s0 =	simm.s32 @!p1 $0x3  }
0x2a: {  	[spmem:s19], [sflag:s18] =	dma.local @!p1 [hbm:s9], $0x2800  }
0x2b: {  	_ =	swait.ge @!p1 [sflag:s0], $0x2800  }
0x2c: {  	[sflag:s0] =	ssyncset.done @!p1 $0x0  }
0x2d: {  	s31 =	simm.s32 $0x0;
	[sflag:s0] =	ssyncadd.s32 @!p1 $0xFFFFD800  }
0x2e: {  	[tilespmem:s31], [sflag:$0x3] =	stream.linear.gather [hbm4b:s11+s31], $0x2A00, $0x38;
	[tilespmem:$0x1B480] =	vst v63  }
0x2f: {  	_ =	swait.ge [sflag:s20], $0x2A00  }
0x30: {  	[sflag:s20] =	ssyncset.done $0x0  }
0x31: {  	[sflag:s20] =	ssyncadd.s32 $0xFFFFD600  }
0x32: {  	[bflag:$0x0] =	sbarrier.arrive $0xFFFF  }
0x33: {  	[tilespmem:s22], [sflag:$0x1] =	stream.indirect.gather [spmem:s2], $0x80, s31, s21, $0xb8;
	[tilespmem:$0x1B480] =	vst v63  }
0x34: {  	s29 =	simm.s32 $0x80  }
0x35: {  	[tilespmem:s23], [sflag:$0x2] =	stream.indirect.gather [spmem:s2], $0x80, s29, s21, $0xb8;
	[tilespmem:$0x1B480] =	vst v63  }
0x36: {  	_ =	swait.ge [sflag:s24], $0x2800  }
0x37: {  	[sflag:s24] =	ssyncset.done $0x0  }
0x38: {  	s31 =	sadd.s32 $0x0, s16;
	[sflag:s24] =	ssyncadd.s32 $0xFFFFD800  }
0x39: {  	[hbm4b:s31+s3] =	stream.linear.scatter [tilespmem:s22], [sflag:$0x3], $0x2800, $0x38;
	[tilespmem:$0x1B480] =	vst v63  }
0x3a: {  	_ =	swait.ge [sflag:s20], $0x2800  }
0x3b: {  	[sflag:s20] =	ssyncset.done $0x0  }
0x3c: {  	s30 =	simm.s32 $0x100;
	[sflag:s20] =	ssyncadd.s32 $0xFFFFD800  }
0x3d: {  	[tilespmem:s22], [sflag:$0x1] =	stream.indirect.gather [spmem:s2], $0x80, s30, s21, $0xb8;
	[tilespmem:$0x1B480] =	vst v63  }
0x3e: {  	_ =	swait.ge [sflag:s25], $0x2800  }
0x3f: {  	[sflag:s25] =	ssyncset.done $0x0  }
0x40: {  	s0 =	sadd.s32 $0x500, s31;
	[sflag:s25] =	ssyncadd.s32 $0xFFFFD800  }
0x41: {  	[hbm4b:s0+s3] =	stream.linear.scatter [tilespmem:s23], [sflag:$0x3], $0x2800, $0x38;
	[tilespmem:$0x1B480] =	vst v63  }
0x42: {  	_ =	swait.ge [sflag:s20], $0x2800  }
0x43: {  	s30 =	simm.s32 $0xA00;
	[sflag:s20] =	ssyncset.done $0x0  }
.LBB2_6:
0x44: {  	p2 =	sne.s32 s30, $0x19000;
	[sflag:s20] =	ssyncadd.s32 $0xFFFFD800;
	s29 =	sadd.s32 $0x100, s29  }
0x45: {  	[tilespmem:s23], [sflag:$0x2] =	stream.indirect.gather [spmem:s2], $0x80, s29, s21, $0xb8;
	[tilespmem:$0x1B480] =	vst v63  }
0x46: {  	s0 =	smov.u32 s30;
	s30 =	sadd.s32 $0xA00, s30;
	_ =	swait.ge [sflag:s24], $0x2800  }
0x47: {  	[sflag:s24] =	ssyncset.done $0x0  }
0x48: {  	s0 =	sadd.s32 s0, s16;
	[sflag:s24] =	ssyncadd.s32 $0xFFFFD800  }
0x49: {  	[hbm4b:s0+s3] =	stream.linear.scatter [tilespmem:s22], [sflag:$0x3], $0x2800, $0x38;
	[tilespmem:$0x1B480] =	vst v63  }
0x4a: {  	_ =	swait.ge [sflag:s20], $0x2800  }
0x4b: {  	[sflag:s20] =	ssyncset.done $0x0  }
0x4c: {  	s31 =	sadd.s32 $0x80, s29;
	[sflag:s20] =	ssyncadd.s32 $0xFFFFD800  }
0x4d: {  	[tilespmem:s22], [sflag:$0x1] =	stream.indirect.gather [spmem:s2], $0x80, s31, s21, $0xb8;
	[tilespmem:$0x1B480] =	vst v63  }
0x4e: {  	_ =	swait.ge [sflag:s25], $0x2800  }
.Ltmp3:
0x4f: {  	[sflag:s25] =	ssyncset.done $0x0;
	(pc) =	sbr.rel @p2 .LBB2_6-.Ltmp3, $4  }
0x50: {  	s0 =	sadd.s32 $0x500, s0;
	[sflag:s25] =	ssyncadd.s32 $0xFFFFD800  }
0x51: {  	[hbm4b:s0+s3] =	stream.linear.scatter [tilespmem:s23], [sflag:$0x3], $0x2800, $0x38;
	[tilespmem:$0x1B480] =	vst v63  }
0x52: {  	_ =	swait.ge [sflag:s20], $0x2800  }
0x53: {  	[sflag:s20] =	ssyncset.done $0x0  }
.Ltmp4:
0x54: {  	_ = 	snop;
	(pc) =	sbr.rel .LBB2_7-.Ltmp4, $1  }
0x55: {  	_ =	sdelay $0x3  }
.LBB2_2:
0x56: {  	s29 =	simm.s32 @p1 $0x1FC3  }
0x57: {  	[spmem:s17], [sflag:s29] =	dma.local @p1 [hbm:s7], $0x1900  }
0x58: {  	s29 =	simm.s32 @p1 $0x3  }
0x59: {  	_ =	swait.ge @p1 [sflag:s29], $0x1900  }
0x5a: {  	[sflag:s29] =	ssyncset.done @p1 $0x0  }
0x5b: {  	[sflag:s29] =	ssyncadd.s32 @p1 $0xFFFFE700;
	s29 =	simm.s32 @!p1 $0x3  }
0x5c: {  	[spmem:s19], [sflag:s18] =	dma.local @!p1 [hbm:s6], $0x2800  }
0x5d: {  	_ =	swait.ge @!p1 [sflag:s29], $0x2800  }
0x5e: {  	[sflag:s29] =	ssyncset.done @!p1 $0x0  }
0x5f: {  	[sflag:s29] =	ssyncadd.s32 @!p1 $0xFFFFD800;
	s29 =	simm.s32 $0x0  }
0x60: {  	[tilespmem:s29], [sflag:$0x3] =	stream.linear.gather [hbm4b:s8+s29], $0x2A00, $0x38;
	[tilespmem:$0x1B480] =	vst v63  }
0x61: {  	_ =	swait.ge [sflag:s20], $0x2A00  }
0x62: {  	[sflag:s20] =	ssyncset.done $0x0  }
0x63: {  	[sflag:s20] =	ssyncadd.s32 $0xFFFFD600  }
0x64: {  	[bflag:$0x0] =	sbarrier.arrive $0xFFFF  }
0x65: {  	[tilespmem:s22], [sflag:$0x1] =	stream.indirect.gather [spmem:s2], $0x80, s29, s21, $0xb8;
	[tilespmem:$0x1B480] =	vst v63  }
0x66: {  	s29 =	simm.s32 $0x80  }
0x67: {  	[tilespmem:s23], [sflag:$0x2] =	stream.indirect.gather [spmem:s2], $0x80, s29, s21, $0xb8;
	[tilespmem:$0x1B480] =	vst v63  }
0x68: {  	_ =	swait.ge [sflag:s24], $0x2800  }
0x69: {  	[sflag:s24] =	ssyncset.done $0x0  }
0x6a: {  	s30 =	sadd.s32 $0x0, s15;
	[sflag:s24] =	ssyncadd.s32 $0xFFFFD800  }
0x6b: {  	[hbm4b:s30+s3] =	stream.linear.scatter [tilespmem:s22], [sflag:$0x3], $0x2800, $0x38;
	[tilespmem:$0x1B480] =	vst v63  }
0x6c: {  	_ =	swait.ge [sflag:s20], $0x2800  }
0x6d: {  	[sflag:s20] =	ssyncset.done $0x0  }
0x6e: {  	s31 =	simm.s32 $0x100;
	[sflag:s20] =	ssyncadd.s32 $0xFFFFD800  }
0x6f: {  	[tilespmem:s22], [sflag:$0x1] =	stream.indirect.gather [spmem:s2], $0x80, s31, s21, $0xb8;
	[tilespmem:$0x1B480] =	vst v63  }
0x70: {  	_ =	swait.ge [sflag:s25], $0x2800  }
0x71: {  	[sflag:s25] =	ssyncset.done $0x0  }
0x72: {  	s30 =	sadd.s32 $0x500, s30;
	[sflag:s25] =	ssyncadd.s32 $0xFFFFD800  }
0x73: {  	[hbm4b:s30+s3] =	stream.linear.scatter [tilespmem:s23], [sflag:$0x3], $0x2800, $0x38;
	[tilespmem:$0x1B480] =	vst v63  }
0x74: {  	_ =	swait.ge [sflag:s20], $0x2800  }
0x75: {  	s30 =	simm.s32 $0xA00;
	[sflag:s20] =	ssyncset.done $0x0  }
.LBB2_3:
0x76: {  	p2 =	seq.s32 s30, $0x19000;
	[sflag:s20] =	ssyncadd.s32 $0xFFFFD800;
	s29 =	sadd.s32 $0x100, s29  }
0x77: {  	[tilespmem:s23], [sflag:$0x2] =	stream.indirect.gather [spmem:s2], $0x80, s29, s21, $0xb8;
	[tilespmem:$0x1B480] =	vst v63  }
0x78: {  	s31 =	smov.u32 s30;
	s30 =	sadd.s32 $0xA00, s30;
	_ =	swait.ge [sflag:s24], $0x2800  }
0x79: {  	[sflag:s24] =	ssyncset.done $0x0  }
0x7a: {  	s31 =	sadd.s32 s31, s15;
	[sflag:s24] =	ssyncadd.s32 $0xFFFFD800  }
0x7b: {  	[hbm4b:s31+s3] =	stream.linear.scatter [tilespmem:s22], [sflag:$0x3], $0x2800, $0x38;
	[tilespmem:$0x1B480] =	vst v63  }
0x7c: {  	_ =	swait.ge [sflag:s20], $0x2800  }
0x7d: {  	[sflag:s20] =	ssyncset.done $0x0  }
0x7e: {  	s0 =	sadd.s32 $0x80, s29;
	[sflag:s20] =	ssyncadd.s32 $0xFFFFD800  }
0x7f: {  	[tilespmem:s22], [sflag:$0x1] =	stream.indirect.gather [spmem:s2], $0x80, s0, s21, $0xb8;
	[tilespmem:$0x1B480] =	vst v63  }
0x80: {  	_ =	swait.ge [sflag:s25], $0x2800  }
.Ltmp5:
0x81: {  	[sflag:s25] =	ssyncset.done $0x0;
	(pc) =	sbr.rel @!p2 .LBB2_3-.Ltmp5, $4  }
0x82: {  	s0 =	sadd.s32 $0x500, s31;
	[sflag:s25] =	ssyncadd.s32 $0xFFFFD800  }
0x83: {  	[hbm4b:s0+s3] =	stream.linear.scatter [tilespmem:s23], [sflag:$0x3], $0x2800, $0x38;
	[tilespmem:$0x1B480] =	vst v63  }
0x84: {  	_ =	swait.ge [sflag:s20], $0x2800  }
0x85: {  	[sflag:s20] =	ssyncset.done $0x0  }
.Ltmp6:
0x86: {  	(pc) =	sbr.rel .LBB2_8-.Ltmp6, $2  }
0x87: {  	_ =	sdelay $0x2  }
0x88: {  	[sflag:s20] =	ssyncadd.s32 $0xFFFFD800;
	s29 =	smov.u32 s4  }
.LBB2_9:
0x89: {  	_ =	sfence.sel $0x180000  }
0x8a: {  	[bflag:$0x0] =	sbarrier.arrive $0xFFFF  }
0x8b: {  	_ =	strace $0x9000004D  }
0x8c: {  	[bflag:$0x2] =	sbarrier.arrive $0xFFFF  }
0x8d: {  	p0 =	sne.s32 s1, $0x0;
	s0 =	rddreg [dreg:$0x2]  }
0x8e: {  	s0 =	sadd.s32 @!p0 $0x100000, s0  }
0x8f: {  	[sflag:s0] =	ssyncadd.tile.s32 @!p0 $0x1;
	_ =	shalt  }
.Lfunc_end2:
_tile_overlayer_lowered:
.L_overlay_start_2:
0x90: {  	(tag) =	ssettag $0x2  }
0x91: {  	s0 =	rddreg [dreg:$0x0];
	s2 =	stileid.u32  }
0x92: {  	s1 =	rddreg [dreg:$0x1];
	p0 =	sne.s32 s2, $0x0  }
0x93: {  	s3 =	rddreg [dreg:$0x2];
	[bflag:$0x3] =	sbarrier.arrive $0xFFFF;
	s2 =	simm.s32 @!p0 $0x1C03  }
0x94: {  	[timem:s3], [sflag:s2] =	dma.local @!p0 [hbm:s0], s1  }
0x95: {  	s0 =	simm.s32 @!p0 $0x3  }
0x96: {  	_ =	swait.ge @!p0 [sflag:s0], s1  }
0x97: {  	s1 =	ssub.s32 @!p0 $0x0, s1;
	[sflag:s0] =	ssyncset.done @!p0 $0x0  }
0x98: {  	[sflag:s0] =	ssyncadd.s32 @!p0 s1  }
0x99: {  	[bflag:$0x3] =	sbarrier.arrive $0xFFFF  }
0x9a: {  	_ =	shalt  }

// kernel: kernel.13.cloned.1.call-start
scs
__scs_entry_jumppad:
0x0: {  	(pc) =	sbr.rel $0x88, $3  }
0x1: {  	(tag) =	ssettag $0x0;
	lr =	simm.s32 $0x1  }
0x2: {  	[smem:$0x3F97] =	sst lr;
	_ =	strace $0xD0000000  }
0x3: {  	_ = 	snop  }
0x4: {  	_ = 	snop  }
0x5: {  	_ = 	snop  }
0x6: {  	_ = 	snop  }
0x7: {  	_ = 	snop  }
__scs_overlays_trampoline_lowered:
0x8: {  	[smem:$0x3FA6] =	sst s0  }
0x9: {  	[smem:$0x3FA7] =	sst s1  }
0xa: {  	[smem:$0x3FA8] =	sst s2  }
0xb: {  	[smem:$0x3FA9] =	sst s3  }
0xc: {  	[smem:$0x3FAA] =	sst s4  }
0xd: {  	[smem:$0x3FAB] =	sst s5  }
0xe: {  	[smem:$0x3FAC] =	sst s6  }
0xf: {  	[smem:$0x3FAD] =	sst s7  }
0x10: {  	[smem:$0x3FAE] =	sst s8  }
0x11: {  	[smem:$0x3FAF] =	sst s9;
	s0 =	simm.s32 @!p0 $0x0  }
0x12: {  	s1 =	sld [smem:$0x3F95];
	s0 =	simm.s32 @p0 $0x1  }
0x13: {  	[smem:$0x3FB0] =	sst s0;
	s0 =	simm.s32 @!p1 $0x0  }
0x14: {  	s2 =	sld [smem:$0x3F94];
	s0 =	simm.s32 @p1 $0x1  }
0x15: {  	[smem:$0x3FB1] =	sst s0;
	s0 =	simm.s32 @!p2 $0x0  }
0x16: {  	s3 =	sld [smem:$0x3FDB];
	s0 =	simm.s32 @p2 $0x1  }
0x17: {  	s4 =	simm.s32 $0x1BF5;
	[smem:$0x3FB3] =	sst s0  }
0x18: {  	s0 =	sld [smem:$0x3F96];
	_ =	swait.ge [sflag:s4], $0x0  }
0x19: {  	s7 =	sld [smem:$0x3F97]  }
0x1a: {  	s8 =	sadd.s32 $0xFFFFE003, lr  }
0x1b: {  	s9 =	sadd.s32 $0xFFFFFEF7, lr;
	s5 =	simm.s32 $0xFFFFFFFF;
	p2 =	slt.u32 s8, $0xFFFFF086  }
0x1c: {  	p1 =	slt.u32 s9, $0xF7A;
	s5 =	simm.s32 @!p2 $0x0  }
0x1d: {  	s5 =	simm.s32 @p1 $0x1;
	p0 =	seq.s32 s7, s2  }
0x1e: {  	s7 =	smul.u32 @!p0 $0xF7A, s2;
	p2 =	seq.s32 @!p0 s5, $0x0  }
0x1f: {  	s9 =	smul.u32 $0xF7A, s1;
	s8 =	simm.s32 @!p0 $0x1BF5;
	p2 =	por !p2, p0  }
0x20: {  	[sflag:s8] =	ssyncset.s32 @!p0 $0xFFFFF086;
	s6 =	sadd.s32 @!p0 s3, s7;
	s7 =	simm.s32 @!p0 $0x108  }
0x21: {  	s3 =	sadd.s32 s3, s9;
	s6 =	sadd.s32 @!p0 $0x88, s6;
	s7 =	simm.s32 @p2 $0x1082  }
0x22: {  	[simem:s7], [sflag:s8] =	dma.local @!p0 [hbm:s6], $0xF7A  }
0x23: {  	s9 =	sor.u32 $0xD0000000, s2;
	s6 =	simm.s32 $0x108;
	_ =	swait.ge @!p0 [sflag:s8], $0x0  }
0x24: {  	s3 =	sadd.s32 $0x88, s3;
	s6 =	simm.s32 @!p1 $0x1082;
	[sflag:s4] =	ssyncset.s32 $0xFFFFF086  }
0x25: {  	[simem:s6], [sflag:s4] =	dma.local [hbm:s3], $0xF7A  }
0x26: {  	[smem:$0x3F97] =	sst s1;
	(tag) =	ssettag s2;
	_ =	strace s9  }
0x27: {  	s1 =	sld [smem:$0x3FA7]  }
0x28: {  	s2 =	sld [smem:$0x3FA8]  }
0x29: {  	s4 =	sld [smem:$0x3FAA]  }
0x2a: {  	p0 =	seq.s32 s5, $0x0;
	s5 =	sld [smem:$0x3FAB]  }
0x2b: {  	s6 =	sld [smem:$0x3FAC]  }
0x2c: {  	s7 =	sld [smem:$0x3FAD]  }
0x2d: {  	s3 =	simm.s32 $0x108;
	s8 =	sld [smem:$0x3FAE]  }
0x2e: {  	s3 =	simm.s32 @!p0 $0x1082;
	s9 =	sld [smem:$0x3FAF]  }
0x2f: {  	lr =	sadd.s32 s0, s3;
	s0 =	sld [smem:$0x3FA6]  }
0x30: {  	s3 =	sld [smem:$0x3FA9]  }
0x31: {  	[smem:$0x3FB2] =	sst s10  }
0x32: {  	s10 =	sld [smem:$0x3FB0];
	_ =	sdelay $0x3  }
0x33: {  	p0 =	seq.s32 s10, $0x1;
	s10 =	sld [smem:$0x3FB2];
	_ =	sdelay $0x3  }
0x34: {  	[smem:$0x3FB2] =	sst s10  }
0x35: {  	s10 =	sld [smem:$0x3FB1];
	_ =	sdelay $0x3  }
0x36: {  	p1 =	seq.s32 s10, $0x1;
	s10 =	sld [smem:$0x3FB2];
	_ =	sdelay $0x3  }
0x37: {  	[smem:$0x3FB2] =	sst s10  }
0x38: {  	s10 =	sld [smem:$0x3FB3]  }
0x39: {  	_ = 	snop;
	(pc) =	sbr.ind lr, $3  }
0x3a: {  	_ = 	snop  }
0x3b: {  	_ = 	snop  }
0x3c: {  	p2 =	seq.s32 s10, $0x1;
	s10 =	sld [smem:$0x3FB2]  }
0x3d: {  	_ =	shalt  }
0x3e: {  	_ =	shalt  }
0x3f: {  	_ =	shalt  }
0x40: {  	_ =	shalt  }
0x41: {  	_ =	shalt  }
0x42: {  	_ =	shalt  }
0x43: {  	_ =	shalt  }
0x44: {  	_ =	shalt  }
0x45: {  	_ =	shalt  }
0x46: {  	_ =	shalt  }
0x47: {  	_ =	shalt  }
0x48: {  	_ =	shalt  }
0x49: {  	_ =	shalt  }
0x4a: {  	_ =	shalt  }
0x4b: {  	_ =	shalt  }
0x4c: {  	_ =	shalt  }
0x4d: {  	_ =	shalt  }
0x4e: {  	_ =	shalt  }
0x4f: {  	_ =	shalt  }
0x50: {  	_ =	shalt  }
0x51: {  	_ =	shalt  }
0x52: {  	_ =	shalt  }
0x53: {  	_ =	shalt  }
0x54: {  	_ =	shalt  }
0x55: {  	_ =	shalt  }
0x56: {  	_ =	shalt  }
0x57: {  	_ =	shalt  }
0x58: {  	_ =	shalt  }
0x59: {  	_ =	shalt  }
0x5a: {  	_ =	shalt  }
0x5b: {  	_ =	shalt  }
0x5c: {  	_ =	shalt  }
0x5d: {  	_ =	shalt  }
0x5e: {  	_ =	shalt  }
0x5f: {  	_ =	shalt  }
0x60: {  	_ =	shalt  }
0x61: {  	_ =	shalt  }
0x62: {  	_ =	shalt  }
0x63: {  	_ =	shalt  }
0x64: {  	_ =	shalt  }
0x65: {  	_ =	shalt  }
0x66: {  	_ =	shalt  }
0x67: {  	_ =	shalt  }
0x68: {  	_ =	shalt  }
0x69: {  	_ =	shalt  }
0x6a: {  	_ =	shalt  }
0x6b: {  	_ =	shalt  }
0x6c: {  	_ =	shalt  }
0x6d: {  	_ =	shalt  }
0x6e: {  	_ =	shalt  }
0x6f: {  	_ =	shalt  }
0x70: {  	_ =	shalt  }
0x71: {  	_ =	shalt  }
0x72: {  	_ =	shalt  }
0x73: {  	_ =	shalt  }
0x74: {  	_ =	shalt  }
0x75: {  	_ =	shalt  }
0x76: {  	_ =	shalt  }
0x77: {  	_ =	shalt  }
0x78: {  	_ =	shalt  }
0x79: {  	_ =	shalt  }
0x7a: {  	_ =	shalt  }
0x7b: {  	_ =	shalt  }
0x7c: {  	_ =	shalt  }
0x7d: {  	_ =	shalt  }
0x7e: {  	_ =	shalt  }
0x7f: {  	_ =	shalt  }
0x80: {  	_ =	shalt  }
0x81: {  	_ =	shalt  }
0x82: {  	_ =	shalt  }
0x83: {  	_ =	shalt  }
0x84: {  	_ =	shalt  }
0x85: {  	_ =	shalt  }
0x86: {  	_ =	shalt  }
0x87: {  	_ =	shalt  }
.Lfunc_end0:
.L_simem_size_0:
called_computation.1_lowered:
.L_overlay_start_0:
0x88: {  	s2 =	sld [smem:$0x3FD9]  }
0x89: {  	s3 =	sld [smem:$0x3FFE];
	_ =	sdelay $0x1  }
0x8a: {  	s1 =	srdreg.scid  }
0x8b: {  	s0 =	sand.u32 $0x1, s1  }
0x8c: {  	s16 =	sshll.u32 s0, $0xA;
	s2 =	sadd.s32 s3, s2  }
0x8d: {  	s2 =	sadd.s32 s2, s16  }
0x8e: {  	[smem:$0x3FBE] =	sst s2  }
0x8f: {  	_ = 	snop  }
0x90: {  	(tm) =	ssettm $0x1  }
0x91: {  	s17 =	sld [smem:$0x3FFB];
	_ =	sdelay $0x3  }
0x92: {  	_ =	strace s17  }
0x93: {  	s2 =	sld [smem:$0x3FFC];
	_ =	sdelay $0x3  }
0x94: {  	_ =	strace s2  }
0x95: {  	s2 =	sld [smem:$0x3FFD];
	_ =	sdelay $0x3  }
0x96: {  	_ =	strace s2  }
0x97: {  	_ =	strace $0x8FFFFFFF  }
0x98: {  	s18 =	sld [smem:$0x3FDB];
	_ =	sdelay $0x1  }
0x99: {  	s19 =	simm.s32 $_scs_section_size  }
0x9a: {  	s4 =	simm.s32 $_size__tile_overlayer_lowered;
	s5 =	simm.s32 $_tile_overlayer_lowered  }
0x9b: {  	s22 =	simm.s32 $0x1BFF;
	s21 =	sshll.u32 s5, $0x1;
	s2 =	sadd.s32 s19, s18  }
0x9c: {  	s6 =	simm.s32 $0x0;
	s20 =	sshll.u32 s4, $0x1;
	s4 =	sadd.s32 s21, s2  }
0x9d: {  	[timem:s6], [sflag:s22] =	dma.local [hbm:s4], s20  }
0x9e: {  	_ =	swait.ge [sflag:s22], s20  }
0x9f: {  	s3 =	ssub.s32 $0x0, s20;
	[sflag:s22] =	ssyncset.done $0x0  }
0xa0: {  	[sflag:s22] =	ssyncadd.s32 s3;
	_ =	sdelay $0x1  }
0xa1: {  	s23 =	simm.s32 $0x1B8B  }
0xa2: {  	_ =	swait.ge [sflag:s23], $0x1  }
0xa3: {  	[sflag:s23] =	ssyncset.done $0x0  }
0xa4: {  	s25 =	simm.s32 $0x1B8E;
	s24 =	sld [smem:$0x3FFE];
	[sflag:s23] =	ssyncadd.s32 $0xFFFFFFFF  }
0xa5: {  	s26 =	simm.s32 $execute0_lowered;
	[smem:$0x3FD2] =	sst s25  }
0xa6: {  	s4 =	sshll.u32 s26, $0x1;
	_ =	strace $0x80000046;
	[dreg:$0x1] =	wrdreg $0xFFFFFFFF  }
0xa7: {  	s28 =	simm.s32 $_size_execute0_lowered;
	s2 =	sadd.s32 s2, s4;
	[dreg:$0x0] =	wrdreg $0x0  }
0xa8: {  	s4 =	sshll.u32 s28, $0x1;
	[dreg:$0x2] =	wrdreg s2  }
0xa9: {  	[dreg:$0x3] =	wrdreg s4  }
0xaa: {  	[dreg:$0x4] =	wrdreg $0xC0  }
0xab: {  	_ =	task [dreg:s6], $0x5FFFF  }
0xac: {  	[dreg:$0x1] =	wrdreg $0xFFFFFFFF  }
0xad: {  	[dreg:$0x0] =	wrdreg $0x60  }
0xae: {  	[dreg:$0x2] =	wrdreg s24  }
0xaf: {  	[dreg:$0x3] =	wrdreg $0x7C000  }
0xb0: {  	[dreg:$0x4] =	wrdreg $0xA  }
0xb1: {  	_ =	task.clear_ibuf [dreg:s6], $0x5FFFF;
	_ =	strace $0x90000046  }
0xb2: {  	s29 =	simm.s32 $0xA;
	_ =	strace $0x80000048  }
0xb3: {  	_ =	swait.ge [sflag:s29], $0x1  }
0xb4: {  	[sflag:s29] =	ssyncadd.s32 $0xFFFFFFFF  }
0xb5: {  	_ =	strace $0x90000048  }
0xb6: {  	_ =	sfence  }
0xb7: {  	s30 =	sld [smem:$0x0];
	_ =	sdelay $0x2  }
0xb8: {  	s31 =	sshll.u32 s1, $0xD;
	s1 =	sshrl.u32 s1, $0x2  }
0xb9: {  	s3 =	sand.u32 $0x4000, s31;
	s1 =	sadd.s32 s1, s30  }
0xba: {  	s0 =	sor.u32 s3, s0;
	s1 =	sshll.u32 s1, $0x11  }
0xbb: {  	s0 =	sor.u32 s1, s0  }
0xbc: {  	s0 =	sadd.s32 $0x8F2B, s0  }
0xbd: {  	[sflag:s0] =	ssyncadd.remote.s32 $0x1  }
0xbe: {  	_ =	sfence.sel $0xFFFF  }
0xbf: {  	[dreg:$0x0] =	wrdreg $0xFFFFFFFF;
	(pc) =	sbr.abs _section_cstart, $3  }
0xc0: {  	[dreg:$0x1] =	wrdreg $0xFFFFFFFF  }
0xc1: {  	_ =	task.clear_ibuf [dreg:s6], $0x2FFFF;
	_ =	strace $0x9FFFFFFF  }
0xc2: {  	(tm) =	ssettm $0x7FFFFFFF  }
0xc3: {  	_ =	shalt  }
tec
execute0_lowered:
.L_overlay_start_1:
0x0: {  	(tag) =	ssettag $0x1  }
0x1: {  	s10 =	rddreg [dreg:$0x0]  }
0x2: {  	s2 =	rddreg [dreg:$0x1];
	s3 =	simm.s32 $0x0  }
0x3: {  	s1 =	stileid.u32;
	s6 =	srdreg.scid;
	s20 =	simm.s32 $0x3  }
0x4: {  	s21 =	simm.s32 $0x50;
	s22 =	simm.s32 $0x2C00;
	s23 =	simm.s32 $0x5400  }
0x5: {  	s24 =	simm.s32 $0x1;
	s25 =	simm.s32 $0x2;
	s4 =	smul.u32 $0x2800, s1  }
0x6: {  	s26 =	simm.s32 $0x2980;
	s28 =	simm.s32 $0x0;
	s5 =	smul.u32 $0x580, s1  }
0x7: {  	[smem:$0x7FF] =	sst s3;
	s6 =	sand.u32 $0x1, s6;
	s8 =	smul.u32 $0x50000, s1  }
0x8: {  	s17 =	sadd.s32 $0x12C000, s2;
	s16 =	smul.u32 $0x1A400, s1;
	p1 =	seq.s32 s1, $0xF  }
0x9: {  	_ =	strace $0x80000047;
	s7 =	ssub.s32 $0x2, s6;
	p0 =	seq.s32 s6, $0x1  }
0xa: {  	s18 =	sshll.u32 @!p1 s1, $0x6;
	s17 =	sshrl.u32 @p1 s17, $0x3;
	s9 =	sadd.s32 s4, s10  }
0xb: {  	s11 =	sadd.s32 s5, s10;
	s4 =	sadd.s32 $0x5C800, s10;
	s5 =	sadd.s32 $0x200800, s10  }
0xc: {  	s12 =	sshrl.u32 s7, $0x1;
	s31 =	sshrl.u32 s8, $0x2;
	s13 =	sadd.s32 $0x19A00, s16  }
.Ltmp0:
0xd: {  	s14 =	sadd.s32 $0x19F00, s16;
	s18 =	sor.u32 @!p1 $0x1C03, s18;
	(pc) =	sbr.rel .LBB2_1-.Ltmp0, $4  }
0xe: {  	s12 =	ssub.s32 s7, s12;
	s19 =	sadd.s32 s31, s2;
	s6 =	sadd.s32 $0xE400, s9  }
0xf: {  	s7 =	sadd.s32 $0x33C00, s10;
	s8 =	sadd.s32 $0x3400, s11;
	s9 =	sadd.s32 $0x35600, s9  }
0x10: {  	s10 =	sadd.s32 $0x5AE00, s10;
	s11 =	sadd.s32 $0x8C00, s11;
	s15 =	sadd.s32 s16, s4  }
0x11: {  	s16 =	sadd.s32 s16, s5;
	s12 =	smax.u32 s12, $0x1;
	s19 =	sshrl.u32 @!p1 s19, $0x3  }
.LBB2_7:
0x12: {  	[sflag:s20] =	ssyncadd.s32 $0xFFFFD800;
	s29 =	smov.u32 s5  }
.LBB2_8:
0x13: {  	[tilespmem:s23], [sflag:$0x2] =	stream.indirect.gather [spmem:s2], $0x80, s26, s21, $0xb8;
	[tilespmem:$0x1B480] =	vst v63  }
0x14: {  	_ =	swait.ge [sflag:s24], $0x2800  }
0x15: {  	[sflag:s24] =	ssyncset.done $0x0  }
0x16: {  	s0 =	sadd.s32 s29, s13;
	[sflag:s24] =	ssyncadd.s32 $0xFFFFD800  }
0x17: {  	[hbm4b:s0+s3] =	stream.linear.scatter [tilespmem:s22], [sflag:$0x3], $0x2800, $0x38;
	[tilespmem:$0x1B480] =	vst v63  }
0x18: {  	_ =	swait.ge [sflag:s20], $0x2800  }
0x19: {  	[sflag:s20] =	ssyncset.done $0x0  }
0x1a: {  	[sflag:s20] =	ssyncadd.s32 $0xFFFFD800  }
0x1b: {  	s28 =	sadd.s32 $0x1, s28;
	_ =	swait.ge [sflag:s25], $0x2800  }
0x1c: {  	p2 =	sne.s32 s28, s12;
	[sflag:s25] =	ssyncset.done $0x0  }
.Ltmp1:
0x1d: {  	s31 =	sadd.s32 s29, s14;
	[sflag:s25] =	ssyncadd.s32 $0xFFFFD800;
	(pc) =	sbr.rel @!p2 .LBB2_9-.Ltmp1, $4  }
0x1e: {  	[hbm4b:s31+s3] =	stream.linear.scatter [tilespmem:s23], [sflag:$0x3], $0x2800, $0x38;
	[tilespmem:$0x1B480] =	vst v63  }
0x1f: {  	_ =	swait.ge [sflag:s20], $0x2800  }
0x20: {  	[sflag:s20] =	ssyncset.done $0x0  }
0x21: {  	[sflag:s20] =	ssyncadd.s32 $0xFFFFD800  }
.LBB2_1:
.Ltmp2:
0x22: {  	(pc) =	sbr.rel @!p0 .LBB2_2-.Ltmp2, $1  }
0x23: {  	_ =	sdelay $0x3  }
0x24: {  	s0 =	simm.s32 @p1 $0x1FC3  }
0x25: {  	[spmem:s17], [sflag:s0] =	dma.local @p1 [hbm:s10], $0x1900  }
0x26: {  	s0 =	simm.s32 @p1 $0x3  }
0x27: {  	_ =	swait.ge @p1 [sflag:s0], $0x1900  }
0x28: {  	[sflag:s0] =	ssyncset.done @p1 $0x0  }
0x29: {  	[sflag:s0] =	ssyncadd.s32 @p1 $0xFFFFE700;
	s0 =	simm.s32 @!p1 $0x3  }
0x2a: {  	[spmem:s19], [sflag:s18] =	dma.local @!p1 [hbm:s9], $0x2800  }
0x2b: {  	_ =	swait.ge @!p1 [sflag:s0], $0x2800  }
0x2c: {  	[sflag:s0] =	ssyncset.done @!p1 $0x0  }
0x2d: {  	s31 =	simm.s32 $0x0;
	[sflag:s0] =	ssyncadd.s32 @!p1 $0xFFFFD800  }
0x2e: {  	[tilespmem:s31], [sflag:$0x3] =	stream.linear.gather [hbm4b:s11+s31], $0x2A00, $0x38;
	[tilespmem:$0x1B480] =	vst v63  }
0x2f: {  	_ =	swait.ge [sflag:s20], $0x2A00  }
0x30: {  	[sflag:s20] =	ssyncset.done $0x0  }
0x31: {  	[sflag:s20] =	ssyncadd.s32 $0xFFFFD600  }
0x32: {  	[bflag:$0x0] =	sbarrier.arrive $0xFFFF  }
0x33: {  	[tilespmem:s22], [sflag:$0x1] =	stream.indirect.gather [spmem:s2], $0x80, s31, s21, $0xb8;
	[tilespmem:$0x1B480] =	vst v63  }
0x34: {  	s29 =	simm.s32 $0x80  }
0x35: {  	[tilespmem:s23], [sflag:$0x2] =	stream.indirect.gather [spmem:s2], $0x80, s29, s21, $0xb8;
	[tilespmem:$0x1B480] =	vst v63  }
0x36: {  	_ =	swait.ge [sflag:s24], $0x2800  }
0x37: {  	[sflag:s24] =	ssyncset.done $0x0  }
0x38: {  	s31 =	sadd.s32 $0x0, s16;
	[sflag:s24] =	ssyncadd.s32 $0xFFFFD800  }
0x39: {  	[hbm4b:s31+s3] =	stream.linear.scatter [tilespmem:s22], [sflag:$0x3], $0x2800, $0x38;
	[tilespmem:$0x1B480] =	vst v63  }
0x3a: {  	_ =	swait.ge [sflag:s20], $0x2800  }
0x3b: {  	[sflag:s20] =	ssyncset.done $0x0  }
0x3c: {  	s30 =	simm.s32 $0x100;
	[sflag:s20] =	ssyncadd.s32 $0xFFFFD800  }
0x3d: {  	[tilespmem:s22], [sflag:$0x1] =	stream.indirect.gather [spmem:s2], $0x80, s30, s21, $0xb8;
	[tilespmem:$0x1B480] =	vst v63  }
0x3e: {  	_ =	swait.ge [sflag:s25], $0x2800  }
0x3f: {  	[sflag:s25] =	ssyncset.done $0x0  }
0x40: {  	s0 =	sadd.s32 $0x500, s31;
	[sflag:s25] =	ssyncadd.s32 $0xFFFFD800  }
0x41: {  	[hbm4b:s0+s3] =	stream.linear.scatter [tilespmem:s23], [sflag:$0x3], $0x2800, $0x38;
	[tilespmem:$0x1B480] =	vst v63  }
0x42: {  	_ =	swait.ge [sflag:s20], $0x2800  }
0x43: {  	s30 =	simm.s32 $0xA00;
	[sflag:s20] =	ssyncset.done $0x0  }
.LBB2_6:
0x44: {  	p2 =	sne.s32 s30, $0x19000;
	[sflag:s20] =	ssyncadd.s32 $0xFFFFD800;
	s29 =	sadd.s32 $0x100, s29  }
0x45: {  	[tilespmem:s23], [sflag:$0x2] =	stream.indirect.gather [spmem:s2], $0x80, s29, s21, $0xb8;
	[tilespmem:$0x1B480] =	vst v63  }
0x46: {  	s0 =	smov.u32 s30;
	s30 =	sadd.s32 $0xA00, s30;
	_ =	swait.ge [sflag:s24], $0x2800  }
0x47: {  	[sflag:s24] =	ssyncset.done $0x0  }
0x48: {  	s0 =	sadd.s32 s0, s16;
	[sflag:s24] =	ssyncadd.s32 $0xFFFFD800  }
0x49: {  	[hbm4b:s0+s3] =	stream.linear.scatter [tilespmem:s22], [sflag:$0x3], $0x2800, $0x38;
	[tilespmem:$0x1B480] =	vst v63  }
0x4a: {  	_ =	swait.ge [sflag:s20], $0x2800  }
0x4b: {  	[sflag:s20] =	ssyncset.done $0x0  }
0x4c: {  	s31 =	sadd.s32 $0x80, s29;
	[sflag:s20] =	ssyncadd.s32 $0xFFFFD800  }
0x4d: {  	[tilespmem:s22], [sflag:$0x1] =	stream.indirect.gather [spmem:s2], $0x80, s31, s21, $0xb8;
	[tilespmem:$0x1B480] =	vst v63  }
0x4e: {  	_ =	swait.ge [sflag:s25], $0x2800  }
.Ltmp3:
0x4f: {  	[sflag:s25] =	ssyncset.done $0x0;
	(pc) =	sbr.rel @p2 .LBB2_6-.Ltmp3, $4  }
0x50: {  	s0 =	sadd.s32 $0x500, s0;
	[sflag:s25] =	ssyncadd.s32 $0xFFFFD800  }
0x51: {  	[hbm4b:s0+s3] =	stream.linear.scatter [tilespmem:s23], [sflag:$0x3], $0x2800, $0x38;
	[tilespmem:$0x1B480] =	vst v63  }
0x52: {  	_ =	swait.ge [sflag:s20], $0x2800  }
0x53: {  	[sflag:s20] =	ssyncset.done $0x0  }
.Ltmp4:
0x54: {  	_ = 	snop;
	(pc) =	sbr.rel .LBB2_7-.Ltmp4, $1  }
0x55: {  	_ =	sdelay $0x3  }
.LBB2_2:
0x56: {  	s29 =	simm.s32 @p1 $0x1FC3  }
0x57: {  	[spmem:s17], [sflag:s29] =	dma.local @p1 [hbm:s7], $0x1900  }
0x58: {  	s29 =	simm.s32 @p1 $0x3  }
0x59: {  	_ =	swait.ge @p1 [sflag:s29], $0x1900  }
0x5a: {  	[sflag:s29] =	ssyncset.done @p1 $0x0  }
0x5b: {  	[sflag:s29] =	ssyncadd.s32 @p1 $0xFFFFE700;
	s29 =	simm.s32 @!p1 $0x3  }
0x5c: {  	[spmem:s19], [sflag:s18] =	dma.local @!p1 [hbm:s6], $0x2800  }
0x5d: {  	_ =	swait.ge @!p1 [sflag:s29], $0x2800  }
0x5e: {  	[sflag:s29] =	ssyncset.done @!p1 $0x0  }
0x5f: {  	[sflag:s29] =	ssyncadd.s32 @!p1 $0xFFFFD800;
	s29 =	simm.s32 $0x0  }
0x60: {  	[tilespmem:s29], [sflag:$0x3] =	stream.linear.gather [hbm4b:s8+s29], $0x2A00, $0x38;
	[tilespmem:$0x1B480] =	vst v63  }
0x61: {  	_ =	swait.ge [sflag:s20], $0x2A00  }
0x62: {  	[sflag:s20] =	ssyncset.done $0x0  }
0x63: {  	[sflag:s20] =	ssyncadd.s32 $0xFFFFD600  }
0x64: {  	[bflag:$0x0] =	sbarrier.arrive $0xFFFF  }
0x65: {  	[tilespmem:s22], [sflag:$0x1] =	stream.indirect.gather [spmem:s2], $0x80, s29, s21, $0xb8;
	[tilespmem:$0x1B480] =	vst v63  }
0x66: {  	s29 =	simm.s32 $0x80  }
0x67: {  	[tilespmem:s23], [sflag:$0x2] =	stream.indirect.gather [spmem:s2], $0x80, s29, s21, $0xb8;
	[tilespmem:$0x1B480] =	vst v63  }
0x68: {  	_ =	swait.ge [sflag:s24], $0x2800  }
0x69: {  	[sflag:s24] =	ssyncset.done $0x0  }
0x6a: {  	s30 =	sadd.s32 $0x0, s15;
	[sflag:s24] =	ssyncadd.s32 $0xFFFFD800  }
0x6b: {  	[hbm4b:s30+s3] =	stream.linear.scatter [tilespmem:s22], [sflag:$0x3], $0x2800, $0x38;
	[tilespmem:$0x1B480] =	vst v63  }
0x6c: {  	_ =	swait.ge [sflag:s20], $0x2800  }
0x6d: {  	[sflag:s20] =	ssyncset.done $0x0  }
0x6e: {  	s31 =	simm.s32 $0x100;
	[sflag:s20] =	ssyncadd.s32 $0xFFFFD800  }
0x6f: {  	[tilespmem:s22], [sflag:$0x1] =	stream.indirect.gather [spmem:s2], $0x80, s31, s21, $0xb8;
	[tilespmem:$0x1B480] =	vst v63  }
0x70: {  	_ =	swait.ge [sflag:s25], $0x2800  }
0x71: {  	[sflag:s25] =	ssyncset.done $0x0  }
0x72: {  	s30 =	sadd.s32 $0x500, s30;
	[sflag:s25] =	ssyncadd.s32 $0xFFFFD800  }
0x73: {  	[hbm4b:s30+s3] =	stream.linear.scatter [tilespmem:s23], [sflag:$0x3], $0x2800, $0x38;
	[tilespmem:$0x1B480] =	vst v63  }
0x74: {  	_ =	swait.ge [sflag:s20], $0x2800  }
0x75: {  	s30 =	simm.s32 $0xA00;
	[sflag:s20] =	ssyncset.done $0x0  }
.LBB2_3:
0x76: {  	p2 =	seq.s32 s30, $0x19000;
	[sflag:s20] =	ssyncadd.s32 $0xFFFFD800;
	s29 =	sadd.s32 $0x100, s29  }
0x77: {  	[tilespmem:s23], [sflag:$0x2] =	stream.indirect.gather [spmem:s2], $0x80, s29, s21, $0xb8;
	[tilespmem:$0x1B480] =	vst v63  }
0x78: {  	s31 =	smov.u32 s30;
	s30 =	sadd.s32 $0xA00, s30;
	_ =	swait.ge [sflag:s24], $0x2800  }
0x79: {  	[sflag:s24] =	ssyncset.done $0x0  }
0x7a: {  	s31 =	sadd.s32 s31, s15;
	[sflag:s24] =	ssyncadd.s32 $0xFFFFD800  }
0x7b: {  	[hbm4b:s31+s3] =	stream.linear.scatter [tilespmem:s22], [sflag:$0x3], $0x2800, $0x38;
	[tilespmem:$0x1B480] =	vst v63  }
0x7c: {  	_ =	swait.ge [sflag:s20], $0x2800  }
0x7d: {  	[sflag:s20] =	ssyncset.done $0x0  }
0x7e: {  	s0 =	sadd.s32 $0x80, s29;
	[sflag:s20] =	ssyncadd.s32 $0xFFFFD800  }
0x7f: {  	[tilespmem:s22], [sflag:$0x1] =	stream.indirect.gather [spmem:s2], $0x80, s0, s21, $0xb8;
	[tilespmem:$0x1B480] =	vst v63  }
0x80: {  	_ =	swait.ge [sflag:s25], $0x2800  }
.Ltmp5:
0x81: {  	[sflag:s25] =	ssyncset.done $0x0;
	(pc) =	sbr.rel @!p2 .LBB2_3-.Ltmp5, $4  }
0x82: {  	s0 =	sadd.s32 $0x500, s31;
	[sflag:s25] =	ssyncadd.s32 $0xFFFFD800  }
0x83: {  	[hbm4b:s0+s3] =	stream.linear.scatter [tilespmem:s23], [sflag:$0x3], $0x2800, $0x38;
	[tilespmem:$0x1B480] =	vst v63  }
0x84: {  	_ =	swait.ge [sflag:s20], $0x2800  }
0x85: {  	[sflag:s20] =	ssyncset.done $0x0  }
.Ltmp6:
0x86: {  	(pc) =	sbr.rel .LBB2_8-.Ltmp6, $2  }
0x87: {  	_ =	sdelay $0x2  }
0x88: {  	[sflag:s20] =	ssyncadd.s32 $0xFFFFD800;
	s29 =	smov.u32 s4  }
.LBB2_9:
0x89: {  	_ =	sfence.sel $0x180000  }
0x8a: {  	[bflag:$0x0] =	sbarrier.arrive $0xFFFF  }
0x8b: {  	_ =	strace $0x90000047  }
0x8c: {  	[bflag:$0x2] =	sbarrier.arrive $0xFFFF  }
0x8d: {  	p0 =	sne.s32 s1, $0x0;
	s0 =	rddreg [dreg:$0x2]  }
0x8e: {  	s0 =	sadd.s32 @!p0 $0x100000, s0  }
0x8f: {  	[sflag:s0] =	ssyncadd.tile.s32 @!p0 $0x1;
	_ =	shalt  }
.Lfunc_end2:
_tile_overlayer_lowered:
.L_overlay_start_2:
0x90: {  	(tag) =	ssettag $0x2  }
0x91: {  	s0 =	rddreg [dreg:$0x0];
	s2 =	stileid.u32  }
0x92: {  	s1 =	rddreg [dreg:$0x1];
	p0 =	sne.s32 s2, $0x0  }
0x93: {  	s3 =	rddreg [dreg:$0x2];
	[bflag:$0x3] =	sbarrier.arrive $0xFFFF;
	s2 =	simm.s32 @!p0 $0x1C03  }
0x94: {  	[timem:s3], [sflag:s2] =	dma.local @!p0 [hbm:s0], s1  }
0x95: {  	s0 =	simm.s32 @!p0 $0x3  }
0x96: {  	_ =	swait.ge @!p0 [sflag:s0], s1  }
0x97: {  	s1 =	ssub.s32 @!p0 $0x0, s1;
	[sflag:s0] =	ssyncset.done @!p0 $0x0  }
0x98: {  	[sflag:s0] =	ssyncadd.s32 @!p0 s1  }
0x99: {  	[bflag:$0x3] =	sbarrier.arrive $0xFFFF  }
0x9a: {  	_ =	shalt  }

// kernel: kernel.16.cloned.1.call-start
scs
__scs_entry_jumppad:
0x0: {  	(pc) =	sbr.rel $0x88, $3  }
0x1: {  	(tag) =	ssettag $0x0;
	lr =	simm.s32 $0x1  }
0x2: {  	[smem:$0x3F97] =	sst lr;
	_ =	strace $0xD0000000  }
0x3: {  	_ = 	snop  }
0x4: {  	_ = 	snop  }
0x5: {  	_ = 	snop  }
0x6: {  	_ = 	snop  }
0x7: {  	_ = 	snop  }
__scs_overlays_trampoline_lowered:
0x8: {  	[smem:$0x3FA6] =	sst s0  }
0x9: {  	[smem:$0x3FA7] =	sst s1  }
0xa: {  	[smem:$0x3FA8] =	sst s2  }
0xb: {  	[smem:$0x3FA9] =	sst s3  }
0xc: {  	[smem:$0x3FAA] =	sst s4  }
0xd: {  	[smem:$0x3FAB] =	sst s5  }
0xe: {  	[smem:$0x3FAC] =	sst s6  }
0xf: {  	[smem:$0x3FAD] =	sst s7  }
0x10: {  	[smem:$0x3FAE] =	sst s8  }
0x11: {  	[smem:$0x3FAF] =	sst s9;
	s0 =	simm.s32 @!p0 $0x0  }
0x12: {  	s1 =	sld [smem:$0x3F95];
	s0 =	simm.s32 @p0 $0x1  }
0x13: {  	[smem:$0x3FB0] =	sst s0;
	s0 =	simm.s32 @!p1 $0x0  }
0x14: {  	s2 =	sld [smem:$0x3F94];
	s0 =	simm.s32 @p1 $0x1  }
0x15: {  	[smem:$0x3FB1] =	sst s0;
	s0 =	simm.s32 @!p2 $0x0  }
0x16: {  	s3 =	sld [smem:$0x3FDB];
	s0 =	simm.s32 @p2 $0x1  }
0x17: {  	s4 =	simm.s32 $0x1BF5;
	[smem:$0x3FB3] =	sst s0  }
0x18: {  	s0 =	sld [smem:$0x3F96];
	_ =	swait.ge [sflag:s4], $0x0  }
0x19: {  	s7 =	sld [smem:$0x3F97]  }
0x1a: {  	s8 =	sadd.s32 $0xFFFFE003, lr  }
0x1b: {  	s9 =	sadd.s32 $0xFFFFFEF7, lr;
	s5 =	simm.s32 $0xFFFFFFFF;
	p2 =	slt.u32 s8, $0xFFFFF086  }
0x1c: {  	p1 =	slt.u32 s9, $0xF7A;
	s5 =	simm.s32 @!p2 $0x0  }
0x1d: {  	s5 =	simm.s32 @p1 $0x1;
	p0 =	seq.s32 s7, s2  }
0x1e: {  	s7 =	smul.u32 @!p0 $0xF7A, s2;
	p2 =	seq.s32 @!p0 s5, $0x0  }
0x1f: {  	s9 =	smul.u32 $0xF7A, s1;
	s8 =	simm.s32 @!p0 $0x1BF5;
	p2 =	por !p2, p0  }
0x20: {  	[sflag:s8] =	ssyncset.s32 @!p0 $0xFFFFF086;
	s6 =	sadd.s32 @!p0 s3, s7;
	s7 =	simm.s32 @!p0 $0x108  }
0x21: {  	s3 =	sadd.s32 s3, s9;
	s6 =	sadd.s32 @!p0 $0x88, s6;
	s7 =	simm.s32 @p2 $0x1082  }
0x22: {  	[simem:s7], [sflag:s8] =	dma.local @!p0 [hbm:s6], $0xF7A  }
0x23: {  	s9 =	sor.u32 $0xD0000000, s2;
	s6 =	simm.s32 $0x108;
	_ =	swait.ge @!p0 [sflag:s8], $0x0  }
0x24: {  	s3 =	sadd.s32 $0x88, s3;
	s6 =	simm.s32 @!p1 $0x1082;
	[sflag:s4] =	ssyncset.s32 $0xFFFFF086  }
0x25: {  	[simem:s6], [sflag:s4] =	dma.local [hbm:s3], $0xF7A  }
0x26: {  	[smem:$0x3F97] =	sst s1;
	(tag) =	ssettag s2;
	_ =	strace s9  }
0x27: {  	s1 =	sld [smem:$0x3FA7]  }
0x28: {  	s2 =	sld [smem:$0x3FA8]  }
0x29: {  	s4 =	sld [smem:$0x3FAA]  }
0x2a: {  	p0 =	seq.s32 s5, $0x0;
	s5 =	sld [smem:$0x3FAB]  }
0x2b: {  	s6 =	sld [smem:$0x3FAC]  }
0x2c: {  	s7 =	sld [smem:$0x3FAD]  }
0x2d: {  	s3 =	simm.s32 $0x108;
	s8 =	sld [smem:$0x3FAE]  }
0x2e: {  	s3 =	simm.s32 @!p0 $0x1082;
	s9 =	sld [smem:$0x3FAF]  }
0x2f: {  	lr =	sadd.s32 s0, s3;
	s0 =	sld [smem:$0x3FA6]  }
0x30: {  	s3 =	sld [smem:$0x3FA9]  }
0x31: {  	[smem:$0x3FB2] =	sst s10  }
0x32: {  	s10 =	sld [smem:$0x3FB0];
	_ =	sdelay $0x3  }
0x33: {  	p0 =	seq.s32 s10, $0x1;
	s10 =	sld [smem:$0x3FB2];
	_ =	sdelay $0x3  }
0x34: {  	[smem:$0x3FB2] =	sst s10  }
0x35: {  	s10 =	sld [smem:$0x3FB1];
	_ =	sdelay $0x3  }
0x36: {  	p1 =	seq.s32 s10, $0x1;
	s10 =	sld [smem:$0x3FB2];
	_ =	sdelay $0x3  }
0x37: {  	[smem:$0x3FB2] =	sst s10  }
0x38: {  	s10 =	sld [smem:$0x3FB3]  }
0x39: {  	_ = 	snop;
	(pc) =	sbr.ind lr, $3  }
0x3a: {  	_ = 	snop  }
0x3b: {  	_ = 	snop  }
0x3c: {  	p2 =	seq.s32 s10, $0x1;
	s10 =	sld [smem:$0x3FB2]  }
0x3d: {  	_ =	shalt  }
0x3e: {  	_ =	shalt  }
0x3f: {  	_ =	shalt  }
0x40: {  	_ =	shalt  }
0x41: {  	_ =	shalt  }
0x42: {  	_ =	shalt  }
0x43: {  	_ =	shalt  }
0x44: {  	_ =	shalt  }
0x45: {  	_ =	shalt  }
0x46: {  	_ =	shalt  }
0x47: {  	_ =	shalt  }
0x48: {  	_ =	shalt  }
0x49: {  	_ =	shalt  }
0x4a: {  	_ =	shalt  }
0x4b: {  	_ =	shalt  }
0x4c: {  	_ =	shalt  }
0x4d: {  	_ =	shalt  }
0x4e: {  	_ =	shalt  }
0x4f: {  	_ =	shalt  }
0x50: {  	_ =	shalt  }
0x51: {  	_ =	shalt  }
0x52: {  	_ =	shalt  }
0x53: {  	_ =	shalt  }
0x54: {  	_ =	shalt  }
0x55: {  	_ =	shalt  }
0x56: {  	_ =	shalt  }
0x57: {  	_ =	shalt  }
0x58: {  	_ =	shalt  }
0x59: {  	_ =	shalt  }
0x5a: {  	_ =	shalt  }
0x5b: {  	_ =	shalt  }
0x5c: {  	_ =	shalt  }
0x5d: {  	_ =	shalt  }
0x5e: {  	_ =	shalt  }
0x5f: {  	_ =	shalt  }
0x60: {  	_ =	shalt  }
0x61: {  	_ =	shalt  }
0x62: {  	_ =	shalt  }
0x63: {  	_ =	shalt  }
0x64: {  	_ =	shalt  }
0x65: {  	_ =	shalt  }
0x66: {  	_ =	shalt  }
0x67: {  	_ =	shalt  }
0x68: {  	_ =	shalt  }
0x69: {  	_ =	shalt  }
0x6a: {  	_ =	shalt  }
0x6b: {  	_ =	shalt  }
0x6c: {  	_ =	shalt  }
0x6d: {  	_ =	shalt  }
0x6e: {  	_ =	shalt  }
0x6f: {  	_ =	shalt  }
0x70: {  	_ =	shalt  }
0x71: {  	_ =	shalt  }
0x72: {  	_ =	shalt  }
0x73: {  	_ =	shalt  }
0x74: {  	_ =	shalt  }
0x75: {  	_ =	shalt  }
0x76: {  	_ =	shalt  }
0x77: {  	_ =	shalt  }
0x78: {  	_ =	shalt  }
0x79: {  	_ =	shalt  }
0x7a: {  	_ =	shalt  }
0x7b: {  	_ =	shalt  }
0x7c: {  	_ =	shalt  }
0x7d: {  	_ =	shalt  }
0x7e: {  	_ =	shalt  }
0x7f: {  	_ =	shalt  }
0x80: {  	_ =	shalt  }
0x81: {  	_ =	shalt  }
0x82: {  	_ =	shalt  }
0x83: {  	_ =	shalt  }
0x84: {  	_ =	shalt  }
0x85: {  	_ =	shalt  }
0x86: {  	_ =	shalt  }
0x87: {  	_ =	shalt  }
.Lfunc_end0:
.L_simem_size_0:
called_computation.2_lowered:
.L_overlay_start_0:
0x88: {  	s2 =	sld [smem:$0x3FD9]  }
0x89: {  	s3 =	sld [smem:$0x3FFE];
	_ =	sdelay $0x1  }
0x8a: {  	s1 =	srdreg.scid  }
0x8b: {  	s0 =	sand.u32 $0x1, s1  }
0x8c: {  	s17 =	sshll.u32 s0, $0xA;
	s2 =	sadd.s32 s3, s2  }
0x8d: {  	s2 =	sadd.s32 s2, s17  }
0x8e: {  	[smem:$0x3FBE] =	sst s2  }
0x8f: {  	_ = 	snop  }
0x90: {  	(tm) =	ssettm $0x1  }
0x91: {  	s18 =	sld [smem:$0x3FFB];
	_ =	sdelay $0x3  }
0x92: {  	_ =	strace s18  }
0x93: {  	s2 =	sld [smem:$0x3FFC];
	_ =	sdelay $0x3  }
0x94: {  	_ =	strace s2  }
0x95: {  	s2 =	sld [smem:$0x3FFD];
	_ =	sdelay $0x3  }
0x96: {  	_ =	strace s2  }
0x97: {  	_ =	strace $0x8FFFFFFF  }
0x98: {  	s19 =	sld [smem:$0x3FDB];
	_ =	sdelay $0x1  }
0x99: {  	s20 =	simm.s32 $_scs_section_size  }
0x9a: {  	s4 =	simm.s32 $_size__tile_overlayer_lowered;
	s5 =	simm.s32 $_tile_overlayer_lowered  }
0x9b: {  	s6 =	simm.s32 $0x1BFF;
	s21 =	sshll.u32 s5, $0x1;
	s3 =	sadd.s32 s20, s19  }
0x9c: {  	s22 =	simm.s32 $0x0;
	s4 =	sshll.u32 s4, $0x1;
	s5 =	sadd.s32 s21, s3  }
0x9d: {  	[timem:s22], [sflag:s6] =	dma.local [hbm:s5], s4  }
0x9e: {  	_ =	swait.ge [sflag:s6], s4  }
0x9f: {  	s4 =	ssub.s32 $0x0, s4;
	[sflag:s6] =	ssyncset.done $0x0  }
0xa0: {  	[sflag:s6] =	ssyncadd.s32 s4;
	_ =	sdelay $0x1  }
0xa1: {  	s23 =	simm.s32 $0x1B8B  }
0xa2: {  	_ =	swait.ge [sflag:s23], $0x1  }
0xa3: {  	[sflag:s23] =	ssyncset.done $0x0  }
0xa4: {  	[sflag:s23] =	ssyncadd.s32 $0xFFFFFFFF  }
0xa5: {  	s4 =	sld [smem:$0x0]  }
0xa6: {  	s5 =	sand.u32 $0xFFFFFFFE, s1  }
0xa7: {  	p0 =	sne.s32 s1, s5  }
0xa8: {  	s5 =	sshll.u32 @p0 s5, $0xE  }
0xa9: {  	s5 =	sadd.s32 @p0 $0x11B8D, s5;
	s6 =	sshll.u32 @p0 s4, $0x11  }
0xaa: {  	s5 =	sor.u32 @p0 s6, s5  }
0xab: {  	[sflag:s5] =	ssyncadd.remote.s32 @p0 $0x1;
	_ =	sdelay $0x1  }
0xac: {  	s5 =	simm.s32 @p0 $0x1B8D  }
0xad: {  	_ =	swait.eq @p0 [sflag:s5], $0x1  }
0xae: {  	[sflag:s5] =	ssyncadd.s32 @p0 $0xFFFFFFFF  }
0xaf: {  	s6 =	sshll.u32 @!p0 s1, $0xE  }
0xb0: {  	s6 =	sor.u32 @!p0 $0x4000, s6;
	s5 =	simm.s32 @!p0 $0x1B8D  }
0xb1: {  	s4 =	sshll.u32 @!p0 s4, $0x11;
	s6 =	sadd.s32 @!p0 $0x11B8D, s6;
	_ =	swait.eq @!p0 [sflag:s5], $0x1  }
0xb2: {  	s4 =	sor.u32 @!p0 s4, s6;
	[sflag:s5] =	ssyncadd.s32 @!p0 $0xFFFFFFFF  }
0xb3: {  	s25 =	simm.s32 $0x1B8E;
	s24 =	sld [smem:$0x3FFE];
	[sflag:s4] =	ssyncadd.remote.s32 @!p0 $0x1  }
0xb4: {  	s26 =	simm.s32 $execute0_lowered;
	[smem:$0x3FD2] =	sst s25  }
0xb5: {  	s5 =	sshll.u32 s26, $0x1;
	_ =	strace $0x80000049;
	[dreg:$0x1] =	wrdreg $0xFFFFFFFF  }
0xb6: {  	s28 =	simm.s32 $_size_execute0_lowered;
	s3 =	sadd.s32 s3, s5;
	[dreg:$0x0] =	wrdreg $0x0  }
0xb7: {  	s5 =	sshll.u32 s28, $0x1;
	[dreg:$0x2] =	wrdreg s3  }
0xb8: {  	[dreg:$0x3] =	wrdreg s5  }
0xb9: {  	[dreg:$0x4] =	wrdreg $0xC0  }
0xba: {  	_ =	task [dreg:s22], $0x5FFFF  }
0xbb: {  	[dreg:$0x1] =	wrdreg $0xFFFFFFFF  }
0xbc: {  	[dreg:$0x0] =	wrdreg $0x60  }
0xbd: {  	[dreg:$0x2] =	wrdreg s24  }
0xbe: {  	[dreg:$0x3] =	wrdreg $0x7C000  }
0xbf: {  	[dreg:$0x4] =	wrdreg $0xB  }
0xc0: {  	_ =	task.clear_ibuf [dreg:s22], $0x5FFFF;
	_ =	strace $0x90000049  }
0xc1: {  	s29 =	simm.s32 $0xB;
	_ =	strace $0x8000004B  }
0xc2: {  	_ =	swait.ge [sflag:s29], $0x1  }
0xc3: {  	[sflag:s29] =	ssyncadd.s32 $0xFFFFFFFF  }
0xc4: {  	_ =	strace $0x9000004B  }
0xc5: {  	_ =	sfence  }
0xc6: {  	s30 =	sld [smem:$0x0];
	_ =	sdelay $0x2  }
0xc7: {  	s31 =	sshll.u32 s1, $0xD;
	s1 =	sshrl.u32 s1, $0x2  }
0xc8: {  	s4 =	sand.u32 $0x4000, s31;
	s1 =	sadd.s32 s1, s30  }
0xc9: {  	s0 =	sor.u32 s4, s0;
	s1 =	sshll.u32 s1, $0x11  }
0xca: {  	s0 =	sor.u32 s1, s0  }
0xcb: {  	s0 =	sadd.s32 $0x8F2B, s0  }
0xcc: {  	[sflag:s0] =	ssyncadd.remote.s32 $0x1  }
0xcd: {  	_ =	sfence.sel $0xFFFF  }
0xce: {  	[dreg:$0x0] =	wrdreg $0xFFFFFFFF;
	(pc) =	sbr.abs _section_cstart, $3  }
0xcf: {  	[dreg:$0x1] =	wrdreg $0xFFFFFFFF  }
0xd0: {  	_ =	task.clear_ibuf [dreg:s22], $0x2FFFF;
	_ =	strace $0x9FFFFFFF  }
0xd1: {  	(tm) =	ssettm $0x7FFFFFFF  }
tec
execute0_lowered:
.L_overlay_start_1:
0x0: {  	(tag) =	ssettag $0x1  }
0x1: {  	s10 =	rddreg [dreg:$0x0]  }
0x2: {  	s2 =	rddreg [dreg:$0x1];
	s3 =	simm.s32 $0x0  }
0x3: {  	s1 =	stileid.u32;
	s6 =	srdreg.scid;
	s20 =	simm.s32 $0x3  }
0x4: {  	s21 =	simm.s32 $0x50;
	s22 =	simm.s32 $0x2C00;
	s23 =	simm.s32 $0x5400  }
0x5: {  	s24 =	simm.s32 $0x1;
	s25 =	simm.s32 $0x2;
	s4 =	smul.u32 $0x2800, s1  }
0x6: {  	s26 =	simm.s32 $0x2880;
	s28 =	simm.s32 $0x0;
	s5 =	smul.u32 $0x580, s1  }
0x7: {  	[smem:$0x7FF] =	sst s3;
	s6 =	sand.u32 $0x1, s6;
	s8 =	smul.u32 $0x50000, s1  }
0x8: {  	s17 =	sadd.s32 $0x12C000, s2;
	s16 =	smul.u32 $0x19A00, s1;
	p1 =	seq.s32 s1, $0xF  }
0x9: {  	_ =	strace $0x8000004A;
	s7 =	ssub.s32 $0x2, s6;
	p0 =	seq.s32 s6, $0x1  }
0xa: {  	s18 =	sshll.u32 @!p1 s1, $0x6;
	s17 =	sshrl.u32 @p1 s17, $0x3;
	s9 =	sadd.s32 s4, s10  }
0xb: {  	s11 =	sadd.s32 s5, s10;
	s4 =	sadd.s32 $0x3AF800, s10;
	s5 =	sadd.s32 $0x549800, s10  }
0xc: {  	s12 =	sshrl.u32 s7, $0x1;
	s31 =	sshrl.u32 s8, $0x2;
	s13 =	sadd.s32 $0x19000, s16  }
.Ltmp0:
0xd: {  	s14 =	sadd.s32 $0x19500, s16;
	s18 =	sor.u32 @!p1 $0x1C03, s18;
	(pc) =	sbr.rel .LBB2_1-.Ltmp0, $4  }
0xe: {  	s12 =	ssub.s32 s7, s12;
	s19 =	sadd.s32 s31, s2;
	s6 =	sadd.s32 $0xE400, s9  }
0xf: {  	s7 =	sadd.s32 $0x33C00, s10;
	s8 =	sadd.s32 $0x3A4800, s11;
	s9 =	sadd.s32 $0x35600, s9  }
0x10: {  	s10 =	sadd.s32 $0x5AE00, s10;
	s11 =	sadd.s32 $0x3AA000, s11;
	s15 =	sadd.s32 s16, s4  }
0x11: {  	s16 =	sadd.s32 s16, s5;
	s12 =	smax.u32 s12, $0x1;
	s19 =	sshrl.u32 @!p1 s19, $0x3  }
.LBB2_7:
0x12: {  	[sflag:s20] =	ssyncadd.s32 $0xFFFFD800;
	s29 =	smov.u32 s5  }
.LBB2_8:
0x13: {  	[tilespmem:s23], [sflag:$0x2] =	stream.indirect.gather [spmem:s2], $0x80, s26, s21, $0xb8;
	[tilespmem:$0x1B480] =	vst v63  }
0x14: {  	_ =	swait.ge [sflag:s24], $0x2800  }
0x15: {  	[sflag:s24] =	ssyncset.done $0x0  }
0x16: {  	s0 =	sadd.s32 s29, s13;
	[sflag:s24] =	ssyncadd.s32 $0xFFFFD800  }
0x17: {  	[hbm4b:s0+s3] =	stream.linear.scatter [tilespmem:s22], [sflag:$0x3], $0x2800, $0x38;
	[tilespmem:$0x1B480] =	vst v63  }
0x18: {  	_ =	swait.ge [sflag:s20], $0x2800  }
0x19: {  	[sflag:s20] =	ssyncset.done $0x0  }
0x1a: {  	[sflag:s20] =	ssyncadd.s32 $0xFFFFD800  }
0x1b: {  	s28 =	sadd.s32 $0x1, s28;
	_ =	swait.ge [sflag:s25], $0x2800  }
0x1c: {  	p2 =	sne.s32 s28, s12;
	[sflag:s25] =	ssyncset.done $0x0  }
.Ltmp1:
0x1d: {  	s31 =	sadd.s32 s29, s14;
	[sflag:s25] =	ssyncadd.s32 $0xFFFFD800;
	(pc) =	sbr.rel @!p2 .LBB2_9-.Ltmp1, $4  }
0x1e: {  	[hbm4b:s31+s3] =	stream.linear.scatter [tilespmem:s23], [sflag:$0x3], $0x2800, $0x38;
	[tilespmem:$0x1B480] =	vst v63  }
0x1f: {  	_ =	swait.ge [sflag:s20], $0x2800  }
0x20: {  	[sflag:s20] =	ssyncset.done $0x0  }
0x21: {  	[sflag:s20] =	ssyncadd.s32 $0xFFFFD800  }
.LBB2_1:
.Ltmp2:
0x22: {  	(pc) =	sbr.rel @!p0 .LBB2_2-.Ltmp2, $1  }
0x23: {  	_ =	sdelay $0x3  }
0x24: {  	s0 =	simm.s32 @p1 $0x1FC3  }
0x25: {  	[spmem:s17], [sflag:s0] =	dma.local @p1 [hbm:s10], $0x1900  }
0x26: {  	s0 =	simm.s32 @p1 $0x3  }
0x27: {  	_ =	swait.ge @p1 [sflag:s0], $0x1900  }
0x28: {  	[sflag:s0] =	ssyncset.done @p1 $0x0  }
0x29: {  	[sflag:s0] =	ssyncadd.s32 @p1 $0xFFFFE700;
	s0 =	simm.s32 @!p1 $0x3  }
0x2a: {  	[spmem:s19], [sflag:s18] =	dma.local @!p1 [hbm:s9], $0x2800  }
0x2b: {  	_ =	swait.ge @!p1 [sflag:s0], $0x2800  }
0x2c: {  	[sflag:s0] =	ssyncset.done @!p1 $0x0  }
0x2d: {  	s31 =	simm.s32 $0x0;
	[sflag:s0] =	ssyncadd.s32 @!p1 $0xFFFFD800  }
0x2e: {  	[tilespmem:s31], [sflag:$0x3] =	stream.linear.gather [hbm4b:s11+s31], $0x2900, $0x38;
	[tilespmem:$0x1B480] =	vst v63  }
0x2f: {  	_ =	swait.ge [sflag:s20], $0x2900  }
0x30: {  	[sflag:s20] =	ssyncset.done $0x0  }
0x31: {  	[sflag:s20] =	ssyncadd.s32 $0xFFFFD700  }
0x32: {  	[bflag:$0x0] =	sbarrier.arrive $0xFFFF  }
0x33: {  	[tilespmem:s22], [sflag:$0x1] =	stream.indirect.gather [spmem:s2], $0x80, s31, s21, $0xb8;
	[tilespmem:$0x1B480] =	vst v63  }
0x34: {  	s29 =	simm.s32 $0x80  }
0x35: {  	[tilespmem:s23], [sflag:$0x2] =	stream.indirect.gather [spmem:s2], $0x80, s29, s21, $0xb8;
	[tilespmem:$0x1B480] =	vst v63  }
0x36: {  	_ =	swait.ge [sflag:s24], $0x2800  }
0x37: {  	[sflag:s24] =	ssyncset.done $0x0  }
0x38: {  	s31 =	sadd.s32 $0x0, s16;
	[sflag:s24] =	ssyncadd.s32 $0xFFFFD800  }
0x39: {  	[hbm4b:s31+s3] =	stream.linear.scatter [tilespmem:s22], [sflag:$0x3], $0x2800, $0x38;
	[tilespmem:$0x1B480] =	vst v63  }
0x3a: {  	_ =	swait.ge [sflag:s20], $0x2800  }
0x3b: {  	[sflag:s20] =	ssyncset.done $0x0  }
0x3c: {  	s30 =	simm.s32 $0x100;
	[sflag:s20] =	ssyncadd.s32 $0xFFFFD800  }
0x3d: {  	[tilespmem:s22], [sflag:$0x1] =	stream.indirect.gather [spmem:s2], $0x80, s30, s21, $0xb8;
	[tilespmem:$0x1B480] =	vst v63  }
0x3e: {  	_ =	swait.ge [sflag:s25], $0x2800  }
0x3f: {  	[sflag:s25] =	ssyncset.done $0x0  }
0x40: {  	s0 =	sadd.s32 $0x500, s31;
	[sflag:s25] =	ssyncadd.s32 $0xFFFFD800  }
0x41: {  	[hbm4b:s0+s3] =	stream.linear.scatter [tilespmem:s23], [sflag:$0x3], $0x2800, $0x38;
	[tilespmem:$0x1B480] =	vst v63  }
0x42: {  	_ =	swait.ge [sflag:s20], $0x2800  }
0x43: {  	s30 =	simm.s32 $0xA00;
	[sflag:s20] =	ssyncset.done $0x0  }
.LBB2_6:
0x44: {  	p2 =	sne.s32 s30, $0x18600;
	[sflag:s20] =	ssyncadd.s32 $0xFFFFD800;
	s29 =	sadd.s32 $0x100, s29  }
0x45: {  	[tilespmem:s23], [sflag:$0x2] =	stream.indirect.gather [spmem:s2], $0x80, s29, s21, $0xb8;
	[tilespmem:$0x1B480] =	vst v63  }
0x46: {  	s0 =	smov.u32 s30;
	s30 =	sadd.s32 $0xA00, s30;
	_ =	swait.ge [sflag:s24], $0x2800  }
0x47: {  	[sflag:s24] =	ssyncset.done $0x0  }
0x48: {  	s0 =	sadd.s32 s0, s16;
	[sflag:s24] =	ssyncadd.s32 $0xFFFFD800  }
0x49: {  	[hbm4b:s0+s3] =	stream.linear.scatter [tilespmem:s22], [sflag:$0x3], $0x2800, $0x38;
	[tilespmem:$0x1B480] =	vst v63  }
0x4a: {  	_ =	swait.ge [sflag:s20], $0x2800  }
0x4b: {  	[sflag:s20] =	ssyncset.done $0x0  }
0x4c: {  	s31 =	sadd.s32 $0x80, s29;
	[sflag:s20] =	ssyncadd.s32 $0xFFFFD800  }
0x4d: {  	[tilespmem:s22], [sflag:$0x1] =	stream.indirect.gather [spmem:s2], $0x80, s31, s21, $0xb8;
	[tilespmem:$0x1B480] =	vst v63  }
0x4e: {  	_ =	swait.ge [sflag:s25], $0x2800  }
.Ltmp3:
0x4f: {  	[sflag:s25] =	ssyncset.done $0x0;
	(pc) =	sbr.rel @p2 .LBB2_6-.Ltmp3, $4  }
0x50: {  	s0 =	sadd.s32 $0x500, s0;
	[sflag:s25] =	ssyncadd.s32 $0xFFFFD800  }
0x51: {  	[hbm4b:s0+s3] =	stream.linear.scatter [tilespmem:s23], [sflag:$0x3], $0x2800, $0x38;
	[tilespmem:$0x1B480] =	vst v63  }
0x52: {  	_ =	swait.ge [sflag:s20], $0x2800  }
0x53: {  	[sflag:s20] =	ssyncset.done $0x0  }
.Ltmp4:
0x54: {  	_ = 	snop;
	(pc) =	sbr.rel .LBB2_7-.Ltmp4, $1  }
0x55: {  	_ =	sdelay $0x3  }
.LBB2_2:
0x56: {  	s29 =	simm.s32 @p1 $0x1FC3  }
0x57: {  	[spmem:s17], [sflag:s29] =	dma.local @p1 [hbm:s7], $0x1900  }
0x58: {  	s29 =	simm.s32 @p1 $0x3  }
0x59: {  	_ =	swait.ge @p1 [sflag:s29], $0x1900  }
0x5a: {  	[sflag:s29] =	ssyncset.done @p1 $0x0  }
0x5b: {  	[sflag:s29] =	ssyncadd.s32 @p1 $0xFFFFE700;
	s29 =	simm.s32 @!p1 $0x3  }
0x5c: {  	[spmem:s19], [sflag:s18] =	dma.local @!p1 [hbm:s6], $0x2800  }
0x5d: {  	_ =	swait.ge @!p1 [sflag:s29], $0x2800  }
0x5e: {  	[sflag:s29] =	ssyncset.done @!p1 $0x0  }
0x5f: {  	[sflag:s29] =	ssyncadd.s32 @!p1 $0xFFFFD800;
	s29 =	simm.s32 $0x0  }
0x60: {  	[tilespmem:s29], [sflag:$0x3] =	stream.linear.gather [hbm4b:s8+s29], $0x2900, $0x38;
	[tilespmem:$0x1B480] =	vst v63  }
0x61: {  	_ =	swait.ge [sflag:s20], $0x2900  }
0x62: {  	[sflag:s20] =	ssyncset.done $0x0  }
0x63: {  	[sflag:s20] =	ssyncadd.s32 $0xFFFFD700  }
0x64: {  	[bflag:$0x0] =	sbarrier.arrive $0xFFFF  }
0x65: {  	[tilespmem:s22], [sflag:$0x1] =	stream.indirect.gather [spmem:s2], $0x80, s29, s21, $0xb8;
	[tilespmem:$0x1B480] =	vst v63  }
0x66: {  	s29 =	simm.s32 $0x80  }
0x67: {  	[tilespmem:s23], [sflag:$0x2] =	stream.indirect.gather [spmem:s2], $0x80, s29, s21, $0xb8;
	[tilespmem:$0x1B480] =	vst v63  }
0x68: {  	_ =	swait.ge [sflag:s24], $0x2800  }
0x69: {  	[sflag:s24] =	ssyncset.done $0x0  }
0x6a: {  	s30 =	sadd.s32 $0x0, s15;
	[sflag:s24] =	ssyncadd.s32 $0xFFFFD800  }
0x6b: {  	[hbm4b:s30+s3] =	stream.linear.scatter [tilespmem:s22], [sflag:$0x3], $0x2800, $0x38;
	[tilespmem:$0x1B480] =	vst v63  }
0x6c: {  	_ =	swait.ge [sflag:s20], $0x2800  }
0x6d: {  	[sflag:s20] =	ssyncset.done $0x0  }
0x6e: {  	s31 =	simm.s32 $0x100;
	[sflag:s20] =	ssyncadd.s32 $0xFFFFD800  }
0x6f: {  	[tilespmem:s22], [sflag:$0x1] =	stream.indirect.gather [spmem:s2], $0x80, s31, s21, $0xb8;
	[tilespmem:$0x1B480] =	vst v63  }
0x70: {  	_ =	swait.ge [sflag:s25], $0x2800  }
0x71: {  	[sflag:s25] =	ssyncset.done $0x0  }
0x72: {  	s30 =	sadd.s32 $0x500, s30;
	[sflag:s25] =	ssyncadd.s32 $0xFFFFD800  }
0x73: {  	[hbm4b:s30+s3] =	stream.linear.scatter [tilespmem:s23], [sflag:$0x3], $0x2800, $0x38;
	[tilespmem:$0x1B480] =	vst v63  }
0x74: {  	_ =	swait.ge [sflag:s20], $0x2800  }
0x75: {  	s30 =	simm.s32 $0xA00;
	[sflag:s20] =	ssyncset.done $0x0  }
.LBB2_3:
0x76: {  	p2 =	seq.s32 s30, $0x18600;
	[sflag:s20] =	ssyncadd.s32 $0xFFFFD800;
	s29 =	sadd.s32 $0x100, s29  }
0x77: {  	[tilespmem:s23], [sflag:$0x2] =	stream.indirect.gather [spmem:s2], $0x80, s29, s21, $0xb8;
	[tilespmem:$0x1B480] =	vst v63  }
0x78: {  	s31 =	smov.u32 s30;
	s30 =	sadd.s32 $0xA00, s30;
	_ =	swait.ge [sflag:s24], $0x2800  }
0x79: {  	[sflag:s24] =	ssyncset.done $0x0  }
0x7a: {  	s31 =	sadd.s32 s31, s15;
	[sflag:s24] =	ssyncadd.s32 $0xFFFFD800  }
0x7b: {  	[hbm4b:s31+s3] =	stream.linear.scatter [tilespmem:s22], [sflag:$0x3], $0x2800, $0x38;
	[tilespmem:$0x1B480] =	vst v63  }
0x7c: {  	_ =	swait.ge [sflag:s20], $0x2800  }
0x7d: {  	[sflag:s20] =	ssyncset.done $0x0  }
0x7e: {  	s0 =	sadd.s32 $0x80, s29;
	[sflag:s20] =	ssyncadd.s32 $0xFFFFD800  }
0x7f: {  	[tilespmem:s22], [sflag:$0x1] =	stream.indirect.gather [spmem:s2], $0x80, s0, s21, $0xb8;
	[tilespmem:$0x1B480] =	vst v63  }
0x80: {  	_ =	swait.ge [sflag:s25], $0x2800  }
.Ltmp5:
0x81: {  	[sflag:s25] =	ssyncset.done $0x0;
	(pc) =	sbr.rel @!p2 .LBB2_3-.Ltmp5, $4  }
0x82: {  	s0 =	sadd.s32 $0x500, s31;
	[sflag:s25] =	ssyncadd.s32 $0xFFFFD800  }
0x83: {  	[hbm4b:s0+s3] =	stream.linear.scatter [tilespmem:s23], [sflag:$0x3], $0x2800, $0x38;
	[tilespmem:$0x1B480] =	vst v63  }
0x84: {  	_ =	swait.ge [sflag:s20], $0x2800  }
0x85: {  	[sflag:s20] =	ssyncset.done $0x0  }
.Ltmp6:
0x86: {  	(pc) =	sbr.rel .LBB2_8-.Ltmp6, $2  }
0x87: {  	_ =	sdelay $0x2  }
0x88: {  	[sflag:s20] =	ssyncadd.s32 $0xFFFFD800;
	s29 =	smov.u32 s4  }
.LBB2_9:
0x89: {  	_ =	sfence.sel $0x180000  }
0x8a: {  	[bflag:$0x0] =	sbarrier.arrive $0xFFFF  }
0x8b: {  	_ =	strace $0x9000004A  }
0x8c: {  	[bflag:$0x2] =	sbarrier.arrive $0xFFFF  }
0x8d: {  	p0 =	sne.s32 s1, $0x0;
	s0 =	rddreg [dreg:$0x2]  }
0x8e: {  	s0 =	sadd.s32 @!p0 $0x100000, s0  }
0x8f: {  	[sflag:s0] =	ssyncadd.tile.s32 @!p0 $0x1;
	_ =	shalt  }
.Lfunc_end2:
_tile_overlayer_lowered:
.L_overlay_start_2:
0x90: {  	(tag) =	ssettag $0x2  }
0x91: {  	s0 =	rddreg [dreg:$0x0];
	s2 =	stileid.u32  }
0x92: {  	s1 =	rddreg [dreg:$0x1];
	p0 =	sne.s32 s2, $0x0  }
0x93: {  	s3 =	rddreg [dreg:$0x2];
	[bflag:$0x3] =	sbarrier.arrive $0xFFFF;
	s2 =	simm.s32 @!p0 $0x1C03  }
0x94: {  	[timem:s3], [sflag:s2] =	dma.local @!p0 [hbm:s0], s1  }
0x95: {  	s0 =	simm.s32 @!p0 $0x3  }
0x96: {  	_ =	swait.ge @!p0 [sflag:s0], s1  }
0x97: {  	s1 =	ssub.s32 @!p0 $0x0, s1;
	[sflag:s0] =	ssyncset.done @!p0 $0x0  }
0x98: {  	[sflag:s0] =	ssyncadd.s32 @!p0 s1  }
0x99: {  	[bflag:$0x3] =	sbarrier.arrive $0xFFFF  }
0x9a: {  	_ =	shalt  }

// kernel: kernel.19.cloned.1.call-start
scs
__scs_entry_jumppad:
0x0: {  	(pc) =	sbr.rel $0x88, $3  }
0x1: {  	(tag) =	ssettag $0x0;
	lr =	simm.s32 $0x1  }
0x2: {  	[smem:$0x3F97] =	sst lr;
	_ =	strace $0xD0000000  }
0x3: {  	_ = 	snop  }
0x4: {  	_ = 	snop  }
0x5: {  	_ = 	snop  }
0x6: {  	_ = 	snop  }
0x7: {  	_ = 	snop  }
__scs_overlays_trampoline_lowered:
0x8: {  	[smem:$0x3FA6] =	sst s0  }
0x9: {  	[smem:$0x3FA7] =	sst s1  }
0xa: {  	[smem:$0x3FA8] =	sst s2  }
0xb: {  	[smem:$0x3FA9] =	sst s3  }
0xc: {  	[smem:$0x3FAA] =	sst s4  }
0xd: {  	[smem:$0x3FAB] =	sst s5  }
0xe: {  	[smem:$0x3FAC] =	sst s6  }
0xf: {  	[smem:$0x3FAD] =	sst s7  }
0x10: {  	[smem:$0x3FAE] =	sst s8  }
0x11: {  	[smem:$0x3FAF] =	sst s9;
	s0 =	simm.s32 @!p0 $0x0  }
0x12: {  	s1 =	sld [smem:$0x3F95];
	s0 =	simm.s32 @p0 $0x1  }
0x13: {  	[smem:$0x3FB0] =	sst s0;
	s0 =	simm.s32 @!p1 $0x0  }
0x14: {  	s2 =	sld [smem:$0x3F94];
	s0 =	simm.s32 @p1 $0x1  }
0x15: {  	[smem:$0x3FB1] =	sst s0;
	s0 =	simm.s32 @!p2 $0x0  }
0x16: {  	s3 =	sld [smem:$0x3FDB];
	s0 =	simm.s32 @p2 $0x1  }
0x17: {  	s4 =	simm.s32 $0x1BF5;
	[smem:$0x3FB3] =	sst s0  }
0x18: {  	s0 =	sld [smem:$0x3F96];
	_ =	swait.ge [sflag:s4], $0x0  }
0x19: {  	s7 =	sld [smem:$0x3F97]  }
0x1a: {  	s8 =	sadd.s32 $0xFFFFE003, lr  }
0x1b: {  	s9 =	sadd.s32 $0xFFFFFEF7, lr;
	s5 =	simm.s32 $0xFFFFFFFF;
	p2 =	slt.u32 s8, $0xFFFFF086  }
0x1c: {  	p1 =	slt.u32 s9, $0xF7A;
	s5 =	simm.s32 @!p2 $0x0  }
0x1d: {  	s5 =	simm.s32 @p1 $0x1;
	p0 =	seq.s32 s7, s2  }
0x1e: {  	s7 =	smul.u32 @!p0 $0xF7A, s2;
	p2 =	seq.s32 @!p0 s5, $0x0  }
0x1f: {  	s9 =	smul.u32 $0xF7A, s1;
	s8 =	simm.s32 @!p0 $0x1BF5;
	p2 =	por !p2, p0  }
0x20: {  	[sflag:s8] =	ssyncset.s32 @!p0 $0xFFFFF086;
	s6 =	sadd.s32 @!p0 s3, s7;
	s7 =	simm.s32 @!p0 $0x108  }
0x21: {  	s3 =	sadd.s32 s3, s9;
	s6 =	sadd.s32 @!p0 $0x88, s6;
	s7 =	simm.s32 @p2 $0x1082  }
0x22: {  	[simem:s7], [sflag:s8] =	dma.local @!p0 [hbm:s6], $0xF7A  }
0x23: {  	s9 =	sor.u32 $0xD0000000, s2;
	s6 =	simm.s32 $0x108;
	_ =	swait.ge @!p0 [sflag:s8], $0x0  }
0x24: {  	s3 =	sadd.s32 $0x88, s3;
	s6 =	simm.s32 @!p1 $0x1082;
	[sflag:s4] =	ssyncset.s32 $0xFFFFF086  }
0x25: {  	[simem:s6], [sflag:s4] =	dma.local [hbm:s3], $0xF7A  }
0x26: {  	[smem:$0x3F97] =	sst s1;
	(tag) =	ssettag s2;
	_ =	strace s9  }
0x27: {  	s1 =	sld [smem:$0x3FA7]  }
0x28: {  	s2 =	sld [smem:$0x3FA8]  }
0x29: {  	s4 =	sld [smem:$0x3FAA]  }
0x2a: {  	p0 =	seq.s32 s5, $0x0;
	s5 =	sld [smem:$0x3FAB]  }
0x2b: {  	s6 =	sld [smem:$0x3FAC]  }
0x2c: {  	s7 =	sld [smem:$0x3FAD]  }
0x2d: {  	s3 =	simm.s32 $0x108;
	s8 =	sld [smem:$0x3FAE]  }
0x2e: {  	s3 =	simm.s32 @!p0 $0x1082;
	s9 =	sld [smem:$0x3FAF]  }
0x2f: {  	lr =	sadd.s32 s0, s3;
	s0 =	sld [smem:$0x3FA6]  }
0x30: {  	s3 =	sld [smem:$0x3FA9]  }
0x31: {  	[smem:$0x3FB2] =	sst s10  }
0x32: {  	s10 =	sld [smem:$0x3FB0];
	_ =	sdelay $0x3  }
0x33: {  	p0 =	seq.s32 s10, $0x1;
	s10 =	sld [smem:$0x3FB2];
	_ =	sdelay $0x3  }
0x34: {  	[smem:$0x3FB2] =	sst s10  }
0x35: {  	s10 =	sld [smem:$0x3FB1];
	_ =	sdelay $0x3  }
0x36: {  	p1 =	seq.s32 s10, $0x1;
	s10 =	sld [smem:$0x3FB2];
	_ =	sdelay $0x3  }
0x37: {  	[smem:$0x3FB2] =	sst s10  }
0x38: {  	s10 =	sld [smem:$0x3FB3]  }
0x39: {  	_ = 	snop;
	(pc) =	sbr.ind lr, $3  }
0x3a: {  	_ = 	snop  }
0x3b: {  	_ = 	snop  }
0x3c: {  	p2 =	seq.s32 s10, $0x1;
	s10 =	sld [smem:$0x3FB2]  }
0x3d: {  	_ =	shalt  }
0x3e: {  	_ =	shalt  }
0x3f: {  	_ =	shalt  }
0x40: {  	_ =	shalt  }
0x41: {  	_ =	shalt  }
0x42: {  	_ =	shalt  }
0x43: {  	_ =	shalt  }
0x44: {  	_ =	shalt  }
0x45: {  	_ =	shalt  }
0x46: {  	_ =	shalt  }
0x47: {  	_ =	shalt  }
0x48: {  	_ =	shalt  }
0x49: {  	_ =	shalt  }
0x4a: {  	_ =	shalt  }
0x4b: {  	_ =	shalt  }
0x4c: {  	_ =	shalt  }
0x4d: {  	_ =	shalt  }
0x4e: {  	_ =	shalt  }
0x4f: {  	_ =	shalt  }
0x50: {  	_ =	shalt  }
0x51: {  	_ =	shalt  }
0x52: {  	_ =	shalt  }
0x53: {  	_ =	shalt  }
0x54: {  	_ =	shalt  }
0x55: {  	_ =	shalt  }
0x56: {  	_ =	shalt  }
0x57: {  	_ =	shalt  }
0x58: {  	_ =	shalt  }
0x59: {  	_ =	shalt  }
0x5a: {  	_ =	shalt  }
0x5b: {  	_ =	shalt  }
0x5c: {  	_ =	shalt  }
0x5d: {  	_ =	shalt  }
0x5e: {  	_ =	shalt  }
0x5f: {  	_ =	shalt  }
0x60: {  	_ =	shalt  }
0x61: {  	_ =	shalt  }
0x62: {  	_ =	shalt  }
0x63: {  	_ =	shalt  }
0x64: {  	_ =	shalt  }
0x65: {  	_ =	shalt  }
0x66: {  	_ =	shalt  }
0x67: {  	_ =	shalt  }
0x68: {  	_ =	shalt  }
0x69: {  	_ =	shalt  }
0x6a: {  	_ =	shalt  }
0x6b: {  	_ =	shalt  }
0x6c: {  	_ =	shalt  }
0x6d: {  	_ =	shalt  }
0x6e: {  	_ =	shalt  }
0x6f: {  	_ =	shalt  }
0x70: {  	_ =	shalt  }
0x71: {  	_ =	shalt  }
0x72: {  	_ =	shalt  }
0x73: {  	_ =	shalt  }
0x74: {  	_ =	shalt  }
0x75: {  	_ =	shalt  }
0x76: {  	_ =	shalt  }
0x77: {  	_ =	shalt  }
0x78: {  	_ =	shalt  }
0x79: {  	_ =	shalt  }
0x7a: {  	_ =	shalt  }
0x7b: {  	_ =	shalt  }
0x7c: {  	_ =	shalt  }
0x7d: {  	_ =	shalt  }
0x7e: {  	_ =	shalt  }
0x7f: {  	_ =	shalt  }
0x80: {  	_ =	shalt  }
0x81: {  	_ =	shalt  }
0x82: {  	_ =	shalt  }
0x83: {  	_ =	shalt  }
0x84: {  	_ =	shalt  }
0x85: {  	_ =	shalt  }
0x86: {  	_ =	shalt  }
0x87: {  	_ =	shalt  }
.Lfunc_end0:
.L_simem_size_0:
called_computation.3_lowered:
.L_overlay_start_0:
0x88: {  	s2 =	sld [smem:$0x3FD9]  }
0x89: {  	s3 =	sld [smem:$0x3FFE];
	_ =	sdelay $0x1  }
0x8a: {  	s1 =	srdreg.scid  }
0x8b: {  	s0 =	sand.u32 $0x1, s1  }
0x8c: {  	s17 =	sshll.u32 s0, $0xA;
	s2 =	sadd.s32 s3, s2  }
0x8d: {  	s2 =	sadd.s32 s2, s17  }
0x8e: {  	[smem:$0x3FBE] =	sst s2  }
0x8f: {  	_ = 	snop  }
0x90: {  	s2 =	sld [smem:$0x3FD0];
	(tm) =	ssettm $0x1  }
0x91: {  	s18 =	sld [smem:$0x3FFB];
	_ =	sdelay $0x3  }
0x92: {  	_ =	strace s18  }
0x93: {  	s3 =	sld [smem:$0x3FFC];
	_ =	sdelay $0x3  }
0x94: {  	_ =	strace s3  }
0x95: {  	s3 =	sld [smem:$0x3FFD];
	_ =	sdelay $0x3  }
0x96: {  	_ =	strace s3  }
0x97: {  	_ =	strace $0x8FFFFFFF  }
0x98: {  	s19 =	sld [smem:$0x3FDB];
	_ =	sdelay $0x1  }
0x99: {  	s4 =	simm.s32 $_scs_section_size  }
0x9a: {  	s5 =	simm.s32 $_size__tile_overlayer_lowered;
	s6 =	simm.s32 $_tile_overlayer_lowered  }
0x9b: {  	s22 =	simm.s32 $0x1BFF;
	s21 =	sshll.u32 s6, $0x1;
	s3 =	sadd.s32 s4, s19  }
0x9c: {  	s7 =	simm.s32 $0x0;
	s20 =	sshll.u32 s5, $0x1;
	s5 =	sadd.s32 s21, s3  }
0x9d: {  	[timem:s7], [sflag:s22] =	dma.local [hbm:s5], s20  }
0x9e: {  	_ =	swait.ge [sflag:s22], s20  }
0x9f: {  	s4 =	ssub.s32 $0x0, s20;
	[sflag:s22] =	ssyncset.done $0x0  }
0xa0: {  	[sflag:s22] =	ssyncadd.s32 s4;
	_ =	sdelay $0x1  }
0xa1: {  	s23 =	simm.s32 $0x1B8B  }
0xa2: {  	_ =	swait.ge [sflag:s23], $0x1  }
0xa3: {  	[sflag:s23] =	ssyncset.done $0x0  }
0xa4: {  	s25 =	simm.s32 $0x1B8E;
	s24 =	sld [smem:$0x3FFE];
	[sflag:s23] =	ssyncadd.s32 $0xFFFFFFFF  }
0xa5: {  	s26 =	simm.s32 $execute0_lowered;
	[smem:$0x3FD2] =	sst s25  }
0xa6: {  	s5 =	sshll.u32 s26, $0x1;
	_ =	strace $0x8000004F;
	[dreg:$0x1] =	wrdreg $0xFFFFFFFF  }
0xa7: {  	s28 =	simm.s32 $_size_execute0_lowered;
	s3 =	sadd.s32 s3, s5;
	[dreg:$0x0] =	wrdreg $0x0  }
0xa8: {  	s5 =	sshll.u32 s28, $0x1;
	[dreg:$0x2] =	wrdreg s3  }
0xa9: {  	[dreg:$0x3] =	wrdreg s5  }
0xaa: {  	[dreg:$0x4] =	wrdreg $0xC0  }
0xab: {  	_ =	task [dreg:s7], $0x5FFFF  }
0xac: {  	[dreg:$0x1] =	wrdreg $0xFFFFFFFF  }
0xad: {  	[dreg:$0x0] =	wrdreg $0x60  }
0xae: {  	[dreg:$0x2] =	wrdreg s24  }
0xaf: {  	[dreg:$0x3] =	wrdreg s2  }
0xb0: {  	[dreg:$0x4] =	wrdreg $0x173000  }
0xb1: {  	[dreg:$0x5] =	wrdreg $0x175780  }
0xb2: {  	[dreg:$0x6] =	wrdreg $0x177F00  }
0xb3: {  	[dreg:$0x7] =	wrdreg $0x9  }
0xb4: {  	_ =	task.clear_ibuf [dreg:s7], $0x8FFFF;
	_ =	strace $0x9000004F  }
0xb5: {  	s29 =	simm.s32 $0x9;
	_ =	strace $0x80000051  }
0xb6: {  	_ =	swait.ge [sflag:s29], $0x1  }
0xb7: {  	[sflag:s29] =	ssyncadd.s32 $0xFFFFFFFF  }
0xb8: {  	_ =	strace $0x90000051  }
0xb9: {  	_ =	sfence  }
0xba: {  	s30 =	sld [smem:$0x0];
	_ =	sdelay $0x2  }
0xbb: {  	s31 =	sshll.u32 s1, $0xD;
	s1 =	sshrl.u32 s1, $0x2  }
0xbc: {  	s3 =	sand.u32 $0x4000, s31;
	s1 =	sadd.s32 s1, s30  }
0xbd: {  	s0 =	sor.u32 s3, s0;
	s1 =	sshll.u32 s1, $0x11  }
0xbe: {  	s0 =	sor.u32 s1, s0  }
0xbf: {  	s0 =	sadd.s32 $0x8F2B, s0  }
0xc0: {  	[sflag:s0] =	ssyncadd.remote.s32 $0x1  }
0xc1: {  	_ =	sfence.sel $0xFFFF  }
0xc2: {  	[dreg:$0x0] =	wrdreg $0xFFFFFFFF;
	(pc) =	sbr.abs _section_cstart, $3  }
0xc3: {  	[dreg:$0x1] =	wrdreg $0xFFFFFFFF  }
0xc4: {  	_ =	task.clear_ibuf [dreg:s7], $0x2FFFF;
	_ =	strace $0x9FFFFFFF  }
0xc5: {  	(tm) =	ssettm $0x7FFFFFFF  }
tec
execute0_lowered:
.L_overlay_start_1:
0x0: {  	(tag) =	ssettag $0x1  }
0x1: {  	s0 =	rddreg [dreg:$0x0]  }
0x2: {  	s1 =	rddreg [dreg:$0x1]  }
0x3: {  	s2 =	rddreg [dreg:$0x2]  }
0x4: {  	s3 =	rddreg [dreg:$0x3]  }
0x5: {  	s4 =	rddreg [dreg:$0x4]  }
0x6: {  	s16 =	stileid.u32;
	s5 =	simm.s32 $0x0;
	s30 =	simm.s32 $0x11D00  }
0x7: {  	s31 =	simm.s32 $0x50;
	s6 =	smul.u32 $0x9C4, s16;
	[smem:$0x7FF] =	sst s5  }
0x8: {  	s10 =	smul.u32 $0x280, s16;
	s24 =	sshll.u32 s16, $0xC;
	s29 =	sadd.s32 $0x140B2B0, s0  }
0x9: {  	s7 =	srdreg.scid;
	s19 =	sadd.s32 $0xA646B0, s0;
	s20 =	sadd.s32 $0x140ACB0, s0  }
0xa: {  	s7 =	sand.u32 $0x1, s7;
	s22 =	sadd.s32 $0xA64CB0, s0;
	s23 =	sadd.s32 $0x4B0, s1  }
0xb: {  	p0 =	seq.s32 s16, $0xF;
	_ =	strace $0x80000050;
	s12 =	ssub.s32 $0x2, s7  }
0xc: {  	[dreg:$0xb] =	wrdreg s29;
	s9 =	sadd.s32 s6, s0;
	s11 =	sshrl.u32 s10, $0x3  }
0xd: {  	s6 =	sadd.s32 s24, s0;
	s14 =	sshrl.u32 s12, $0x1;
	s24 =	sadd.s32 $0xA652B0, s0  }
0xe: {  	s18 =	sadd.s32 s10, s4;
	s6 =	sadd.s32 $0xA36800, s6;
	s7 =	sadd.s32 $0xA50600, s9  }
0xf: {  	s13 =	sadd.s32 s11, s0;
	s8 =	sadd.s32 $0xA5A400, s9;
	s9 =	sadd.s32 $0xA46800, s9  }
0x10: {  	s14 =	ssub.s32 s12, s14;
	s12 =	sadd.s32 s10, s2;
	s25 =	sadd.s32 $0x140AE00, s13  }
0x11: {  	s21 =	sadd.s32 s1, s11;
	s26 =	sadd.s32 $0xA64200, s13;
	[dreg:$0x6] =	wrdreg s25  }
.Ltmp0:
0x12: {  	s15 =	sadd.s32 $0x140A800, s13;
	[dreg:$0x7] =	wrdreg s26;
	(pc) =	sbr.rel .LBB2_1-.Ltmp0, $4  }
0x13: {  	s0 =	simm.s32 $0x16B80;
	s28 =	sadd.s32 $0xA64800, s13;
	[dreg:$0x8] =	wrdreg s15  }
0x14: {  	s1 =	simm.s32 $0x16E00;
	s13 =	sadd.s32 $0xA64E00, s13;
	[dreg:$0x9] =	wrdreg s28  }
0x15: {  	s11 =	simm.s32 $0x0;
	s15 =	sadd.s32 s10, s3;
	[dreg:$0xa] =	wrdreg s13  }
0x16: {  	v0 =	vimm.f32 $0.0e+00;
	s25 =	smax.u32 s14, $0x1;
	s26 =	simm.s32 $0x1;
	s10 =	simm.s32 $0x17080  }
.LBB2_10:
0x17: {  	v1 =	vmul.f32 $9.999999770e-03, v1;
	_ =	sdelay $0x1  }
0x18: {  	v1 =	vadd.f32 v1, v2;
	_ =	sdelay $0x1  }
0x19: {  	s29 =	rddreg [dreg:$0xa];
	[tilespmem:s13+$0x17080] =	vst v1  }
0x1a: {  	[hbm4b:s29+s5] =	stream.linear.scatter [tilespmem:s10], [sflag:$0x1], $0x280, $0x38;
	[tilespmem:$0x17A68] =	vst v63  }
0x1b: {  	_ =	swait.ge [sflag:s26], $0x280  }
0x1c: {  	[sflag:s26] =	ssyncset.done $0x0  }
0x1d: {  	[sflag:s26] =	ssyncadd.s32 $0xFFFFFD80  }
.LBB2_18:
0x1e: {  	s11 =	sadd.s32 $0x1, s11  }
0x1f: {  	p1 =	sne.s32 s11, s25  }
.Ltmp1:
0x20: {  	_ = 	snop;
	(pc) =	sbr.rel @!p1 .LBB2_19-.Ltmp1, $1  }
0x21: {  	_ =	sdelay $0x3  }
.LBB2_1:
0x22: {  	[tilespmem:s5], [sflag:$0x1] =	stream.linear.gather [hbm4b:s6+s5], $0x7D00, $0x38;
	[tilespmem:$0x17A68] =	vst v63  }
0x23: {  	_ =	swait.ge [sflag:s26], $0x7D00  }
0x24: {  	[sflag:s26] =	ssyncset.done $0x0  }
0x25: {  	s13 =	simm.s32 $0x8000;
	[sflag:s26] =	ssyncadd.s32 $0xFFFF8300  }
0x26: {  	[tilespmem:s13], [sflag:$0x1] =	stream.linear.gather [hbm4b:s7+s5], $0x4E20, $0x38;
	[tilespmem:$0x17A68] =	vst v63  }
0x27: {  	_ =	swait.ge [sflag:s26], $0x4E20  }
0x28: {  	[sflag:s26] =	ssyncset.done $0x0  }
0x29: {  	s14 =	simm.s32 $0xCE80;
	[sflag:s26] =	ssyncadd.s32 $0xFFFFB1E0  }
0x2a: {  	[tilespmem:s14], [sflag:$0x1] =	stream.linear.gather [hbm4b:s8+s5], $0x4E20, $0x38;
	[tilespmem:$0x17A68] =	vst v63  }
0x2b: {  	_ =	swait.ge [sflag:s26], $0x4E20  }
0x2c: {  	[sflag:s26] =	ssyncset.done $0x0  }
0x2d: {  	[sflag:s26] =	ssyncadd.s32 $0xFFFFB1E0  }
0x2e: {  	[tilespmem:s30], [sflag:$0x1] =	stream.linear.gather [hbm4b:s9+s5], $0x4E20, $0x38;
	[tilespmem:$0x17A68] =	vst v63  }
0x2f: {  	_ =	swait.ge [sflag:s26], $0x4E20  }
0x30: {  	[sflag:s26] =	ssyncset.done $0x0  }
0x31: {  	[sflag:s26] =	ssyncadd.s32 $0xFFFFB1E0  }
0x32: {  	[tilespmem:$0x16B80] =	vst v0  }
0x33: {  	[tilespmem:$0x16B90] =	vst v0  }
0x34: {  	[tilespmem:$0x16BA0] =	vst v0  }
0x35: {  	[tilespmem:$0x16BB0] =	vst v0  }
0x36: {  	[tilespmem:$0x16BC0] =	vst v0  }
0x37: {  	[tilespmem:$0x16BD0] =	vst v0  }
0x38: {  	[tilespmem:$0x16BE0] =	vst v0  }
0x39: {  	[tilespmem:$0x16BF0] =	vst v0  }
0x3a: {  	[tilespmem:$0x16C00] =	vst v0  }
0x3b: {  	[tilespmem:$0x16C10] =	vst v0  }
0x3c: {  	[tilespmem:$0x16C20] =	vst v0  }
0x3d: {  	[tilespmem:$0x16C30] =	vst v0  }
0x3e: {  	[tilespmem:$0x16C40] =	vst v0  }
0x3f: {  	[tilespmem:$0x16C50] =	vst v0  }
0x40: {  	[tilespmem:$0x16C60] =	vst v0  }
0x41: {  	[tilespmem:$0x16C70] =	vst v0  }
0x42: {  	[tilespmem:$0x16C80] =	vst v0  }
0x43: {  	[tilespmem:$0x16C90] =	vst v0  }
0x44: {  	[tilespmem:$0x16CA0] =	vst v0  }
0x45: {  	[tilespmem:$0x16CB0] =	vst v0  }
0x46: {  	[tilespmem:$0x16CC0] =	vst v0  }
0x47: {  	[tilespmem:$0x16CD0] =	vst v0  }
0x48: {  	[tilespmem:$0x16CE0] =	vst v0  }
0x49: {  	[tilespmem:$0x16CF0] =	vst v0  }
0x4a: {  	[tilespmem:$0x16D00] =	vst v0  }
0x4b: {  	[tilespmem:$0x16D10] =	vst v0  }
0x4c: {  	[tilespmem:$0x16D20] =	vst v0  }
0x4d: {  	[tilespmem:$0x16D30] =	vst v0  }
0x4e: {  	[tilespmem:$0x16D40] =	vst v0  }
0x4f: {  	[tilespmem:$0x16D50] =	vst v0  }
0x50: {  	[tilespmem:$0x16D60] =	vst v0  }
0x51: {  	[tilespmem:$0x16D70] =	vst v0  }
0x52: {  	[tilespmem:$0x16D80] =	vst v0  }
0x53: {  	[tilespmem:$0x16D90] =	vst v0  }
0x54: {  	[tilespmem:$0x16DA0] =	vst v0  }
0x55: {  	[tilespmem:$0x16DB0] =	vst v0  }
0x56: {  	[tilespmem:$0x16DC0] =	vst v0  }
0x57: {  	[tilespmem:$0x16DD0] =	vst v0  }
0x58: {  	[tilespmem:$0x16DE0] =	vst v0  }
0x59: {  	s13 =	simm.s32 @p0 $0x16B80;
	s14 =	simm.s32 @p0 $0x1;
	[tilespmem:$0x16DF0] =	vst v0  }
0x5a: {  	[spmem:s12] =	stream.linear.scatter @p0 [tilespmem:s13], [sflag:$0x1], $0x190, $0x38;
	[tilespmem:$0x17A68] =	vst v63  }
0x5b: {  	_ =	swait.ge @p0 [sflag:s14], $0x190  }
0x5c: {  	[sflag:s14] =	ssyncset.done @p0 $0x0  }
0x5d: {  	[sflag:s14] =	ssyncadd.s32 @p0 $0xFFFFFE70  }
0x5e: {  	[spmem:s15] =	stream.linear.scatter @p0 [tilespmem:s13], [sflag:$0x1], $0x190, $0x38;
	[tilespmem:$0x17A68] =	vst v63  }
0x5f: {  	_ =	swait.ge @p0 [sflag:s14], $0x190  }
0x60: {  	[sflag:s14] =	ssyncset.done @p0 $0x0  }
0x61: {  	[sflag:s14] =	ssyncadd.s32 @p0 $0xFFFFFE70  }
0x62: {  	[spmem:s18] =	stream.linear.scatter @p0 [tilespmem:s13], [sflag:$0x1], $0x190, $0x38;
	[tilespmem:$0x17A68] =	vst v63  }
0x63: {  	_ =	swait.ge @p0 [sflag:s14], $0x190  }
0x64: {  	[sflag:s14] =	ssyncset.done @p0 $0x0  }
0x65: {  	s13 =	simm.s32 @!p0 $0x16B80;
	[sflag:s14] =	ssyncadd.s32 @p0 $0xFFFFFE70;
	s14 =	simm.s32 @!p0 $0x1  }
0x66: {  	[spmem:s12] =	stream.linear.scatter @!p0 [tilespmem:s13], [sflag:$0x1], $0x280, $0x38;
	[tilespmem:$0x17A68] =	vst v63  }
0x67: {  	_ =	swait.ge @!p0 [sflag:s14], $0x280  }
0x68: {  	[sflag:s14] =	ssyncset.done @!p0 $0x0  }
0x69: {  	[sflag:s14] =	ssyncadd.s32 @!p0 $0xFFFFFD80  }
0x6a: {  	[spmem:s15] =	stream.linear.scatter @!p0 [tilespmem:s13], [sflag:$0x1], $0x280, $0x38;
	[tilespmem:$0x17A68] =	vst v63  }
0x6b: {  	_ =	swait.ge @!p0 [sflag:s14], $0x280  }
0x6c: {  	[sflag:s14] =	ssyncset.done @!p0 $0x0  }
0x6d: {  	[sflag:s14] =	ssyncadd.s32 @!p0 $0xFFFFFD80  }
0x6e: {  	[spmem:s18] =	stream.linear.scatter @!p0 [tilespmem:s13], [sflag:$0x1], $0x280, $0x38;
	[tilespmem:$0x17A68] =	vst v63  }
0x6f: {  	_ =	swait.ge @!p0 [sflag:s14], $0x280  }
0x70: {  	[sflag:s14] =	ssyncset.done @!p0 $0x0  }
0x71: {  	[sflag:s14] =	ssyncadd.s32 @!p0 $0xFFFFFD80  }
0x72: {  	s16 =	simm.s32 $0x8000;
	[bflag:$0x0] =	sbarrier.arrive $0xFFFF  }
0x73: {  	[spmem:s2] =	stream.indirect.scatter.add.f32 [tilespmem:s16], [sflag:$0x1], $0x1, s5, s31, $0xb8;
	[tilespmem:$0x17A68] =	vst v63  }
0x74: {  	_ =	swait.ge [sflag:s26], $0x50  }
0x75: {  	[sflag:s26] =	ssyncset.done $0x0  }
0x76: {  	s17 =	simm.s32 $0xCE80;
	[sflag:s26] =	ssyncadd.s32 $0xFFFFFFB0  }
0x77: {  	[spmem:s3] =	stream.indirect.scatter.add.f32 [tilespmem:s17], [sflag:$0x1], $0x1, s5, s31, $0xb8;
	[tilespmem:$0x17A68] =	vst v63  }
0x78: {  	_ =	swait.ge [sflag:s26], $0x50  }
0x79: {  	[sflag:s26] =	ssyncset.done $0x0  }
0x7a: {  	s29 =	simm.s32 $0x11D00;
	[sflag:s26] =	ssyncadd.s32 $0xFFFFFFB0  }
0x7b: {  	[spmem:s4] =	stream.indirect.scatter.add.f32 [tilespmem:s29], [sflag:$0x1], $0x1, s5, s31, $0xb8;
	[tilespmem:$0x17A68] =	vst v63  }
0x7c: {  	s28 =	simm.s32 $0x280;
	_ =	swait.ge [sflag:s26], $0x50  }
0x7d: {  	s13 =	simm.s32 $0x80;
	s14 =	simm.s32 $0x50;
	[sflag:s26] =	ssyncset.done $0x0  }
.LBB2_2:
0x7e: {  	s16 =	sadd.s32 $0x8000, s14  }
0x7f: {  	[sflag:s26] =	ssyncadd.s32 $0xFFFFFFB0;
	s29 =	smov.u32 s28;
	s17 =	sadd.s32 $0x140, s28  }
0x80: {  	[spmem:s2] =	stream.indirect.scatter.add.f32 [tilespmem:s16], [sflag:$0x1], $0x1, s13, s31, $0xb8;
	[tilespmem:$0x17A68] =	vst v63  }
0x81: {  	p1 =	sne.s32 s28, $0x13740;
	_ =	swait.ge [sflag:s26], $0x50  }
0x82: {  	[sflag:s26] =	ssyncset.done $0x0  }
0x83: {  	s16 =	sadd.s32 $0xCE80, s14;
	[sflag:s26] =	ssyncadd.s32 $0xFFFFFFB0  }
0x84: {  	[spmem:s3] =	stream.indirect.scatter.add.f32 [tilespmem:s16], [sflag:$0x1], $0x1, s13, s31, $0xb8;
	[tilespmem:$0x17A68] =	vst v63  }
0x85: {  	_ =	swait.ge [sflag:s26], $0x50  }
.Ltmp2:
0x86: {  	[sflag:s26] =	ssyncset.done $0x0;
	(pc) =	sbr.rel @p1 .LBB2_2-.Ltmp2, $4  }
0x87: {  	s14 =	sadd.s32 $0x11D00, s14;
	[sflag:s26] =	ssyncadd.s32 $0xFFFFFFB0  }
0x88: {  	[spmem:s4] =	stream.indirect.scatter.add.f32 [tilespmem:s14], [sflag:$0x1], $0x1, s13, s31, $0xb8;
	[tilespmem:$0x17A68] =	vst v63  }
0x89: {  	s28 =	smov.u32 s17;
	_ =	swait.ge [sflag:s26], $0x50  }
0x8a: {  	s14 =	sshra.s32 s29, $0x2;
	s13 =	sadd.s32 $0x80, s13;
	[sflag:s26] =	ssyncset.done $0x0  }
0x8b: {  	s16 =	sadd.s32 $0x8000, s14;
	[sflag:s26] =	ssyncadd.s32 $0xFFFFFFB0  }
0x8c: {  	[spmem:s2] =	stream.indirect.scatter.add.f32 [tilespmem:s16], [sflag:$0x1], $0x1, s13, s31, $0xb8;
	[tilespmem:$0x17A68] =	vst v63  }
0x8d: {  	_ =	swait.ge [sflag:s26], $0x50  }
0x8e: {  	[sflag:s26] =	ssyncset.done $0x0  }
0x8f: {  	s28 =	sadd.s32 $0xCE80, s14;
	[sflag:s26] =	ssyncadd.s32 $0xFFFFFFB0  }
0x90: {  	[spmem:s3] =	stream.indirect.scatter.add.f32 [tilespmem:s28], [sflag:$0x1], $0x1, s13, s31, $0xb8;
	[tilespmem:$0x17A68] =	vst v63  }
0x91: {  	_ =	swait.ge [sflag:s26], $0x50  }
0x92: {  	[sflag:s26] =	ssyncset.done $0x0  }
0x93: {  	s29 =	sadd.s32 $0x11D00, s14;
	[sflag:s26] =	ssyncadd.s32 $0xFFFFFFB0  }
0x94: {  	[spmem:s4] =	stream.indirect.scatter.add.f32 [tilespmem:s29], [sflag:$0x1], $0x1, s13, s31, $0xb8;
	[tilespmem:$0x17A68] =	vst v63  }
.Ltmp3:
0x95: {  	_ =	swait.ge [sflag:s26], $0x50;
	(pc) =	sbr.rel @!p0 .LBB2_4-.Ltmp3, $3  }
0x96: {  	[sflag:s26] =	ssyncset.done $0x0  }
0x97: {  	[sflag:s26] =	ssyncadd.s32 $0xFFFFFFB0  }
0x98: {  	[bflag:$0x0] =	sbarrier.arrive $0xFFFF;
	_ =	sdelay $0x1  }
0x99: {  	[tilespmem:s0], [sflag:$0x1] =	stream.linear.gather [spmem:s12], $0x190, $0x38;
	[tilespmem:$0x17A68] =	vst v63  }
0x9a: {  	_ =	swait.ge [sflag:s26], $0x190  }
0x9b: {  	[sflag:s26] =	ssyncset.done $0x0  }
0x9c: {  	s13 =	simm.s32 $0x0;
	s14 =	rddreg [dreg:$0xb];
	[sflag:s26] =	ssyncadd.s32 $0xFFFFFE70  }
0x9d: {  	[tilespmem:s1], [sflag:$0x1] =	stream.linear.gather [hbm4b:s14+s13], $0x190, $0x38;
	[tilespmem:$0x17A68] =	vst v63  }
0x9e: {  	_ =	swait.ge [sflag:s26], $0x190  }
0x9f: {  	[sflag:s26] =	ssyncset.done $0x0  }
0xa0: {  	s13 =	simm.s32 $0x0;
	[sflag:s26] =	ssyncadd.s32 $0xFFFFFE70  }
0xa1: {  	v1 =	vld [tilespmem:s13+$0x16B80];
	_ =	sdelay $0x1  }
0xa2: {  	v2 =	vld [tilespmem:s13+$0x16E00]  }
0xa3: {  	s14 =	simm.s32 $0x40  }
.LBB2_12:
0xa4: {  	p1 =	sne.s32 s14, $0x600  }
.Ltmp4:
0xa5: {  	s16 =	sshra.s32 s14, $0x2;
	s14 =	sadd.s32 $0x40, s14;
	v3 =	vmul.f32 $9.999999770e-03, v1;
	(pc) =	sbr.rel @p1 .LBB2_12-.Ltmp4, $4  }
0xa6: {  	v1 =	vld [tilespmem:s16+$0x16B80]  }
0xa7: {  	v3 =	vadd.f32 v3, v2  }
0xa8: {  	v2 =	vld [tilespmem:s16+$0x16E00]  }
0xa9: {  	[tilespmem:s13+$0x17080] =	vst v3;
	s13 =	smov.u32 s16  }
0xaa: {  	_ = 	snop  }
0xab: {  	v1 =	vmul.f32 $9.999999770e-03, v1;
	_ =	sdelay $0x1  }
0xac: {  	v1 =	vadd.f32 v1, v2;
	_ =	sdelay $0x1  }
0xad: {  	s29 =	simm.s32 $0x0;
	[tilespmem:s13+$0x17080] =	vst v1  }
0xae: {  	[hbm4b:s19+s29] =	stream.linear.scatter [tilespmem:s10], [sflag:$0x1], $0x190, $0x38;
	[tilespmem:$0x17A68] =	vst v63  }
0xaf: {  	_ =	swait.ge [sflag:s26], $0x190  }
0xb0: {  	[sflag:s26] =	ssyncset.done $0x0  }
0xb1: {  	[sflag:s26] =	ssyncadd.s32 $0xFFFFFE70  }
0xb2: {  	[tilespmem:s0], [sflag:$0x1] =	stream.linear.gather [spmem:s15], $0x190, $0x38;
	[tilespmem:$0x17A68] =	vst v63  }
0xb3: {  	_ =	swait.ge [sflag:s26], $0x190  }
0xb4: {  	[sflag:s26] =	ssyncset.done $0x0  }
0xb5: {  	[sflag:s26] =	ssyncadd.s32 $0xFFFFFE70  }
0xb6: {  	[tilespmem:s1], [sflag:$0x1] =	stream.linear.gather [hbm4b:s20+s29], $0x190, $0x38;
	[tilespmem:$0x17A68] =	vst v63  }
0xb7: {  	_ =	swait.ge [sflag:s26], $0x190  }
0xb8: {  	[sflag:s26] =	ssyncset.done $0x0  }
0xb9: {  	s13 =	simm.s32 $0x0;
	[sflag:s26] =	ssyncadd.s32 $0xFFFFFE70  }
0xba: {  	v1 =	vld [tilespmem:s13+$0x16B80];
	_ =	sdelay $0x1  }
0xbb: {  	v2 =	vld [tilespmem:s13+$0x16E00]  }
0xbc: {  	s14 =	simm.s32 $0x40  }
.LBB2_14:
0xbd: {  	p1 =	sne.s32 s14, $0x600  }
.Ltmp5:
0xbe: {  	s16 =	sshra.s32 s14, $0x2;
	s14 =	sadd.s32 $0x40, s14;
	v3 =	vmul.f32 $9.999999770e-03, v1;
	(pc) =	sbr.rel @p1 .LBB2_14-.Ltmp5, $4  }
0xbf: {  	v1 =	vld [tilespmem:s16+$0x16B80]  }
0xc0: {  	v3 =	vadd.f32 v3, v2  }
0xc1: {  	v2 =	vld [tilespmem:s16+$0x16E00]  }
0xc2: {  	[tilespmem:s13+$0x17080] =	vst v3;
	s13 =	smov.u32 s16  }
0xc3: {  	_ = 	snop  }
0xc4: {  	v1 =	vmul.f32 $9.999999770e-03, v1;
	_ =	sdelay $0x1  }
0xc5: {  	v1 =	vadd.f32 v1, v2;
	_ =	sdelay $0x1  }
0xc6: {  	s29 =	simm.s32 $0x0;
	[tilespmem:s13+$0x17080] =	vst v1  }
0xc7: {  	[hbm4b:s22+s29] =	stream.linear.scatter [tilespmem:s10], [sflag:$0x1], $0x190, $0x38;
	[tilespmem:$0x17A68] =	vst v63  }
0xc8: {  	_ =	swait.ge [sflag:s26], $0x190  }
0xc9: {  	[sflag:s26] =	ssyncset.done $0x0  }
0xca: {  	[sflag:s26] =	ssyncadd.s32 $0xFFFFFE70  }
0xcb: {  	[tilespmem:s0], [sflag:$0x1] =	stream.linear.gather [spmem:s18], $0x190, $0x38;
	[tilespmem:$0x17A68] =	vst v63  }
0xcc: {  	_ =	swait.ge [sflag:s26], $0x190  }
0xcd: {  	[sflag:s26] =	ssyncset.done $0x0  }
0xce: {  	[sflag:s26] =	ssyncadd.s32 $0xFFFFFE70  }
0xcf: {  	[tilespmem:s1], [sflag:$0x1] =	stream.linear.gather [hbm4b:s23+s29], $0x190, $0x38;
	[tilespmem:$0x17A68] =	vst v63  }
0xd0: {  	_ =	swait.ge [sflag:s26], $0x190  }
0xd1: {  	[sflag:s26] =	ssyncset.done $0x0  }
0xd2: {  	s13 =	simm.s32 $0x0;
	[sflag:s26] =	ssyncadd.s32 $0xFFFFFE70  }
0xd3: {  	v1 =	vld [tilespmem:s13+$0x16B80];
	_ =	sdelay $0x1  }
0xd4: {  	v2 =	vld [tilespmem:s13+$0x16E00]  }
0xd5: {  	s14 =	simm.s32 $0x40  }
.LBB2_16:
0xd6: {  	p1 =	sne.s32 s14, $0x600  }
.Ltmp6:
0xd7: {  	s16 =	sshra.s32 s14, $0x2;
	s14 =	sadd.s32 $0x40, s14;
	v3 =	vmul.f32 $9.999999770e-03, v1;
	(pc) =	sbr.rel @p1 .LBB2_16-.Ltmp6, $4  }
0xd8: {  	v1 =	vld [tilespmem:s16+$0x16B80]  }
0xd9: {  	v3 =	vadd.f32 v3, v2  }
0xda: {  	v2 =	vld [tilespmem:s16+$0x16E00]  }
0xdb: {  	[tilespmem:s13+$0x17080] =	vst v3;
	s13 =	smov.u32 s16  }
0xdc: {  	_ = 	snop  }
0xdd: {  	v1 =	vmul.f32 $9.999999770e-03, v1;
	_ =	sdelay $0x1  }
0xde: {  	v1 =	vadd.f32 v1, v2;
	_ =	sdelay $0x1  }
.Ltmp7:
0xdf: {  	[tilespmem:s13+$0x17080] =	vst v1;
	(pc) =	sbr.rel .LBB2_18-.Ltmp7, $4  }
0xe0: {  	[hbm4b:s24+s5] =	stream.linear.scatter [tilespmem:s10], [sflag:$0x1], $0x190, $0x38;
	[tilespmem:$0x17A68] =	vst v63  }
0xe1: {  	_ =	swait.ge [sflag:s26], $0x190  }
0xe2: {  	[sflag:s26] =	ssyncset.done $0x0  }
0xe3: {  	[sflag:s26] =	ssyncadd.s32 $0xFFFFFE70  }
.LBB2_4:
0xe4: {  	[tilespmem:s0], [sflag:$0x1] =	stream.linear.gather [spmem:s12], $0x280, $0x38;
	[tilespmem:$0x17A68] =	vst v63  }
0xe5: {  	_ =	swait.ge [sflag:s26], $0x280  }
0xe6: {  	[sflag:s26] =	ssyncset.done $0x0  }
0xe7: {  	s13 =	simm.s32 $0x0;
	s14 =	rddreg [dreg:$0x6];
	[sflag:s26] =	ssyncadd.s32 $0xFFFFFD80  }
0xe8: {  	[tilespmem:s1], [sflag:$0x1] =	stream.linear.gather [hbm4b:s14+s13], $0x280, $0x38;
	[tilespmem:$0x17A68] =	vst v63  }
0xe9: {  	_ =	swait.ge [sflag:s26], $0x280  }
0xea: {  	[sflag:s26] =	ssyncset.done $0x0  }
0xeb: {  	s13 =	simm.s32 $0x0;
	[sflag:s26] =	ssyncadd.s32 $0xFFFFFD80  }
0xec: {  	v1 =	vld [tilespmem:s13+$0x16B80];
	_ =	sdelay $0x1  }
0xed: {  	v2 =	vld [tilespmem:s13+$0x16E00]  }
0xee: {  	s14 =	simm.s32 $0x40  }
.LBB2_5:
0xef: {  	p1 =	sne.s32 s14, $0x9C0  }
.Ltmp8:
0xf0: {  	s16 =	sshra.s32 s14, $0x2;
	s14 =	sadd.s32 $0x40, s14;
	v3 =	vmul.f32 $9.999999770e-03, v1;
	(pc) =	sbr.rel @p1 .LBB2_5-.Ltmp8, $4  }
0xf1: {  	v1 =	vld [tilespmem:s16+$0x16B80]  }
0xf2: {  	v3 =	vadd.f32 v3, v2  }
0xf3: {  	v2 =	vld [tilespmem:s16+$0x16E00]  }
0xf4: {  	[tilespmem:s13+$0x17080] =	vst v3;
	s13 =	smov.u32 s16  }
0xf5: {  	_ = 	snop  }
0xf6: {  	v1 =	vmul.f32 $9.999999770e-03, v1;
	_ =	sdelay $0x1  }
0xf7: {  	v1 =	vadd.f32 v1, v2;
	_ =	sdelay $0x1  }
0xf8: {  	s28 =	simm.s32 $0x0;
	s14 =	rddreg [dreg:$0x7];
	[tilespmem:s13+$0x17080] =	vst v1  }
0xf9: {  	[hbm4b:s14+s28] =	stream.linear.scatter [tilespmem:s10], [sflag:$0x1], $0x280, $0x38;
	[tilespmem:$0x17A68] =	vst v63  }
0xfa: {  	_ =	swait.ge [sflag:s26], $0x280  }
0xfb: {  	[sflag:s26] =	ssyncset.done $0x0  }
0xfc: {  	[sflag:s26] =	ssyncadd.s32 $0xFFFFFD80  }
0xfd: {  	[tilespmem:s0], [sflag:$0x1] =	stream.linear.gather [spmem:s15], $0x280, $0x38;
	[tilespmem:$0x17A68] =	vst v63  }
0xfe: {  	_ =	swait.ge [sflag:s26], $0x280  }
0xff: {  	[sflag:s26] =	ssyncset.done $0x0  }
0x100: {  	s29 =	rddreg [dreg:$0x8];
	[sflag:s26] =	ssyncadd.s32 $0xFFFFFD80  }
0x101: {  	[tilespmem:s1], [sflag:$0x1] =	stream.linear.gather [hbm4b:s29+s28], $0x280, $0x38;
	[tilespmem:$0x17A68] =	vst v63  }
0x102: {  	_ =	swait.ge [sflag:s26], $0x280  }
0x103: {  	[sflag:s26] =	ssyncset.done $0x0  }
0x104: {  	s13 =	simm.s32 $0x0;
	[sflag:s26] =	ssyncadd.s32 $0xFFFFFD80  }
0x105: {  	v1 =	vld [tilespmem:s13+$0x16B80];
	_ =	sdelay $0x1  }
0x106: {  	v2 =	vld [tilespmem:s13+$0x16E00]  }
0x107: {  	s14 =	simm.s32 $0x40  }
.LBB2_7:
0x108: {  	p1 =	sne.s32 s14, $0x9C0  }
.Ltmp9:
0x109: {  	s16 =	sshra.s32 s14, $0x2;
	s14 =	sadd.s32 $0x40, s14;
	v3 =	vmul.f32 $9.999999770e-03, v1;
	(pc) =	sbr.rel @p1 .LBB2_7-.Ltmp9, $4  }
0x10a: {  	v1 =	vld [tilespmem:s16+$0x16B80]  }
0x10b: {  	v3 =	vadd.f32 v3, v2  }
0x10c: {  	v2 =	vld [tilespmem:s16+$0x16E00]  }
0x10d: {  	[tilespmem:s13+$0x17080] =	vst v3;
	s13 =	smov.u32 s16  }
0x10e: {  	_ = 	snop  }
0x10f: {  	v1 =	vmul.f32 $9.999999770e-03, v1;
	_ =	sdelay $0x1  }
0x110: {  	v1 =	vadd.f32 v1, v2;
	_ =	sdelay $0x1  }
0x111: {  	s29 =	simm.s32 $0x0;
	s14 =	rddreg [dreg:$0x9];
	[tilespmem:s13+$0x17080] =	vst v1  }
0x112: {  	[hbm4b:s14+s29] =	stream.linear.scatter [tilespmem:s10], [sflag:$0x1], $0x280, $0x38;
	[tilespmem:$0x17A68] =	vst v63  }
0x113: {  	_ =	swait.ge [sflag:s26], $0x280  }
0x114: {  	[sflag:s26] =	ssyncset.done $0x0  }
0x115: {  	[sflag:s26] =	ssyncadd.s32 $0xFFFFFD80  }
0x116: {  	[tilespmem:s0], [sflag:$0x1] =	stream.linear.gather [spmem:s18], $0x280, $0x38;
	[tilespmem:$0x17A68] =	vst v63  }
0x117: {  	_ =	swait.ge [sflag:s26], $0x280  }
0x118: {  	[sflag:s26] =	ssyncset.done $0x0  }
0x119: {  	[sflag:s26] =	ssyncadd.s32 $0xFFFFFD80  }
0x11a: {  	[tilespmem:s1], [sflag:$0x1] =	stream.linear.gather [hbm4b:s21+s29], $0x280, $0x38;
	[tilespmem:$0x17A68] =	vst v63  }
0x11b: {  	_ =	swait.ge [sflag:s26], $0x280  }
0x11c: {  	[sflag:s26] =	ssyncset.done $0x0  }
0x11d: {  	s13 =	simm.s32 $0x0;
	[sflag:s26] =	ssyncadd.s32 $0xFFFFFD80  }
0x11e: {  	v1 =	vld [tilespmem:s13+$0x16B80];
	_ =	sdelay $0x1  }
0x11f: {  	v2 =	vld [tilespmem:s13+$0x16E00]  }
0x120: {  	s14 =	simm.s32 $0x40  }
.LBB2_9:
0x121: {  	p1 =	sne.s32 s14, $0x9C0  }
.Ltmp10:
0x122: {  	s16 =	sshra.s32 s14, $0x2;
	s14 =	sadd.s32 $0x40, s14;
	v3 =	vmul.f32 $9.999999770e-03, v1;
	(pc) =	sbr.rel @p1 .LBB2_9-.Ltmp10, $4  }
0x123: {  	v1 =	vld [tilespmem:s16+$0x16B80]  }
0x124: {  	v3 =	vadd.f32 v3, v2  }
0x125: {  	v2 =	vld [tilespmem:s16+$0x16E00]  }
0x126: {  	[tilespmem:s13+$0x17080] =	vst v3;
	s13 =	smov.u32 s16  }
.Ltmp11:
0x127: {  	_ = 	snop;
	(pc) =	sbr.rel .LBB2_10-.Ltmp11, $1  }
0x128: {  	_ =	sdelay $0x3  }
.LBB2_19:
0x129: {  	_ =	sfence.sel $0x180000  }
0x12a: {  	[bflag:$0x0] =	sbarrier.arrive $0xFFFF  }
0x12b: {  	_ =	strace $0x90000050  }
0x12c: {  	s0 =	stileid.u32;
	[bflag:$0x2] =	sbarrier.arrive $0xFFFF  }
0x12d: {  	p0 =	sne.s32 s0, $0x0;
	s0 =	rddreg [dreg:$0x5]  }
0x12e: {  	s0 =	sadd.s32 @!p0 $0x100000, s0  }
0x12f: {  	[sflag:s0] =	ssyncadd.tile.s32 @!p0 $0x1;
	_ =	shalt  }
.Lfunc_end2:
_tile_overlayer_lowered:
.L_overlay_start_2:
0x130: {  	(tag) =	ssettag $0x2  }
0x131: {  	s0 =	rddreg [dreg:$0x0];
	s2 =	stileid.u32  }
0x132: {  	s1 =	rddreg [dreg:$0x1];
	p0 =	sne.s32 s2, $0x0  }
0x133: {  	s3 =	rddreg [dreg:$0x2];
	[bflag:$0x3] =	sbarrier.arrive $0xFFFF;
	s2 =	simm.s32 @!p0 $0x1C01  }
0x134: {  	[timem:s3], [sflag:s2] =	dma.local @!p0 [hbm:s0], s1  }
0x135: {  	s0 =	simm.s32 @!p0 $0x1  }
0x136: {  	_ =	swait.ge @!p0 [sflag:s0], s1  }
0x137: {  	s1 =	ssub.s32 @!p0 $0x0, s1;
	[sflag:s0] =	ssyncset.done @!p0 $0x0  }
0x138: {  	[sflag:s0] =	ssyncadd.s32 @!p0 s1  }
0x139: {  	[bflag:$0x3] =	sbarrier.arrive $0xFFFF  }
0x13a: {  	_ =	shalt  }

</sc_bundles>
